<compile_context>
chip_gen: v7x
topology: tpu7x:2x2x1
jax: 0.10.2.dev20260603
libtpu: 0.0.44.dev20260713+nightly
codegen_flags: <defaults>
</compile_context>

<pallas_src>
import functools

import jax
import jax.numpy as jnp
from jax import lax
from jax.experimental import pallas as pl
from jax.experimental.pallas import tpu as pltpu
from jax.experimental.pallas import tpu_sc as plsc

N = 50000
E = 800000
L = 8
D_IN = 64
H = 64
OUT = 64

NC = 2
NS = 16
ROWS_PT = N // NS
CH = 128
R2D = E // CH
RPT_ROWS = R2D // NS
SB = 10
NSB = RPT_ROWS // SB
SB_A = 2
NSB_A = RPT_ROWS // SB_A
EXTRA = R2D - NS * RPT_ROWS

BN = 2000
GRID_N = N // BN


def _lstm_body(x_ref, len_ref, we_ref, be_ref, wih_ref, whh_ref, bg_ref,
               out_ref):
    lens = len_ref[...]
    h = jnp.zeros((BN, H), jnp.float32)
    c = jnp.zeros((BN, H), jnp.float32)
    we = we_ref[...]
    wih = wih_ref[...].astype(jnp.bfloat16)
    whh = whh_ref[...].astype(jnp.bfloat16)
    bg = bg_ref[...]
    be = be_ref[...]
    for t in range(L):
        xt = x_ref[:, t, :]
        xe = jnp.dot(xt, we, preferred_element_type=jnp.float32) + be
        gates = (jnp.dot(xe.astype(jnp.bfloat16), wih,
                         preferred_element_type=jnp.float32)
                 + jnp.dot(h.astype(jnp.bfloat16), whh,
                           preferred_element_type=jnp.float32) + bg)
        i_g = jax.nn.sigmoid(gates[:, 0:H])
        f_g = jax.nn.sigmoid(gates[:, H:2 * H])
        g_g = jnp.tanh(gates[:, 2 * H:3 * H])
        o_g = jax.nn.sigmoid(gates[:, 3 * H:4 * H])
        c_new = f_g * c + i_g * g_g
        h_new = o_g * jnp.tanh(c_new)
        m = lens > t
        h = jnp.where(m, h_new, h)
        c = jnp.where(m, c_new, c)
    out_ref[...] = h


def _lstm_call(x, lens, we, be, wih, whh, bg):
    return pl.pallas_call(
        _lstm_body,
        grid=(GRID_N,),
        in_specs=[
            pl.BlockSpec((BN, L, D_IN), lambda i: (i, 0, 0)),
            pl.BlockSpec((BN, 1), lambda i: (i, 0)),
            pl.BlockSpec((D_IN, H), lambda i: (0, 0)),
            pl.BlockSpec((1, H), lambda i: (0, 0)),
            pl.BlockSpec((H, 4 * H), lambda i: (0, 0)),
            pl.BlockSpec((H, 4 * H), lambda i: (0, 0)),
            pl.BlockSpec((1, 4 * H), lambda i: (0, 0)),
        ],
        out_specs=pl.BlockSpec((BN, H), lambda i: (i, 0)),
        out_shape=jax.ShapeDtypeStruct((N, H), jnp.float32),
    )(x, lens, we, be, wih, whh, bg)


def _deg_body(idx2_hbm, ones_hbm, zeros_hbm, out_hbm, acc, didx, ones_v,
              ssem):
    cid = lax.axis_index("c")
    sid = lax.axis_index("s")
    pltpu.sync_copy(zeros_hbm, acc.at[pl.ds(sid * ROWS_PT, ROWS_PT)])
    pltpu.sync_copy(ones_hbm, ones_v)
    plsc.subcore_barrier()

    base = cid * R2D + sid * RPT_ROWS

    def drain(p):
        for r in range(SB):
            pltpu.make_async_copy(ones_v, acc.at[didx.at[p, r]],
                                  ssem.at[p]).wait()

    def sb_block(row0, p, maybe_drain):
        if maybe_drain is True:
            drain(p)
        elif maybe_drain is not None:
            @pl.when(maybe_drain)
            def _():
                drain(p)
        pltpu.sync_copy(idx2_hbm.at[pl.ds(row0, SB)], didx.at[p])
        for r in range(SB):
            pltpu.async_copy(ones_v, acc.at[didx.at[p, r]], ssem.at[p],
                             add=True)

    def body(m, carry):
        row0 = base + (2 * m) * SB
        sb_block(row0, 0, m >= 1)
        sb_block(row0 + SB, 1, m >= 1)
        return carry

    lax.fori_loop(0, (NSB - 1) // 2, body, 0)
    sb_block(base + (NSB - 1) * SB, 0, True)
    drain(0)
    drain(1)
    @pl.when(sid < EXTRA)
    def _():
        er = cid * R2D + NS * RPT_ROWS + sid
        pltpu.sync_copy(idx2_hbm.at[pl.ds(er, 1)], didx.at[0, pl.ds(0, 1)])
        pltpu.sync_copy(ones_v, acc.at[didx.at[0, 0]], add=True)

    plsc.subcore_barrier()

    @pl.when(sid == 0)
    def _():
        pltpu.sync_copy(acc, out_hbm.at[cid])


def _deg_call(idx2, ones16, zeros16):
    mesh = plsc.VectorSubcoreMesh(core_axis_name="c", subcore_axis_name="s",
                                  num_cores=NC, num_subcores=NS)
    f = pl.kernel(
        _deg_body,
        out_type=jax.ShapeDtypeStruct((2, N, 16), jnp.float32),
        mesh=mesh,
        scratch_types=[
            pltpu.VMEM_SHARED((N, 16), jnp.float32),
            pltpu.VMEM((2, SB, CH), jnp.int32),
            pltpu.VMEM((CH, 16), jnp.float32),
            pltpu.SemaphoreType.DMA((2,)),
        ],
        compiler_params=pltpu.CompilerParams(use_tc_tiling_on_sc=False),
    )
    return f(idx2, ones16, zeros16)


def _agg_body(feat_hbm, src2_hbm, dst_hbm, zeros_hbm, out_hbm, acc,
              sidx, didx, rows, gsem, ssem):
    cid = lax.axis_index("c")
    sid = lax.axis_index("s")
    pltpu.sync_copy(zeros_hbm, acc.at[pl.ds(sid * ROWS_PT, ROWS_PT)])
    plsc.subcore_barrier()

    sbase = cid * R2D + sid * RPT_ROWS
    dbase = sid * RPT_ROWS

    def drain(p):
        for r in range(SB_A):
            pltpu.make_async_copy(rows.at[p, r], acc.at[didx.at[p, r]],
                                  ssem.at[p]).wait()

    def sb_block(soff, p, maybe_drain):
        if maybe_drain is True:
            drain(p)
        elif maybe_drain is not None:
            @pl.when(maybe_drain)
            def _():
                drain(p)
        pltpu.sync_copy(src2_hbm.at[pl.ds(sbase + soff, SB_A)], sidx.at[p])
        pltpu.sync_copy(dst_hbm.at[pl.ds(dbase + soff, SB_A)], didx.at[p])
        descs = [pltpu.async_copy(feat_hbm.at[sidx.at[p, r]], rows.at[p, r],
                                  gsem) for r in range(SB_A)]
        for d in descs:
            d.wait()
        for r in range(SB_A):
            pltpu.async_copy(rows.at[p, r], acc.at[didx.at[p, r]],
                             ssem.at[p], add=True)

    def body(m, carry):
        soff = (2 * m) * SB_A
        sb_block(soff, 0, m >= 1)
        sb_block(soff + SB_A, 1, m >= 1)
        return carry

    lax.fori_loop(0, (NSB_A - 1) // 2, body, 0)
    sb_block((NSB_A - 1) * SB_A, 0, True)
    drain(0)
    drain(1)
    @pl.when(sid < EXTRA)
    def _():
        ser = cid * R2D + NS * RPT_ROWS + sid
        der = NS * RPT_ROWS + sid
        pltpu.sync_copy(src2_hbm.at[pl.ds(ser, 1)], sidx.at[0, pl.ds(0, 1)])
        pltpu.sync_copy(dst_hbm.at[pl.ds(der, 1)], didx.at[0, pl.ds(0, 1)])
        pltpu.async_copy(feat_hbm.at[sidx.at[0, 0]], rows.at[0, 0],
                         gsem).wait()
        pltpu.sync_copy(rows.at[0, 0], acc.at[didx.at[0, 0]], add=True)

    plsc.subcore_barrier()

    @pl.when(sid == 0)
    def _():
        pltpu.sync_copy(acc, out_hbm.at[cid])


def _agg_call(feat_flat, src2, dst, zeros32):
    mesh = plsc.VectorSubcoreMesh(core_axis_name="c", subcore_axis_name="s",
                                  num_cores=NC, num_subcores=NS)
    f = pl.kernel(
        _agg_body,
        out_type=jax.ShapeDtypeStruct((2, N, 32), jnp.float32),
        mesh=mesh,
        scratch_types=[
            pltpu.VMEM_SHARED((N, 32), jnp.float32),
            pltpu.VMEM((2, SB_A, CH), jnp.int32),
            pltpu.VMEM((2, SB_A, CH), jnp.int32),
            pltpu.VMEM((2, SB_A, CH, 32), jnp.float32),
            pltpu.SemaphoreType.DMA,
            pltpu.SemaphoreType.DMA((2,)),
        ],
        compiler_params=pltpu.CompilerParams(use_tc_tiling_on_sc=False),
    )
    return f(feat_flat, src2, dst, zeros32)


def _feat_body(h_ref, dout_ref, w_ref, out_ref):
    s = lax.rsqrt(jnp.maximum(dout_ref[...][:, 0:1], 1.0))
    h = h_ref[...]
    out_ref[0] = jnp.dot(h, w_ref[0], preferred_element_type=jnp.float32) * s
    out_ref[1] = jnp.dot(h, w_ref[1], preferred_element_type=jnp.float32) * s


def _feat_call(h, dout, w_split):
    return pl.pallas_call(
        _feat_body,
        grid=(GRID_N,),
        in_specs=[
            pl.BlockSpec((BN, H), lambda i: (i, 0)),
            pl.BlockSpec((BN, 16), lambda i: (i, 0)),
            pl.BlockSpec((2, H, 32), lambda i: (0, 0, 0)),
        ],
        out_specs=pl.BlockSpec((2, BN, 32), lambda i: (0, i, 0)),
        out_shape=jax.ShapeDtypeStruct((2, N, 32), jnp.float32),
    )(h, dout, w_split)


def _mid_body(agg_ref, din_ref, dout_ref, w_ref, b_ref, out_ref):
    s_in = lax.rsqrt(jnp.maximum(din_ref[...][:, 0:1], 1.0))
    s_out = lax.rsqrt(jnp.maximum(dout_ref[...][:, 0:1], 1.0))
    full = jnp.concatenate([agg_ref[0], agg_ref[1]], axis=1)
    h1 = jax.nn.relu(full * s_in + b_ref[...])
    out_ref[0] = jnp.dot(h1, w_ref[0],
                         preferred_element_type=jnp.float32) * s_out
    out_ref[1] = jnp.dot(h1, w_ref[1],
                         preferred_element_type=jnp.float32) * s_out


def _mid_call(agg, din, dout, w_split, b):
    return pl.pallas_call(
        _mid_body,
        grid=(GRID_N,),
        in_specs=[
            pl.BlockSpec((2, BN, 32), lambda i: (0, i, 0)),
            pl.BlockSpec((BN, 16), lambda i: (i, 0)),
            pl.BlockSpec((BN, 16), lambda i: (i, 0)),
            pl.BlockSpec((2, OUT, 32), lambda i: (0, 0, 0)),
            pl.BlockSpec((1, OUT), lambda i: (0, 0)),
        ],
        out_specs=pl.BlockSpec((2, BN, 32), lambda i: (0, i, 0)),
        out_shape=jax.ShapeDtypeStruct((2, N, 32), jnp.float32),
    )(agg, din, dout, w_split, b)


def _pool_body(agg_ref, din_ref, b_ref, wc_ref, bc_ref, out_ref, acc):
    i = pl.program_id(0)

    @pl.when(i == 0)
    def _():
        acc[...] = jnp.zeros((1, OUT), jnp.float32)

    s_in = lax.rsqrt(jnp.maximum(din_ref[...][:, 0:1], 1.0))
    full = jnp.concatenate([agg_ref[0], agg_ref[1]], axis=1)
    h2 = jax.nn.relu(full * s_in + b_ref[...])
    acc[...] += jnp.sum(h2, axis=0, keepdims=True)

    @pl.when(i == GRID_N - 1)
    def _():
        hg = acc[...] * (1.0 / N)
        out_ref[...] = jnp.dot(hg, wc_ref[...],
                               preferred_element_type=jnp.float32) + bc_ref[...]


def _pool_call(agg, din, b, wc, bc):
    return pl.pallas_call(
        _pool_body,
        grid=(GRID_N,),
        in_specs=[
            pl.BlockSpec((2, BN, 32), lambda i: (0, i, 0)),
            pl.BlockSpec((BN, 16), lambda i: (i, 0)),
            pl.BlockSpec((1, OUT), lambda i: (0, 0)),
            pl.BlockSpec((OUT, 2), lambda i: (0, 0)),
            pl.BlockSpec((1, 2), lambda i: (0, 0)),
        ],
        out_specs=pl.BlockSpec((1, 2), lambda i: (0, 0)),
        out_shape=jax.ShapeDtypeStruct((1, 2), jnp.float32),
        scratch_shapes=[pltpu.VMEM((1, OUT), jnp.float32)],
    )(agg, din, b, wc, bc)


@jax.jit
def _run(x, edge_index, batch_lengths, W_emb, b_emb, W_ih, W_hh, b_ih, b_hh,
         gcn_W0, gcn_b0, gcn_W1, gcn_b1, cls_W, cls_b):
    src = edge_index[0]
    dst = edge_index[1]
    src2 = jnp.concatenate([src, src + N]).reshape(2 * R2D, CH)
    degidx = jnp.concatenate([src, dst]).reshape(2 * R2D, CH)
    dst2d = dst.reshape(R2D, CH)
    lens = batch_lengths.reshape(N, 1)

    we = W_emb.T
    be = b_emb.reshape(1, H)
    wih = W_ih.T
    whh = W_hh.T
    bg = (b_ih + b_hh).reshape(1, 4 * H)
    w0s = jnp.stack([gcn_W0[:, :32], gcn_W0[:, 32:]])
    w1s = jnp.stack([gcn_W1[:, :32], gcn_W1[:, 32:]])
    b0 = gcn_b0.reshape(1, OUT)
    b1 = gcn_b1.reshape(1, OUT)
    wc = cls_W.T
    bc = cls_b.reshape(1, 2)

    ones16 = jnp.ones((CH, 16), jnp.float32)
    zeros16 = jnp.zeros((ROWS_PT, 16), jnp.float32)
    zeros32 = jnp.zeros((ROWS_PT, 32), jnp.float32)

    hn = _lstm_call(x, lens, we, be, wih, whh, bg)
    degp = _deg_call(degidx, ones16, zeros16)
    dout = degp[0]
    din = degp[1]

    feat = _feat_call(hn, dout, w0s)
    agg = _agg_call(feat.reshape(2 * N, 32), src2, dst2d, zeros32)
    feat2 = _mid_call(agg, din, dout, w1s, b0)
    agg2 = _agg_call(feat2.reshape(2 * N, 32), src2, dst2d, zeros32)
    return _pool_call(agg2, din, b1, wc, bc)


def kernel(x, edge_index, batch_lengths, W_emb, b_emb, W_ih, W_hh, b_ih, b_hh,
           gcn_W0, gcn_b0, gcn_W1, gcn_b1, cls_W, cls_b):
    return _run(x, edge_index, batch_lengths, W_emb, b_emb, W_ih, W_hh,
                b_ih, b_hh, gcn_W0, gcn_b0, gcn_W1, gcn_b1, cls_W, cls_b)

# --- scband reference (transcript-rebuilt; emitter-appended) ---
"""Pipeline reference for scband-malware-detection-model-node-sequence-23003844838147 (READ-ONLY COPY).

The authoritative reference and input builder live on the scoring server;
editing this copy changes nothing except your own understanding.
"""

import jax, jax.numpy as jnp
import numpy as np

N = 50000
E = 800000
L = 8
D_IN = 64
H = 64
OUT = 64

def setup_inputs(seed: int = 0) -> dict:
    key = jax.random.key(seed)
    ks = jax.random.split(key, 16)
    x = jax.random.normal(ks[0], (N, L, D_IN), dtype=jnp.float32)
    edge_index = jax.random.randint(ks[1], (2, E), 0, N, dtype=jnp.int32)
    batch_lengths = jax.random.randint(ks[2], (N,), 1, L + 1, dtype=jnp.int32)
    s = 0.05
    W_emb = jax.random.normal(ks[3], (H, D_IN), dtype=jnp.float32) * s
    b_emb = jnp.zeros((H,), jnp.float32)
    W_ih = jax.random.normal(ks[4], (4 * H, H), dtype=jnp.float32) * s
    W_hh = jax.random.normal(ks[5], (4 * H, H), dtype=jnp.float32) * s
    b_ih = jnp.zeros((4 * H,), jnp.float32)
    b_hh = jnp.zeros((4 * H,), jnp.float32)
    gcn_W0 = jax.random.normal(ks[6], (H, OUT), dtype=jnp.float32) * s
    gcn_b0 = jnp.zeros((OUT,), jnp.float32)
    gcn_W1 = jax.random.normal(ks[7], (OUT, OUT), dtype=jnp.float32) * s
    gcn_b1 = jnp.zeros((OUT,), jnp.float32)
    cls_W = jax.random.normal(ks[8], (2, OUT), dtype=jnp.float32) * s
    cls_b = jnp.zeros((2,), jnp.float32)
    return {"x": x, "edge_index": edge_index, "batch_lengths": batch_lengths,
            "W_emb": W_emb, "b_emb": b_emb, "W_ih": W_ih, "W_hh": W_hh,
            "b_ih": b_ih, "b_hh": b_hh, "gcn_W0": gcn_W0, "gcn_b0": gcn_b0,
            "gcn_W1": gcn_W1, "gcn_b1": gcn_b1, "cls_W": cls_W, "cls_b": cls_b}

def _gcn_layer(h, src, dst, W, b):
    # DGL GraphConv, norm='both': D_dst^-1/2 A D_src^-1/2 (h W) + b, then ReLU
    ones = jnp.ones(src.shape[0], dtype=h.dtype)
    deg_out = jnp.clip(jax.ops.segment_sum(ones, src, num_segments=N), 1.0)
    deg_in = jnp.clip(jax.ops.segment_sum(ones, dst, num_segments=N), 1.0)
    feat = (h @ W) * (deg_out ** -0.5)[:, None]
    agg = jax.ops.segment_sum(feat[src], dst, num_segments=N)
    return jax.nn.relu(agg * (deg_in ** -0.5)[:, None] + b)

def reference(x, edge_index, batch_lengths, W_emb, b_emb, W_ih, W_hh, b_ih, b_hh,
              gcn_W0, gcn_b0, gcn_W1, gcn_b1, cls_W, cls_b):
    # NodeFeatureModel (seq_model='LSTM'): Linear embed + LSTM, take last valid hidden state
    xe = x @ W_emb.T + b_emb  # [N, L, H]

    def step(carry, t):
        h, c = carry
        xt = xe[:, t, :]
        gates = xt @ W_ih.T + b_ih + h @ W_hh.T + b_hh
        i, f, g, o = jnp.split(gates, 4, axis=-1)
        i = jax.nn.sigmoid(i)
        f = jax.nn.sigmoid(f)
        g = jnp.tanh(g)
        o = jax.nn.sigmoid(o)
        c_new = f * c + i * g
        h_new = o * jnp.tanh(c_new)
        mask = (t < batch_lengths)[:, None]
        return (jnp.where(mask, h_new, h), jnp.where(mask, c_new, c)), None

    h0 = jnp.zeros((N, H), jnp.float32)
    c0 = jnp.zeros((N, H), jnp.float32)
    (hn, _), _ = jax.lax.scan(step, (h0, c0), jnp.arange(L))

    # GNNModel (GCN) with num_layers=2
    src = edge_index[0]
    dst = edge_index[1]
    h = _gcn_layer(hn, src, dst, gcn_W0, gcn_b0)
    h = _gcn_layer(h, src, dst, gcn_W1, gcn_b1)

    # dgl.mean_nodes over a single graph, then classifier
    hg = jnp.mean(h, axis=0, keepdims=True)  # [1, OUT]
    return hg @ cls_W.T + cls_b  # [1, 2]

if __name__ == "__main__":
    import jax
    _d = setup_inputs()
    print(jax.jit(kernel)(*tuple(_d.values())))

</pallas_src>

<mosaic_0001>
#map = affine_map<(d0, d1) -> (0, 0)>
#map1 = affine_map<(d0, d1) -> (0, 0, 0)>
module attributes {stable_mosaic.version = 14 : i64} {
  func.func @_agg_body(%arg0: i32, %arg1: i32, %arg2: memref<100000x32xf32, #tpu.memory_space<hbm>>, %arg3: memref<12500x128xi32, #tpu.memory_space<hbm>>, %arg4: memref<6250x128xi32, #tpu.memory_space<hbm>>, %arg5: memref<3125x32xf32, #tpu.memory_space<hbm>>, %arg6: memref<2x50000x32xf32, #tpu.memory_space<hbm>>, %arg7: memref<50000x32xf32, #tpu.memory_space<vmem_shared>>, %arg8: memref<2x2x128xi32, #tpu.memory_space<vmem>>, %arg9: memref<2x2x128xi32, #tpu.memory_space<vmem>>, %arg10: memref<2x2x128x32xf32, #tpu.memory_space<vmem>>, %arg11: memref<!tpu.dma_semaphore, #tpu.memory_space<semaphore_mem>>, %arg12: memref<2x!tpu.dma_semaphore, #tpu.memory_space<semaphore_mem>>) attributes {dimension_semantics = [#tpu.dimension_semantics<core_parallel>, #tpu.dimension_semantics<subcore_parallel>], iteration_bounds = array<i64: 2, 16>, scalar_prefetch = 0 : i64, scratch_operands = 6 : i64, tpu.core_type = #tpu.core_type<sc_vector_subcore>, window_params = [{transform_indices = #map}, {transform_indices = #map}, {transform_indices = #map}, {transform_indices = #map}, {transform_indices = #map1}]} {
    %mul3A = arith.constant 3125 : i32
    %mul3A_0 = arith.muli %arg1, %mul3A : i32
    "tpu.region"() ({
      %run_scoped3A_214 = tpu.sem_alloc : memref<!tpu.dma_semaphore, #tpu.memory_space<semaphore_mem>>
      %dma_start3A_215 = arith.constant 0 : i32
      %dma_start3A_216 = tpu.memref_slice %arg7[%mul3A_0, %dma_start3A_215] : memref<50000x32xf32, #tpu.memory_space<vmem_shared>> -> memref<3125x32xf32, #tpu.memory_space<vmem_shared>>
      tpu.enqueue_dma source(%arg5 : memref<3125x32xf32, #tpu.memory_space<hbm>>) target(%dma_start3A_216 : memref<3125x32xf32, #tpu.memory_space<vmem_shared>>) target_semaphore(%run_scoped3A_214 : memref<!tpu.dma_semaphore, #tpu.memory_space<semaphore_mem>>)
      %dma_wait3A_217 = arith.constant 0 : i32
      %dma_wait3A_218 = tpu.memref_slice %arg7[%mul3A_0, %dma_wait3A_217] : memref<50000x32xf32, #tpu.memory_space<vmem_shared>> -> memref<3125x32xf32, #tpu.memory_space<vmem_shared>>
      tpu.wait_dma2 semaphore(%run_scoped3A_214 : memref<!tpu.dma_semaphore, #tpu.memory_space<semaphore_mem>>) src(%arg5 : memref<3125x32xf32, #tpu.memory_space<hbm>>) dst(%dma_wait3A_218 : memref<3125x32xf32, #tpu.memory_space<vmem_shared>>)
      tpu.yield
    }) : () -> ()
    %barrier3A = arith.constant 0 : index
    tpu.barrier barrier_id(%barrier3A)
    %mul3A_1 = arith.constant 6250 : i32
    %mul3A_2 = arith.muli %arg0, %mul3A_1 : i32
    %mul3A_3 = arith.constant 390 : i32
    %mul3A_4 = arith.muli %arg1, %mul3A_3 : i32
    %add3A = arith.addi %mul3A_2, %mul3A_4 : i32
    %mul3A_5 = arith.constant 390 : i32
    %mul3A_6 = arith.muli %arg1, %mul3A_5 : i32
    %scan3A = arith.constant 0 : i32
    %scan3A_7 = arith.constant 0 : i32
    %scan3A_8 = arith.constant 97 : i32
    %scan3A_9 = arith.addi %scan3A_7, %scan3A_8 : i32
    %scan3A_10 = arith.constant 1 : i32
    scf.for %scan3A_214 = %scan3A_7 to %scan3A_9 step %scan3A_10  : i32 {
      %mul3A_215 = arith.constant 2 : i32
      %mul3A_216 = arith.muli %mul3A_215, %scan3A_214 : i32
      %mul3A_217 = arith.constant 2 : i32
      %mul3A_218 = arith.muli %mul3A_216, %mul3A_217 : i32
      %ge3A = arith.constant 1 : i32
      %ge3A_219 = arith.cmpi sge, %scan3A_214, %ge3A : i32
      %convert_element_type3A_220 = arith.extui %ge3A_219 : i1 to i32
      %cond3A_221 = arith.constant 0 : i32
      %cond3A_222 = arith.cmpi ne, %convert_element_type3A_220, %cond3A_221 : i32
      scf.if %cond3A_222 {
        %dma_wait3A_418 = arith.constant 0 : i32
        %dma_wait3A_419 = arith.constant 0 : i32
        %dma_wait3A_420 = arith.constant 0 : i32
        %dma_wait3A_421 = arith.constant 0 : i32
        %dma_wait3A_422 = arith.constant 0 : i32
        %dma_wait3A_423 = arith.constant 0 : i32
        %dma_wait3A_424 = arith.constant 0 : i32
        %dma_wait3A_425 = tpu.memref_slice %arg10[%dma_wait3A_418, %dma_wait3A_419, %dma_wait3A_423, %dma_wait3A_424] : memref<2x2x128x32xf32, #tpu.memory_space<vmem>> -> memref<1x1x128x32xf32, #tpu.memory_space<vmem>>
        %dma_wait3A_426 = tpu.memref_squeeze %dma_wait3A_425 : memref<1x1x128x32xf32, #tpu.memory_space<vmem>> -> memref<128x32xf32, #tpu.memory_space<vmem>>
        %dma_wait3A_427 = arith.constant 0 : i32
        %dma_wait3A_428 = tpu.memref_slice %arg9[%dma_wait3A_420, %dma_wait3A_421, %dma_wait3A_427] : memref<2x2x128xi32, #tpu.memory_space<vmem>> -> memref<1x1x128xi32, #tpu.memory_space<vmem>>
        %dma_wait3A_429 = tpu.memref_squeeze %dma_wait3A_428 : memref<1x1x128xi32, #tpu.memory_space<vmem>> -> memref<128xi32, #tpu.memory_space<vmem>>
        %dma_wait3A_430 = arith.constant 0 : i32
        %dma_wait3A_431 = arith.constant 0 : i32
        %dma_wait3A_432 = tpu.memref_slice %arg7[%dma_wait3A_430, %dma_wait3A_431] : memref<50000x32xf32, #tpu.memory_space<vmem_shared>> -> memref<50000x32xf32, #tpu.memory_space<vmem_shared>>
        %dma_wait3A_433 = tpu.memref_slice %arg12[%dma_wait3A_422] : memref<2x!tpu.dma_semaphore, #tpu.memory_space<semaphore_mem>> -> memref<1x!tpu.dma_semaphore, #tpu.memory_space<semaphore_mem>>
        %dma_wait3A_434 = tpu.memref_squeeze %dma_wait3A_433 : memref<1x!tpu.dma_semaphore, #tpu.memory_space<semaphore_mem>> -> memref<!tpu.dma_semaphore, #tpu.memory_space<semaphore_mem>>
        tpu.wait_indirect_dma semaphore(%dma_wait3A_434 : memref<!tpu.dma_semaphore, #tpu.memory_space<semaphore_mem>>) src(%dma_wait3A_426 : memref<128x32xf32, #tpu.memory_space<vmem>>) dst(%dma_wait3A_432 : memref<50000x32xf32, #tpu.memory_space<vmem_shared>>)
        %dma_wait3A_435 = arith.constant 0 : i32
        %dma_wait3A_436 = arith.constant 1 : i32
        %dma_wait3A_437 = arith.constant 0 : i32
        %dma_wait3A_438 = arith.constant 1 : i32
        %dma_wait3A_439 = arith.constant 0 : i32
        %dma_wait3A_440 = arith.constant 0 : i32
        %dma_wait3A_441 = arith.constant 0 : i32
        %dma_wait3A_442 = tpu.memref_slice %arg10[%dma_wait3A_435, %dma_wait3A_436, %dma_wait3A_440, %dma_wait3A_441] : memref<2x2x128x32xf32, #tpu.memory_space<vmem>> -> memref<1x1x128x32xf32, #tpu.memory_space<vmem>>
        %dma_wait3A_443 = tpu.memref_squeeze %dma_wait3A_442 : memref<1x1x128x32xf32, #tpu.memory_space<vmem>> -> memref<128x32xf32, #tpu.memory_space<vmem>>
        %dma_wait3A_444 = arith.constant 0 : i32
        %dma_wait3A_445 = tpu.memref_slice %arg9[%dma_wait3A_437, %dma_wait3A_438, %dma_wait3A_444] : memref<2x2x128xi32, #tpu.memory_space<vmem>> -> memref<1x1x128xi32, #tpu.memory_space<vmem>>
        %dma_wait3A_446 = tpu.memref_squeeze %dma_wait3A_445 : memref<1x1x128xi32, #tpu.memory_space<vmem>> -> memref<128xi32, #tpu.memory_space<vmem>>
        %dma_wait3A_447 = arith.constant 0 : i32
        %dma_wait3A_448 = arith.constant 0 : i32
        %dma_wait3A_449 = tpu.memref_slice %arg7[%dma_wait3A_447, %dma_wait3A_448] : memref<50000x32xf32, #tpu.memory_space<vmem_shared>> -> memref<50000x32xf32, #tpu.memory_space<vmem_shared>>
        %dma_wait3A_450 = tpu.memref_slice %arg12[%dma_wait3A_439] : memref<2x!tpu.dma_semaphore, #tpu.memory_space<semaphore_mem>> -> memref<1x!tpu.dma_semaphore, #tpu.memory_space<semaphore_mem>>
        %dma_wait3A_451 = tpu.memref_squeeze %dma_wait3A_450 : memref<1x!tpu.dma_semaphore, #tpu.memory_space<semaphore_mem>> -> memref<!tpu.dma_semaphore, #tpu.memory_space<semaphore_mem>>
        tpu.wait_indirect_dma semaphore(%dma_wait3A_451 : memref<!tpu.dma_semaphore, #tpu.memory_space<semaphore_mem>>) src(%dma_wait3A_443 : memref<128x32xf32, #tpu.memory_space<vmem>>) dst(%dma_wait3A_449 : memref<50000x32xf32, #tpu.memory_space<vmem_shared>>)
      } else {
      }
      %add3A_223 = arith.addi %add3A, %mul3A_218 : i32
      %run_scoped3A_224 = arith.constant 0 : i32
      "tpu.region"() ({
        %run_scoped3A_418 = tpu.sem_alloc : memref<!tpu.dma_semaphore, #tpu.memory_space<semaphore_mem>>
        %dma_start3A_419 = arith.constant 0 : i32
        %dma_start3A_420 = arith.constant 0 : i32
        %dma_start3A_421 = tpu.memref_slice %arg8[%run_scoped3A_224, %dma_start3A_419, %dma_start3A_420] : memref<2x2x128xi32, #tpu.memory_space<vmem>> -> memref<1x2x128xi32, #tpu.memory_space<vmem>>
        %dma_start3A_422 = tpu.memref_squeeze %dma_start3A_421 : memref<1x2x128xi32, #tpu.memory_space<vmem>> -> memref<2x128xi32, #tpu.memory_space<vmem>>
        %dma_start3A_423 = arith.constant 0 : i32
        %dma_start3A_424 = tpu.memref_slice %arg3[%add3A_223, %dma_start3A_423] : memref<12500x128xi32, #tpu.memory_space<hbm>> -> memref<2x128xi32, #tpu.memory_space<hbm>>
        %dma_start3A_425 = arith.constant 0 : i32
        %dma_start3A_426 = arith.constant 0 : i32
        %dma_start3A_427 = tpu.memref_slice %arg8[%run_scoped3A_224, %dma_start3A_425, %dma_start3A_426] : memref<2x2x128xi32, #tpu.memory_space<vmem>> -> memref<1x2x128xi32, #tpu.memory_space<vmem>>
        %dma_start3A_428 = tpu.memref_squeeze %dma_start3A_427 : memref<1x2x128xi32, #tpu.memory_space<vmem>> -> memref<2x128xi32, #tpu.memory_space<vmem>>
        %dma_start3A_429 = arith.constant 0 : i32
        %dma_start3A_430 = tpu.memref_slice %arg3[%add3A_223, %dma_start3A_429] : memref<12500x128xi32, #tpu.memory_space<hbm>> -> memref<2x128xi32, #tpu.memory_space<hbm>>
        tpu.enqueue_dma source(%dma_start3A_430 : memref<2x128xi32, #tpu.memory_space<hbm>>) target(%dma_start3A_428 : memref<2x128xi32, #tpu.memory_space<vmem>>) target_semaphore(%run_scoped3A_418 : memref<!tpu.dma_semaphore, #tpu.memory_space<semaphore_mem>>)
        %dma_wait3A_431 = arith.constant 0 : i32
        %dma_wait3A_432 = arith.constant 0 : i32
        %dma_wait3A_433 = tpu.memref_slice %arg8[%run_scoped3A_224, %dma_wait3A_431, %dma_wait3A_432] : memref<2x2x128xi32, #tpu.memory_space<vmem>> -> memref<1x2x128xi32, #tpu.memory_space<vmem>>
        %dma_wait3A_434 = tpu.memref_squeeze %dma_wait3A_433 : memref<1x2x128xi32, #tpu.memory_space<vmem>> -> memref<2x128xi32, #tpu.memory_space<vmem>>
        %dma_wait3A_435 = arith.constant 0 : i32
        %dma_wait3A_436 = tpu.memref_slice %arg3[%add3A_223, %dma_wait3A_435] : memref<12500x128xi32, #tpu.memory_space<hbm>> -> memref<2x128xi32, #tpu.memory_space<hbm>>
        %dma_wait3A_437 = arith.constant 0 : i32
        %dma_wait3A_438 = arith.constant 0 : i32
        %dma_wait3A_439 = tpu.memref_slice %arg8[%run_scoped3A_224, %dma_wait3A_437, %dma_wait3A_438] : memref<2x2x128xi32, #tpu.memory_space<vmem>> -> memref<1x2x128xi32, #tpu.memory_space<vmem>>
        %dma_wait3A_440 = tpu.memref_squeeze %dma_wait3A_439 : memref<1x2x128xi32, #tpu.memory_space<vmem>> -> memref<2x128xi32, #tpu.memory_space<vmem>>
        %dma_wait3A_441 = arith.constant 0 : i32
        %dma_wait3A_442 = tpu.memref_slice %arg3[%add3A_223, %dma_wait3A_441] : memref<12500x128xi32, #tpu.memory_space<hbm>> -> memref<2x128xi32, #tpu.memory_space<hbm>>
        tpu.wait_dma2 semaphore(%run_scoped3A_418 : memref<!tpu.dma_semaphore, #tpu.memory_space<semaphore_mem>>) src(%dma_wait3A_442 : memref<2x128xi32, #tpu.memory_space<hbm>>) dst(%dma_wait3A_440 : memref<2x128xi32, #tpu.memory_space<vmem>>)
        tpu.yield
      }) : () -> ()
      %add3A_225 = arith.addi %mul3A_6, %mul3A_218 : i32
      %run_scoped3A_226 = arith.constant 0 : i32
      "tpu.region"() ({
        %run_scoped3A_418 = tpu.sem_alloc : memref<!tpu.dma_semaphore, #tpu.memory_space<semaphore_mem>>
        %dma_start3A_419 = arith.constant 0 : i32
        %dma_start3A_420 = arith.constant 0 : i32
        %dma_start3A_421 = tpu.memref_slice %arg9[%run_scoped3A_226, %dma_start3A_419, %dma_start3A_420] : memref<2x2x128xi32, #tpu.memory_space<vmem>> -> memref<1x2x128xi32, #tpu.memory_space<vmem>>
        %dma_start3A_422 = tpu.memref_squeeze %dma_start3A_421 : memref<1x2x128xi32, #tpu.memory_space<vmem>> -> memref<2x128xi32, #tpu.memory_space<vmem>>
        %dma_start3A_423 = arith.constant 0 : i32
        %dma_start3A_424 = tpu.memref_slice %arg4[%add3A_225, %dma_start3A_423] : memref<6250x128xi32, #tpu.memory_space<hbm>> -> memref<2x128xi32, #tpu.memory_space<hbm>>
        %dma_start3A_425 = arith.constant 0 : i32
        %dma_start3A_426 = arith.constant 0 : i32
        %dma_start3A_427 = tpu.memref_slice %arg9[%run_scoped3A_226, %dma_start3A_425, %dma_start3A_426] : memref<2x2x128xi32, #tpu.memory_space<vmem>> -> memref<1x2x128xi32, #tpu.memory_space<vmem>>
        %dma_start3A_428 = tpu.memref_squeeze %dma_start3A_427 : memref<1x2x128xi32, #tpu.memory_space<vmem>> -> memref<2x128xi32, #tpu.memory_space<vmem>>
        %dma_start3A_429 = arith.constant 0 : i32
        %dma_start3A_430 = tpu.memref_slice %arg4[%add3A_225, %dma_start3A_429] : memref<6250x128xi32, #tpu.memory_space<hbm>> -> memref<2x128xi32, #tpu.memory_space<hbm>>
        tpu.enqueue_dma source(%dma_start3A_430 : memref<2x128xi32, #tpu.memory_space<hbm>>) target(%dma_start3A_428 : memref<2x128xi32, #tpu.memory_space<vmem>>) target_semaphore(%run_scoped3A_418 : memref<!tpu.dma_semaphore, #tpu.memory_space<semaphore_mem>>)
        %dma_wait3A_431 = arith.constant 0 : i32
        %dma_wait3A_432 = arith.constant 0 : i32
        %dma_wait3A_433 = tpu.memref_slice %arg9[%run_scoped3A_226, %dma_wait3A_431, %dma_wait3A_432] : memref<2x2x128xi32, #tpu.memory_space<vmem>> -> memref<1x2x128xi32, #tpu.memory_space<vmem>>
        %dma_wait3A_434 = tpu.memref_squeeze %dma_wait3A_433 : memref<1x2x128xi32, #tpu.memory_space<vmem>> -> memref<2x128xi32, #tpu.memory_space<vmem>>
        %dma_wait3A_435 = arith.constant 0 : i32
        %dma_wait3A_436 = tpu.memref_slice %arg4[%add3A_225, %dma_wait3A_435] : memref<6250x128xi32, #tpu.memory_space<hbm>> -> memref<2x128xi32, #tpu.memory_space<hbm>>
        %dma_wait3A_437 = arith.constant 0 : i32
        %dma_wait3A_438 = arith.constant 0 : i32
        %dma_wait3A_439 = tpu.memref_slice %arg9[%run_scoped3A_226, %dma_wait3A_437, %dma_wait3A_438] : memref<2x2x128xi32, #tpu.memory_space<vmem>> -> memref<1x2x128xi32, #tpu.memory_space<vmem>>
        %dma_wait3A_440 = tpu.memref_squeeze %dma_wait3A_439 : memref<1x2x128xi32, #tpu.memory_space<vmem>> -> memref<2x128xi32, #tpu.memory_space<vmem>>
        %dma_wait3A_441 = arith.constant 0 : i32
        %dma_wait3A_442 = tpu.memref_slice %arg4[%add3A_225, %dma_wait3A_441] : memref<6250x128xi32, #tpu.memory_space<hbm>> -> memref<2x128xi32, #tpu.memory_space<hbm>>
        tpu.wait_dma2 semaphore(%run_scoped3A_418 : memref<!tpu.dma_semaphore, #tpu.memory_space<semaphore_mem>>) src(%dma_wait3A_442 : memref<2x128xi32, #tpu.memory_space<hbm>>) dst(%dma_wait3A_440 : memref<2x128xi32, #tpu.memory_space<vmem>>)
        tpu.yield
      }) : () -> ()
      %dma_start3A_227 = arith.constant 0 : i32
      %dma_start3A_228 = arith.constant 0 : i32
      %dma_start3A_229 = arith.constant 0 : i32
      %dma_start3A_230 = arith.constant 0 : i32
      %dma_start3A_231 = arith.constant 0 : i32
      %dma_start3A_232 = arith.constant 0 : i32
      %dma_start3A_233 = tpu.memref_slice %arg10[%dma_start3A_229, %dma_start3A_230, %dma_start3A_231, %dma_start3A_232] : memref<2x2x128x32xf32, #tpu.memory_space<vmem>> -> memref<1x1x128x32xf32, #tpu.memory_space<vmem>>
      %dma_start3A_234 = tpu.memref_squeeze %dma_start3A_233 : memref<1x1x128x32xf32, #tpu.memory_space<vmem>> -> memref<128x32xf32, #tpu.memory_space<vmem>>
      %dma_start3A_235 = arith.constant 0 : i32
      %dma_start3A_236 = tpu.memref_slice %arg8[%dma_start3A_227, %dma_start3A_228, %dma_start3A_235] : memref<2x2x128xi32, #tpu.memory_space<vmem>> -> memref<1x1x128xi32, #tpu.memory_space<vmem>>
      %dma_start3A_237 = tpu.memref_squeeze %dma_start3A_236 : memref<1x1x128xi32, #tpu.memory_space<vmem>> -> memref<128xi32, #tpu.memory_space<vmem>>
      %dma_start3A_238 = arith.constant 0 : i32
      %dma_start3A_239 = arith.constant 0 : i32
      %dma_start3A_240 = tpu.memref_slice %arg2[%dma_start3A_238, %dma_start3A_239] : memref<100000x32xf32, #tpu.memory_space<hbm>> -> memref<100000x32xf32, #tpu.memory_space<hbm>>
      tpu.enqueue_indirect_dma source(%dma_start3A_240 : memref<100000x32xf32, #tpu.memory_space<hbm>>) target(%dma_start3A_234 : memref<128x32xf32, #tpu.memory_space<vmem>>) offsets(%dma_start3A_237 : memref<128xi32, #tpu.memory_space<vmem>>) semaphore(%arg11 : memref<!tpu.dma_semaphore, #tpu.memory_space<semaphore_mem>>)
      %dma_start3A_241 = arith.constant 0 : i32
      %dma_start3A_242 = arith.constant 1 : i32
      %dma_start3A_243 = arith.constant 0 : i32
      %dma_start3A_244 = arith.constant 1 : i32
      %dma_start3A_245 = arith.constant 0 : i32
      %dma_start3A_246 = arith.constant 0 : i32
      %dma_start3A_247 = tpu.memref_slice %arg10[%dma_start3A_243, %dma_start3A_244, %dma_start3A_245, %dma_start3A_246] : memref<2x2x128x32xf32, #tpu.memory_space<vmem>> -> memref<1x1x128x32xf32, #tpu.memory_space<vmem>>
      %dma_start3A_248 = tpu.memref_squeeze %dma_start3A_247 : memref<1x1x128x32xf32, #tpu.memory_space<vmem>> -> memref<128x32xf32, #tpu.memory_space<vmem>>
      %dma_start3A_249 = arith.constant 0 : i32
      %dma_start3A_250 = tpu.memref_slice %arg8[%dma_start3A_241, %dma_start3A_242, %dma_start3A_249] : memref<2x2x128xi32, #tpu.memory_space<vmem>> -> memref<1x1x128xi32, #tpu.memory_space<vmem>>
      %dma_start3A_251 = tpu.memref_squeeze %dma_start3A_250 : memref<1x1x128xi32, #tpu.memory_space<vmem>> -> memref<128xi32, #tpu.memory_space<vmem>>
      %dma_start3A_252 = arith.constant 0 : i32
      %dma_start3A_253 = arith.constant 0 : i32
      %dma_start3A_254 = tpu.memref_slice %arg2[%dma_start3A_252, %dma_start3A_253] : memref<100000x32xf32, #tpu.memory_space<hbm>> -> memref<100000x32xf32, #tpu.memory_space<hbm>>
      tpu.enqueue_indirect_dma source(%dma_start3A_254 : memref<100000x32xf32, #tpu.memory_space<hbm>>) target(%dma_start3A_248 : memref<128x32xf32, #tpu.memory_space<vmem>>) offsets(%dma_start3A_251 : memref<128xi32, #tpu.memory_space<vmem>>) semaphore(%arg11 : memref<!tpu.dma_semaphore, #tpu.memory_space<semaphore_mem>>)
      %dma_wait3A_255 = arith.constant 0 : i32
      %dma_wait3A_256 = arith.constant 0 : i32
      %dma_wait3A_257 = arith.constant 0 : i32
      %dma_wait3A_258 = arith.constant 0 : i32
      %dma_wait3A_259 = arith.constant 0 : i32
      %dma_wait3A_260 = arith.constant 0 : i32
      %dma_wait3A_261 = tpu.memref_slice %arg10[%dma_wait3A_257, %dma_wait3A_258, %dma_wait3A_259, %dma_wait3A_260] : memref<2x2x128x32xf32, #tpu.memory_space<vmem>> -> memref<1x1x128x32xf32, #tpu.memory_space<vmem>>
      %dma_wait3A_262 = tpu.memref_squeeze %dma_wait3A_261 : memref<1x1x128x32xf32, #tpu.memory_space<vmem>> -> memref<128x32xf32, #tpu.memory_space<vmem>>
      %dma_wait3A_263 = arith.constant 0 : i32
      %dma_wait3A_264 = tpu.memref_slice %arg8[%dma_wait3A_255, %dma_wait3A_256, %dma_wait3A_263] : memref<2x2x128xi32, #tpu.memory_space<vmem>> -> memref<1x1x128xi32, #tpu.memory_space<vmem>>
      %dma_wait3A_265 = tpu.memref_squeeze %dma_wait3A_264 : memref<1x1x128xi32, #tpu.memory_space<vmem>> -> memref<128xi32, #tpu.memory_space<vmem>>
      %dma_wait3A_266 = arith.constant 0 : i32
      %dma_wait3A_267 = arith.constant 0 : i32
      %dma_wait3A_268 = tpu.memref_slice %arg2[%dma_wait3A_266, %dma_wait3A_267] : memref<100000x32xf32, #tpu.memory_space<hbm>> -> memref<100000x32xf32, #tpu.memory_space<hbm>>
      tpu.wait_indirect_dma semaphore(%arg11 : memref<!tpu.dma_semaphore, #tpu.memory_space<semaphore_mem>>) src(%dma_wait3A_268 : memref<100000x32xf32, #tpu.memory_space<hbm>>) dst(%dma_wait3A_262 : memref<128x32xf32, #tpu.memory_space<vmem>>)
      %dma_wait3A_269 = arith.constant 0 : i32
      %dma_wait3A_270 = arith.constant 1 : i32
      %dma_wait3A_271 = arith.constant 0 : i32
      %dma_wait3A_272 = arith.constant 1 : i32
      %dma_wait3A_273 = arith.constant 0 : i32
      %dma_wait3A_274 = arith.constant 0 : i32
      %dma_wait3A_275 = tpu.memref_slice %arg10[%dma_wait3A_271, %dma_wait3A_272, %dma_wait3A_273, %dma_wait3A_274] : memref<2x2x128x32xf32, #tpu.memory_space<vmem>> -> memref<1x1x128x32xf32, #tpu.memory_space<vmem>>
      %dma_wait3A_276 = tpu.memref_squeeze %dma_wait3A_275 : memref<1x1x128x32xf32, #tpu.memory_space<vmem>> -> memref<128x32xf32, #tpu.memory_space<vmem>>
      %dma_wait3A_277 = arith.constant 0 : i32
      %dma_wait3A_278 = tpu.memref_slice %arg8[%dma_wait3A_269, %dma_wait3A_270, %dma_wait3A_277] : memref<2x2x128xi32, #tpu.memory_space<vmem>> -> memref<1x1x128xi32, #tpu.memory_space<vmem>>
      %dma_wait3A_279 = tpu.memref_squeeze %dma_wait3A_278 : memref<1x1x128xi32, #tpu.memory_space<vmem>> -> memref<128xi32, #tpu.memory_space<vmem>>
      %dma_wait3A_280 = arith.constant 0 : i32
      %dma_wait3A_281 = arith.constant 0 : i32
      %dma_wait3A_282 = tpu.memref_slice %arg2[%dma_wait3A_280, %dma_wait3A_281] : memref<100000x32xf32, #tpu.memory_space<hbm>> -> memref<100000x32xf32, #tpu.memory_space<hbm>>
      tpu.wait_indirect_dma semaphore(%arg11 : memref<!tpu.dma_semaphore, #tpu.memory_space<semaphore_mem>>) src(%dma_wait3A_282 : memref<100000x32xf32, #tpu.memory_space<hbm>>) dst(%dma_wait3A_276 : memref<128x32xf32, #tpu.memory_space<vmem>>)
      %dma_start3A_283 = arith.constant 0 : i32
      %dma_start3A_284 = arith.constant 0 : i32
      %dma_start3A_285 = arith.constant 0 : i32
      %dma_start3A_286 = arith.constant 0 : i32
      %dma_start3A_287 = arith.constant 0 : i32
      %dma_start3A_288 = arith.constant 0 : i32
      %dma_start3A_289 = arith.constant 0 : i32
      %dma_start3A_290 = tpu.memref_slice %arg10[%dma_start3A_283, %dma_start3A_284, %dma_start3A_288, %dma_start3A_289] : memref<2x2x128x32xf32, #tpu.memory_space<vmem>> -> memref<1x1x128x32xf32, #tpu.memory_space<vmem>>
      %dma_start3A_291 = tpu.memref_squeeze %dma_start3A_290 : memref<1x1x128x32xf32, #tpu.memory_space<vmem>> -> memref<128x32xf32, #tpu.memory_space<vmem>>
      %dma_start3A_292 = arith.constant 0 : i32
      %dma_start3A_293 = tpu.memref_slice %arg9[%dma_start3A_285, %dma_start3A_286, %dma_start3A_292] : memref<2x2x128xi32, #tpu.memory_space<vmem>> -> memref<1x1x128xi32, #tpu.memory_space<vmem>>
      %dma_start3A_294 = tpu.memref_squeeze %dma_start3A_293 : memref<1x1x128xi32, #tpu.memory_space<vmem>> -> memref<128xi32, #tpu.memory_space<vmem>>
      %dma_start3A_295 = arith.constant 0 : i32
      %dma_start3A_296 = arith.constant 0 : i32
      %dma_start3A_297 = tpu.memref_slice %arg7[%dma_start3A_295, %dma_start3A_296] : memref<50000x32xf32, #tpu.memory_space<vmem_shared>> -> memref<50000x32xf32, #tpu.memory_space<vmem_shared>>
      %dma_start3A_298 = tpu.memref_slice %arg12[%dma_start3A_287] : memref<2x!tpu.dma_semaphore, #tpu.memory_space<semaphore_mem>> -> memref<1x!tpu.dma_semaphore, #tpu.memory_space<semaphore_mem>>
      %dma_start3A_299 = tpu.memref_squeeze %dma_start3A_298 : memref<1x!tpu.dma_semaphore, #tpu.memory_space<semaphore_mem>> -> memref<!tpu.dma_semaphore, #tpu.memory_space<semaphore_mem>>
      tpu.enqueue_indirect_dma source(%dma_start3A_291 : memref<128x32xf32, #tpu.memory_space<vmem>>) target(%dma_start3A_297 : memref<50000x32xf32, #tpu.memory_space<vmem_shared>>) offsets(%dma_start3A_294 : memref<128xi32, #tpu.memory_space<vmem>>) semaphore(%dma_start3A_299 : memref<!tpu.dma_semaphore, #tpu.memory_space<semaphore_mem>>) {add = true}
      %dma_start3A_300 = arith.constant 0 : i32
      %dma_start3A_301 = arith.constant 1 : i32
      %dma_start3A_302 = arith.constant 0 : i32
      %dma_start3A_303 = arith.constant 1 : i32
      %dma_start3A_304 = arith.constant 0 : i32
      %dma_start3A_305 = arith.constant 0 : i32
      %dma_start3A_306 = arith.constant 0 : i32
      %dma_start3A_307 = tpu.memref_slice %arg10[%dma_start3A_300, %dma_start3A_301, %dma_start3A_305, %dma_start3A_306] : memref<2x2x128x32xf32, #tpu.memory_space<vmem>> -> memref<1x1x128x32xf32, #tpu.memory_space<vmem>>
      %dma_start3A_308 = tpu.memref_squeeze %dma_start3A_307 : memref<1x1x128x32xf32, #tpu.memory_space<vmem>> -> memref<128x32xf32, #tpu.memory_space<vmem>>
      %dma_start3A_309 = arith.constant 0 : i32
      %dma_start3A_310 = tpu.memref_slice %arg9[%dma_start3A_302, %dma_start3A_303, %dma_start3A_309] : memref<2x2x128xi32, #tpu.memory_space<vmem>> -> memref<1x1x128xi32, #tpu.memory_space<vmem>>
      %dma_start3A_311 = tpu.memref_squeeze %dma_start3A_310 : memref<1x1x128xi32, #tpu.memory_space<vmem>> -> memref<128xi32, #tpu.memory_space<vmem>>
      %dma_start3A_312 = arith.constant 0 : i32
      %dma_start3A_313 = arith.constant 0 : i32
      %dma_start3A_314 = tpu.memref_slice %arg7[%dma_start3A_312, %dma_start3A_313] : memref<50000x32xf32, #tpu.memory_space<vmem_shared>> -> memref<50000x32xf32, #tpu.memory_space<vmem_shared>>
      %dma_start3A_315 = tpu.memref_slice %arg12[%dma_start3A_304] : memref<2x!tpu.dma_semaphore, #tpu.memory_space<semaphore_mem>> -> memref<1x!tpu.dma_semaphore, #tpu.memory_space<semaphore_mem>>
      %dma_start3A_316 = tpu.memref_squeeze %dma_start3A_315 : memref<1x!tpu.dma_semaphore, #tpu.memory_space<semaphore_mem>> -> memref<!tpu.dma_semaphore, #tpu.memory_space<semaphore_mem>>
      tpu.enqueue_indirect_dma source(%dma_start3A_308 : memref<128x32xf32, #tpu.memory_space<vmem>>) target(%dma_start3A_314 : memref<50000x32xf32, #tpu.memory_space<vmem_shared>>) offsets(%dma_start3A_311 : memref<128xi32, #tpu.memory_space<vmem>>) semaphore(%dma_start3A_316 : memref<!tpu.dma_semaphore, #tpu.memory_space<semaphore_mem>>) {add = true}
      %add3A_317 = arith.constant 2 : i32
      %add3A_318 = arith.addi %mul3A_218, %add3A_317 : i32
      %ge3A_319 = arith.constant 1 : i32
      %ge3A_320 = arith.cmpi sge, %scan3A_214, %ge3A_319 : i32
      %convert_element_type3A_321 = arith.extui %ge3A_320 : i1 to i32
      %cond3A_322 = arith.constant 0 : i32
      %cond3A_323 = arith.cmpi ne, %convert_element_type3A_321, %cond3A_322 : i32
      scf.if %cond3A_323 {
        %dma_wait3A_418 = arith.constant 1 : i32
        %dma_wait3A_419 = arith.constant 0 : i32
        %dma_wait3A_420 = arith.constant 1 : i32
        %dma_wait3A_421 = arith.constant 0 : i32
        %dma_wait3A_422 = arith.constant 1 : i32
        %dma_wait3A_423 = arith.constant 0 : i32
        %dma_wait3A_424 = arith.constant 0 : i32
        %dma_wait3A_425 = tpu.memref_slice %arg10[%dma_wait3A_418, %dma_wait3A_419, %dma_wait3A_423, %dma_wait3A_424] : memref<2x2x128x32xf32, #tpu.memory_space<vmem>> -> memref<1x1x128x32xf32, #tpu.memory_space<vmem>>
        %dma_wait3A_426 = tpu.memref_squeeze %dma_wait3A_425 : memref<1x1x128x32xf32, #tpu.memory_space<vmem>> -> memref<128x32xf32, #tpu.memory_space<vmem>>
        %dma_wait3A_427 = arith.constant 0 : i32
        %dma_wait3A_428 = tpu.memref_slice %arg9[%dma_wait3A_420, %dma_wait3A_421, %dma_wait3A_427] : memref<2x2x128xi32, #tpu.memory_space<vmem>> -> memref<1x1x128xi32, #tpu.memory_space<vmem>>
        %dma_wait3A_429 = tpu.memref_squeeze %dma_wait3A_428 : memref<1x1x128xi32, #tpu.memory_space<vmem>> -> memref<128xi32, #tpu.memory_space<vmem>>
        %dma_wait3A_430 = arith.constant 0 : i32
        %dma_wait3A_431 = arith.constant 0 : i32
        %dma_wait3A_432 = tpu.memref_slice %arg7[%dma_wait3A_430, %dma_wait3A_431] : memref<50000x32xf32, #tpu.memory_space<vmem_shared>> -> memref<50000x32xf32, #tpu.memory_space<vmem_shared>>
        %dma_wait3A_433 = tpu.memref_slice %arg12[%dma_wait3A_422] : memref<2x!tpu.dma_semaphore, #tpu.memory_space<semaphore_mem>> -> memref<1x!tpu.dma_semaphore, #tpu.memory_space<semaphore_mem>>
        %dma_wait3A_434 = tpu.memref_squeeze %dma_wait3A_433 : memref<1x!tpu.dma_semaphore, #tpu.memory_space<semaphore_mem>> -> memref<!tpu.dma_semaphore, #tpu.memory_space<semaphore_mem>>
        tpu.wait_indirect_dma semaphore(%dma_wait3A_434 : memref<!tpu.dma_semaphore, #tpu.memory_space<semaphore_mem>>) src(%dma_wait3A_426 : memref<128x32xf32, #tpu.memory_space<vmem>>) dst(%dma_wait3A_432 : memref<50000x32xf32, #tpu.memory_space<vmem_shared>>)
        %dma_wait3A_435 = arith.constant 1 : i32
        %dma_wait3A_436 = arith.constant 1 : i32
        %dma_wait3A_437 = arith.constant 1 : i32
        %dma_wait3A_438 = arith.constant 1 : i32
        %dma_wait3A_439 = arith.constant 1 : i32
        %dma_wait3A_440 = arith.constant 0 : i32
        %dma_wait3A_441 = arith.constant 0 : i32
        %dma_wait3A_442 = tpu.memref_slice %arg10[%dma_wait3A_435, %dma_wait3A_436, %dma_wait3A_440, %dma_wait3A_441] : memref<2x2x128x32xf32, #tpu.memory_space<vmem>> -> memref<1x1x128x32xf32, #tpu.memory_space<vmem>>
        %dma_wait3A_443 = tpu.memref_squeeze %dma_wait3A_442 : memref<1x1x128x32xf32, #tpu.memory_space<vmem>> -> memref<128x32xf32, #tpu.memory_space<vmem>>
        %dma_wait3A_444 = arith.constant 0 : i32
        %dma_wait3A_445 = tpu.memref_slice %arg9[%dma_wait3A_437, %dma_wait3A_438, %dma_wait3A_444] : memref<2x2x128xi32, #tpu.memory_space<vmem>> -> memref<1x1x128xi32, #tpu.memory_space<vmem>>
        %dma_wait3A_446 = tpu.memref_squeeze %dma_wait3A_445 : memref<1x1x128xi32, #tpu.memory_space<vmem>> -> memref<128xi32, #tpu.memory_space<vmem>>
        %dma_wait3A_447 = arith.constant 0 : i32
        %dma_wait3A_448 = arith.constant 0 : i32
        %dma_wait3A_449 = tpu.memref_slice %arg7[%dma_wait3A_447, %dma_wait3A_448] : memref<50000x32xf32, #tpu.memory_space<vmem_shared>> -> memref<50000x32xf32, #tpu.memory_space<vmem_shared>>
        %dma_wait3A_450 = tpu.memref_slice %arg12[%dma_wait3A_439] : memref<2x!tpu.dma_semaphore, #tpu.memory_space<semaphore_mem>> -> memref<1x!tpu.dma_semaphore, #tpu.memory_space<semaphore_mem>>
        %dma_wait3A_451 = tpu.memref_squeeze %dma_wait3A_450 : memref<1x!tpu.dma_semaphore, #tpu.memory_space<semaphore_mem>> -> memref<!tpu.dma_semaphore, #tpu.memory_space<semaphore_mem>>
        tpu.wait_indirect_dma semaphore(%dma_wait3A_451 : memref<!tpu.dma_semaphore, #tpu.memory_space<semaphore_mem>>) src(%dma_wait3A_443 : memref<128x32xf32, #tpu.memory_space<vmem>>) dst(%dma_wait3A_449 : memref<50000x32xf32, #tpu.memory_space<vmem_shared>>)
      } else {
      }
      %add3A_324 = arith.addi %add3A, %add3A_318 : i32
      %run_scoped3A_325 = arith.constant 1 : i32
      "tpu.region"() ({
        %run_scoped3A_418 = tpu.sem_alloc : memref<!tpu.dma_semaphore, #tpu.memory_space<semaphore_mem>>
        %dma_start3A_419 = arith.constant 0 : i32
        %dma_start3A_420 = arith.constant 0 : i32
        %dma_start3A_421 = tpu.memref_slice %arg8[%run_scoped3A_325, %dma_start3A_419, %dma_start3A_420] : memref<2x2x128xi32, #tpu.memory_space<vmem>> -> memref<1x2x128xi32, #tpu.memory_space<vmem>>
        %dma_start3A_422 = tpu.memref_squeeze %dma_start3A_421 : memref<1x2x128xi32, #tpu.memory_space<vmem>> -> memref<2x128xi32, #tpu.memory_space<vmem>>
        %dma_start3A_423 = arith.constant 0 : i32
        %dma_start3A_424 = tpu.memref_slice %arg3[%add3A_324, %dma_start3A_423] : memref<12500x128xi32, #tpu.memory_space<hbm>> -> memref<2x128xi32, #tpu.memory_space<hbm>>
        %dma_start3A_425 = arith.constant 0 : i32
        %dma_start3A_426 = arith.constant 0 : i32
        %dma_start3A_427 = tpu.memref_slice %arg8[%run_scoped3A_325, %dma_start3A_425, %dma_start3A_426] : memref<2x2x128xi32, #tpu.memory_space<vmem>> -> memref<1x2x128xi32, #tpu.memory_space<vmem>>
        %dma_start3A_428 = tpu.memref_squeeze %dma_start3A_427 : memref<1x2x128xi32, #tpu.memory_space<vmem>> -> memref<2x128xi32, #tpu.memory_space<vmem>>
        %dma_start3A_429 = arith.constant 0 : i32
        %dma_start3A_430 = tpu.memref_slice %arg3[%add3A_324, %dma_start3A_429] : memref<12500x128xi32, #tpu.memory_space<hbm>> -> memref<2x128xi32, #tpu.memory_space<hbm>>
        tpu.enqueue_dma source(%dma_start3A_430 : memref<2x128xi32, #tpu.memory_space<hbm>>) target(%dma_start3A_428 : memref<2x128xi32, #tpu.memory_space<vmem>>) target_semaphore(%run_scoped3A_418 : memref<!tpu.dma_semaphore, #tpu.memory_space<semaphore_mem>>)
        %dma_wait3A_431 = arith.constant 0 : i32
        %dma_wait3A_432 = arith.constant 0 : i32
        %dma_wait3A_433 = tpu.memref_slice %arg8[%run_scoped3A_325, %dma_wait3A_431, %dma_wait3A_432] : memref<2x2x128xi32, #tpu.memory_space<vmem>> -> memref<1x2x128xi32, #tpu.memory_space<vmem>>
        %dma_wait3A_434 = tpu.memref_squeeze %dma_wait3A_433 : memref<1x2x128xi32, #tpu.memory_space<vmem>> -> memref<2x128xi32, #tpu.memory_space<vmem>>
        %dma_wait3A_435 = arith.constant 0 : i32
        %dma_wait3A_436 = tpu.memref_slice %arg3[%add3A_324, %dma_wait3A_435] : memref<12500x128xi32, #tpu.memory_space<hbm>> -> memref<2x128xi32, #tpu.memory_space<hbm>>
        %dma_wait3A_437 = arith.constant 0 : i32
        %dma_wait3A_438 = arith.constant 0 : i32
        %dma_wait3A_439 = tpu.memref_slice %arg8[%run_scoped3A_325, %dma_wait3A_437, %dma_wait3A_438] : memref<2x2x128xi32, #tpu.memory_space<vmem>> -> memref<1x2x128xi32, #tpu.memory_space<vmem>>
        %dma_wait3A_440 = tpu.memref_squeeze %dma_wait3A_439 : memref<1x2x128xi32, #tpu.memory_space<vmem>> -> memref<2x128xi32, #tpu.memory_space<vmem>>
        %dma_wait3A_441 = arith.constant 0 : i32
        %dma_wait3A_442 = tpu.memref_slice %arg3[%add3A_324, %dma_wait3A_441] : memref<12500x128xi32, #tpu.memory_space<hbm>> -> memref<2x128xi32, #tpu.memory_space<hbm>>
        tpu.wait_dma2 semaphore(%run_scoped3A_418 : memref<!tpu.dma_semaphore, #tpu.memory_space<semaphore_mem>>) src(%dma_wait3A_442 : memref<2x128xi32, #tpu.memory_space<hbm>>) dst(%dma_wait3A_440 : memref<2x128xi32, #tpu.memory_space<vmem>>)
        tpu.yield
      }) : () -> ()
      %add3A_326 = arith.addi %mul3A_6, %add3A_318 : i32
      %run_scoped3A_327 = arith.constant 1 : i32
      "tpu.region"() ({
        %run_scoped3A_418 = tpu.sem_alloc : memref<!tpu.dma_semaphore, #tpu.memory_space<semaphore_mem>>
        %dma_start3A_419 = arith.constant 0 : i32
        %dma_start3A_420 = arith.constant 0 : i32
        %dma_start3A_421 = tpu.memref_slice %arg9[%run_scoped3A_327, %dma_start3A_419, %dma_start3A_420] : memref<2x2x128xi32, #tpu.memory_space<vmem>> -> memref<1x2x128xi32, #tpu.memory_space<vmem>>
        %dma_start3A_422 = tpu.memref_squeeze %dma_start3A_421 : memref<1x2x128xi32, #tpu.memory_space<vmem>> -> memref<2x128xi32, #tpu.memory_space<vmem>>
        %dma_start3A_423 = arith.constant 0 : i32
        %dma_start3A_424 = tpu.memref_slice %arg4[%add3A_326, %dma_start3A_423] : memref<6250x128xi32, #tpu.memory_space<hbm>> -> memref<2x128xi32, #tpu.memory_space<hbm>>
        %dma_start3A_425 = arith.constant 0 : i32
        %dma_start3A_426 = arith.constant 0 : i32
        %dma_start3A_427 = tpu.memref_slice %arg9[%run_scoped3A_327, %dma_start3A_425, %dma_start3A_426] : memref<2x2x128xi32, #tpu.memory_space<vmem>> -> memref<1x2x128xi32, #tpu.memory_space<vmem>>
        %dma_start3A_428 = tpu.memref_squeeze %dma_start3A_427 : memref<1x2x128xi32, #tpu.memory_space<vmem>> -> memref<2x128xi32, #tpu.memory_space<vmem>>
        %dma_start3A_429 = arith.constant 0 : i32
        %dma_start3A_430 = tpu.memref_slice %arg4[%add3A_326, %dma_start3A_429] : memref<6250x128xi32, #tpu.memory_space<hbm>> -> memref<2x128xi32, #tpu.memory_space<hbm>>
        tpu.enqueue_dma source(%dma_start3A_430 : memref<2x128xi32, #tpu.memory_space<hbm>>) target(%dma_start3A_428 : memref<2x128xi32, #tpu.memory_space<vmem>>) target_semaphore(%run_scoped3A_418 : memref<!tpu.dma_semaphore, #tpu.memory_space<semaphore_mem>>)
        %dma_wait3A_431 = arith.constant 0 : i32
        %dma_wait3A_432 = arith.constant 0 : i32
        %dma_wait3A_433 = tpu.memref_slice %arg9[%run_scoped3A_327, %dma_wait3A_431, %dma_wait3A_432] : memref<2x2x128xi32, #tpu.memory_space<vmem>> -> memref<1x2x128xi32, #tpu.memory_space<vmem>>
        %dma_wait3A_434 = tpu.memref_squeeze %dma_wait3A_433 : memref<1x2x128xi32, #tpu.memory_space<vmem>> -> memref<2x128xi32, #tpu.memory_space<vmem>>
        %dma_wait3A_435 = arith.constant 0 : i32
        %dma_wait3A_436 = tpu.memref_slice %arg4[%add3A_326, %dma_wait3A_435] : memref<6250x128xi32, #tpu.memory_space<hbm>> -> memref<2x128xi32, #tpu.memory_space<hbm>>
        %dma_wait3A_437 = arith.constant 0 : i32
        %dma_wait3A_438 = arith.constant 0 : i32
        %dma_wait3A_439 = tpu.memref_slice %arg9[%run_scoped3A_327, %dma_wait3A_437, %dma_wait3A_438] : memref<2x2x128xi32, #tpu.memory_space<vmem>> -> memref<1x2x128xi32, #tpu.memory_space<vmem>>
        %dma_wait3A_440 = tpu.memref_squeeze %dma_wait3A_439 : memref<1x2x128xi32, #tpu.memory_space<vmem>> -> memref<2x128xi32, #tpu.memory_space<vmem>>
        %dma_wait3A_441 = arith.constant 0 : i32
        %dma_wait3A_442 = tpu.memref_slice %arg4[%add3A_326, %dma_wait3A_441] : memref<6250x128xi32, #tpu.memory_space<hbm>> -> memref<2x128xi32, #tpu.memory_space<hbm>>
        tpu.wait_dma2 semaphore(%run_scoped3A_418 : memref<!tpu.dma_semaphore, #tpu.memory_space<semaphore_mem>>) src(%dma_wait3A_442 : memref<2x128xi32, #tpu.memory_space<hbm>>) dst(%dma_wait3A_440 : memref<2x128xi32, #tpu.memory_space<vmem>>)
        tpu.yield
      }) : () -> ()
      %dma_start3A_328 = arith.constant 1 : i32
      %dma_start3A_329 = arith.constant 0 : i32
      %dma_start3A_330 = arith.constant 1 : i32
      %dma_start3A_331 = arith.constant 0 : i32
      %dma_start3A_332 = arith.constant 0 : i32
      %dma_start3A_333 = arith.constant 0 : i32
      %dma_start3A_334 = tpu.memref_slice %arg10[%dma_start3A_330, %dma_start3A_331, %dma_start3A_332, %dma_start3A_333] : memref<2x2x128x32xf32, #tpu.memory_space<vmem>> -> memref<1x1x128x32xf32, #tpu.memory_space<vmem>>
      %dma_start3A_335 = tpu.memref_squeeze %dma_start3A_334 : memref<1x1x128x32xf32, #tpu.memory_space<vmem>> -> memref<128x32xf32, #tpu.memory_space<vmem>>
      %dma_start3A_336 = arith.constant 0 : i32
      %dma_start3A_337 = tpu.memref_slice %arg8[%dma_start3A_328, %dma_start3A_329, %dma_start3A_336] : memref<2x2x128xi32, #tpu.memory_space<vmem>> -> memref<1x1x128xi32, #tpu.memory_space<vmem>>
      %dma_start3A_338 = tpu.memref_squeeze %dma_start3A_337 : memref<1x1x128xi32, #tpu.memory_space<vmem>> -> memref<128xi32, #tpu.memory_space<vmem>>
      %dma_start3A_339 = arith.constant 0 : i32
      %dma_start3A_340 = arith.constant 0 : i32
      %dma_start3A_341 = tpu.memref_slice %arg2[%dma_start3A_339, %dma_start3A_340] : memref<100000x32xf32, #tpu.memory_space<hbm>> -> memref<100000x32xf32, #tpu.memory_space<hbm>>
      tpu.enqueue_indirect_dma source(%dma_start3A_341 : memref<100000x32xf32, #tpu.memory_space<hbm>>) target(%dma_start3A_335 : memref<128x32xf32, #tpu.memory_space<vmem>>) offsets(%dma_start3A_338 : memref<128xi32, #tpu.memory_space<vmem>>) semaphore(%arg11 : memref<!tpu.dma_semaphore, #tpu.memory_space<semaphore_mem>>)
      %dma_start3A_342 = arith.constant 1 : i32
      %dma_start3A_343 = arith.constant 1 : i32
      %dma_start3A_344 = arith.constant 1 : i32
      %dma_start3A_345 = arith.constant 1 : i32
      %dma_start3A_346 = arith.constant 0 : i32
      %dma_start3A_347 = arith.constant 0 : i32
      %dma_start3A_348 = tpu.memref_slice %arg10[%dma_start3A_344, %dma_start3A_345, %dma_start3A_346, %dma_start3A_347] : memref<2x2x128x32xf32, #tpu.memory_space<vmem>> -> memref<1x1x128x32xf32, #tpu.memory_space<vmem>>
      %dma_start3A_349 = tpu.memref_squeeze %dma_start3A_348 : memref<1x1x128x32xf32, #tpu.memory_space<vmem>> -> memref<128x32xf32, #tpu.memory_space<vmem>>
      %dma_start3A_350 = arith.constant 0 : i32
      %dma_start3A_351 = tpu.memref_slice %arg8[%dma_start3A_342, %dma_start3A_343, %dma_start3A_350] : memref<2x2x128xi32, #tpu.memory_space<vmem>> -> memref<1x1x128xi32, #tpu.memory_space<vmem>>
      %dma_start3A_352 = tpu.memref_squeeze %dma_start3A_351 : memref<1x1x128xi32, #tpu.memory_space<vmem>> -> memref<128xi32, #tpu.memory_space<vmem>>
      %dma_start3A_353 = arith.constant 0 : i32
      %dma_start3A_354 = arith.constant 0 : i32
      %dma_start3A_355 = tpu.memref_slice %arg2[%dma_start3A_353, %dma_start3A_354] : memref<100000x32xf32, #tpu.memory_space<hbm>> -> memref<100000x32xf32, #tpu.memory_space<hbm>>
      tpu.enqueue_indirect_dma source(%dma_start3A_355 : memref<100000x32xf32, #tpu.memory_space<hbm>>) target(%dma_start3A_349 : memref<128x32xf32, #tpu.memory_space<vmem>>) offsets(%dma_start3A_352 : memref<128xi32, #tpu.memory_space<vmem>>) semaphore(%arg11 : memref<!tpu.dma_semaphore, #tpu.memory_space<semaphore_mem>>)
      %dma_wait3A_356 = arith.constant 1 : i32
      %dma_wait3A_357 = arith.constant 0 : i32
      %dma_wait3A_358 = arith.constant 1 : i32
      %dma_wait3A_359 = arith.constant 0 : i32
      %dma_wait3A_360 = arith.constant 0 : i32
      %dma_wait3A_361 = arith.constant 0 : i32
      %dma_wait3A_362 = tpu.memref_slice %arg10[%dma_wait3A_358, %dma_wait3A_359, %dma_wait3A_360, %dma_wait3A_361] : memref<2x2x128x32xf32, #tpu.memory_space<vmem>> -> memref<1x1x128x32xf32, #tpu.memory_space<vmem>>
      %dma_wait3A_363 = tpu.memref_squeeze %dma_wait3A_362 : memref<1x1x128x32xf32, #tpu.memory_space<vmem>> -> memref<128x32xf32, #tpu.memory_space<vmem>>
      %dma_wait3A_364 = arith.constant 0 : i32
      %dma_wait3A_365 = tpu.memref_slice %arg8[%dma_wait3A_356, %dma_wait3A_357, %dma_wait3A_364] : memref<2x2x128xi32, #tpu.memory_space<vmem>> -> memref<1x1x128xi32, #tpu.memory_space<vmem>>
      %dma_wait3A_366 = tpu.memref_squeeze %dma_wait3A_365 : memref<1x1x128xi32, #tpu.memory_space<vmem>> -> memref<128xi32, #tpu.memory_space<vmem>>
      %dma_wait3A_367 = arith.constant 0 : i32
      %dma_wait3A_368 = arith.constant 0 : i32
      %dma_wait3A_369 = tpu.memref_slice %arg2[%dma_wait3A_367, %dma_wait3A_368] : memref<100000x32xf32, #tpu.memory_space<hbm>> -> memref<100000x32xf32, #tpu.memory_space<hbm>>
      tpu.wait_indirect_dma semaphore(%arg11 : memref<!tpu.dma_semaphore, #tpu.memory_space<semaphore_mem>>) src(%dma_wait3A_369 : memref<100000x32xf32, #tpu.memory_space<hbm>>) dst(%dma_wait3A_363 : memref<128x32xf32, #tpu.memory_space<vmem>>)
      %dma_wait3A_370 = arith.constant 1 : i32
      %dma_wait3A_371 = arith.constant 1 : i32
      %dma_wait3A_372 = arith.constant 1 : i32
      %dma_wait3A_373 = arith.constant 1 : i32
      %dma_wait3A_374 = arith.constant 0 : i32
      %dma_wait3A_375 = arith.constant 0 : i32
      %dma_wait3A_376 = tpu.memref_slice %arg10[%dma_wait3A_372, %dma_wait3A_373, %dma_wait3A_374, %dma_wait3A_375] : memref<2x2x128x32xf32, #tpu.memory_space<vmem>> -> memref<1x1x128x32xf32, #tpu.memory_space<vmem>>
      %dma_wait3A_377 = tpu.memref_squeeze %dma_wait3A_376 : memref<1x1x128x32xf32, #tpu.memory_space<vmem>> -> memref<128x32xf32, #tpu.memory_space<vmem>>
      %dma_wait3A_378 = arith.constant 0 : i32
      %dma_wait3A_379 = tpu.memref_slice %arg8[%dma_wait3A_370, %dma_wait3A_371, %dma_wait3A_378] : memref<2x2x128xi32, #tpu.memory_space<vmem>> -> memref<1x1x128xi32, #tpu.memory_space<vmem>>
      %dma_wait3A_380 = tpu.memref_squeeze %dma_wait3A_379 : memref<1x1x128xi32, #tpu.memory_space<vmem>> -> memref<128xi32, #tpu.memory_space<vmem>>
      %dma_wait3A_381 = arith.constant 0 : i32
      %dma_wait3A_382 = arith.constant 0 : i32
      %dma_wait3A_383 = tpu.memref_slice %arg2[%dma_wait3A_381, %dma_wait3A_382] : memref<100000x32xf32, #tpu.memory_space<hbm>> -> memref<100000x32xf32, #tpu.memory_space<hbm>>
      tpu.wait_indirect_dma semaphore(%arg11 : memref<!tpu.dma_semaphore, #tpu.memory_space<semaphore_mem>>) src(%dma_wait3A_383 : memref<100000x32xf32, #tpu.memory_space<hbm>>) dst(%dma_wait3A_377 : memref<128x32xf32, #tpu.memory_space<vmem>>)
      %dma_start3A_384 = arith.constant 1 : i32
      %dma_start3A_385 = arith.constant 0 : i32
      %dma_start3A_386 = arith.constant 1 : i32
      %dma_start3A_387 = arith.constant 0 : i32
      %dma_start3A_388 = arith.constant 1 : i32
      %dma_start3A_389 = arith.constant 0 : i32
      %dma_start3A_390 = arith.constant 0 : i32
      %dma_start3A_391 = tpu.memref_slice %arg10[%dma_start3A_384, %dma_start3A_385, %dma_start3A_389, %dma_start3A_390] : memref<2x2x128x32xf32, #tpu.memory_space<vmem>> -> memref<1x1x128x32xf32, #tpu.memory_space<vmem>>
      %dma_start3A_392 = tpu.memref_squeeze %dma_start3A_391 : memref<1x1x128x32xf32, #tpu.memory_space<vmem>> -> memref<128x32xf32, #tpu.memory_space<vmem>>
      %dma_start3A_393 = arith.constant 0 : i32
      %dma_start3A_394 = tpu.memref_slice %arg9[%dma_start3A_386, %dma_start3A_387, %dma_start3A_393] : memref<2x2x128xi32, #tpu.memory_space<vmem>> -> memref<1x1x128xi32, #tpu.memory_space<vmem>>
      %dma_start3A_395 = tpu.memref_squeeze %dma_start3A_394 : memref<1x1x128xi32, #tpu.memory_space<vmem>> -> memref<128xi32, #tpu.memory_space<vmem>>
      %dma_start3A_396 = arith.constant 0 : i32
      %dma_start3A_397 = arith.constant 0 : i32
      %dma_start3A_398 = tpu.memref_slice %arg7[%dma_start3A_396, %dma_start3A_397] : memref<50000x32xf32, #tpu.memory_space<vmem_shared>> -> memref<50000x32xf32, #tpu.memory_space<vmem_shared>>
      %dma_start3A_399 = tpu.memref_slice %arg12[%dma_start3A_388] : memref<2x!tpu.dma_semaphore, #tpu.memory_space<semaphore_mem>> -> memref<1x!tpu.dma_semaphore, #tpu.memory_space<semaphore_mem>>
      %dma_start3A_400 = tpu.memref_squeeze %dma_start3A_399 : memref<1x!tpu.dma_semaphore, #tpu.memory_space<semaphore_mem>> -> memref<!tpu.dma_semaphore, #tpu.memory_space<semaphore_mem>>
      tpu.enqueue_indirect_dma source(%dma_start3A_392 : memref<128x32xf32, #tpu.memory_space<vmem>>) target(%dma_start3A_398 : memref<50000x32xf32, #tpu.memory_space<vmem_shared>>) offsets(%dma_start3A_395 : memref<128xi32, #tpu.memory_space<vmem>>) semaphore(%dma_start3A_400 : memref<!tpu.dma_semaphore, #tpu.memory_space<semaphore_mem>>) {add = true}
      %dma_start3A_401 = arith.constant 1 : i32
      %dma_start3A_402 = arith.constant 1 : i32
      %dma_start3A_403 = arith.constant 1 : i32
      %dma_start3A_404 = arith.constant 1 : i32
      %dma_start3A_405 = arith.constant 1 : i32
      %dma_start3A_406 = arith.constant 0 : i32
      %dma_start3A_407 = arith.constant 0 : i32
      %dma_start3A_408 = tpu.memref_slice %arg10[%dma_start3A_401, %dma_start3A_402, %dma_start3A_406, %dma_start3A_407] : memref<2x2x128x32xf32, #tpu.memory_space<vmem>> -> memref<1x1x128x32xf32, #tpu.memory_space<vmem>>
      %dma_start3A_409 = tpu.memref_squeeze %dma_start3A_408 : memref<1x1x128x32xf32, #tpu.memory_space<vmem>> -> memref<128x32xf32, #tpu.memory_space<vmem>>
      %dma_start3A_410 = arith.constant 0 : i32
      %dma_start3A_411 = tpu.memref_slice %arg9[%dma_start3A_403, %dma_start3A_404, %dma_start3A_410] : memref<2x2x128xi32, #tpu.memory_space<vmem>> -> memref<1x1x128xi32, #tpu.memory_space<vmem>>
      %dma_start3A_412 = tpu.memref_squeeze %dma_start3A_411 : memref<1x1x128xi32, #tpu.memory_space<vmem>> -> memref<128xi32, #tpu.memory_space<vmem>>
      %dma_start3A_413 = arith.constant 0 : i32
      %dma_start3A_414 = arith.constant 0 : i32
      %dma_start3A_415 = tpu.memref_slice %arg7[%dma_start3A_413, %dma_start3A_414] : memref<50000x32xf32, #tpu.memory_space<vmem_shared>> -> memref<50000x32xf32, #tpu.memory_space<vmem_shared>>
      %dma_start3A_416 = tpu.memref_slice %arg12[%dma_start3A_405] : memref<2x!tpu.dma_semaphore, #tpu.memory_space<semaphore_mem>> -> memref<1x!tpu.dma_semaphore, #tpu.memory_space<semaphore_mem>>
      %dma_start3A_417 = tpu.memref_squeeze %dma_start3A_416 : memref<1x!tpu.dma_semaphore, #tpu.memory_space<semaphore_mem>> -> memref<!tpu.dma_semaphore, #tpu.memory_space<semaphore_mem>>
      tpu.enqueue_indirect_dma source(%dma_start3A_409 : memref<128x32xf32, #tpu.memory_space<vmem>>) target(%dma_start3A_415 : memref<50000x32xf32, #tpu.memory_space<vmem_shared>>) offsets(%dma_start3A_412 : memref<128xi32, #tpu.memory_space<vmem>>) semaphore(%dma_start3A_417 : memref<!tpu.dma_semaphore, #tpu.memory_space<semaphore_mem>>) {add = true}
    }
    %scan3A_11 = arith.constant 97 : i32
    %dma_wait3A = arith.constant 0 : i32
    %dma_wait3A_12 = arith.constant 0 : i32
    %dma_wait3A_13 = arith.constant 0 : i32
    %dma_wait3A_14 = arith.constant 0 : i32
    %dma_wait3A_15 = arith.constant 0 : i32
    %dma_wait3A_16 = arith.constant 0 : i32
    %dma_wait3A_17 = arith.constant 0 : i32
    %dma_wait3A_18 = tpu.memref_slice %arg10[%dma_wait3A, %dma_wait3A_12, %dma_wait3A_16, %dma_wait3A_17] : memref<2x2x128x32xf32, #tpu.memory_space<vmem>> -> memref<1x1x128x32xf32, #tpu.memory_space<vmem>>
    %dma_wait3A_19 = tpu.memref_squeeze %dma_wait3A_18 : memref<1x1x128x32xf32, #tpu.memory_space<vmem>> -> memref<128x32xf32, #tpu.memory_space<vmem>>
    %dma_wait3A_20 = arith.constant 0 : i32
    %dma_wait3A_21 = tpu.memref_slice %arg9[%dma_wait3A_13, %dma_wait3A_14, %dma_wait3A_20] : memref<2x2x128xi32, #tpu.memory_space<vmem>> -> memref<1x1x128xi32, #tpu.memory_space<vmem>>
    %dma_wait3A_22 = tpu.memref_squeeze %dma_wait3A_21 : memref<1x1x128xi32, #tpu.memory_space<vmem>> -> memref<128xi32, #tpu.memory_space<vmem>>
    %dma_wait3A_23 = arith.constant 0 : i32
    %dma_wait3A_24 = arith.constant 0 : i32
    %dma_wait3A_25 = tpu.memref_slice %arg7[%dma_wait3A_23, %dma_wait3A_24] : memref<50000x32xf32, #tpu.memory_space<vmem_shared>> -> memref<50000x32xf32, #tpu.memory_space<vmem_shared>>
    %dma_wait3A_26 = tpu.memref_slice %arg12[%dma_wait3A_15] : memref<2x!tpu.dma_semaphore, #tpu.memory_space<semaphore_mem>> -> memref<1x!tpu.dma_semaphore, #tpu.memory_space<semaphore_mem>>
    %dma_wait3A_27 = tpu.memref_squeeze %dma_wait3A_26 : memref<1x!tpu.dma_semaphore, #tpu.memory_space<semaphore_mem>> -> memref<!tpu.dma_semaphore, #tpu.memory_space<semaphore_mem>>
    tpu.wait_indirect_dma semaphore(%dma_wait3A_27 : memref<!tpu.dma_semaphore, #tpu.memory_space<semaphore_mem>>) src(%dma_wait3A_19 : memref<128x32xf32, #tpu.memory_space<vmem>>) dst(%dma_wait3A_25 : memref<50000x32xf32, #tpu.memory_space<vmem_shared>>)
    %dma_wait3A_28 = arith.constant 0 : i32
    %dma_wait3A_29 = arith.constant 1 : i32
    %dma_wait3A_30 = arith.constant 0 : i32
    %dma_wait3A_31 = arith.constant 1 : i32
    %dma_wait3A_32 = arith.constant 0 : i32
    %dma_wait3A_33 = arith.constant 0 : i32
    %dma_wait3A_34 = arith.constant 0 : i32
    %dma_wait3A_35 = tpu.memref_slice %arg10[%dma_wait3A_28, %dma_wait3A_29, %dma_wait3A_33, %dma_wait3A_34] : memref<2x2x128x32xf32, #tpu.memory_space<vmem>> -> memref<1x1x128x32xf32, #tpu.memory_space<vmem>>
    %dma_wait3A_36 = tpu.memref_squeeze %dma_wait3A_35 : memref<1x1x128x32xf32, #tpu.memory_space<vmem>> -> memref<128x32xf32, #tpu.memory_space<vmem>>
    %dma_wait3A_37 = arith.constant 0 : i32
    %dma_wait3A_38 = tpu.memref_slice %arg9[%dma_wait3A_30, %dma_wait3A_31, %dma_wait3A_37] : memref<2x2x128xi32, #tpu.memory_space<vmem>> -> memref<1x1x128xi32, #tpu.memory_space<vmem>>
    %dma_wait3A_39 = tpu.memref_squeeze %dma_wait3A_38 : memref<1x1x128xi32, #tpu.memory_space<vmem>> -> memref<128xi32, #tpu.memory_space<vmem>>
    %dma_wait3A_40 = arith.constant 0 : i32
    %dma_wait3A_41 = arith.constant 0 : i32
    %dma_wait3A_42 = tpu.memref_slice %arg7[%dma_wait3A_40, %dma_wait3A_41] : memref<50000x32xf32, #tpu.memory_space<vmem_shared>> -> memref<50000x32xf32, #tpu.memory_space<vmem_shared>>
    %dma_wait3A_43 = tpu.memref_slice %arg12[%dma_wait3A_32] : memref<2x!tpu.dma_semaphore, #tpu.memory_space<semaphore_mem>> -> memref<1x!tpu.dma_semaphore, #tpu.memory_space<semaphore_mem>>
    %dma_wait3A_44 = tpu.memref_squeeze %dma_wait3A_43 : memref<1x!tpu.dma_semaphore, #tpu.memory_space<semaphore_mem>> -> memref<!tpu.dma_semaphore, #tpu.memory_space<semaphore_mem>>
    tpu.wait_indirect_dma semaphore(%dma_wait3A_44 : memref<!tpu.dma_semaphore, #tpu.memory_space<semaphore_mem>>) src(%dma_wait3A_36 : memref<128x32xf32, #tpu.memory_space<vmem>>) dst(%dma_wait3A_42 : memref<50000x32xf32, #tpu.memory_space<vmem_shared>>)
    %add3A_45 = arith.constant 388 : i32
    %add3A_46 = arith.addi %add3A, %add3A_45 : i32
    %run_scoped3A = arith.constant 0 : i32
    "tpu.region"() ({
      %run_scoped3A_214 = tpu.sem_alloc : memref<!tpu.dma_semaphore, #tpu.memory_space<semaphore_mem>>
      %dma_start3A_215 = arith.constant 0 : i32
      %dma_start3A_216 = arith.constant 0 : i32
      %dma_start3A_217 = tpu.memref_slice %arg8[%run_scoped3A, %dma_start3A_215, %dma_start3A_216] : memref<2x2x128xi32, #tpu.memory_space<vmem>> -> memref<1x2x128xi32, #tpu.memory_space<vmem>>
      %dma_start3A_218 = tpu.memref_squeeze %dma_start3A_217 : memref<1x2x128xi32, #tpu.memory_space<vmem>> -> memref<2x128xi32, #tpu.memory_space<vmem>>
      %dma_start3A_219 = arith.constant 0 : i32
      %dma_start3A_220 = tpu.memref_slice %arg3[%add3A_46, %dma_start3A_219] : memref<12500x128xi32, #tpu.memory_space<hbm>> -> memref<2x128xi32, #tpu.memory_space<hbm>>
      %dma_start3A_221 = arith.constant 0 : i32
      %dma_start3A_222 = arith.constant 0 : i32
      %dma_start3A_223 = tpu.memref_slice %arg8[%run_scoped3A, %dma_start3A_221, %dma_start3A_222] : memref<2x2x128xi32, #tpu.memory_space<vmem>> -> memref<1x2x128xi32, #tpu.memory_space<vmem>>
      %dma_start3A_224 = tpu.memref_squeeze %dma_start3A_223 : memref<1x2x128xi32, #tpu.memory_space<vmem>> -> memref<2x128xi32, #tpu.memory_space<vmem>>
      %dma_start3A_225 = arith.constant 0 : i32
      %dma_start3A_226 = tpu.memref_slice %arg3[%add3A_46, %dma_start3A_225] : memref<12500x128xi32, #tpu.memory_space<hbm>> -> memref<2x128xi32, #tpu.memory_space<hbm>>
      tpu.enqueue_dma source(%dma_start3A_226 : memref<2x128xi32, #tpu.memory_space<hbm>>) target(%dma_start3A_224 : memref<2x128xi32, #tpu.memory_space<vmem>>) target_semaphore(%run_scoped3A_214 : memref<!tpu.dma_semaphore, #tpu.memory_space<semaphore_mem>>)
      %dma_wait3A_227 = arith.constant 0 : i32
      %dma_wait3A_228 = arith.constant 0 : i32
      %dma_wait3A_229 = tpu.memref_slice %arg8[%run_scoped3A, %dma_wait3A_227, %dma_wait3A_228] : memref<2x2x128xi32, #tpu.memory_space<vmem>> -> memref<1x2x128xi32, #tpu.memory_space<vmem>>
      %dma_wait3A_230 = tpu.memref_squeeze %dma_wait3A_229 : memref<1x2x128xi32, #tpu.memory_space<vmem>> -> memref<2x128xi32, #tpu.memory_space<vmem>>
      %dma_wait3A_231 = arith.constant 0 : i32
      %dma_wait3A_232 = tpu.memref_slice %arg3[%add3A_46, %dma_wait3A_231] : memref<12500x128xi32, #tpu.memory_space<hbm>> -> memref<2x128xi32, #tpu.memory_space<hbm>>
      %dma_wait3A_233 = arith.constant 0 : i32
      %dma_wait3A_234 = arith.constant 0 : i32
      %dma_wait3A_235 = tpu.memref_slice %arg8[%run_scoped3A, %dma_wait3A_233, %dma_wait3A_234] : memref<2x2x128xi32, #tpu.memory_space<vmem>> -> memref<1x2x128xi32, #tpu.memory_space<vmem>>
      %dma_wait3A_236 = tpu.memref_squeeze %dma_wait3A_235 : memref<1x2x128xi32, #tpu.memory_space<vmem>> -> memref<2x128xi32, #tpu.memory_space<vmem>>
      %dma_wait3A_237 = arith.constant 0 : i32
      %dma_wait3A_238 = tpu.memref_slice %arg3[%add3A_46, %dma_wait3A_237] : memref<12500x128xi32, #tpu.memory_space<hbm>> -> memref<2x128xi32, #tpu.memory_space<hbm>>
      tpu.wait_dma2 semaphore(%run_scoped3A_214 : memref<!tpu.dma_semaphore, #tpu.memory_space<semaphore_mem>>) src(%dma_wait3A_238 : memref<2x128xi32, #tpu.memory_space<hbm>>) dst(%dma_wait3A_236 : memref<2x128xi32, #tpu.memory_space<vmem>>)
      tpu.yield
    }) : () -> ()
    %add3A_47 = arith.constant 388 : i32
    %add3A_48 = arith.addi %mul3A_6, %add3A_47 : i32
    %run_scoped3A_49 = arith.constant 0 : i32
    "tpu.region"() ({
      %run_scoped3A_214 = tpu.sem_alloc : memref<!tpu.dma_semaphore, #tpu.memory_space<semaphore_mem>>
      %dma_start3A_215 = arith.constant 0 : i32
      %dma_start3A_216 = arith.constant 0 : i32
      %dma_start3A_217 = tpu.memref_slice %arg9[%run_scoped3A_49, %dma_start3A_215, %dma_start3A_216] : memref<2x2x128xi32, #tpu.memory_space<vmem>> -> memref<1x2x128xi32, #tpu.memory_space<vmem>>
      %dma_start3A_218 = tpu.memref_squeeze %dma_start3A_217 : memref<1x2x128xi32, #tpu.memory_space<vmem>> -> memref<2x128xi32, #tpu.memory_space<vmem>>
      %dma_start3A_219 = arith.constant 0 : i32
      %dma_start3A_220 = tpu.memref_slice %arg4[%add3A_48, %dma_start3A_219] : memref<6250x128xi32, #tpu.memory_space<hbm>> -> memref<2x128xi32, #tpu.memory_space<hbm>>
      %dma_start3A_221 = arith.constant 0 : i32
      %dma_start3A_222 = arith.constant 0 : i32
      %dma_start3A_223 = tpu.memref_slice %arg9[%run_scoped3A_49, %dma_start3A_221, %dma_start3A_222] : memref<2x2x128xi32, #tpu.memory_space<vmem>> -> memref<1x2x128xi32, #tpu.memory_space<vmem>>
      %dma_start3A_224 = tpu.memref_squeeze %dma_start3A_223 : memref<1x2x128xi32, #tpu.memory_space<vmem>> -> memref<2x128xi32, #tpu.memory_space<vmem>>
      %dma_start3A_225 = arith.constant 0 : i32
      %dma_start3A_226 = tpu.memref_slice %arg4[%add3A_48, %dma_start3A_225] : memref<6250x128xi32, #tpu.memory_space<hbm>> -> memref<2x128xi32, #tpu.memory_space<hbm>>
      tpu.enqueue_dma source(%dma_start3A_226 : memref<2x128xi32, #tpu.memory_space<hbm>>) target(%dma_start3A_224 : memref<2x128xi32, #tpu.memory_space<vmem>>) target_semaphore(%run_scoped3A_214 : memref<!tpu.dma_semaphore, #tpu.memory_space<semaphore_mem>>)
      %dma_wait3A_227 = arith.constant 0 : i32
      %dma_wait3A_228 = arith.constant 0 : i32
      %dma_wait3A_229 = tpu.memref_slice %arg9[%run_scoped3A_49, %dma_wait3A_227, %dma_wait3A_228] : memref<2x2x128xi32, #tpu.memory_space<vmem>> -> memref<1x2x128xi32, #tpu.memory_space<vmem>>
      %dma_wait3A_230 = tpu.memref_squeeze %dma_wait3A_229 : memref<1x2x128xi32, #tpu.memory_space<vmem>> -> memref<2x128xi32, #tpu.memory_space<vmem>>
      %dma_wait3A_231 = arith.constant 0 : i32
      %dma_wait3A_232 = tpu.memref_slice %arg4[%add3A_48, %dma_wait3A_231] : memref<6250x128xi32, #tpu.memory_space<hbm>> -> memref<2x128xi32, #tpu.memory_space<hbm>>
      %dma_wait3A_233 = arith.constant 0 : i32
      %dma_wait3A_234 = arith.constant 0 : i32
      %dma_wait3A_235 = tpu.memref_slice %arg9[%run_scoped3A_49, %dma_wait3A_233, %dma_wait3A_234] : memref<2x2x128xi32, #tpu.memory_space<vmem>> -> memref<1x2x128xi32, #tpu.memory_space<vmem>>
      %dma_wait3A_236 = tpu.memref_squeeze %dma_wait3A_235 : memref<1x2x128xi32, #tpu.memory_space<vmem>> -> memref<2x128xi32, #tpu.memory_space<vmem>>
      %dma_wait3A_237 = arith.constant 0 : i32
      %dma_wait3A_238 = tpu.memref_slice %arg4[%add3A_48, %dma_wait3A_237] : memref<6250x128xi32, #tpu.memory_space<hbm>> -> memref<2x128xi32, #tpu.memory_space<hbm>>
      tpu.wait_dma2 semaphore(%run_scoped3A_214 : memref<!tpu.dma_semaphore, #tpu.memory_space<semaphore_mem>>) src(%dma_wait3A_238 : memref<2x128xi32, #tpu.memory_space<hbm>>) dst(%dma_wait3A_236 : memref<2x128xi32, #tpu.memory_space<vmem>>)
      tpu.yield
    }) : () -> ()
    %dma_start3A = arith.constant 0 : i32
    %dma_start3A_50 = arith.constant 0 : i32
    %dma_start3A_51 = arith.constant 0 : i32
    %dma_start3A_52 = arith.constant 0 : i32
    %dma_start3A_53 = arith.constant 0 : i32
    %dma_start3A_54 = arith.constant 0 : i32
    %dma_start3A_55 = tpu.memref_slice %arg10[%dma_start3A_51, %dma_start3A_52, %dma_start3A_53, %dma_start3A_54] : memref<2x2x128x32xf32, #tpu.memory_space<vmem>> -> memref<1x1x128x32xf32, #tpu.memory_space<vmem>>
    %dma_start3A_56 = tpu.memref_squeeze %dma_start3A_55 : memref<1x1x128x32xf32, #tpu.memory_space<vmem>> -> memref<128x32xf32, #tpu.memory_space<vmem>>
    %dma_start3A_57 = arith.constant 0 : i32
    %dma_start3A_58 = tpu.memref_slice %arg8[%dma_start3A, %dma_start3A_50, %dma_start3A_57] : memref<2x2x128xi32, #tpu.memory_space<vmem>> -> memref<1x1x128xi32, #tpu.memory_space<vmem>>
    %dma_start3A_59 = tpu.memref_squeeze %dma_start3A_58 : memref<1x1x128xi32, #tpu.memory_space<vmem>> -> memref<128xi32, #tpu.memory_space<vmem>>
    %dma_start3A_60 = arith.constant 0 : i32
    %dma_start3A_61 = arith.constant 0 : i32
    %dma_start3A_62 = tpu.memref_slice %arg2[%dma_start3A_60, %dma_start3A_61] : memref<100000x32xf32, #tpu.memory_space<hbm>> -> memref<100000x32xf32, #tpu.memory_space<hbm>>
    tpu.enqueue_indirect_dma source(%dma_start3A_62 : memref<100000x32xf32, #tpu.memory_space<hbm>>) target(%dma_start3A_56 : memref<128x32xf32, #tpu.memory_space<vmem>>) offsets(%dma_start3A_59 : memref<128xi32, #tpu.memory_space<vmem>>) semaphore(%arg11 : memref<!tpu.dma_semaphore, #tpu.memory_space<semaphore_mem>>)
    %dma_start3A_63 = arith.constant 0 : i32
    %dma_start3A_64 = arith.constant 1 : i32
    %dma_start3A_65 = arith.constant 0 : i32
    %dma_start3A_66 = arith.constant 1 : i32
    %dma_start3A_67 = arith.constant 0 : i32
    %dma_start3A_68 = arith.constant 0 : i32
    %dma_start3A_69 = tpu.memref_slice %arg10[%dma_start3A_65, %dma_start3A_66, %dma_start3A_67, %dma_start3A_68] : memref<2x2x128x32xf32, #tpu.memory_space<vmem>> -> memref<1x1x128x32xf32, #tpu.memory_space<vmem>>
    %dma_start3A_70 = tpu.memref_squeeze %dma_start3A_69 : memref<1x1x128x32xf32, #tpu.memory_space<vmem>> -> memref<128x32xf32, #tpu.memory_space<vmem>>
    %dma_start3A_71 = arith.constant 0 : i32
    %dma_start3A_72 = tpu.memref_slice %arg8[%dma_start3A_63, %dma_start3A_64, %dma_start3A_71] : memref<2x2x128xi32, #tpu.memory_space<vmem>> -> memref<1x1x128xi32, #tpu.memory_space<vmem>>
    %dma_start3A_73 = tpu.memref_squeeze %dma_start3A_72 : memref<1x1x128xi32, #tpu.memory_space<vmem>> -> memref<128xi32, #tpu.memory_space<vmem>>
    %dma_start3A_74 = arith.constant 0 : i32
    %dma_start3A_75 = arith.constant 0 : i32
    %dma_start3A_76 = tpu.memref_slice %arg2[%dma_start3A_74, %dma_start3A_75] : memref<100000x32xf32, #tpu.memory_space<hbm>> -> memref<100000x32xf32, #tpu.memory_space<hbm>>
    tpu.enqueue_indirect_dma source(%dma_start3A_76 : memref<100000x32xf32, #tpu.memory_space<hbm>>) target(%dma_start3A_70 : memref<128x32xf32, #tpu.memory_space<vmem>>) offsets(%dma_start3A_73 : memref<128xi32, #tpu.memory_space<vmem>>) semaphore(%arg11 : memref<!tpu.dma_semaphore, #tpu.memory_space<semaphore_mem>>)
    %dma_wait3A_77 = arith.constant 0 : i32
    %dma_wait3A_78 = arith.constant 0 : i32
    %dma_wait3A_79 = arith.constant 0 : i32
    %dma_wait3A_80 = arith.constant 0 : i32
    %dma_wait3A_81 = arith.constant 0 : i32
    %dma_wait3A_82 = arith.constant 0 : i32
    %dma_wait3A_83 = tpu.memref_slice %arg10[%dma_wait3A_79, %dma_wait3A_80, %dma_wait3A_81, %dma_wait3A_82] : memref<2x2x128x32xf32, #tpu.memory_space<vmem>> -> memref<1x1x128x32xf32, #tpu.memory_space<vmem>>
    %dma_wait3A_84 = tpu.memref_squeeze %dma_wait3A_83 : memref<1x1x128x32xf32, #tpu.memory_space<vmem>> -> memref<128x32xf32, #tpu.memory_space<vmem>>
    %dma_wait3A_85 = arith.constant 0 : i32
    %dma_wait3A_86 = tpu.memref_slice %arg8[%dma_wait3A_77, %dma_wait3A_78, %dma_wait3A_85] : memref<2x2x128xi32, #tpu.memory_space<vmem>> -> memref<1x1x128xi32, #tpu.memory_space<vmem>>
    %dma_wait3A_87 = tpu.memref_squeeze %dma_wait3A_86 : memref<1x1x128xi32, #tpu.memory_space<vmem>> -> memref<128xi32, #tpu.memory_space<vmem>>
    %dma_wait3A_88 = arith.constant 0 : i32
    %dma_wait3A_89 = arith.constant 0 : i32
    %dma_wait3A_90 = tpu.memref_slice %arg2[%dma_wait3A_88, %dma_wait3A_89] : memref<100000x32xf32, #tpu.memory_space<hbm>> -> memref<100000x32xf32, #tpu.memory_space<hbm>>
    tpu.wait_indirect_dma semaphore(%arg11 : memref<!tpu.dma_semaphore, #tpu.memory_space<semaphore_mem>>) src(%dma_wait3A_90 : memref<100000x32xf32, #tpu.memory_space<hbm>>) dst(%dma_wait3A_84 : memref<128x32xf32, #tpu.memory_space<vmem>>)
    %dma_wait3A_91 = arith.constant 0 : i32
    %dma_wait3A_92 = arith.constant 1 : i32
    %dma_wait3A_93 = arith.constant 0 : i32
    %dma_wait3A_94 = arith.constant 1 : i32
    %dma_wait3A_95 = arith.constant 0 : i32
    %dma_wait3A_96 = arith.constant 0 : i32
    %dma_wait3A_97 = tpu.memref_slice %arg10[%dma_wait3A_93, %dma_wait3A_94, %dma_wait3A_95, %dma_wait3A_96] : memref<2x2x128x32xf32, #tpu.memory_space<vmem>> -> memref<1x1x128x32xf32, #tpu.memory_space<vmem>>
    %dma_wait3A_98 = tpu.memref_squeeze %dma_wait3A_97 : memref<1x1x128x32xf32, #tpu.memory_space<vmem>> -> memref<128x32xf32, #tpu.memory_space<vmem>>
    %dma_wait3A_99 = arith.constant 0 : i32
    %dma_wait3A_100 = tpu.memref_slice %arg8[%dma_wait3A_91, %dma_wait3A_92, %dma_wait3A_99] : memref<2x2x128xi32, #tpu.memory_space<vmem>> -> memref<1x1x128xi32, #tpu.memory_space<vmem>>
    %dma_wait3A_101 = tpu.memref_squeeze %dma_wait3A_100 : memref<1x1x128xi32, #tpu.memory_space<vmem>> -> memref<128xi32, #tpu.memory_space<vmem>>
    %dma_wait3A_102 = arith.constant 0 : i32
    %dma_wait3A_103 = arith.constant 0 : i32
    %dma_wait3A_104 = tpu.memref_slice %arg2[%dma_wait3A_102, %dma_wait3A_103] : memref<100000x32xf32, #tpu.memory_space<hbm>> -> memref<100000x32xf32, #tpu.memory_space<hbm>>
    tpu.wait_indirect_dma semaphore(%arg11 : memref<!tpu.dma_semaphore, #tpu.memory_space<semaphore_mem>>) src(%dma_wait3A_104 : memref<100000x32xf32, #tpu.memory_space<hbm>>) dst(%dma_wait3A_98 : memref<128x32xf32, #tpu.memory_space<vmem>>)
    %dma_start3A_105 = arith.constant 0 : i32
    %dma_start3A_106 = arith.constant 0 : i32
    %dma_start3A_107 = arith.constant 0 : i32
    %dma_start3A_108 = arith.constant 0 : i32
    %dma_start3A_109 = arith.constant 0 : i32
    %dma_start3A_110 = arith.constant 0 : i32
    %dma_start3A_111 = arith.constant 0 : i32
    %dma_start3A_112 = tpu.memref_slice %arg10[%dma_start3A_105, %dma_start3A_106, %dma_start3A_110, %dma_start3A_111] : memref<2x2x128x32xf32, #tpu.memory_space<vmem>> -> memref<1x1x128x32xf32, #tpu.memory_space<vmem>>
    %dma_start3A_113 = tpu.memref_squeeze %dma_start3A_112 : memref<1x1x128x32xf32, #tpu.memory_space<vmem>> -> memref<128x32xf32, #tpu.memory_space<vmem>>
    %dma_start3A_114 = arith.constant 0 : i32
    %dma_start3A_115 = tpu.memref_slice %arg9[%dma_start3A_107, %dma_start3A_108, %dma_start3A_114] : memref<2x2x128xi32, #tpu.memory_space<vmem>> -> memref<1x1x128xi32, #tpu.memory_space<vmem>>
    %dma_start3A_116 = tpu.memref_squeeze %dma_start3A_115 : memref<1x1x128xi32, #tpu.memory_space<vmem>> -> memref<128xi32, #tpu.memory_space<vmem>>
    %dma_start3A_117 = arith.constant 0 : i32
    %dma_start3A_118 = arith.constant 0 : i32
    %dma_start3A_119 = tpu.memref_slice %arg7[%dma_start3A_117, %dma_start3A_118] : memref<50000x32xf32, #tpu.memory_space<vmem_shared>> -> memref<50000x32xf32, #tpu.memory_space<vmem_shared>>
    %dma_start3A_120 = tpu.memref_slice %arg12[%dma_start3A_109] : memref<2x!tpu.dma_semaphore, #tpu.memory_space<semaphore_mem>> -> memref<1x!tpu.dma_semaphore, #tpu.memory_space<semaphore_mem>>
    %dma_start3A_121 = tpu.memref_squeeze %dma_start3A_120 : memref<1x!tpu.dma_semaphore, #tpu.memory_space<semaphore_mem>> -> memref<!tpu.dma_semaphore, #tpu.memory_space<semaphore_mem>>
    tpu.enqueue_indirect_dma source(%dma_start3A_113 : memref<128x32xf32, #tpu.memory_space<vmem>>) target(%dma_start3A_119 : memref<50000x32xf32, #tpu.memory_space<vmem_shared>>) offsets(%dma_start3A_116 : memref<128xi32, #tpu.memory_space<vmem>>) semaphore(%dma_start3A_121 : memref<!tpu.dma_semaphore, #tpu.memory_space<semaphore_mem>>) {add = true}
    %dma_start3A_122 = arith.constant 0 : i32
    %dma_start3A_123 = arith.constant 1 : i32
    %dma_start3A_124 = arith.constant 0 : i32
    %dma_start3A_125 = arith.constant 1 : i32
    %dma_start3A_126 = arith.constant 0 : i32
    %dma_start3A_127 = arith.constant 0 : i32
    %dma_start3A_128 = arith.constant 0 : i32
    %dma_start3A_129 = tpu.memref_slice %arg10[%dma_start3A_122, %dma_start3A_123, %dma_start3A_127, %dma_start3A_128] : memref<2x2x128x32xf32, #tpu.memory_space<vmem>> -> memref<1x1x128x32xf32, #tpu.memory_space<vmem>>
    %dma_start3A_130 = tpu.memref_squeeze %dma_start3A_129 : memref<1x1x128x32xf32, #tpu.memory_space<vmem>> -> memref<128x32xf32, #tpu.memory_space<vmem>>
    %dma_start3A_131 = arith.constant 0 : i32
    %dma_start3A_132 = tpu.memref_slice %arg9[%dma_start3A_124, %dma_start3A_125, %dma_start3A_131] : memref<2x2x128xi32, #tpu.memory_space<vmem>> -> memref<1x1x128xi32, #tpu.memory_space<vmem>>
    %dma_start3A_133 = tpu.memref_squeeze %dma_start3A_132 : memref<1x1x128xi32, #tpu.memory_space<vmem>> -> memref<128xi32, #tpu.memory_space<vmem>>
    %dma_start3A_134 = arith.constant 0 : i32
    %dma_start3A_135 = arith.constant 0 : i32
    %dma_start3A_136 = tpu.memref_slice %arg7[%dma_start3A_134, %dma_start3A_135] : memref<50000x32xf32, #tpu.memory_space<vmem_shared>> -> memref<50000x32xf32, #tpu.memory_space<vmem_shared>>
    %dma_start3A_137 = tpu.memref_slice %arg12[%dma_start3A_126] : memref<2x!tpu.dma_semaphore, #tpu.memory_space<semaphore_mem>> -> memref<1x!tpu.dma_semaphore, #tpu.memory_space<semaphore_mem>>
    %dma_start3A_138 = tpu.memref_squeeze %dma_start3A_137 : memref<1x!tpu.dma_semaphore, #tpu.memory_space<semaphore_mem>> -> memref<!tpu.dma_semaphore, #tpu.memory_space<semaphore_mem>>
    tpu.enqueue_indirect_dma source(%dma_start3A_130 : memref<128x32xf32, #tpu.memory_space<vmem>>) target(%dma_start3A_136 : memref<50000x32xf32, #tpu.memory_space<vmem_shared>>) offsets(%dma_start3A_133 : memref<128xi32, #tpu.memory_space<vmem>>) semaphore(%dma_start3A_138 : memref<!tpu.dma_semaphore, #tpu.memory_space<semaphore_mem>>) {add = true}
    %dma_wait3A_139 = arith.constant 0 : i32
    %dma_wait3A_140 = arith.constant 0 : i32
    %dma_wait3A_141 = arith.constant 0 : i32
    %dma_wait3A_142 = arith.constant 0 : i32
    %dma_wait3A_143 = arith.constant 0 : i32
    %dma_wait3A_144 = arith.constant 0 : i32
    %dma_wait3A_145 = arith.constant 0 : i32
    %dma_wait3A_146 = tpu.memref_slice %arg10[%dma_wait3A_139, %dma_wait3A_140, %dma_wait3A_144, %dma_wait3A_145] : memref<2x2x128x32xf32, #tpu.memory_space<vmem>> -> memref<1x1x128x32xf32, #tpu.memory_space<vmem>>
    %dma_wait3A_147 = tpu.memref_squeeze %dma_wait3A_146 : memref<1x1x128x32xf32, #tpu.memory_space<vmem>> -> memref<128x32xf32, #tpu.memory_space<vmem>>
    %dma_wait3A_148 = arith.constant 0 : i32
    %dma_wait3A_149 = tpu.memref_slice %arg9[%dma_wait3A_141, %dma_wait3A_142, %dma_wait3A_148] : memref<2x2x128xi32, #tpu.memory_space<vmem>> -> memref<1x1x128xi32, #tpu.memory_space<vmem>>
    %dma_wait3A_150 = tpu.memref_squeeze %dma_wait3A_149 : memref<1x1x128xi32, #tpu.memory_space<vmem>> -> memref<128xi32, #tpu.memory_space<vmem>>
    %dma_wait3A_151 = arith.constant 0 : i32
    %dma_wait3A_152 = arith.constant 0 : i32
    %dma_wait3A_153 = tpu.memref_slice %arg7[%dma_wait3A_151, %dma_wait3A_152] : memref<50000x32xf32, #tpu.memory_space<vmem_shared>> -> memref<50000x32xf32, #tpu.memory_space<vmem_shared>>
    %dma_wait3A_154 = tpu.memref_slice %arg12[%dma_wait3A_143] : memref<2x!tpu.dma_semaphore, #tpu.memory_space<semaphore_mem>> -> memref<1x!tpu.dma_semaphore, #tpu.memory_space<semaphore_mem>>
    %dma_wait3A_155 = tpu.memref_squeeze %dma_wait3A_154 : memref<1x!tpu.dma_semaphore, #tpu.memory_space<semaphore_mem>> -> memref<!tpu.dma_semaphore, #tpu.memory_space<semaphore_mem>>
    tpu.wait_indirect_dma semaphore(%dma_wait3A_155 : memref<!tpu.dma_semaphore, #tpu.memory_space<semaphore_mem>>) src(%dma_wait3A_147 : memref<128x32xf32, #tpu.memory_space<vmem>>) dst(%dma_wait3A_153 : memref<50000x32xf32, #tpu.memory_space<vmem_shared>>)
    %dma_wait3A_156 = arith.constant 0 : i32
    %dma_wait3A_157 = arith.constant 1 : i32
    %dma_wait3A_158 = arith.constant 0 : i32
    %dma_wait3A_159 = arith.constant 1 : i32
    %dma_wait3A_160 = arith.constant 0 : i32
    %dma_wait3A_161 = arith.constant 0 : i32
    %dma_wait3A_162 = arith.constant 0 : i32
    %dma_wait3A_163 = tpu.memref_slice %arg10[%dma_wait3A_156, %dma_wait3A_157, %dma_wait3A_161, %dma_wait3A_162] : memref<2x2x128x32xf32, #tpu.memory_space<vmem>> -> memref<1x1x128x32xf32, #tpu.memory_space<vmem>>
    %dma_wait3A_164 = tpu.memref_squeeze %dma_wait3A_163 : memref<1x1x128x32xf32, #tpu.memory_space<vmem>> -> memref<128x32xf32, #tpu.memory_space<vmem>>
    %dma_wait3A_165 = arith.constant 0 : i32
    %dma_wait3A_166 = tpu.memref_slice %arg9[%dma_wait3A_158, %dma_wait3A_159, %dma_wait3A_165] : memref<2x2x128xi32, #tpu.memory_space<vmem>> -> memref<1x1x128xi32, #tpu.memory_space<vmem>>
    %dma_wait3A_167 = tpu.memref_squeeze %dma_wait3A_166 : memref<1x1x128xi32, #tpu.memory_space<vmem>> -> memref<128xi32, #tpu.memory_space<vmem>>
    %dma_wait3A_168 = arith.constant 0 : i32
    %dma_wait3A_169 = arith.constant 0 : i32
    %dma_wait3A_170 = tpu.memref_slice %arg7[%dma_wait3A_168, %dma_wait3A_169] : memref<50000x32xf32, #tpu.memory_space<vmem_shared>> -> memref<50000x32xf32, #tpu.memory_space<vmem_shared>>
    %dma_wait3A_171 = tpu.memref_slice %arg12[%dma_wait3A_160] : memref<2x!tpu.dma_semaphore, #tpu.memory_space<semaphore_mem>> -> memref<1x!tpu.dma_semaphore, #tpu.memory_space<semaphore_mem>>
    %dma_wait3A_172 = tpu.memref_squeeze %dma_wait3A_171 : memref<1x!tpu.dma_semaphore, #tpu.memory_space<semaphore_mem>> -> memref<!tpu.dma_semaphore, #tpu.memory_space<semaphore_mem>>
    tpu.wait_indirect_dma semaphore(%dma_wait3A_172 : memref<!tpu.dma_semaphore, #tpu.memory_space<semaphore_mem>>) src(%dma_wait3A_164 : memref<128x32xf32, #tpu.memory_space<vmem>>) dst(%dma_wait3A_170 : memref<50000x32xf32, #tpu.memory_space<vmem_shared>>)
    %dma_wait3A_173 = arith.constant 1 : i32
    %dma_wait3A_174 = arith.constant 0 : i32
    %dma_wait3A_175 = arith.constant 1 : i32
    %dma_wait3A_176 = arith.constant 0 : i32
    %dma_wait3A_177 = arith.constant 1 : i32
    %dma_wait3A_178 = arith.constant 0 : i32
    %dma_wait3A_179 = arith.constant 0 : i32
    %dma_wait3A_180 = tpu.memref_slice %arg10[%dma_wait3A_173, %dma_wait3A_174, %dma_wait3A_178, %dma_wait3A_179] : memref<2x2x128x32xf32, #tpu.memory_space<vmem>> -> memref<1x1x128x32xf32, #tpu.memory_space<vmem>>
    %dma_wait3A_181 = tpu.memref_squeeze %dma_wait3A_180 : memref<1x1x128x32xf32, #tpu.memory_space<vmem>> -> memref<128x32xf32, #tpu.memory_space<vmem>>
    %dma_wait3A_182 = arith.constant 0 : i32
    %dma_wait3A_183 = tpu.memref_slice %arg9[%dma_wait3A_175, %dma_wait3A_176, %dma_wait3A_182] : memref<2x2x128xi32, #tpu.memory_space<vmem>> -> memref<1x1x128xi32, #tpu.memory_space<vmem>>
    %dma_wait3A_184 = tpu.memref_squeeze %dma_wait3A_183 : memref<1x1x128xi32, #tpu.memory_space<vmem>> -> memref<128xi32, #tpu.memory_space<vmem>>
    %dma_wait3A_185 = arith.constant 0 : i32
    %dma_wait3A_186 = arith.constant 0 : i32
    %dma_wait3A_187 = tpu.memref_slice %arg7[%dma_wait3A_185, %dma_wait3A_186] : memref<50000x32xf32, #tpu.memory_space<vmem_shared>> -> memref<50000x32xf32, #tpu.memory_space<vmem_shared>>
    %dma_wait3A_188 = tpu.memref_slice %arg12[%dma_wait3A_177] : memref<2x!tpu.dma_semaphore, #tpu.memory_space<semaphore_mem>> -> memref<1x!tpu.dma_semaphore, #tpu.memory_space<semaphore_mem>>
    %dma_wait3A_189 = tpu.memref_squeeze %dma_wait3A_188 : memref<1x!tpu.dma_semaphore, #tpu.memory_space<semaphore_mem>> -> memref<!tpu.dma_semaphore, #tpu.memory_space<semaphore_mem>>
    tpu.wait_indirect_dma semaphore(%dma_wait3A_189 : memref<!tpu.dma_semaphore, #tpu.memory_space<semaphore_mem>>) src(%dma_wait3A_181 : memref<128x32xf32, #tpu.memory_space<vmem>>) dst(%dma_wait3A_187 : memref<50000x32xf32, #tpu.memory_space<vmem_shared>>)
    %dma_wait3A_190 = arith.constant 1 : i32
    %dma_wait3A_191 = arith.constant 1 : i32
    %dma_wait3A_192 = arith.constant 1 : i32
    %dma_wait3A_193 = arith.constant 1 : i32
    %dma_wait3A_194 = arith.constant 1 : i32
    %dma_wait3A_195 = arith.constant 0 : i32
    %dma_wait3A_196 = arith.constant 0 : i32
    %dma_wait3A_197 = tpu.memref_slice %arg10[%dma_wait3A_190, %dma_wait3A_191, %dma_wait3A_195, %dma_wait3A_196] : memref<2x2x128x32xf32, #tpu.memory_space<vmem>> -> memref<1x1x128x32xf32, #tpu.memory_space<vmem>>
    %dma_wait3A_198 = tpu.memref_squeeze %dma_wait3A_197 : memref<1x1x128x32xf32, #tpu.memory_space<vmem>> -> memref<128x32xf32, #tpu.memory_space<vmem>>
    %dma_wait3A_199 = arith.constant 0 : i32
    %dma_wait3A_200 = tpu.memref_slice %arg9[%dma_wait3A_192, %dma_wait3A_193, %dma_wait3A_199] : memref<2x2x128xi32, #tpu.memory_space<vmem>> -> memref<1x1x128xi32, #tpu.memory_space<vmem>>
    %dma_wait3A_201 = tpu.memref_squeeze %dma_wait3A_200 : memref<1x1x128xi32, #tpu.memory_space<vmem>> -> memref<128xi32, #tpu.memory_space<vmem>>
    %dma_wait3A_202 = arith.constant 0 : i32
    %dma_wait3A_203 = arith.constant 0 : i32
    %dma_wait3A_204 = tpu.memref_slice %arg7[%dma_wait3A_202, %dma_wait3A_203] : memref<50000x32xf32, #tpu.memory_space<vmem_shared>> -> memref<50000x32xf32, #tpu.memory_space<vmem_shared>>
    %dma_wait3A_205 = tpu.memref_slice %arg12[%dma_wait3A_194] : memref<2x!tpu.dma_semaphore, #tpu.memory_space<semaphore_mem>> -> memref<1x!tpu.dma_semaphore, #tpu.memory_space<semaphore_mem>>
    %dma_wait3A_206 = tpu.memref_squeeze %dma_wait3A_205 : memref<1x!tpu.dma_semaphore, #tpu.memory_space<semaphore_mem>> -> memref<!tpu.dma_semaphore, #tpu.memory_space<semaphore_mem>>
    tpu.wait_indirect_dma semaphore(%dma_wait3A_206 : memref<!tpu.dma_semaphore, #tpu.memory_space<semaphore_mem>>) src(%dma_wait3A_198 : memref<128x32xf32, #tpu.memory_space<vmem>>) dst(%dma_wait3A_204 : memref<50000x32xf32, #tpu.memory_space<vmem_shared>>)
    %lt3A = arith.constant 10 : i32
    %lt3A_207 = arith.cmpi slt, %arg1, %lt3A : i32
    %convert_element_type3A = arith.extui %lt3A_207 : i1 to i32
    %cond3A = arith.constant 0 : i32
    %cond3A_208 = arith.cmpi ne, %convert_element_type3A, %cond3A : i32
    scf.if %cond3A_208 {
      %mul3A_214 = arith.constant 6250 : i32
      %mul3A_215 = arith.muli %arg0, %mul3A_214 : i32
      %add3A_216 = arith.constant 6240 : i32
      %add3A_217 = arith.addi %mul3A_215, %add3A_216 : i32
      %add3A_218 = arith.addi %add3A_217, %arg1 : i32
      %add3A_219 = arith.constant 6240 : i32
      %add3A_220 = arith.addi %add3A_219, %arg1 : i32
      %run_scoped3A_221 = arith.constant 0 : i32
      "tpu.region"() ({
        %run_scoped3A_255 = tpu.sem_alloc : memref<!tpu.dma_semaphore, #tpu.memory_space<semaphore_mem>>
        %dma_start3A_256 = arith.constant 0 : i32
        %dma_start3A_257 = arith.constant 0 : i32
        %dma_start3A_258 = tpu.memref_slice %arg8[%run_scoped3A_221, %dma_start3A_256, %dma_start3A_257] : memref<2x2x128xi32, #tpu.memory_space<vmem>> -> memref<1x1x128xi32, #tpu.memory_space<vmem>>
        %dma_start3A_259 = tpu.memref_squeeze %dma_start3A_258 : memref<1x1x128xi32, #tpu.memory_space<vmem>> -> memref<1x128xi32, #tpu.memory_space<vmem>>
        %dma_start3A_260 = arith.constant 0 : i32
        %dma_start3A_261 = tpu.memref_slice %arg3[%add3A_218, %dma_start3A_260] : memref<12500x128xi32, #tpu.memory_space<hbm>> -> memref<1x128xi32, #tpu.memory_space<hbm>>
        %dma_start3A_262 = arith.constant 0 : i32
        %dma_start3A_263 = arith.constant 0 : i32
        %dma_start3A_264 = tpu.memref_slice %arg8[%run_scoped3A_221, %dma_start3A_262, %dma_start3A_263] : memref<2x2x128xi32, #tpu.memory_space<vmem>> -> memref<1x1x128xi32, #tpu.memory_space<vmem>>
        %dma_start3A_265 = tpu.memref_squeeze %dma_start3A_264 : memref<1x1x128xi32, #tpu.memory_space<vmem>> -> memref<1x128xi32, #tpu.memory_space<vmem>>
        %dma_start3A_266 = arith.constant 0 : i32
        %dma_start3A_267 = tpu.memref_slice %arg3[%add3A_218, %dma_start3A_266] : memref<12500x128xi32, #tpu.memory_space<hbm>> -> memref<1x128xi32, #tpu.memory_space<hbm>>
        tpu.enqueue_dma source(%dma_start3A_267 : memref<1x128xi32, #tpu.memory_space<hbm>>) target(%dma_start3A_265 : memref<1x128xi32, #tpu.memory_space<vmem>>) target_semaphore(%run_scoped3A_255 : memref<!tpu.dma_semaphore, #tpu.memory_space<semaphore_mem>>)
        %dma_wait3A_268 = arith.constant 0 : i32
        %dma_wait3A_269 = arith.constant 0 : i32
        %dma_wait3A_270 = tpu.memref_slice %arg8[%run_scoped3A_221, %dma_wait3A_268, %dma_wait3A_269] : memref<2x2x128xi32, #tpu.memory_space<vmem>> -> memref<1x1x128xi32, #tpu.memory_space<vmem>>
        %dma_wait3A_271 = tpu.memref_squeeze %dma_wait3A_270 : memref<1x1x128xi32, #tpu.memory_space<vmem>> -> memref<1x128xi32, #tpu.memory_space<vmem>>
        %dma_wait3A_272 = arith.constant 0 : i32
        %dma_wait3A_273 = tpu.memref_slice %arg3[%add3A_218, %dma_wait3A_272] : memref<12500x128xi32, #tpu.memory_space<hbm>> -> memref<1x128xi32, #tpu.memory_space<hbm>>
        %dma_wait3A_274 = arith.constant 0 : i32
        %dma_wait3A_275 = arith.constant 0 : i32
        %dma_wait3A_276 = tpu.memref_slice %arg8[%run_scoped3A_221, %dma_wait3A_274, %dma_wait3A_275] : memref<2x2x128xi32, #tpu.memory_space<vmem>> -> memref<1x1x128xi32, #tpu.memory_space<vmem>>
        %dma_wait3A_277 = tpu.memref_squeeze %dma_wait3A_276 : memref<1x1x128xi32, #tpu.memory_space<vmem>> -> memref<1x128xi32, #tpu.memory_space<vmem>>
        %dma_wait3A_278 = arith.constant 0 : i32
        %dma_wait3A_279 = tpu.memref_slice %arg3[%add3A_218, %dma_wait3A_278] : memref<12500x128xi32, #tpu.memory_space<hbm>> -> memref<1x128xi32, #tpu.memory_space<hbm>>
        tpu.wait_dma2 semaphore(%run_scoped3A_255 : memref<!tpu.dma_semaphore, #tpu.memory_space<semaphore_mem>>) src(%dma_wait3A_279 : memref<1x128xi32, #tpu.memory_space<hbm>>) dst(%dma_wait3A_277 : memref<1x128xi32, #tpu.memory_space<vmem>>)
        tpu.yield
      }) : () -> ()
      %run_scoped3A_222 = arith.constant 0 : i32
      "tpu.region"() ({
        %run_scoped3A_255 = tpu.sem_alloc : memref<!tpu.dma_semaphore, #tpu.memory_space<semaphore_mem>>
        %dma_start3A_256 = arith.constant 0 : i32
        %dma_start3A_257 = arith.constant 0 : i32
        %dma_start3A_258 = tpu.memref_slice %arg9[%run_scoped3A_222, %dma_start3A_256, %dma_start3A_257] : memref<2x2x128xi32, #tpu.memory_space<vmem>> -> memref<1x1x128xi32, #tpu.memory_space<vmem>>
        %dma_start3A_259 = tpu.memref_squeeze %dma_start3A_258 : memref<1x1x128xi32, #tpu.memory_space<vmem>> -> memref<1x128xi32, #tpu.memory_space<vmem>>
        %dma_start3A_260 = arith.constant 0 : i32
        %dma_start3A_261 = tpu.memref_slice %arg4[%add3A_220, %dma_start3A_260] : memref<6250x128xi32, #tpu.memory_space<hbm>> -> memref<1x128xi32, #tpu.memory_space<hbm>>
        %dma_start3A_262 = arith.constant 0 : i32
        %dma_start3A_263 = arith.constant 0 : i32
        %dma_start3A_264 = tpu.memref_slice %arg9[%run_scoped3A_222, %dma_start3A_262, %dma_start3A_263] : memref<2x2x128xi32, #tpu.memory_space<vmem>> -> memref<1x1x128xi32, #tpu.memory_space<vmem>>
        %dma_start3A_265 = tpu.memref_squeeze %dma_start3A_264 : memref<1x1x128xi32, #tpu.memory_space<vmem>> -> memref<1x128xi32, #tpu.memory_space<vmem>>
        %dma_start3A_266 = arith.constant 0 : i32
        %dma_start3A_267 = tpu.memref_slice %arg4[%add3A_220, %dma_start3A_266] : memref<6250x128xi32, #tpu.memory_space<hbm>> -> memref<1x128xi32, #tpu.memory_space<hbm>>
        tpu.enqueue_dma source(%dma_start3A_267 : memref<1x128xi32, #tpu.memory_space<hbm>>) target(%dma_start3A_265 : memref<1x128xi32, #tpu.memory_space<vmem>>) target_semaphore(%run_scoped3A_255 : memref<!tpu.dma_semaphore, #tpu.memory_space<semaphore_mem>>)
        %dma_wait3A_268 = arith.constant 0 : i32
        %dma_wait3A_269 = arith.constant 0 : i32
        %dma_wait3A_270 = tpu.memref_slice %arg9[%run_scoped3A_222, %dma_wait3A_268, %dma_wait3A_269] : memref<2x2x128xi32, #tpu.memory_space<vmem>> -> memref<1x1x128xi32, #tpu.memory_space<vmem>>
        %dma_wait3A_271 = tpu.memref_squeeze %dma_wait3A_270 : memref<1x1x128xi32, #tpu.memory_space<vmem>> -> memref<1x128xi32, #tpu.memory_space<vmem>>
        %dma_wait3A_272 = arith.constant 0 : i32
        %dma_wait3A_273 = tpu.memref_slice %arg4[%add3A_220, %dma_wait3A_272] : memref<6250x128xi32, #tpu.memory_space<hbm>> -> memref<1x128xi32, #tpu.memory_space<hbm>>
        %dma_wait3A_274 = arith.constant 0 : i32
        %dma_wait3A_275 = arith.constant 0 : i32
        %dma_wait3A_276 = tpu.memref_slice %arg9[%run_scoped3A_222, %dma_wait3A_274, %dma_wait3A_275] : memref<2x2x128xi32, #tpu.memory_space<vmem>> -> memref<1x1x128xi32, #tpu.memory_space<vmem>>
        %dma_wait3A_277 = tpu.memref_squeeze %dma_wait3A_276 : memref<1x1x128xi32, #tpu.memory_space<vmem>> -> memref<1x128xi32, #tpu.memory_space<vmem>>
        %dma_wait3A_278 = arith.constant 0 : i32
        %dma_wait3A_279 = tpu.memref_slice %arg4[%add3A_220, %dma_wait3A_278] : memref<6250x128xi32, #tpu.memory_space<hbm>> -> memref<1x128xi32, #tpu.memory_space<hbm>>
        tpu.wait_dma2 semaphore(%run_scoped3A_255 : memref<!tpu.dma_semaphore, #tpu.memory_space<semaphore_mem>>) src(%dma_wait3A_279 : memref<1x128xi32, #tpu.memory_space<hbm>>) dst(%dma_wait3A_277 : memref<1x128xi32, #tpu.memory_space<vmem>>)
        tpu.yield
      }) : () -> ()
      %dma_start3A_223 = arith.constant 0 : i32
      %dma_start3A_224 = arith.constant 0 : i32
      %dma_start3A_225 = arith.constant 0 : i32
      %dma_start3A_226 = arith.constant 0 : i32
      %dma_start3A_227 = arith.constant 0 : i32
      %dma_start3A_228 = arith.constant 0 : i32
      %dma_start3A_229 = tpu.memref_slice %arg10[%dma_start3A_225, %dma_start3A_226, %dma_start3A_227, %dma_start3A_228] : memref<2x2x128x32xf32, #tpu.memory_space<vmem>> -> memref<1x1x128x32xf32, #tpu.memory_space<vmem>>
      %dma_start3A_230 = tpu.memref_squeeze %dma_start3A_229 : memref<1x1x128x32xf32, #tpu.memory_space<vmem>> -> memref<128x32xf32, #tpu.memory_space<vmem>>
      %dma_start3A_231 = arith.constant 0 : i32
      %dma_start3A_232 = tpu.memref_slice %arg8[%dma_start3A_223, %dma_start3A_224, %dma_start3A_231] : memref<2x2x128xi32, #tpu.memory_space<vmem>> -> memref<1x1x128xi32, #tpu.memory_space<vmem>>
      %dma_start3A_233 = tpu.memref_squeeze %dma_start3A_232 : memref<1x1x128xi32, #tpu.memory_space<vmem>> -> memref<128xi32, #tpu.memory_space<vmem>>
      %dma_start3A_234 = arith.constant 0 : i32
      %dma_start3A_235 = arith.constant 0 : i32
      %dma_start3A_236 = tpu.memref_slice %arg2[%dma_start3A_234, %dma_start3A_235] : memref<100000x32xf32, #tpu.memory_space<hbm>> -> memref<100000x32xf32, #tpu.memory_space<hbm>>
      tpu.enqueue_indirect_dma source(%dma_start3A_236 : memref<100000x32xf32, #tpu.memory_space<hbm>>) target(%dma_start3A_230 : memref<128x32xf32, #tpu.memory_space<vmem>>) offsets(%dma_start3A_233 : memref<128xi32, #tpu.memory_space<vmem>>) semaphore(%arg11 : memref<!tpu.dma_semaphore, #tpu.memory_space<semaphore_mem>>)
      %dma_wait3A_237 = arith.constant 0 : i32
      %dma_wait3A_238 = arith.constant 0 : i32
      %dma_wait3A_239 = arith.constant 0 : i32
      %dma_wait3A_240 = arith.constant 0 : i32
      %dma_wait3A_241 = arith.constant 0 : i32
      %dma_wait3A_242 = arith.constant 0 : i32
      %dma_wait3A_243 = tpu.memref_slice %arg10[%dma_wait3A_239, %dma_wait3A_240, %dma_wait3A_241, %dma_wait3A_242] : memref<2x2x128x32xf32, #tpu.memory_space<vmem>> -> memref<1x1x128x32xf32, #tpu.memory_space<vmem>>
      %dma_wait3A_244 = tpu.memref_squeeze %dma_wait3A_243 : memref<1x1x128x32xf32, #tpu.memory_space<vmem>> -> memref<128x32xf32, #tpu.memory_space<vmem>>
      %dma_wait3A_245 = arith.constant 0 : i32
      %dma_wait3A_246 = tpu.memref_slice %arg8[%dma_wait3A_237, %dma_wait3A_238, %dma_wait3A_245] : memref<2x2x128xi32, #tpu.memory_space<vmem>> -> memref<1x1x128xi32, #tpu.memory_space<vmem>>
      %dma_wait3A_247 = tpu.memref_squeeze %dma_wait3A_246 : memref<1x1x128xi32, #tpu.memory_space<vmem>> -> memref<128xi32, #tpu.memory_space<vmem>>
      %dma_wait3A_248 = arith.constant 0 : i32
      %dma_wait3A_249 = arith.constant 0 : i32
      %dma_wait3A_250 = tpu.memref_slice %arg2[%dma_wait3A_248, %dma_wait3A_249] : memref<100000x32xf32, #tpu.memory_space<hbm>> -> memref<100000x32xf32, #tpu.memory_space<hbm>>
      tpu.wait_indirect_dma semaphore(%arg11 : memref<!tpu.dma_semaphore, #tpu.memory_space<semaphore_mem>>) src(%dma_wait3A_250 : memref<100000x32xf32, #tpu.memory_space<hbm>>) dst(%dma_wait3A_244 : memref<128x32xf32, #tpu.memory_space<vmem>>)
      %run_scoped3A_251 = arith.constant 0 : i32
      %run_scoped3A_252 = arith.constant 0 : i32
      %run_scoped3A_253 = arith.constant 0 : i32
      %run_scoped3A_254 = arith.constant 0 : i32
      "tpu.region"() ({
        %run_scoped3A_255 = tpu.sem_alloc : memref<!tpu.dma_semaphore, #tpu.memory_space<semaphore_mem>>
        %dma_start3A_256 = arith.constant 0 : i32
        %dma_start3A_257 = arith.constant 0 : i32
        %dma_start3A_258 = tpu.memref_slice %arg10[%run_scoped3A_251, %run_scoped3A_252, %dma_start3A_256, %dma_start3A_257] : memref<2x2x128x32xf32, #tpu.memory_space<vmem>> -> memref<1x1x128x32xf32, #tpu.memory_space<vmem>>
        %dma_start3A_259 = tpu.memref_squeeze %dma_start3A_258 : memref<1x1x128x32xf32, #tpu.memory_space<vmem>> -> memref<128x32xf32, #tpu.memory_space<vmem>>
        %dma_start3A_260 = arith.constant 0 : i32
        %dma_start3A_261 = tpu.memref_slice %arg9[%run_scoped3A_253, %run_scoped3A_254, %dma_start3A_260] : memref<2x2x128xi32, #tpu.memory_space<vmem>> -> memref<1x1x128xi32, #tpu.memory_space<vmem>>
        %dma_start3A_262 = tpu.memref_squeeze %dma_start3A_261 : memref<1x1x128xi32, #tpu.memory_space<vmem>> -> memref<128xi32, #tpu.memory_space<vmem>>
        %dma_start3A_263 = arith.constant 0 : i32
        %dma_start3A_264 = arith.constant 0 : i32
        %dma_start3A_265 = tpu.memref_slice %arg7[%dma_start3A_263, %dma_start3A_264] : memref<50000x32xf32, #tpu.memory_space<vmem_shared>> -> memref<50000x32xf32, #tpu.memory_space<vmem_shared>>
        tpu.enqueue_indirect_dma source(%dma_start3A_259 : memref<128x32xf32, #tpu.memory_space<vmem>>) target(%dma_start3A_265 : memref<50000x32xf32, #tpu.memory_space<vmem_shared>>) offsets(%dma_start3A_262 : memref<128xi32, #tpu.memory_space<vmem>>) semaphore(%run_scoped3A_255 : memref<!tpu.dma_semaphore, #tpu.memory_space<semaphore_mem>>) {add = true}
        %dma_wait3A_266 = arith.constant 0 : i32
        %dma_wait3A_267 = arith.constant 0 : i32
        %dma_wait3A_268 = tpu.memref_slice %arg10[%run_scoped3A_251, %run_scoped3A_252, %dma_wait3A_266, %dma_wait3A_267] : memref<2x2x128x32xf32, #tpu.memory_space<vmem>> -> memref<1x1x128x32xf32, #tpu.memory_space<vmem>>
        %dma_wait3A_269 = tpu.memref_squeeze %dma_wait3A_268 : memref<1x1x128x32xf32, #tpu.memory_space<vmem>> -> memref<128x32xf32, #tpu.memory_space<vmem>>
        %dma_wait3A_270 = arith.constant 0 : i32
        %dma_wait3A_271 = tpu.memref_slice %arg9[%run_scoped3A_253, %run_scoped3A_254, %dma_wait3A_270] : memref<2x2x128xi32, #tpu.memory_space<vmem>> -> memref<1x1x128xi32, #tpu.memory_space<vmem>>
        %dma_wait3A_272 = tpu.memref_squeeze %dma_wait3A_271 : memref<1x1x128xi32, #tpu.memory_space<vmem>> -> memref<128xi32, #tpu.memory_space<vmem>>
        %dma_wait3A_273 = arith.constant 0 : i32
        %dma_wait3A_274 = arith.constant 0 : i32
        %dma_wait3A_275 = tpu.memref_slice %arg7[%dma_wait3A_273, %dma_wait3A_274] : memref<50000x32xf32, #tpu.memory_space<vmem_shared>> -> memref<50000x32xf32, #tpu.memory_space<vmem_shared>>
        tpu.wait_indirect_dma semaphore(%run_scoped3A_255 : memref<!tpu.dma_semaphore, #tpu.memory_space<semaphore_mem>>) src(%dma_wait3A_269 : memref<128x32xf32, #tpu.memory_space<vmem>>) dst(%dma_wait3A_275 : memref<50000x32xf32, #tpu.memory_space<vmem_shared>>)
        tpu.yield
      }) : () -> ()
    } else {
    }
    %barrier3A_209 = arith.constant 0 : index
    tpu.barrier barrier_id(%barrier3A_209)
    %eq3A = arith.constant 0 : i32
    %eq3A_210 = arith.cmpi eq, %arg1, %eq3A : i32
    %convert_element_type3A_211 = arith.extui %eq3A_210 : i1 to i32
    %cond3A_212 = arith.constant 0 : i32
    %cond3A_213 = arith.cmpi ne, %convert_element_type3A_211, %cond3A_212 : i32
    scf.if %cond3A_213 {
      "tpu.region"() ({
        %run_scoped3A_214 = tpu.sem_alloc : memref<!tpu.dma_semaphore, #tpu.memory_space<semaphore_mem>>
        %dma_start3A_215 = arith.constant 0 : i32
        %dma_start3A_216 = arith.constant 0 : i32
        %dma_start3A_217 = tpu.memref_slice %arg6[%arg0, %dma_start3A_215, %dma_start3A_216] : memref<2x50000x32xf32, #tpu.memory_space<hbm>> -> memref<1x50000x32xf32, #tpu.memory_space<hbm>>
        %dma_start3A_218 = tpu.memref_squeeze %dma_start3A_217 : memref<1x50000x32xf32, #tpu.memory_space<hbm>> -> memref<50000x32xf32, #tpu.memory_space<hbm>>
        tpu.enqueue_dma source(%arg7 : memref<50000x32xf32, #tpu.memory_space<vmem_shared>>) target(%dma_start3A_218 : memref<50000x32xf32, #tpu.memory_space<hbm>>) target_semaphore(%run_scoped3A_214 : memref<!tpu.dma_semaphore, #tpu.memory_space<semaphore_mem>>)
        %dma_wait3A_219 = arith.constant 0 : i32
        %dma_wait3A_220 = arith.constant 0 : i32
        %dma_wait3A_221 = tpu.memref_slice %arg6[%arg0, %dma_wait3A_219, %dma_wait3A_220] : memref<2x50000x32xf32, #tpu.memory_space<hbm>> -> memref<1x50000x32xf32, #tpu.memory_space<hbm>>
        %dma_wait3A_222 = tpu.memref_squeeze %dma_wait3A_221 : memref<1x50000x32xf32, #tpu.memory_space<hbm>> -> memref<50000x32xf32, #tpu.memory_space<hbm>>
        tpu.wait_dma2 semaphore(%run_scoped3A_214 : memref<!tpu.dma_semaphore, #tpu.memory_space<semaphore_mem>>) src(%arg7 : memref<50000x32xf32, #tpu.memory_space<vmem_shared>>) dst(%dma_wait3A_222 : memref<50000x32xf32, #tpu.memory_space<hbm>>)
        tpu.yield
      }) : () -> ()
    } else {
    }
    return
  }
}

#map = affine_map<(d0, d1) -> (0, 0)>
#map1 = affine_map<(d0, d1) -> (0, 0, 0)>
module attributes {stable_mosaic.version = 14 : i64} {
  func.func @_agg_body(%arg0: i32, %arg1: i32, %arg2: memref<100000x32xf32, #tpu.memory_space<hbm>>, %arg3: memref<12500x128xi32, #tpu.memory_space<hbm>>, %arg4: memref<6250x128xi32, #tpu.memory_space<hbm>>, %arg5: memref<3125x32xf32, #tpu.memory_space<hbm>>, %arg6: memref<2x50000x32xf32, #tpu.memory_space<hbm>>, %arg7: memref<50000x32xf32, #tpu.memory_space<vmem_shared>>, %arg8: memref<2x2x128xi32, #tpu.memory_space<vmem>>, %arg9: memref<2x2x128xi32, #tpu.memory_space<vmem>>, %arg10: memref<2x2x128x32xf32, #tpu.memory_space<vmem>>, %arg11: memref<!tpu.dma_semaphore, #tpu.memory_space<semaphore_mem>>, %arg12: memref<2x!tpu.dma_semaphore, #tpu.memory_space<semaphore_mem>>) attributes {dimension_semantics = [#tpu.dimension_semantics<core_parallel>, #tpu.dimension_semantics<subcore_parallel>], iteration_bounds = array<i64: 2, 16>, scalar_prefetch = 0 : i64, scratch_operands = 6 : i64, tpu.core_type = #tpu.core_type<sc_vector_subcore>, window_params = [{transform_indices = #map}, {transform_indices = #map}, {transform_indices = #map}, {transform_indices = #map}, {transform_indices = #map1}]} {
    %mul3A = arith.constant 3125 : i32
    %mul3A_0 = arith.muli %arg1, %mul3A : i32
    "tpu.region"() ({
      %run_scoped3A_214 = tpu.sem_alloc : memref<!tpu.dma_semaphore, #tpu.memory_space<semaphore_mem>>
      %dma_start3A_215 = arith.constant 0 : i32
      %dma_start3A_216 = tpu.memref_slice %arg7[%mul3A_0, %dma_start3A_215] : memref<50000x32xf32, #tpu.memory_space<vmem_shared>> -> memref<3125x32xf32, #tpu.memory_space<vmem_shared>>
      tpu.enqueue_dma source(%arg5 : memref<3125x32xf32, #tpu.memory_space<hbm>>) target(%dma_start3A_216 : memref<3125x32xf32, #tpu.memory_space<vmem_shared>>) target_semaphore(%run_scoped3A_214 : memref<!tpu.dma_semaphore, #tpu.memory_space<semaphore_mem>>)
      %dma_wait3A_217 = arith.constant 0 : i32
      %dma_wait3A_218 = tpu.memref_slice %arg7[%mul3A_0, %dma_wait3A_217] : memref<50000x32xf32, #tpu.memory_space<vmem_shared>> -> memref<3125x32xf32, #tpu.memory_space<vmem_shared>>
      tpu.wait_dma2 semaphore(%run_scoped3A_214 : memref<!tpu.dma_semaphore, #tpu.memory_space<semaphore_mem>>) src(%arg5 : memref<3125x32xf32, #tpu.memory_space<hbm>>) dst(%dma_wait3A_218 : memref<3125x32xf32, #tpu.memory_space<vmem_shared>>)
      tpu.yield
    }) : () -> ()
    %barrier3A = arith.constant 0 : index
    tpu.barrier barrier_id(%barrier3A)
    %mul3A_1 = arith.constant 6250 : i32
    %mul3A_2 = arith.muli %arg0, %mul3A_1 : i32
    %mul3A_3 = arith.constant 390 : i32
    %mul3A_4 = arith.muli %arg1, %mul3A_3 : i32
    %add3A = arith.addi %mul3A_2, %mul3A_4 : i32
    %mul3A_5 = arith.constant 390 : i32
    %mul3A_6 = arith.muli %arg1, %mul3A_5 : i32
    %scan3A = arith.constant 0 : i32
    %scan3A_7 = arith.constant 0 : i32
    %scan3A_8 = arith.constant 97 : i32
    %scan3A_9 = arith.addi %scan3A_7, %scan3A_8 : i32
    %scan3A_10 = arith.constant 1 : i32
    scf.for %scan3A_214 = %scan3A_7 to %scan3A_9 step %scan3A_10  : i32 {
      %mul3A_215 = arith.constant 2 : i32
      %mul3A_216 = arith.muli %mul3A_215, %scan3A_214 : i32
      %mul3A_217 = arith.constant 2 : i32
      %mul3A_218 = arith.muli %mul3A_216, %mul3A_217 : i32
      %ge3A = arith.constant 1 : i32
      %ge3A_219 = arith.cmpi sge, %scan3A_214, %ge3A : i32
      %convert_element_type3A_220 = arith.extui %ge3A_219 : i1 to i32
      %cond3A_221 = arith.constant 0 : i32
      %cond3A_222 = arith.cmpi ne, %convert_element_type3A_220, %cond3A_221 : i32
      scf.if %cond3A_222 {
        %dma_wait3A_418 = arith.constant 0 : i32
        %dma_wait3A_419 = arith.constant 0 : i32
        %dma_wait3A_420 = arith.constant 0 : i32
        %dma_wait3A_421 = arith.constant 0 : i32
        %dma_wait3A_422 = arith.constant 0 : i32
        %dma_wait3A_423 = arith.constant 0 : i32
        %dma_wait3A_424 = arith.constant 0 : i32
        %dma_wait3A_425 = tpu.memref_slice %arg10[%dma_wait3A_418, %dma_wait3A_419, %dma_wait3A_423, %dma_wait3A_424] : memref<2x2x128x32xf32, #tpu.memory_space<vmem>> -> memref<1x1x128x32xf32, #tpu.memory_space<vmem>>
        %dma_wait3A_426 = tpu.memref_squeeze %dma_wait3A_425 : memref<1x1x128x32xf32, #tpu.memory_space<vmem>> -> memref<128x32xf32, #tpu.memory_space<vmem>>
        %dma_wait3A_427 = arith.constant 0 : i32
        %dma_wait3A_428 = tpu.memref_slice %arg9[%dma_wait3A_420, %dma_wait3A_421, %dma_wait3A_427] : memref<2x2x128xi32, #tpu.memory_space<vmem>> -> memref<1x1x128xi32, #tpu.memory_space<vmem>>
        %dma_wait3A_429 = tpu.memref_squeeze %dma_wait3A_428 : memref<1x1x128xi32, #tpu.memory_space<vmem>> -> memref<128xi32, #tpu.memory_space<vmem>>
        %dma_wait3A_430 = arith.constant 0 : i32
        %dma_wait3A_431 = arith.constant 0 : i32
        %dma_wait3A_432 = tpu.memref_slice %arg7[%dma_wait3A_430, %dma_wait3A_431] : memref<50000x32xf32, #tpu.memory_space<vmem_shared>> -> memref<50000x32xf32, #tpu.memory_space<vmem_shared>>
        %dma_wait3A_433 = tpu.memref_slice %arg12[%dma_wait3A_422] : memref<2x!tpu.dma_semaphore, #tpu.memory_space<semaphore_mem>> -> memref<1x!tpu.dma_semaphore, #tpu.memory_space<semaphore_mem>>
        %dma_wait3A_434 = tpu.memref_squeeze %dma_wait3A_433 : memref<1x!tpu.dma_semaphore, #tpu.memory_space<semaphore_mem>> -> memref<!tpu.dma_semaphore, #tpu.memory_space<semaphore_mem>>
        tpu.wait_indirect_dma semaphore(%dma_wait3A_434 : memref<!tpu.dma_semaphore, #tpu.memory_space<semaphore_mem>>) src(%dma_wait3A_426 : memref<128x32xf32, #tpu.memory_space<vmem>>) dst(%dma_wait3A_432 : memref<50000x32xf32, #tpu.memory_space<vmem_shared>>)
        %dma_wait3A_435 = arith.constant 0 : i32
        %dma_wait3A_436 = arith.constant 1 : i32
        %dma_wait3A_437 = arith.constant 0 : i32
        %dma_wait3A_438 = arith.constant 1 : i32
        %dma_wait3A_439 = arith.constant 0 : i32
        %dma_wait3A_440 = arith.constant 0 : i32
        %dma_wait3A_441 = arith.constant 0 : i32
        %dma_wait3A_442 = tpu.memref_slice %arg10[%dma_wait3A_435, %dma_wait3A_436, %dma_wait3A_440, %dma_wait3A_441] : memref<2x2x128x32xf32, #tpu.memory_space<vmem>> -> memref<1x1x128x32xf32, #tpu.memory_space<vmem>>
        %dma_wait3A_443 = tpu.memref_squeeze %dma_wait3A_442 : memref<1x1x128x32xf32, #tpu.memory_space<vmem>> -> memref<128x32xf32, #tpu.memory_space<vmem>>
        %dma_wait3A_444 = arith.constant 0 : i32
        %dma_wait3A_445 = tpu.memref_slice %arg9[%dma_wait3A_437, %dma_wait3A_438, %dma_wait3A_444] : memref<2x2x128xi32, #tpu.memory_space<vmem>> -> memref<1x1x128xi32, #tpu.memory_space<vmem>>
        %dma_wait3A_446 = tpu.memref_squeeze %dma_wait3A_445 : memref<1x1x128xi32, #tpu.memory_space<vmem>> -> memref<128xi32, #tpu.memory_space<vmem>>
        %dma_wait3A_447 = arith.constant 0 : i32
        %dma_wait3A_448 = arith.constant 0 : i32
        %dma_wait3A_449 = tpu.memref_slice %arg7[%dma_wait3A_447, %dma_wait3A_448] : memref<50000x32xf32, #tpu.memory_space<vmem_shared>> -> memref<50000x32xf32, #tpu.memory_space<vmem_shared>>
        %dma_wait3A_450 = tpu.memref_slice %arg12[%dma_wait3A_439] : memref<2x!tpu.dma_semaphore, #tpu.memory_space<semaphore_mem>> -> memref<1x!tpu.dma_semaphore, #tpu.memory_space<semaphore_mem>>
        %dma_wait3A_451 = tpu.memref_squeeze %dma_wait3A_450 : memref<1x!tpu.dma_semaphore, #tpu.memory_space<semaphore_mem>> -> memref<!tpu.dma_semaphore, #tpu.memory_space<semaphore_mem>>
        tpu.wait_indirect_dma semaphore(%dma_wait3A_451 : memref<!tpu.dma_semaphore, #tpu.memory_space<semaphore_mem>>) src(%dma_wait3A_443 : memref<128x32xf32, #tpu.memory_space<vmem>>) dst(%dma_wait3A_449 : memref<50000x32xf32, #tpu.memory_space<vmem_shared>>)
      } else {
      }
      %add3A_223 = arith.addi %add3A, %mul3A_218 : i32
      %run_scoped3A_224 = arith.constant 0 : i32
      "tpu.region"() ({
        %run_scoped3A_418 = tpu.sem_alloc : memref<!tpu.dma_semaphore, #tpu.memory_space<semaphore_mem>>
        %dma_start3A_419 = arith.constant 0 : i32
        %dma_start3A_420 = arith.constant 0 : i32
        %dma_start3A_421 = tpu.memref_slice %arg8[%run_scoped3A_224, %dma_start3A_419, %dma_start3A_420] : memref<2x2x128xi32, #tpu.memory_space<vmem>> -> memref<1x2x128xi32, #tpu.memory_space<vmem>>
        %dma_start3A_422 = tpu.memref_squeeze %dma_start3A_421 : memref<1x2x128xi32, #tpu.memory_space<vmem>> -> memref<2x128xi32, #tpu.memory_space<vmem>>
        %dma_start3A_423 = arith.constant 0 : i32
        %dma_start3A_424 = tpu.memref_slice %arg3[%add3A_223, %dma_start3A_423] : memref<12500x128xi32, #tpu.memory_space<hbm>> -> memref<2x128xi32, #tpu.memory_space<hbm>>
        %dma_start3A_425 = arith.constant 0 : i32
        %dma_start3A_426 = arith.constant 0 : i32
        %dma_start3A_427 = tpu.memref_slice %arg8[%run_scoped3A_224, %dma_start3A_425, %dma_start3A_426] : memref<2x2x128xi32, #tpu.memory_space<vmem>> -> memref<1x2x128xi32, #tpu.memory_space<vmem>>
        %dma_start3A_428 = tpu.memref_squeeze %dma_start3A_427 : memref<1x2x128xi32, #tpu.memory_space<vmem>> -> memref<2x128xi32, #tpu.memory_space<vmem>>
        %dma_start3A_429 = arith.constant 0 : i32
        %dma_start3A_430 = tpu.memref_slice %arg3[%add3A_223, %dma_start3A_429] : memref<12500x128xi32, #tpu.memory_space<hbm>> -> memref<2x128xi32, #tpu.memory_space<hbm>>
        tpu.enqueue_dma source(%dma_start3A_430 : memref<2x128xi32, #tpu.memory_space<hbm>>) target(%dma_start3A_428 : memref<2x128xi32, #tpu.memory_space<vmem>>) target_semaphore(%run_scoped3A_418 : memref<!tpu.dma_semaphore, #tpu.memory_space<semaphore_mem>>)
        %dma_wait3A_431 = arith.constant 0 : i32
        %dma_wait3A_432 = arith.constant 0 : i32
        %dma_wait3A_433 = tpu.memref_slice %arg8[%run_scoped3A_224, %dma_wait3A_431, %dma_wait3A_432] : memref<2x2x128xi32, #tpu.memory_space<vmem>> -> memref<1x2x128xi32, #tpu.memory_space<vmem>>
        %dma_wait3A_434 = tpu.memref_squeeze %dma_wait3A_433 : memref<1x2x128xi32, #tpu.memory_space<vmem>> -> memref<2x128xi32, #tpu.memory_space<vmem>>
        %dma_wait3A_435 = arith.constant 0 : i32
        %dma_wait3A_436 = tpu.memref_slice %arg3[%add3A_223, %dma_wait3A_435] : memref<12500x128xi32, #tpu.memory_space<hbm>> -> memref<2x128xi32, #tpu.memory_space<hbm>>
        %dma_wait3A_437 = arith.constant 0 : i32
        %dma_wait3A_438 = arith.constant 0 : i32
        %dma_wait3A_439 = tpu.memref_slice %arg8[%run_scoped3A_224, %dma_wait3A_437, %dma_wait3A_438] : memref<2x2x128xi32, #tpu.memory_space<vmem>> -> memref<1x2x128xi32, #tpu.memory_space<vmem>>
        %dma_wait3A_440 = tpu.memref_squeeze %dma_wait3A_439 : memref<1x2x128xi32, #tpu.memory_space<vmem>> -> memref<2x128xi32, #tpu.memory_space<vmem>>
        %dma_wait3A_441 = arith.constant 0 : i32
        %dma_wait3A_442 = tpu.memref_slice %arg3[%add3A_223, %dma_wait3A_441] : memref<12500x128xi32, #tpu.memory_space<hbm>> -> memref<2x128xi32, #tpu.memory_space<hbm>>
        tpu.wait_dma2 semaphore(%run_scoped3A_418 : memref<!tpu.dma_semaphore, #tpu.memory_space<semaphore_mem>>) src(%dma_wait3A_442 : memref<2x128xi32, #tpu.memory_space<hbm>>) dst(%dma_wait3A_440 : memref<2x128xi32, #tpu.memory_space<vmem>>)
        tpu.yield
      }) : () -> ()
      %add3A_225 = arith.addi %mul3A_6, %mul3A_218 : i32
      %run_scoped3A_226 = arith.constant 0 : i32
      "tpu.region"() ({
        %run_scoped3A_418 = tpu.sem_alloc : memref<!tpu.dma_semaphore, #tpu.memory_space<semaphore_mem>>
        %dma_start3A_419 = arith.constant 0 : i32
        %dma_start3A_420 = arith.constant 0 : i32
        %dma_start3A_421 = tpu.memref_slice %arg9[%run_scoped3A_226, %dma_start3A_419, %dma_start3A_420] : memref<2x2x128xi32, #tpu.memory_space<vmem>> -> memref<1x2x128xi32, #tpu.memory_space<vmem>>
        %dma_start3A_422 = tpu.memref_squeeze %dma_start3A_421 : memref<1x2x128xi32, #tpu.memory_space<vmem>> -> memref<2x128xi32, #tpu.memory_space<vmem>>
        %dma_start3A_423 = arith.constant 0 : i32
        %dma_start3A_424 = tpu.memref_slice %arg4[%add3A_225, %dma_start3A_423] : memref<6250x128xi32, #tpu.memory_space<hbm>> -> memref<2x128xi32, #tpu.memory_space<hbm>>
        %dma_start3A_425 = arith.constant 0 : i32
        %dma_start3A_426 = arith.constant 0 : i32
        %dma_start3A_427 = tpu.memref_slice %arg9[%run_scoped3A_226, %dma_start3A_425, %dma_start3A_426] : memref<2x2x128xi32, #tpu.memory_space<vmem>> -> memref<1x2x128xi32, #tpu.memory_space<vmem>>
        %dma_start3A_428 = tpu.memref_squeeze %dma_start3A_427 : memref<1x2x128xi32, #tpu.memory_space<vmem>> -> memref<2x128xi32, #tpu.memory_space<vmem>>
        %dma_start3A_429 = arith.constant 0 : i32
        %dma_start3A_430 = tpu.memref_slice %arg4[%add3A_225, %dma_start3A_429] : memref<6250x128xi32, #tpu.memory_space<hbm>> -> memref<2x128xi32, #tpu.memory_space<hbm>>
        tpu.enqueue_dma source(%dma_start3A_430 : memref<2x128xi32, #tpu.memory_space<hbm>>) target(%dma_start3A_428 : memref<2x128xi32, #tpu.memory_space<vmem>>) target_semaphore(%run_scoped3A_418 : memref<!tpu.dma_semaphore, #tpu.memory_space<semaphore_mem>>)
        %dma_wait3A_431 = arith.constant 0 : i32
        %dma_wait3A_432 = arith.constant 0 : i32
        %dma_wait3A_433 = tpu.memref_slice %arg9[%run_scoped3A_226, %dma_wait3A_431, %dma_wait3A_432] : memref<2x2x128xi32, #tpu.memory_space<vmem>> -> memref<1x2x128xi32, #tpu.memory_space<vmem>>
        %dma_wait3A_434 = tpu.memref_squeeze %dma_wait3A_433 : memref<1x2x128xi32, #tpu.memory_space<vmem>> -> memref<2x128xi32, #tpu.memory_space<vmem>>
        %dma_wait3A_435 = arith.constant 0 : i32
        %dma_wait3A_436 = tpu.memref_slice %arg4[%add3A_225, %dma_wait3A_435] : memref<6250x128xi32, #tpu.memory_space<hbm>> -> memref<2x128xi32, #tpu.memory_space<hbm>>
        %dma_wait3A_437 = arith.constant 0 : i32
        %dma_wait3A_438 = arith.constant 0 : i32
        %dma_wait3A_439 = tpu.memref_slice %arg9[%run_scoped3A_226, %dma_wait3A_437, %dma_wait3A_438] : memref<2x2x128xi32, #tpu.memory_space<vmem>> -> memref<1x2x128xi32, #tpu.memory_space<vmem>>
        %dma_wait3A_440 = tpu.memref_squeeze %dma_wait3A_439 : memref<1x2x128xi32, #tpu.memory_space<vmem>> -> memref<2x128xi32, #tpu.memory_space<vmem>>
        %dma_wait3A_441 = arith.constant 0 : i32
        %dma_wait3A_442 = tpu.memref_slice %arg4[%add3A_225, %dma_wait3A_441] : memref<6250x128xi32, #tpu.memory_space<hbm>> -> memref<2x128xi32, #tpu.memory_space<hbm>>
        tpu.wait_dma2 semaphore(%run_scoped3A_418 : memref<!tpu.dma_semaphore, #tpu.memory_space<semaphore_mem>>) src(%dma_wait3A_442 : memref<2x128xi32, #tpu.memory_space<hbm>>) dst(%dma_wait3A_440 : memref<2x128xi32, #tpu.memory_space<vmem>>)
        tpu.yield
      }) : () -> ()
      %dma_start3A_227 = arith.constant 0 : i32
      %dma_start3A_228 = arith.constant 0 : i32
      %dma_start3A_229 = arith.constant 0 : i32
      %dma_start3A_230 = arith.constant 0 : i32
      %dma_start3A_231 = arith.constant 0 : i32
      %dma_start3A_232 = arith.constant 0 : i32
      %dma_start3A_233 = tpu.memref_slice %arg10[%dma_start3A_229, %dma_start3A_230, %dma_start3A_231, %dma_start3A_232] : memref<2x2x128x32xf32, #tpu.memory_space<vmem>> -> memref<1x1x128x32xf32, #tpu.memory_space<vmem>>
      %dma_start3A_234 = tpu.memref_squeeze %dma_start3A_233 : memref<1x1x128x32xf32, #tpu.memory_space<vmem>> -> memref<128x32xf32, #tpu.memory_space<vmem>>
      %dma_start3A_235 = arith.constant 0 : i32
      %dma_start3A_236 = tpu.memref_slice %arg8[%dma_start3A_227, %dma_start3A_228, %dma_start3A_235] : memref<2x2x128xi32, #tpu.memory_space<vmem>> -> memref<1x1x128xi32, #tpu.memory_space<vmem>>
      %dma_start3A_237 = tpu.memref_squeeze %dma_start3A_236 : memref<1x1x128xi32, #tpu.memory_space<vmem>> -> memref<128xi32, #tpu.memory_space<vmem>>
      %dma_start3A_238 = arith.constant 0 : i32
      %dma_start3A_239 = arith.constant 0 : i32
      %dma_start3A_240 = tpu.memref_slice %arg2[%dma_start3A_238, %dma_start3A_239] : memref<100000x32xf32, #tpu.memory_space<hbm>> -> memref<100000x32xf32, #tpu.memory_space<hbm>>
      tpu.enqueue_indirect_dma source(%dma_start3A_240 : memref<100000x32xf32, #tpu.memory_space<hbm>>) target(%dma_start3A_234 : memref<128x32xf32, #tpu.memory_space<vmem>>) offsets(%dma_start3A_237 : memref<128xi32, #tpu.memory_space<vmem>>) semaphore(%arg11 : memref<!tpu.dma_semaphore, #tpu.memory_space<semaphore_mem>>)
      %dma_start3A_241 = arith.constant 0 : i32
      %dma_start3A_242 = arith.constant 1 : i32
      %dma_start3A_243 = arith.constant 0 : i32
      %dma_start3A_244 = arith.constant 1 : i32
      %dma_start3A_245 = arith.constant 0 : i32
      %dma_start3A_246 = arith.constant 0 : i32
      %dma_start3A_247 = tpu.memref_slice %arg10[%dma_start3A_243, %dma_start3A_244, %dma_start3A_245, %dma_start3A_246] : memref<2x2x128x32xf32, #tpu.memory_space<vmem>> -> memref<1x1x128x32xf32, #tpu.memory_space<vmem>>
      %dma_start3A_248 = tpu.memref_squeeze %dma_start3A_247 : memref<1x1x128x32xf32, #tpu.memory_space<vmem>> -> memref<128x32xf32, #tpu.memory_space<vmem>>
      %dma_start3A_249 = arith.constant 0 : i32
      %dma_start3A_250 = tpu.memref_slice %arg8[%dma_start3A_241, %dma_start3A_242, %dma_start3A_249] : memref<2x2x128xi32, #tpu.memory_space<vmem>> -> memref<1x1x128xi32, #tpu.memory_space<vmem>>
      %dma_start3A_251 = tpu.memref_squeeze %dma_start3A_250 : memref<1x1x128xi32, #tpu.memory_space<vmem>> -> memref<128xi32, #tpu.memory_space<vmem>>
      %dma_start3A_252 = arith.constant 0 : i32
      %dma_start3A_253 = arith.constant 0 : i32
      %dma_start3A_254 = tpu.memref_slice %arg2[%dma_start3A_252, %dma_start3A_253] : memref<100000x32xf32, #tpu.memory_space<hbm>> -> memref<100000x32xf32, #tpu.memory_space<hbm>>
      tpu.enqueue_indirect_dma source(%dma_start3A_254 : memref<100000x32xf32, #tpu.memory_space<hbm>>) target(%dma_start3A_248 : memref<128x32xf32, #tpu.memory_space<vmem>>) offsets(%dma_start3A_251 : memref<128xi32, #tpu.memory_space<vmem>>) semaphore(%arg11 : memref<!tpu.dma_semaphore, #tpu.memory_space<semaphore_mem>>)
      %dma_wait3A_255 = arith.constant 0 : i32
      %dma_wait3A_256 = arith.constant 0 : i32
      %dma_wait3A_257 = arith.constant 0 : i32
      %dma_wait3A_258 = arith.constant 0 : i32
      %dma_wait3A_259 = arith.constant 0 : i32
      %dma_wait3A_260 = arith.constant 0 : i32
      %dma_wait3A_261 = tpu.memref_slice %arg10[%dma_wait3A_257, %dma_wait3A_258, %dma_wait3A_259, %dma_wait3A_260] : memref<2x2x128x32xf32, #tpu.memory_space<vmem>> -> memref<1x1x128x32xf32, #tpu.memory_space<vmem>>
      %dma_wait3A_262 = tpu.memref_squeeze %dma_wait3A_261 : memref<1x1x128x32xf32, #tpu.memory_space<vmem>> -> memref<128x32xf32, #tpu.memory_space<vmem>>
      %dma_wait3A_263 = arith.constant 0 : i32
      %dma_wait3A_264 = tpu.memref_slice %arg8[%dma_wait3A_255, %dma_wait3A_256, %dma_wait3A_263] : memref<2x2x128xi32, #tpu.memory_space<vmem>> -> memref<1x1x128xi32, #tpu.memory_space<vmem>>
      %dma_wait3A_265 = tpu.memref_squeeze %dma_wait3A_264 : memref<1x1x128xi32, #tpu.memory_space<vmem>> -> memref<128xi32, #tpu.memory_space<vmem>>
      %dma_wait3A_266 = arith.constant 0 : i32
      %dma_wait3A_267 = arith.constant 0 : i32
      %dma_wait3A_268 = tpu.memref_slice %arg2[%dma_wait3A_266, %dma_wait3A_267] : memref<100000x32xf32, #tpu.memory_space<hbm>> -> memref<100000x32xf32, #tpu.memory_space<hbm>>
      tpu.wait_indirect_dma semaphore(%arg11 : memref<!tpu.dma_semaphore, #tpu.memory_space<semaphore_mem>>) src(%dma_wait3A_268 : memref<100000x32xf32, #tpu.memory_space<hbm>>) dst(%dma_wait3A_262 : memref<128x32xf32, #tpu.memory_space<vmem>>)
      %dma_wait3A_269 = arith.constant 0 : i32
      %dma_wait3A_270 = arith.constant 1 : i32
      %dma_wait3A_271 = arith.constant 0 : i32
      %dma_wait3A_272 = arith.constant 1 : i32
      %dma_wait3A_273 = arith.constant 0 : i32
      %dma_wait3A_274 = arith.constant 0 : i32
      %dma_wait3A_275 = tpu.memref_slice %arg10[%dma_wait3A_271, %dma_wait3A_272, %dma_wait3A_273, %dma_wait3A_274] : memref<2x2x128x32xf32, #tpu.memory_space<vmem>> -> memref<1x1x128x32xf32, #tpu.memory_space<vmem>>
      %dma_wait3A_276 = tpu.memref_squeeze %dma_wait3A_275 : memref<1x1x128x32xf32, #tpu.memory_space<vmem>> -> memref<128x32xf32, #tpu.memory_space<vmem>>
      %dma_wait3A_277 = arith.constant 0 : i32
      %dma_wait3A_278 = tpu.memref_slice %arg8[%dma_wait3A_269, %dma_wait3A_270, %dma_wait3A_277] : memref<2x2x128xi32, #tpu.memory_space<vmem>> -> memref<1x1x128xi32, #tpu.memory_space<vmem>>
      %dma_wait3A_279 = tpu.memref_squeeze %dma_wait3A_278 : memref<1x1x128xi32, #tpu.memory_space<vmem>> -> memref<128xi32, #tpu.memory_space<vmem>>
      %dma_wait3A_280 = arith.constant 0 : i32
      %dma_wait3A_281 = arith.constant 0 : i32
      %dma_wait3A_282 = tpu.memref_slice %arg2[%dma_wait3A_280, %dma_wait3A_281] : memref<100000x32xf32, #tpu.memory_space<hbm>> -> memref<100000x32xf32, #tpu.memory_space<hbm>>
      tpu.wait_indirect_dma semaphore(%arg11 : memref<!tpu.dma_semaphore, #tpu.memory_space<semaphore_mem>>) src(%dma_wait3A_282 : memref<100000x32xf32, #tpu.memory_space<hbm>>) dst(%dma_wait3A_276 : memref<128x32xf32, #tpu.memory_space<vmem>>)
      %dma_start3A_283 = arith.constant 0 : i32
      %dma_start3A_284 = arith.constant 0 : i32
      %dma_start3A_285 = arith.constant 0 : i32
      %dma_start3A_286 = arith.constant 0 : i32
      %dma_start3A_287 = arith.constant 0 : i32
      %dma_start3A_288 = arith.constant 0 : i32
      %dma_start3A_289 = arith.constant 0 : i32
      %dma_start3A_290 = tpu.memref_slice %arg10[%dma_start3A_283, %dma_start3A_284, %dma_start3A_288, %dma_start3A_289] : memref<2x2x128x32xf32, #tpu.memory_space<vmem>> -> memref<1x1x128x32xf32, #tpu.memory_space<vmem>>
      %dma_start3A_291 = tpu.memref_squeeze %dma_start3A_290 : memref<1x1x128x32xf32, #tpu.memory_space<vmem>> -> memref<128x32xf32, #tpu.memory_space<vmem>>
      %dma_start3A_292 = arith.constant 0 : i32
      %dma_start3A_293 = tpu.memref_slice %arg9[%dma_start3A_285, %dma_start3A_286, %dma_start3A_292] : memref<2x2x128xi32, #tpu.memory_space<vmem>> -> memref<1x1x128xi32, #tpu.memory_space<vmem>>
      %dma_start3A_294 = tpu.memref_squeeze %dma_start3A_293 : memref<1x1x128xi32, #tpu.memory_space<vmem>> -> memref<128xi32, #tpu.memory_space<vmem>>
      %dma_start3A_295 = arith.constant 0 : i32
      %dma_start3A_296 = arith.constant 0 : i32
      %dma_start3A_297 = tpu.memref_slice %arg7[%dma_start3A_295, %dma_start3A_296] : memref<50000x32xf32, #tpu.memory_space<vmem_shared>> -> memref<50000x32xf32, #tpu.memory_space<vmem_shared>>
      %dma_start3A_298 = tpu.memref_slice %arg12[%dma_start3A_287] : memref<2x!tpu.dma_semaphore, #tpu.memory_space<semaphore_mem>> -> memref<1x!tpu.dma_semaphore, #tpu.memory_space<semaphore_mem>>
      %dma_start3A_299 = tpu.memref_squeeze %dma_start3A_298 : memref<1x!tpu.dma_semaphore, #tpu.memory_space<semaphore_mem>> -> memref<!tpu.dma_semaphore, #tpu.memory_space<semaphore_mem>>
      tpu.enqueue_indirect_dma source(%dma_start3A_291 : memref<128x32xf32, #tpu.memory_space<vmem>>) target(%dma_start3A_297 : memref<50000x32xf32, #tpu.memory_space<vmem_shared>>) offsets(%dma_start3A_294 : memref<128xi32, #tpu.memory_space<vmem>>) semaphore(%dma_start3A_299 : memref<!tpu.dma_semaphore, #tpu.memory_space<semaphore_mem>>) {add = true}
      %dma_start3A_300 = arith.constant 0 : i32
      %dma_start3A_301 = arith.constant 1 : i32
      %dma_start3A_302 = arith.constant 0 : i32
      %dma_start3A_303 = arith.constant 1 : i32
      %dma_start3A_304 = arith.constant 0 : i32
      %dma_start3A_305 = arith.constant 0 : i32
      %dma_start3A_306 = arith.constant 0 : i32
      %dma_start3A_307 = tpu.memref_slice %arg10[%dma_start3A_300, %dma_start3A_301, %dma_start3A_305, %dma_start3A_306] : memref<2x2x128x32xf32, #tpu.memory_space<vmem>> -> memref<1x1x128x32xf32, #tpu.memory_space<vmem>>
      %dma_start3A_308 = tpu.memref_squeeze %dma_start3A_307 : memref<1x1x128x32xf32, #tpu.memory_space<vmem>> -> memref<128x32xf32, #tpu.memory_space<vmem>>
      %dma_start3A_309 = arith.constant 0 : i32
      %dma_start3A_310 = tpu.memref_slice %arg9[%dma_start3A_302, %dma_start3A_303, %dma_start3A_309] : memref<2x2x128xi32, #tpu.memory_space<vmem>> -> memref<1x1x128xi32, #tpu.memory_space<vmem>>
      %dma_start3A_311 = tpu.memref_squeeze %dma_start3A_310 : memref<1x1x128xi32, #tpu.memory_space<vmem>> -> memref<128xi32, #tpu.memory_space<vmem>>
      %dma_start3A_312 = arith.constant 0 : i32
      %dma_start3A_313 = arith.constant 0 : i32
      %dma_start3A_314 = tpu.memref_slice %arg7[%dma_start3A_312, %dma_start3A_313] : memref<50000x32xf32, #tpu.memory_space<vmem_shared>> -> memref<50000x32xf32, #tpu.memory_space<vmem_shared>>
      %dma_start3A_315 = tpu.memref_slice %arg12[%dma_start3A_304] : memref<2x!tpu.dma_semaphore, #tpu.memory_space<semaphore_mem>> -> memref<1x!tpu.dma_semaphore, #tpu.memory_space<semaphore_mem>>
      %dma_start3A_316 = tpu.memref_squeeze %dma_start3A_315 : memref<1x!tpu.dma_semaphore, #tpu.memory_space<semaphore_mem>> -> memref<!tpu.dma_semaphore, #tpu.memory_space<semaphore_mem>>
      tpu.enqueue_indirect_dma source(%dma_start3A_308 : memref<128x32xf32, #tpu.memory_space<vmem>>) target(%dma_start3A_314 : memref<50000x32xf32, #tpu.memory_space<vmem_shared>>) offsets(%dma_start3A_311 : memref<128xi32, #tpu.memory_space<vmem>>) semaphore(%dma_start3A_316 : memref<!tpu.dma_semaphore, #tpu.memory_space<semaphore_mem>>) {add = true}
      %add3A_317 = arith.constant 2 : i32
      %add3A_318 = arith.addi %mul3A_218, %add3A_317 : i32
      %ge3A_319 = arith.constant 1 : i32
      %ge3A_320 = arith.cmpi sge, %scan3A_214, %ge3A_319 : i32
      %convert_element_type3A_321 = arith.extui %ge3A_320 : i1 to i32
      %cond3A_322 = arith.constant 0 : i32
      %cond3A_323 = arith.cmpi ne, %convert_element_type3A_321, %cond3A_322 : i32
      scf.if %cond3A_323 {
        %dma_wait3A_418 = arith.constant 1 : i32
        %dma_wait3A_419 = arith.constant 0 : i32
        %dma_wait3A_420 = arith.constant 1 : i32
        %dma_wait3A_421 = arith.constant 0 : i32
        %dma_wait3A_422 = arith.constant 1 : i32
        %dma_wait3A_423 = arith.constant 0 : i32
        %dma_wait3A_424 = arith.constant 0 : i32
        %dma_wait3A_425 = tpu.memref_slice %arg10[%dma_wait3A_418, %dma_wait3A_419, %dma_wait3A_423, %dma_wait3A_424] : memref<2x2x128x32xf32, #tpu.memory_space<vmem>> -> memref<1x1x128x32xf32, #tpu.memory_space<vmem>>
        %dma_wait3A_426 = tpu.memref_squeeze %dma_wait3A_425 : memref<1x1x128x32xf32, #tpu.memory_space<vmem>> -> memref<128x32xf32, #tpu.memory_space<vmem>>
        %dma_wait3A_427 = arith.constant 0 : i32
        %dma_wait3A_428 = tpu.memref_slice %arg9[%dma_wait3A_420, %dma_wait3A_421, %dma_wait3A_427] : memref<2x2x128xi32, #tpu.memory_space<vmem>> -> memref<1x1x128xi32, #tpu.memory_space<vmem>>
        %dma_wait3A_429 = tpu.memref_squeeze %dma_wait3A_428 : memref<1x1x128xi32, #tpu.memory_space<vmem>> -> memref<128xi32, #tpu.memory_space<vmem>>
        %dma_wait3A_430 = arith.constant 0 : i32
        %dma_wait3A_431 = arith.constant 0 : i32
        %dma_wait3A_432 = tpu.memref_slice %arg7[%dma_wait3A_430, %dma_wait3A_431] : memref<50000x32xf32, #tpu.memory_space<vmem_shared>> -> memref<50000x32xf32, #tpu.memory_space<vmem_shared>>
        %dma_wait3A_433 = tpu.memref_slice %arg12[%dma_wait3A_422] : memref<2x!tpu.dma_semaphore, #tpu.memory_space<semaphore_mem>> -> memref<1x!tpu.dma_semaphore, #tpu.memory_space<semaphore_mem>>
        %dma_wait3A_434 = tpu.memref_squeeze %dma_wait3A_433 : memref<1x!tpu.dma_semaphore, #tpu.memory_space<semaphore_mem>> -> memref<!tpu.dma_semaphore, #tpu.memory_space<semaphore_mem>>
        tpu.wait_indirect_dma semaphore(%dma_wait3A_434 : memref<!tpu.dma_semaphore, #tpu.memory_space<semaphore_mem>>) src(%dma_wait3A_426 : memref<128x32xf32, #tpu.memory_space<vmem>>) dst(%dma_wait3A_432 : memref<50000x32xf32, #tpu.memory_space<vmem_shared>>)
        %dma_wait3A_435 = arith.constant 1 : i32
        %dma_wait3A_436 = arith.constant 1 : i32
        %dma_wait3A_437 = arith.constant 1 : i32
        %dma_wait3A_438 = arith.constant 1 : i32
        %dma_wait3A_439 = arith.constant 1 : i32
        %dma_wait3A_440 = arith.constant 0 : i32
        %dma_wait3A_441 = arith.constant 0 : i32
        %dma_wait3A_442 = tpu.memref_slice %arg10[%dma_wait3A_435, %dma_wait3A_436, %dma_wait3A_440, %dma_wait3A_441] : memref<2x2x128x32xf32, #tpu.memory_space<vmem>> -> memref<1x1x128x32xf32, #tpu.memory_space<vmem>>
        %dma_wait3A_443 = tpu.memref_squeeze %dma_wait3A_442 : memref<1x1x128x32xf32, #tpu.memory_space<vmem>> -> memref<128x32xf32, #tpu.memory_space<vmem>>
        %dma_wait3A_444 = arith.constant 0 : i32
        %dma_wait3A_445 = tpu.memref_slice %arg9[%dma_wait3A_437, %dma_wait3A_438, %dma_wait3A_444] : memref<2x2x128xi32, #tpu.memory_space<vmem>> -> memref<1x1x128xi32, #tpu.memory_space<vmem>>
        %dma_wait3A_446 = tpu.memref_squeeze %dma_wait3A_445 : memref<1x1x128xi32, #tpu.memory_space<vmem>> -> memref<128xi32, #tpu.memory_space<vmem>>
        %dma_wait3A_447 = arith.constant 0 : i32
        %dma_wait3A_448 = arith.constant 0 : i32
        %dma_wait3A_449 = tpu.memref_slice %arg7[%dma_wait3A_447, %dma_wait3A_448] : memref<50000x32xf32, #tpu.memory_space<vmem_shared>> -> memref<50000x32xf32, #tpu.memory_space<vmem_shared>>
        %dma_wait3A_450 = tpu.memref_slice %arg12[%dma_wait3A_439] : memref<2x!tpu.dma_semaphore, #tpu.memory_space<semaphore_mem>> -> memref<1x!tpu.dma_semaphore, #tpu.memory_space<semaphore_mem>>
        %dma_wait3A_451 = tpu.memref_squeeze %dma_wait3A_450 : memref<1x!tpu.dma_semaphore, #tpu.memory_space<semaphore_mem>> -> memref<!tpu.dma_semaphore, #tpu.memory_space<semaphore_mem>>
        tpu.wait_indirect_dma semaphore(%dma_wait3A_451 : memref<!tpu.dma_semaphore, #tpu.memory_space<semaphore_mem>>) src(%dma_wait3A_443 : memref<128x32xf32, #tpu.memory_space<vmem>>) dst(%dma_wait3A_449 : memref<50000x32xf32, #tpu.memory_space<vmem_shared>>)
      } else {
      }
      %add3A_324 = arith.addi %add3A, %add3A_318 : i32
      %run_scoped3A_325 = arith.constant 1 : i32
      "tpu.region"() ({
        %run_scoped3A_418 = tpu.sem_alloc : memref<!tpu.dma_semaphore, #tpu.memory_space<semaphore_mem>>
        %dma_start3A_419 = arith.constant 0 : i32
        %dma_start3A_420 = arith.constant 0 : i32
        %dma_start3A_421 = tpu.memref_slice %arg8[%run_scoped3A_325, %dma_start3A_419, %dma_start3A_420] : memref<2x2x128xi32, #tpu.memory_space<vmem>> -> memref<1x2x128xi32, #tpu.memory_space<vmem>>
        %dma_start3A_422 = tpu.memref_squeeze %dma_start3A_421 : memref<1x2x128xi32, #tpu.memory_space<vmem>> -> memref<2x128xi32, #tpu.memory_space<vmem>>
        %dma_start3A_423 = arith.constant 0 : i32
        %dma_start3A_424 = tpu.memref_slice %arg3[%add3A_324, %dma_start3A_423] : memref<12500x128xi32, #tpu.memory_space<hbm>> -> memref<2x128xi32, #tpu.memory_space<hbm>>
        %dma_start3A_425 = arith.constant 0 : i32
        %dma_start3A_426 = arith.constant 0 : i32
        %dma_start3A_427 = tpu.memref_slice %arg8[%run_scoped3A_325, %dma_start3A_425, %dma_start3A_426] : memref<2x2x128xi32, #tpu.memory_space<vmem>> -> memref<1x2x128xi32, #tpu.memory_space<vmem>>
        %dma_start3A_428 = tpu.memref_squeeze %dma_start3A_427 : memref<1x2x128xi32, #tpu.memory_space<vmem>> -> memref<2x128xi32, #tpu.memory_space<vmem>>
        %dma_start3A_429 = arith.constant 0 : i32
        %dma_start3A_430 = tpu.memref_slice %arg3[%add3A_324, %dma_start3A_429] : memref<12500x128xi32, #tpu.memory_space<hbm>> -> memref<2x128xi32, #tpu.memory_space<hbm>>
        tpu.enqueue_dma source(%dma_start3A_430 : memref<2x128xi32, #tpu.memory_space<hbm>>) target(%dma_start3A_428 : memref<2x128xi32, #tpu.memory_space<vmem>>) target_semaphore(%run_scoped3A_418 : memref<!tpu.dma_semaphore, #tpu.memory_space<semaphore_mem>>)
        %dma_wait3A_431 = arith.constant 0 : i32
        %dma_wait3A_432 = arith.constant 0 : i32
        %dma_wait3A_433 = tpu.memref_slice %arg8[%run_scoped3A_325, %dma_wait3A_431, %dma_wait3A_432] : memref<2x2x128xi32, #tpu.memory_space<vmem>> -> memref<1x2x128xi32, #tpu.memory_space<vmem>>
        %dma_wait3A_434 = tpu.memref_squeeze %dma_wait3A_433 : memref<1x2x128xi32, #tpu.memory_space<vmem>> -> memref<2x128xi32, #tpu.memory_space<vmem>>
        %dma_wait3A_435 = arith.constant 0 : i32
        %dma_wait3A_436 = tpu.memref_slice %arg3[%add3A_324, %dma_wait3A_435] : memref<12500x128xi32, #tpu.memory_space<hbm>> -> memref<2x128xi32, #tpu.memory_space<hbm>>
        %dma_wait3A_437 = arith.constant 0 : i32
        %dma_wait3A_438 = arith.constant 0 : i32
        %dma_wait3A_439 = tpu.memref_slice %arg8[%run_scoped3A_325, %dma_wait3A_437, %dma_wait3A_438] : memref<2x2x128xi32, #tpu.memory_space<vmem>> -> memref<1x2x128xi32, #tpu.memory_space<vmem>>
        %dma_wait3A_440 = tpu.memref_squeeze %dma_wait3A_439 : memref<1x2x128xi32, #tpu.memory_space<vmem>> -> memref<2x128xi32, #tpu.memory_space<vmem>>
        %dma_wait3A_441 = arith.constant 0 : i32
        %dma_wait3A_442 = tpu.memref_slice %arg3[%add3A_324, %dma_wait3A_441] : memref<12500x128xi32, #tpu.memory_space<hbm>> -> memref<2x128xi32, #tpu.memory_space<hbm>>
        tpu.wait_dma2 semaphore(%run_scoped3A_418 : memref<!tpu.dma_semaphore, #tpu.memory_space<semaphore_mem>>) src(%dma_wait3A_442 : memref<2x128xi32, #tpu.memory_space<hbm>>) dst(%dma_wait3A_440 : memref<2x128xi32, #tpu.memory_space<vmem>>)
        tpu.yield
      }) : () -> ()
      %add3A_326 = arith.addi %mul3A_6, %add3A_318 : i32
      %run_scoped3A_327 = arith.constant 1 : i32
      "tpu.region"() ({
        %run_scoped3A_418 = tpu.sem_alloc : memref<!tpu.dma_semaphore, #tpu.memory_space<semaphore_mem>>
        %dma_start3A_419 = arith.constant 0 : i32
        %dma_start3A_420 = arith.constant 0 : i32
        %dma_start3A_421 = tpu.memref_slice %arg9[%run_scoped3A_327, %dma_start3A_419, %dma_start3A_420] : memref<2x2x128xi32, #tpu.memory_space<vmem>> -> memref<1x2x128xi32, #tpu.memory_space<vmem>>
        %dma_start3A_422 = tpu.memref_squeeze %dma_start3A_421 : memref<1x2x128xi32, #tpu.memory_space<vmem>> -> memref<2x128xi32, #tpu.memory_space<vmem>>
        %dma_start3A_423 = arith.constant 0 : i32
        %dma_start3A_424 = tpu.memref_slice %arg4[%add3A_326, %dma_start3A_423] : memref<6250x128xi32, #tpu.memory_space<hbm>> -> memref<2x128xi32, #tpu.memory_space<hbm>>
        %dma_start3A_425 = arith.constant 0 : i32
        %dma_start3A_426 = arith.constant 0 : i32
        %dma_start3A_427 = tpu.memref_slice %arg9[%run_scoped3A_327, %dma_start3A_425, %dma_start3A_426] : memref<2x2x128xi32, #tpu.memory_space<vmem>> -> memref<1x2x128xi32, #tpu.memory_space<vmem>>
        %dma_start3A_428 = tpu.memref_squeeze %dma_start3A_427 : memref<1x2x128xi32, #tpu.memory_space<vmem>> -> memref<2x128xi32, #tpu.memory_space<vmem>>
        %dma_start3A_429 = arith.constant 0 : i32
        %dma_start3A_430 = tpu.memref_slice %arg4[%add3A_326, %dma_start3A_429] : memref<6250x128xi32, #tpu.memory_space<hbm>> -> memref<2x128xi32, #tpu.memory_space<hbm>>
        tpu.enqueue_dma source(%dma_start3A_430 : memref<2x128xi32, #tpu.memory_space<hbm>>) target(%dma_start3A_428 : memref<2x128xi32, #tpu.memory_space<vmem>>) target_semaphore(%run_scoped3A_418 : memref<!tpu.dma_semaphore, #tpu.memory_space<semaphore_mem>>)
        %dma_wait3A_431 = arith.constant 0 : i32
        %dma_wait3A_432 = arith.constant 0 : i32
        %dma_wait3A_433 = tpu.memref_slice %arg9[%run_scoped3A_327, %dma_wait3A_431, %dma_wait3A_432] : memref<2x2x128xi32, #tpu.memory_space<vmem>> -> memref<1x2x128xi32, #tpu.memory_space<vmem>>
        %dma_wait3A_434 = tpu.memref_squeeze %dma_wait3A_433 : memref<1x2x128xi32, #tpu.memory_space<vmem>> -> memref<2x128xi32, #tpu.memory_space<vmem>>
        %dma_wait3A_435 = arith.constant 0 : i32
        %dma_wait3A_436 = tpu.memref_slice %arg4[%add3A_326, %dma_wait3A_435] : memref<6250x128xi32, #tpu.memory_space<hbm>> -> memref<2x128xi32, #tpu.memory_space<hbm>>
        %dma_wait3A_437 = arith.constant 0 : i32
        %dma_wait3A_438 = arith.constant 0 : i32
        %dma_wait3A_439 = tpu.memref_slice %arg9[%run_scoped3A_327, %dma_wait3A_437, %dma_wait3A_438] : memref<2x2x128xi32, #tpu.memory_space<vmem>> -> memref<1x2x128xi32, #tpu.memory_space<vmem>>
        %dma_wait3A_440 = tpu.memref_squeeze %dma_wait3A_439 : memref<1x2x128xi32, #tpu.memory_space<vmem>> -> memref<2x128xi32, #tpu.memory_space<vmem>>
        %dma_wait3A_441 = arith.constant 0 : i32
        %dma_wait3A_442 = tpu.memref_slice %arg4[%add3A_326, %dma_wait3A_441] : memref<6250x128xi32, #tpu.memory_space<hbm>> -> memref<2x128xi32, #tpu.memory_space<hbm>>
        tpu.wait_dma2 semaphore(%run_scoped3A_418 : memref<!tpu.dma_semaphore, #tpu.memory_space<semaphore_mem>>) src(%dma_wait3A_442 : memref<2x128xi32, #tpu.memory_space<hbm>>) dst(%dma_wait3A_440 : memref<2x128xi32, #tpu.memory_space<vmem>>)
        tpu.yield
      }) : () -> ()
      %dma_start3A_328 = arith.constant 1 : i32
      %dma_start3A_329 = arith.constant 0 : i32
      %dma_start3A_330 = arith.constant 1 : i32
      %dma_start3A_331 = arith.constant 0 : i32
      %dma_start3A_332 = arith.constant 0 : i32
      %dma_start3A_333 = arith.constant 0 : i32
      %dma_start3A_334 = tpu.memref_slice %arg10[%dma_start3A_330, %dma_start3A_331, %dma_start3A_332, %dma_start3A_333] : memref<2x2x128x32xf32, #tpu.memory_space<vmem>> -> memref<1x1x128x32xf32, #tpu.memory_space<vmem>>
      %dma_start3A_335 = tpu.memref_squeeze %dma_start3A_334 : memref<1x1x128x32xf32, #tpu.memory_space<vmem>> -> memref<128x32xf32, #tpu.memory_space<vmem>>
      %dma_start3A_336 = arith.constant 0 : i32
      %dma_start3A_337 = tpu.memref_slice %arg8[%dma_start3A_328, %dma_start3A_329, %dma_start3A_336] : memref<2x2x128xi32, #tpu.memory_space<vmem>> -> memref<1x1x128xi32, #tpu.memory_space<vmem>>
      %dma_start3A_338 = tpu.memref_squeeze %dma_start3A_337 : memref<1x1x128xi32, #tpu.memory_space<vmem>> -> memref<128xi32, #tpu.memory_space<vmem>>
      %dma_start3A_339 = arith.constant 0 : i32
      %dma_start3A_340 = arith.constant 0 : i32
      %dma_start3A_341 = tpu.memref_slice %arg2[%dma_start3A_339, %dma_start3A_340] : memref<100000x32xf32, #tpu.memory_space<hbm>> -> memref<100000x32xf32, #tpu.memory_space<hbm>>
      tpu.enqueue_indirect_dma source(%dma_start3A_341 : memref<100000x32xf32, #tpu.memory_space<hbm>>) target(%dma_start3A_335 : memref<128x32xf32, #tpu.memory_space<vmem>>) offsets(%dma_start3A_338 : memref<128xi32, #tpu.memory_space<vmem>>) semaphore(%arg11 : memref<!tpu.dma_semaphore, #tpu.memory_space<semaphore_mem>>)
      %dma_start3A_342 = arith.constant 1 : i32
      %dma_start3A_343 = arith.constant 1 : i32
      %dma_start3A_344 = arith.constant 1 : i32
      %dma_start3A_345 = arith.constant 1 : i32
      %dma_start3A_346 = arith.constant 0 : i32
      %dma_start3A_347 = arith.constant 0 : i32
      %dma_start3A_348 = tpu.memref_slice %arg10[%dma_start3A_344, %dma_start3A_345, %dma_start3A_346, %dma_start3A_347] : memref<2x2x128x32xf32, #tpu.memory_space<vmem>> -> memref<1x1x128x32xf32, #tpu.memory_space<vmem>>
      %dma_start3A_349 = tpu.memref_squeeze %dma_start3A_348 : memref<1x1x128x32xf32, #tpu.memory_space<vmem>> -> memref<128x32xf32, #tpu.memory_space<vmem>>
      %dma_start3A_350 = arith.constant 0 : i32
      %dma_start3A_351 = tpu.memref_slice %arg8[%dma_start3A_342, %dma_start3A_343, %dma_start3A_350] : memref<2x2x128xi32, #tpu.memory_space<vmem>> -> memref<1x1x128xi32, #tpu.memory_space<vmem>>
      %dma_start3A_352 = tpu.memref_squeeze %dma_start3A_351 : memref<1x1x128xi32, #tpu.memory_space<vmem>> -> memref<128xi32, #tpu.memory_space<vmem>>
      %dma_start3A_353 = arith.constant 0 : i32
      %dma_start3A_354 = arith.constant 0 : i32
      %dma_start3A_355 = tpu.memref_slice %arg2[%dma_start3A_353, %dma_start3A_354] : memref<100000x32xf32, #tpu.memory_space<hbm>> -> memref<100000x32xf32, #tpu.memory_space<hbm>>
      tpu.enqueue_indirect_dma source(%dma_start3A_355 : memref<100000x32xf32, #tpu.memory_space<hbm>>) target(%dma_start3A_349 : memref<128x32xf32, #tpu.memory_space<vmem>>) offsets(%dma_start3A_352 : memref<128xi32, #tpu.memory_space<vmem>>) semaphore(%arg11 : memref<!tpu.dma_semaphore, #tpu.memory_space<semaphore_mem>>)
      %dma_wait3A_356 = arith.constant 1 : i32
      %dma_wait3A_357 = arith.constant 0 : i32
      %dma_wait3A_358 = arith.constant 1 : i32
      %dma_wait3A_359 = arith.constant 0 : i32
      %dma_wait3A_360 = arith.constant 0 : i32
      %dma_wait3A_361 = arith.constant 0 : i32
      %dma_wait3A_362 = tpu.memref_slice %arg10[%dma_wait3A_358, %dma_wait3A_359, %dma_wait3A_360, %dma_wait3A_361] : memref<2x2x128x32xf32, #tpu.memory_space<vmem>> -> memref<1x1x128x32xf32, #tpu.memory_space<vmem>>
      %dma_wait3A_363 = tpu.memref_squeeze %dma_wait3A_362 : memref<1x1x128x32xf32, #tpu.memory_space<vmem>> -> memref<128x32xf32, #tpu.memory_space<vmem>>
      %dma_wait3A_364 = arith.constant 0 : i32
      %dma_wait3A_365 = tpu.memref_slice %arg8[%dma_wait3A_356, %dma_wait3A_357, %dma_wait3A_364] : memref<2x2x128xi32, #tpu.memory_space<vmem>> -> memref<1x1x128xi32, #tpu.memory_space<vmem>>
      %dma_wait3A_366 = tpu.memref_squeeze %dma_wait3A_365 : memref<1x1x128xi32, #tpu.memory_space<vmem>> -> memref<128xi32, #tpu.memory_space<vmem>>
      %dma_wait3A_367 = arith.constant 0 : i32
      %dma_wait3A_368 = arith.constant 0 : i32
      %dma_wait3A_369 = tpu.memref_slice %arg2[%dma_wait3A_367, %dma_wait3A_368] : memref<100000x32xf32, #tpu.memory_space<hbm>> -> memref<100000x32xf32, #tpu.memory_space<hbm>>
      tpu.wait_indirect_dma semaphore(%arg11 : memref<!tpu.dma_semaphore, #tpu.memory_space<semaphore_mem>>) src(%dma_wait3A_369 : memref<100000x32xf32, #tpu.memory_space<hbm>>) dst(%dma_wait3A_363 : memref<128x32xf32, #tpu.memory_space<vmem>>)
      %dma_wait3A_370 = arith.constant 1 : i32
      %dma_wait3A_371 = arith.constant 1 : i32
      %dma_wait3A_372 = arith.constant 1 : i32
      %dma_wait3A_373 = arith.constant 1 : i32
      %dma_wait3A_374 = arith.constant 0 : i32
      %dma_wait3A_375 = arith.constant 0 : i32
      %dma_wait3A_376 = tpu.memref_slice %arg10[%dma_wait3A_372, %dma_wait3A_373, %dma_wait3A_374, %dma_wait3A_375] : memref<2x2x128x32xf32, #tpu.memory_space<vmem>> -> memref<1x1x128x32xf32, #tpu.memory_space<vmem>>
      %dma_wait3A_377 = tpu.memref_squeeze %dma_wait3A_376 : memref<1x1x128x32xf32, #tpu.memory_space<vmem>> -> memref<128x32xf32, #tpu.memory_space<vmem>>
      %dma_wait3A_378 = arith.constant 0 : i32
      %dma_wait3A_379 = tpu.memref_slice %arg8[%dma_wait3A_370, %dma_wait3A_371, %dma_wait3A_378] : memref<2x2x128xi32, #tpu.memory_space<vmem>> -> memref<1x1x128xi32, #tpu.memory_space<vmem>>
      %dma_wait3A_380 = tpu.memref_squeeze %dma_wait3A_379 : memref<1x1x128xi32, #tpu.memory_space<vmem>> -> memref<128xi32, #tpu.memory_space<vmem>>
      %dma_wait3A_381 = arith.constant 0 : i32
      %dma_wait3A_382 = arith.constant 0 : i32
      %dma_wait3A_383 = tpu.memref_slice %arg2[%dma_wait3A_381, %dma_wait3A_382] : memref<100000x32xf32, #tpu.memory_space<hbm>> -> memref<100000x32xf32, #tpu.memory_space<hbm>>
      tpu.wait_indirect_dma semaphore(%arg11 : memref<!tpu.dma_semaphore, #tpu.memory_space<semaphore_mem>>) src(%dma_wait3A_383 : memref<100000x32xf32, #tpu.memory_space<hbm>>) dst(%dma_wait3A_377 : memref<128x32xf32, #tpu.memory_space<vmem>>)
      %dma_start3A_384 = arith.constant 1 : i32
      %dma_start3A_385 = arith.constant 0 : i32
      %dma_start3A_386 = arith.constant 1 : i32
      %dma_start3A_387 = arith.constant 0 : i32
      %dma_start3A_388 = arith.constant 1 : i32
      %dma_start3A_389 = arith.constant 0 : i32
      %dma_start3A_390 = arith.constant 0 : i32
      %dma_start3A_391 = tpu.memref_slice %arg10[%dma_start3A_384, %dma_start3A_385, %dma_start3A_389, %dma_start3A_390] : memref<2x2x128x32xf32, #tpu.memory_space<vmem>> -> memref<1x1x128x32xf32, #tpu.memory_space<vmem>>
      %dma_start3A_392 = tpu.memref_squeeze %dma_start3A_391 : memref<1x1x128x32xf32, #tpu.memory_space<vmem>> -> memref<128x32xf32, #tpu.memory_space<vmem>>
      %dma_start3A_393 = arith.constant 0 : i32
      %dma_start3A_394 = tpu.memref_slice %arg9[%dma_start3A_386, %dma_start3A_387, %dma_start3A_393] : memref<2x2x128xi32, #tpu.memory_space<vmem>> -> memref<1x1x128xi32, #tpu.memory_space<vmem>>
      %dma_start3A_395 = tpu.memref_squeeze %dma_start3A_394 : memref<1x1x128xi32, #tpu.memory_space<vmem>> -> memref<128xi32, #tpu.memory_space<vmem>>
      %dma_start3A_396 = arith.constant 0 : i32
      %dma_start3A_397 = arith.constant 0 : i32
      %dma_start3A_398 = tpu.memref_slice %arg7[%dma_start3A_396, %dma_start3A_397] : memref<50000x32xf32, #tpu.memory_space<vmem_shared>> -> memref<50000x32xf32, #tpu.memory_space<vmem_shared>>
      %dma_start3A_399 = tpu.memref_slice %arg12[%dma_start3A_388] : memref<2x!tpu.dma_semaphore, #tpu.memory_space<semaphore_mem>> -> memref<1x!tpu.dma_semaphore, #tpu.memory_space<semaphore_mem>>
      %dma_start3A_400 = tpu.memref_squeeze %dma_start3A_399 : memref<1x!tpu.dma_semaphore, #tpu.memory_space<semaphore_mem>> -> memref<!tpu.dma_semaphore, #tpu.memory_space<semaphore_mem>>
      tpu.enqueue_indirect_dma source(%dma_start3A_392 : memref<128x32xf32, #tpu.memory_space<vmem>>) target(%dma_start3A_398 : memref<50000x32xf32, #tpu.memory_space<vmem_shared>>) offsets(%dma_start3A_395 : memref<128xi32, #tpu.memory_space<vmem>>) semaphore(%dma_start3A_400 : memref<!tpu.dma_semaphore, #tpu.memory_space<semaphore_mem>>) {add = true}
      %dma_start3A_401 = arith.constant 1 : i32
      %dma_start3A_402 = arith.constant 1 : i32
      %dma_start3A_403 = arith.constant 1 : i32
      %dma_start3A_404 = arith.constant 1 : i32
      %dma_start3A_405 = arith.constant 1 : i32
      %dma_start3A_406 = arith.constant 0 : i32
      %dma_start3A_407 = arith.constant 0 : i32
      %dma_start3A_408 = tpu.memref_slice %arg10[%dma_start3A_401, %dma_start3A_402, %dma_start3A_406, %dma_start3A_407] : memref<2x2x128x32xf32, #tpu.memory_space<vmem>> -> memref<1x1x128x32xf32, #tpu.memory_space<vmem>>
      %dma_start3A_409 = tpu.memref_squeeze %dma_start3A_408 : memref<1x1x128x32xf32, #tpu.memory_space<vmem>> -> memref<128x32xf32, #tpu.memory_space<vmem>>
      %dma_start3A_410 = arith.constant 0 : i32
      %dma_start3A_411 = tpu.memref_slice %arg9[%dma_start3A_403, %dma_start3A_404, %dma_start3A_410] : memref<2x2x128xi32, #tpu.memory_space<vmem>> -> memref<1x1x128xi32, #tpu.memory_space<vmem>>
      %dma_start3A_412 = tpu.memref_squeeze %dma_start3A_411 : memref<1x1x128xi32, #tpu.memory_space<vmem>> -> memref<128xi32, #tpu.memory_space<vmem>>
      %dma_start3A_413 = arith.constant 0 : i32
      %dma_start3A_414 = arith.constant 0 : i32
      %dma_start3A_415 = tpu.memref_slice %arg7[%dma_start3A_413, %dma_start3A_414] : memref<50000x32xf32, #tpu.memory_space<vmem_shared>> -> memref<50000x32xf32, #tpu.memory_space<vmem_shared>>
      %dma_start3A_416 = tpu.memref_slice %arg12[%dma_start3A_405] : memref<2x!tpu.dma_semaphore, #tpu.memory_space<semaphore_mem>> -> memref<1x!tpu.dma_semaphore, #tpu.memory_space<semaphore_mem>>
      %dma_start3A_417 = tpu.memref_squeeze %dma_start3A_416 : memref<1x!tpu.dma_semaphore, #tpu.memory_space<semaphore_mem>> -> memref<!tpu.dma_semaphore, #tpu.memory_space<semaphore_mem>>
      tpu.enqueue_indirect_dma source(%dma_start3A_409 : memref<128x32xf32, #tpu.memory_space<vmem>>) target(%dma_start3A_415 : memref<50000x32xf32, #tpu.memory_space<vmem_shared>>) offsets(%dma_start3A_412 : memref<128xi32, #tpu.memory_space<vmem>>) semaphore(%dma_start3A_417 : memref<!tpu.dma_semaphore, #tpu.memory_space<semaphore_mem>>) {add = true}
    }
    %scan3A_11 = arith.constant 97 : i32
    %dma_wait3A = arith.constant 0 : i32
    %dma_wait3A_12 = arith.constant 0 : i32
    %dma_wait3A_13 = arith.constant 0 : i32
    %dma_wait3A_14 = arith.constant 0 : i32
    %dma_wait3A_15 = arith.constant 0 : i32
    %dma_wait3A_16 = arith.constant 0 : i32
    %dma_wait3A_17 = arith.constant 0 : i32
    %dma_wait3A_18 = tpu.memref_slice %arg10[%dma_wait3A, %dma_wait3A_12, %dma_wait3A_16, %dma_wait3A_17] : memref<2x2x128x32xf32, #tpu.memory_space<vmem>> -> memref<1x1x128x32xf32, #tpu.memory_space<vmem>>
    %dma_wait3A_19 = tpu.memref_squeeze %dma_wait3A_18 : memref<1x1x128x32xf32, #tpu.memory_space<vmem>> -> memref<128x32xf32, #tpu.memory_space<vmem>>
    %dma_wait3A_20 = arith.constant 0 : i32
    %dma_wait3A_21 = tpu.memref_slice %arg9[%dma_wait3A_13, %dma_wait3A_14, %dma_wait3A_20] : memref<2x2x128xi32, #tpu.memory_space<vmem>> -> memref<1x1x128xi32, #tpu.memory_space<vmem>>
    %dma_wait3A_22 = tpu.memref_squeeze %dma_wait3A_21 : memref<1x1x128xi32, #tpu.memory_space<vmem>> -> memref<128xi32, #tpu.memory_space<vmem>>
    %dma_wait3A_23 = arith.constant 0 : i32
    %dma_wait3A_24 = arith.constant 0 : i32
    %dma_wait3A_25 = tpu.memref_slice %arg7[%dma_wait3A_23, %dma_wait3A_24] : memref<50000x32xf32, #tpu.memory_space<vmem_shared>> -> memref<50000x32xf32, #tpu.memory_space<vmem_shared>>
    %dma_wait3A_26 = tpu.memref_slice %arg12[%dma_wait3A_15] : memref<2x!tpu.dma_semaphore, #tpu.memory_space<semaphore_mem>> -> memref<1x!tpu.dma_semaphore, #tpu.memory_space<semaphore_mem>>
    %dma_wait3A_27 = tpu.memref_squeeze %dma_wait3A_26 : memref<1x!tpu.dma_semaphore, #tpu.memory_space<semaphore_mem>> -> memref<!tpu.dma_semaphore, #tpu.memory_space<semaphore_mem>>
    tpu.wait_indirect_dma semaphore(%dma_wait3A_27 : memref<!tpu.dma_semaphore, #tpu.memory_space<semaphore_mem>>) src(%dma_wait3A_19 : memref<128x32xf32, #tpu.memory_space<vmem>>) dst(%dma_wait3A_25 : memref<50000x32xf32, #tpu.memory_space<vmem_shared>>)
    %dma_wait3A_28 = arith.constant 0 : i32
    %dma_wait3A_29 = arith.constant 1 : i32
    %dma_wait3A_30 = arith.constant 0 : i32
    %dma_wait3A_31 = arith.constant 1 : i32
    %dma_wait3A_32 = arith.constant 0 : i32
    %dma_wait3A_33 = arith.constant 0 : i32
    %dma_wait3A_34 = arith.constant 0 : i32
    %dma_wait3A_35 = tpu.memref_slice %arg10[%dma_wait3A_28, %dma_wait3A_29, %dma_wait3A_33, %dma_wait3A_34] : memref<2x2x128x32xf32, #tpu.memory_space<vmem>> -> memref<1x1x128x32xf32, #tpu.memory_space<vmem>>
    %dma_wait3A_36 = tpu.memref_squeeze %dma_wait3A_35 : memref<1x1x128x32xf32, #tpu.memory_space<vmem>> -> memref<128x32xf32, #tpu.memory_space<vmem>>
    %dma_wait3A_37 = arith.constant 0 : i32
    %dma_wait3A_38 = tpu.memref_slice %arg9[%dma_wait3A_30, %dma_wait3A_31, %dma_wait3A_37] : memref<2x2x128xi32, #tpu.memory_space<vmem>> -> memref<1x1x128xi32, #tpu.memory_space<vmem>>
    %dma_wait3A_39 = tpu.memref_squeeze %dma_wait3A_38 : memref<1x1x128xi32, #tpu.memory_space<vmem>> -> memref<128xi32, #tpu.memory_space<vmem>>
    %dma_wait3A_40 = arith.constant 0 : i32
    %dma_wait3A_41 = arith.constant 0 : i32
    %dma_wait3A_42 = tpu.memref_slice %arg7[%dma_wait3A_40, %dma_wait3A_41] : memref<50000x32xf32, #tpu.memory_space<vmem_shared>> -> memref<50000x32xf32, #tpu.memory_space<vmem_shared>>
    %dma_wait3A_43 = tpu.memref_slice %arg12[%dma_wait3A_32] : memref<2x!tpu.dma_semaphore, #tpu.memory_space<semaphore_mem>> -> memref<1x!tpu.dma_semaphore, #tpu.memory_space<semaphore_mem>>
    %dma_wait3A_44 = tpu.memref_squeeze %dma_wait3A_43 : memref<1x!tpu.dma_semaphore, #tpu.memory_space<semaphore_mem>> -> memref<!tpu.dma_semaphore, #tpu.memory_space<semaphore_mem>>
    tpu.wait_indirect_dma semaphore(%dma_wait3A_44 : memref<!tpu.dma_semaphore, #tpu.memory_space<semaphore_mem>>) src(%dma_wait3A_36 : memref<128x32xf32, #tpu.memory_space<vmem>>) dst(%dma_wait3A_42 : memref<50000x32xf32, #tpu.memory_space<vmem_shared>>)
    %add3A_45 = arith.constant 388 : i32
    %add3A_46 = arith.addi %add3A, %add3A_45 : i32
    %run_scoped3A = arith.constant 0 : i32
    "tpu.region"() ({
      %run_scoped3A_214 = tpu.sem_alloc : memref<!tpu.dma_semaphore, #tpu.memory_space<semaphore_mem>>
      %dma_start3A_215 = arith.constant 0 : i32
      %dma_start3A_216 = arith.constant 0 : i32
      %dma_start3A_217 = tpu.memref_slice %arg8[%run_scoped3A, %dma_start3A_215, %dma_start3A_216] : memref<2x2x128xi32, #tpu.memory_space<vmem>> -> memref<1x2x128xi32, #tpu.memory_space<vmem>>
      %dma_start3A_218 = tpu.memref_squeeze %dma_start3A_217 : memref<1x2x128xi32, #tpu.memory_space<vmem>> -> memref<2x128xi32, #tpu.memory_space<vmem>>
      %dma_start3A_219 = arith.constant 0 : i32
      %dma_start3A_220 = tpu.memref_slice %arg3[%add3A_46, %dma_start3A_219] : memref<12500x128xi32, #tpu.memory_space<hbm>> -> memref<2x128xi32, #tpu.memory_space<hbm>>
      %dma_start3A_221 = arith.constant 0 : i32
      %dma_start3A_222 = arith.constant 0 : i32
      %dma_start3A_223 = tpu.memref_slice %arg8[%run_scoped3A, %dma_start3A_221, %dma_start3A_222] : memref<2x2x128xi32, #tpu.memory_space<vmem>> -> memref<1x2x128xi32, #tpu.memory_space<vmem>>
      %dma_start3A_224 = tpu.memref_squeeze %dma_start3A_223 : memref<1x2x128xi32, #tpu.memory_space<vmem>> -> memref<2x128xi32, #tpu.memory_space<vmem>>
      %dma_start3A_225 = arith.constant 0 : i32
      %dma_start3A_226 = tpu.memref_slice %arg3[%add3A_46, %dma_start3A_225] : memref<12500x128xi32, #tpu.memory_space<hbm>> -> memref<2x128xi32, #tpu.memory_space<hbm>>
      tpu.enqueue_dma source(%dma_start3A_226 : memref<2x128xi32, #tpu.memory_space<hbm>>) target(%dma_start3A_224 : memref<2x128xi32, #tpu.memory_space<vmem>>) target_semaphore(%run_scoped3A_214 : memref<!tpu.dma_semaphore, #tpu.memory_space<semaphore_mem>>)
      %dma_wait3A_227 = arith.constant 0 : i32
      %dma_wait3A_228 = arith.constant 0 : i32
      %dma_wait3A_229 = tpu.memref_slice %arg8[%run_scoped3A, %dma_wait3A_227, %dma_wait3A_228] : memref<2x2x128xi32, #tpu.memory_space<vmem>> -> memref<1x2x128xi32, #tpu.memory_space<vmem>>
      %dma_wait3A_230 = tpu.memref_squeeze %dma_wait3A_229 : memref<1x2x128xi32, #tpu.memory_space<vmem>> -> memref<2x128xi32, #tpu.memory_space<vmem>>
      %dma_wait3A_231 = arith.constant 0 : i32
      %dma_wait3A_232 = tpu.memref_slice %arg3[%add3A_46, %dma_wait3A_231] : memref<12500x128xi32, #tpu.memory_space<hbm>> -> memref<2x128xi32, #tpu.memory_space<hbm>>
      %dma_wait3A_233 = arith.constant 0 : i32
      %dma_wait3A_234 = arith.constant 0 : i32
      %dma_wait3A_235 = tpu.memref_slice %arg8[%run_scoped3A, %dma_wait3A_233, %dma_wait3A_234] : memref<2x2x128xi32, #tpu.memory_space<vmem>> -> memref<1x2x128xi32, #tpu.memory_space<vmem>>
      %dma_wait3A_236 = tpu.memref_squeeze %dma_wait3A_235 : memref<1x2x128xi32, #tpu.memory_space<vmem>> -> memref<2x128xi32, #tpu.memory_space<vmem>>
      %dma_wait3A_237 = arith.constant 0 : i32
      %dma_wait3A_238 = tpu.memref_slice %arg3[%add3A_46, %dma_wait3A_237] : memref<12500x128xi32, #tpu.memory_space<hbm>> -> memref<2x128xi32, #tpu.memory_space<hbm>>
      tpu.wait_dma2 semaphore(%run_scoped3A_214 : memref<!tpu.dma_semaphore, #tpu.memory_space<semaphore_mem>>) src(%dma_wait3A_238 : memref<2x128xi32, #tpu.memory_space<hbm>>) dst(%dma_wait3A_236 : memref<2x128xi32, #tpu.memory_space<vmem>>)
      tpu.yield
    }) : () -> ()
    %add3A_47 = arith.constant 388 : i32
    %add3A_48 = arith.addi %mul3A_6, %add3A_47 : i32
    %run_scoped3A_49 = arith.constant 0 : i32
    "tpu.region"() ({
      %run_scoped3A_214 = tpu.sem_alloc : memref<!tpu.dma_semaphore, #tpu.memory_space<semaphore_mem>>
      %dma_start3A_215 = arith.constant 0 : i32
      %dma_start3A_216 = arith.constant 0 : i32
      %dma_start3A_217 = tpu.memref_slice %arg9[%run_scoped3A_49, %dma_start3A_215, %dma_start3A_216] : memref<2x2x128xi32, #tpu.memory_space<vmem>> -> memref<1x2x128xi32, #tpu.memory_space<vmem>>
      %dma_start3A_218 = tpu.memref_squeeze %dma_start3A_217 : memref<1x2x128xi32, #tpu.memory_space<vmem>> -> memref<2x128xi32, #tpu.memory_space<vmem>>
      %dma_start3A_219 = arith.constant 0 : i32
      %dma_start3A_220 = tpu.memref_slice %arg4[%add3A_48, %dma_start3A_219] : memref<6250x128xi32, #tpu.memory_space<hbm>> -> memref<2x128xi32, #tpu.memory_space<hbm>>
      %dma_start3A_221 = arith.constant 0 : i32
      %dma_start3A_222 = arith.constant 0 : i32
      %dma_start3A_223 = tpu.memref_slice %arg9[%run_scoped3A_49, %dma_start3A_221, %dma_start3A_222] : memref<2x2x128xi32, #tpu.memory_space<vmem>> -> memref<1x2x128xi32, #tpu.memory_space<vmem>>
      %dma_start3A_224 = tpu.memref_squeeze %dma_start3A_223 : memref<1x2x128xi32, #tpu.memory_space<vmem>> -> memref<2x128xi32, #tpu.memory_space<vmem>>
      %dma_start3A_225 = arith.constant 0 : i32
      %dma_start3A_226 = tpu.memref_slice %arg4[%add3A_48, %dma_start3A_225] : memref<6250x128xi32, #tpu.memory_space<hbm>> -> memref<2x128xi32, #tpu.memory_space<hbm>>
      tpu.enqueue_dma source(%dma_start3A_226 : memref<2x128xi32, #tpu.memory_space<hbm>>) target(%dma_start3A_224 : memref<2x128xi32, #tpu.memory_space<vmem>>) target_semaphore(%run_scoped3A_214 : memref<!tpu.dma_semaphore, #tpu.memory_space<semaphore_mem>>)
      %dma_wait3A_227 = arith.constant 0 : i32
      %dma_wait3A_228 = arith.constant 0 : i32
      %dma_wait3A_229 = tpu.memref_slice %arg9[%run_scoped3A_49, %dma_wait3A_227, %dma_wait3A_228] : memref<2x2x128xi32, #tpu.memory_space<vmem>> -> memref<1x2x128xi32, #tpu.memory_space<vmem>>
      %dma_wait3A_230 = tpu.memref_squeeze %dma_wait3A_229 : memref<1x2x128xi32, #tpu.memory_space<vmem>> -> memref<2x128xi32, #tpu.memory_space<vmem>>
      %dma_wait3A_231 = arith.constant 0 : i32
      %dma_wait3A_232 = tpu.memref_slice %arg4[%add3A_48, %dma_wait3A_231] : memref<6250x128xi32, #tpu.memory_space<hbm>> -> memref<2x128xi32, #tpu.memory_space<hbm>>
      %dma_wait3A_233 = arith.constant 0 : i32
      %dma_wait3A_234 = arith.constant 0 : i32
      %dma_wait3A_235 = tpu.memref_slice %arg9[%run_scoped3A_49, %dma_wait3A_233, %dma_wait3A_234] : memref<2x2x128xi32, #tpu.memory_space<vmem>> -> memref<1x2x128xi32, #tpu.memory_space<vmem>>
      %dma_wait3A_236 = tpu.memref_squeeze %dma_wait3A_235 : memref<1x2x128xi32, #tpu.memory_space<vmem>> -> memref<2x128xi32, #tpu.memory_space<vmem>>
      %dma_wait3A_237 = arith.constant 0 : i32
      %dma_wait3A_238 = tpu.memref_slice %arg4[%add3A_48, %dma_wait3A_237] : memref<6250x128xi32, #tpu.memory_space<hbm>> -> memref<2x128xi32, #tpu.memory_space<hbm>>
      tpu.wait_dma2 semaphore(%run_scoped3A_214 : memref<!tpu.dma_semaphore, #tpu.memory_space<semaphore_mem>>) src(%dma_wait3A_238 : memref<2x128xi32, #tpu.memory_space<hbm>>) dst(%dma_wait3A_236 : memref<2x128xi32, #tpu.memory_space<vmem>>)
      tpu.yield
    }) : () -> ()
    %dma_start3A = arith.constant 0 : i32
    %dma_start3A_50 = arith.constant 0 : i32
    %dma_start3A_51 = arith.constant 0 : i32
    %dma_start3A_52 = arith.constant 0 : i32
    %dma_start3A_53 = arith.constant 0 : i32
    %dma_start3A_54 = arith.constant 0 : i32
    %dma_start3A_55 = tpu.memref_slice %arg10[%dma_start3A_51, %dma_start3A_52, %dma_start3A_53, %dma_start3A_54] : memref<2x2x128x32xf32, #tpu.memory_space<vmem>> -> memref<1x1x128x32xf32, #tpu.memory_space<vmem>>
    %dma_start3A_56 = tpu.memref_squeeze %dma_start3A_55 : memref<1x1x128x32xf32, #tpu.memory_space<vmem>> -> memref<128x32xf32, #tpu.memory_space<vmem>>
    %dma_start3A_57 = arith.constant 0 : i32
    %dma_start3A_58 = tpu.memref_slice %arg8[%dma_start3A, %dma_start3A_50, %dma_start3A_57] : memref<2x2x128xi32, #tpu.memory_space<vmem>> -> memref<1x1x128xi32, #tpu.memory_space<vmem>>
    %dma_start3A_59 = tpu.memref_squeeze %dma_start3A_58 : memref<1x1x128xi32, #tpu.memory_space<vmem>> -> memref<128xi32, #tpu.memory_space<vmem>>
    %dma_start3A_60 = arith.constant 0 : i32
    %dma_start3A_61 = arith.constant 0 : i32
    %dma_start3A_62 = tpu.memref_slice %arg2[%dma_start3A_60, %dma_start3A_61] : memref<100000x32xf32, #tpu.memory_space<hbm>> -> memref<100000x32xf32, #tpu.memory_space<hbm>>
    tpu.enqueue_indirect_dma source(%dma_start3A_62 : memref<100000x32xf32, #tpu.memory_space<hbm>>) target(%dma_start3A_56 : memref<128x32xf32, #tpu.memory_space<vmem>>) offsets(%dma_start3A_59 : memref<128xi32, #tpu.memory_space<vmem>>) semaphore(%arg11 : memref<!tpu.dma_semaphore, #tpu.memory_space<semaphore_mem>>)
    %dma_start3A_63 = arith.constant 0 : i32
    %dma_start3A_64 = arith.constant 1 : i32
    %dma_start3A_65 = arith.constant 0 : i32
    %dma_start3A_66 = arith.constant 1 : i32
    %dma_start3A_67 = arith.constant 0 : i32
    %dma_start3A_68 = arith.constant 0 : i32
    %dma_start3A_69 = tpu.memref_slice %arg10[%dma_start3A_65, %dma_start3A_66, %dma_start3A_67, %dma_start3A_68] : memref<2x2x128x32xf32, #tpu.memory_space<vmem>> -> memref<1x1x128x32xf32, #tpu.memory_space<vmem>>
    %dma_start3A_70 = tpu.memref_squeeze %dma_start3A_69 : memref<1x1x128x32xf32, #tpu.memory_space<vmem>> -> memref<128x32xf32, #tpu.memory_space<vmem>>
    %dma_start3A_71 = arith.constant 0 : i32
    %dma_start3A_72 = tpu.memref_slice %arg8[%dma_start3A_63, %dma_start3A_64, %dma_start3A_71] : memref<2x2x128xi32, #tpu.memory_space<vmem>> -> memref<1x1x128xi32, #tpu.memory_space<vmem>>
    %dma_start3A_73 = tpu.memref_squeeze %dma_start3A_72 : memref<1x1x128xi32, #tpu.memory_space<vmem>> -> memref<128xi32, #tpu.memory_space<vmem>>
    %dma_start3A_74 = arith.constant 0 : i32
    %dma_start3A_75 = arith.constant 0 : i32
    %dma_start3A_76 = tpu.memref_slice %arg2[%dma_start3A_74, %dma_start3A_75] : memref<100000x32xf32, #tpu.memory_space<hbm>> -> memref<100000x32xf32, #tpu.memory_space<hbm>>
    tpu.enqueue_indirect_dma source(%dma_start3A_76 : memref<100000x32xf32, #tpu.memory_space<hbm>>) target(%dma_start3A_70 : memref<128x32xf32, #tpu.memory_space<vmem>>) offsets(%dma_start3A_73 : memref<128xi32, #tpu.memory_space<vmem>>) semaphore(%arg11 : memref<!tpu.dma_semaphore, #tpu.memory_space<semaphore_mem>>)
    %dma_wait3A_77 = arith.constant 0 : i32
    %dma_wait3A_78 = arith.constant 0 : i32
    %dma_wait3A_79 = arith.constant 0 : i32
    %dma_wait3A_80 = arith.constant 0 : i32
    %dma_wait3A_81 = arith.constant 0 : i32
    %dma_wait3A_82 = arith.constant 0 : i32
    %dma_wait3A_83 = tpu.memref_slice %arg10[%dma_wait3A_79, %dma_wait3A_80, %dma_wait3A_81, %dma_wait3A_82] : memref<2x2x128x32xf32, #tpu.memory_space<vmem>> -> memref<1x1x128x32xf32, #tpu.memory_space<vmem>>
    %dma_wait3A_84 = tpu.memref_squeeze %dma_wait3A_83 : memref<1x1x128x32xf32, #tpu.memory_space<vmem>> -> memref<128x32xf32, #tpu.memory_space<vmem>>
    %dma_wait3A_85 = arith.constant 0 : i32
    %dma_wait3A_86 = tpu.memref_slice %arg8[%dma_wait3A_77, %dma_wait3A_78, %dma_wait3A_85] : memref<2x2x128xi32, #tpu.memory_space<vmem>> -> memref<1x1x128xi32, #tpu.memory_space<vmem>>
    %dma_wait3A_87 = tpu.memref_squeeze %dma_wait3A_86 : memref<1x1x128xi32, #tpu.memory_space<vmem>> -> memref<128xi32, #tpu.memory_space<vmem>>
    %dma_wait3A_88 = arith.constant 0 : i32
    %dma_wait3A_89 = arith.constant 0 : i32
    %dma_wait3A_90 = tpu.memref_slice %arg2[%dma_wait3A_88, %dma_wait3A_89] : memref<100000x32xf32, #tpu.memory_space<hbm>> -> memref<100000x32xf32, #tpu.memory_space<hbm>>
    tpu.wait_indirect_dma semaphore(%arg11 : memref<!tpu.dma_semaphore, #tpu.memory_space<semaphore_mem>>) src(%dma_wait3A_90 : memref<100000x32xf32, #tpu.memory_space<hbm>>) dst(%dma_wait3A_84 : memref<128x32xf32, #tpu.memory_space<vmem>>)
    %dma_wait3A_91 = arith.constant 0 : i32
    %dma_wait3A_92 = arith.constant 1 : i32
    %dma_wait3A_93 = arith.constant 0 : i32
    %dma_wait3A_94 = arith.constant 1 : i32
    %dma_wait3A_95 = arith.constant 0 : i32
    %dma_wait3A_96 = arith.constant 0 : i32
    %dma_wait3A_97 = tpu.memref_slice %arg10[%dma_wait3A_93, %dma_wait3A_94, %dma_wait3A_95, %dma_wait3A_96] : memref<2x2x128x32xf32, #tpu.memory_space<vmem>> -> memref<1x1x128x32xf32, #tpu.memory_space<vmem>>
    %dma_wait3A_98 = tpu.memref_squeeze %dma_wait3A_97 : memref<1x1x128x32xf32, #tpu.memory_space<vmem>> -> memref<128x32xf32, #tpu.memory_space<vmem>>
    %dma_wait3A_99 = arith.constant 0 : i32
    %dma_wait3A_100 = tpu.memref_slice %arg8[%dma_wait3A_91, %dma_wait3A_92, %dma_wait3A_99] : memref<2x2x128xi32, #tpu.memory_space<vmem>> -> memref<1x1x128xi32, #tpu.memory_space<vmem>>
    %dma_wait3A_101 = tpu.memref_squeeze %dma_wait3A_100 : memref<1x1x128xi32, #tpu.memory_space<vmem>> -> memref<128xi32, #tpu.memory_space<vmem>>
    %dma_wait3A_102 = arith.constant 0 : i32
    %dma_wait3A_103 = arith.constant 0 : i32
    %dma_wait3A_104 = tpu.memref_slice %arg2[%dma_wait3A_102, %dma_wait3A_103] : memref<100000x32xf32, #tpu.memory_space<hbm>> -> memref<100000x32xf32, #tpu.memory_space<hbm>>
    tpu.wait_indirect_dma semaphore(%arg11 : memref<!tpu.dma_semaphore, #tpu.memory_space<semaphore_mem>>) src(%dma_wait3A_104 : memref<100000x32xf32, #tpu.memory_space<hbm>>) dst(%dma_wait3A_98 : memref<128x32xf32, #tpu.memory_space<vmem>>)
    %dma_start3A_105 = arith.constant 0 : i32
    %dma_start3A_106 = arith.constant 0 : i32
    %dma_start3A_107 = arith.constant 0 : i32
    %dma_start3A_108 = arith.constant 0 : i32
    %dma_start3A_109 = arith.constant 0 : i32
    %dma_start3A_110 = arith.constant 0 : i32
    %dma_start3A_111 = arith.constant 0 : i32
    %dma_start3A_112 = tpu.memref_slice %arg10[%dma_start3A_105, %dma_start3A_106, %dma_start3A_110, %dma_start3A_111] : memref<2x2x128x32xf32, #tpu.memory_space<vmem>> -> memref<1x1x128x32xf32, #tpu.memory_space<vmem>>
    %dma_start3A_113 = tpu.memref_squeeze %dma_start3A_112 : memref<1x1x128x32xf32, #tpu.memory_space<vmem>> -> memref<128x32xf32, #tpu.memory_space<vmem>>
    %dma_start3A_114 = arith.constant 0 : i32
    %dma_start3A_115 = tpu.memref_slice %arg9[%dma_start3A_107, %dma_start3A_108, %dma_start3A_114] : memref<2x2x128xi32, #tpu.memory_space<vmem>> -> memref<1x1x128xi32, #tpu.memory_space<vmem>>
    %dma_start3A_116 = tpu.memref_squeeze %dma_start3A_115 : memref<1x1x128xi32, #tpu.memory_space<vmem>> -> memref<128xi32, #tpu.memory_space<vmem>>
    %dma_start3A_117 = arith.constant 0 : i32
    %dma_start3A_118 = arith.constant 0 : i32
    %dma_start3A_119 = tpu.memref_slice %arg7[%dma_start3A_117, %dma_start3A_118] : memref<50000x32xf32, #tpu.memory_space<vmem_shared>> -> memref<50000x32xf32, #tpu.memory_space<vmem_shared>>
    %dma_start3A_120 = tpu.memref_slice %arg12[%dma_start3A_109] : memref<2x!tpu.dma_semaphore, #tpu.memory_space<semaphore_mem>> -> memref<1x!tpu.dma_semaphore, #tpu.memory_space<semaphore_mem>>
    %dma_start3A_121 = tpu.memref_squeeze %dma_start3A_120 : memref<1x!tpu.dma_semaphore, #tpu.memory_space<semaphore_mem>> -> memref<!tpu.dma_semaphore, #tpu.memory_space<semaphore_mem>>
    tpu.enqueue_indirect_dma source(%dma_start3A_113 : memref<128x32xf32, #tpu.memory_space<vmem>>) target(%dma_start3A_119 : memref<50000x32xf32, #tpu.memory_space<vmem_shared>>) offsets(%dma_start3A_116 : memref<128xi32, #tpu.memory_space<vmem>>) semaphore(%dma_start3A_121 : memref<!tpu.dma_semaphore, #tpu.memory_space<semaphore_mem>>) {add = true}
    %dma_start3A_122 = arith.constant 0 : i32
    %dma_start3A_123 = arith.constant 1 : i32
    %dma_start3A_124 = arith.constant 0 : i32
    %dma_start3A_125 = arith.constant 1 : i32
    %dma_start3A_126 = arith.constant 0 : i32
    %dma_start3A_127 = arith.constant 0 : i32
    %dma_start3A_128 = arith.constant 0 : i32
    %dma_start3A_129 = tpu.memref_slice %arg10[%dma_start3A_122, %dma_start3A_123, %dma_start3A_127, %dma_start3A_128] : memref<2x2x128x32xf32, #tpu.memory_space<vmem>> -> memref<1x1x128x32xf32, #tpu.memory_space<vmem>>
    %dma_start3A_130 = tpu.memref_squeeze %dma_start3A_129 : memref<1x1x128x32xf32, #tpu.memory_space<vmem>> -> memref<128x32xf32, #tpu.memory_space<vmem>>
    %dma_start3A_131 = arith.constant 0 : i32
    %dma_start3A_132 = tpu.memref_slice %arg9[%dma_start3A_124, %dma_start3A_125, %dma_start3A_131] : memref<2x2x128xi32, #tpu.memory_space<vmem>> -> memref<1x1x128xi32, #tpu.memory_space<vmem>>
    %dma_start3A_133 = tpu.memref_squeeze %dma_start3A_132 : memref<1x1x128xi32, #tpu.memory_space<vmem>> -> memref<128xi32, #tpu.memory_space<vmem>>
    %dma_start3A_134 = arith.constant 0 : i32
    %dma_start3A_135 = arith.constant 0 : i32
    %dma_start3A_136 = tpu.memref_slice %arg7[%dma_start3A_134, %dma_start3A_135] : memref<50000x32xf32, #tpu.memory_space<vmem_shared>> -> memref<50000x32xf32, #tpu.memory_space<vmem_shared>>
    %dma_start3A_137 = tpu.memref_slice %arg12[%dma_start3A_126] : memref<2x!tpu.dma_semaphore, #tpu.memory_space<semaphore_mem>> -> memref<1x!tpu.dma_semaphore, #tpu.memory_space<semaphore_mem>>
    %dma_start3A_138 = tpu.memref_squeeze %dma_start3A_137 : memref<1x!tpu.dma_semaphore, #tpu.memory_space<semaphore_mem>> -> memref<!tpu.dma_semaphore, #tpu.memory_space<semaphore_mem>>
    tpu.enqueue_indirect_dma source(%dma_start3A_130 : memref<128x32xf32, #tpu.memory_space<vmem>>) target(%dma_start3A_136 : memref<50000x32xf32, #tpu.memory_space<vmem_shared>>) offsets(%dma_start3A_133 : memref<128xi32, #tpu.memory_space<vmem>>) semaphore(%dma_start3A_138 : memref<!tpu.dma_semaphore, #tpu.memory_space<semaphore_mem>>) {add = true}
    %dma_wait3A_139 = arith.constant 0 : i32
    %dma_wait3A_140 = arith.constant 0 : i32
    %dma_wait3A_141 = arith.constant 0 : i32
    %dma_wait3A_142 = arith.constant 0 : i32
    %dma_wait3A_143 = arith.constant 0 : i32
    %dma_wait3A_144 = arith.constant 0 : i32
    %dma_wait3A_145 = arith.constant 0 : i32
    %dma_wait3A_146 = tpu.memref_slice %arg10[%dma_wait3A_139, %dma_wait3A_140, %dma_wait3A_144, %dma_wait3A_145] : memref<2x2x128x32xf32, #tpu.memory_space<vmem>> -> memref<1x1x128x32xf32, #tpu.memory_space<vmem>>
    %dma_wait3A_147 = tpu.memref_squeeze %dma_wait3A_146 : memref<1x1x128x32xf32, #tpu.memory_space<vmem>> -> memref<128x32xf32, #tpu.memory_space<vmem>>
    %dma_wait3A_148 = arith.constant 0 : i32
    %dma_wait3A_149 = tpu.memref_slice %arg9[%dma_wait3A_141, %dma_wait3A_142, %dma_wait3A_148] : memref<2x2x128xi32, #tpu.memory_space<vmem>> -> memref<1x1x128xi32, #tpu.memory_space<vmem>>
    %dma_wait3A_150 = tpu.memref_squeeze %dma_wait3A_149 : memref<1x1x128xi32, #tpu.memory_space<vmem>> -> memref<128xi32, #tpu.memory_space<vmem>>
    %dma_wait3A_151 = arith.constant 0 : i32
    %dma_wait3A_152 = arith.constant 0 : i32
    %dma_wait3A_153 = tpu.memref_slice %arg7[%dma_wait3A_151, %dma_wait3A_152] : memref<50000x32xf32, #tpu.memory_space<vmem_shared>> -> memref<50000x32xf32, #tpu.memory_space<vmem_shared>>
    %dma_wait3A_154 = tpu.memref_slice %arg12[%dma_wait3A_143] : memref<2x!tpu.dma_semaphore, #tpu.memory_space<semaphore_mem>> -> memref<1x!tpu.dma_semaphore, #tpu.memory_space<semaphore_mem>>
    %dma_wait3A_155 = tpu.memref_squeeze %dma_wait3A_154 : memref<1x!tpu.dma_semaphore, #tpu.memory_space<semaphore_mem>> -> memref<!tpu.dma_semaphore, #tpu.memory_space<semaphore_mem>>
    tpu.wait_indirect_dma semaphore(%dma_wait3A_155 : memref<!tpu.dma_semaphore, #tpu.memory_space<semaphore_mem>>) src(%dma_wait3A_147 : memref<128x32xf32, #tpu.memory_space<vmem>>) dst(%dma_wait3A_153 : memref<50000x32xf32, #tpu.memory_space<vmem_shared>>)
    %dma_wait3A_156 = arith.constant 0 : i32
    %dma_wait3A_157 = arith.constant 1 : i32
    %dma_wait3A_158 = arith.constant 0 : i32
    %dma_wait3A_159 = arith.constant 1 : i32
    %dma_wait3A_160 = arith.constant 0 : i32
    %dma_wait3A_161 = arith.constant 0 : i32
    %dma_wait3A_162 = arith.constant 0 : i32
    %dma_wait3A_163 = tpu.memref_slice %arg10[%dma_wait3A_156, %dma_wait3A_157, %dma_wait3A_161, %dma_wait3A_162] : memref<2x2x128x32xf32, #tpu.memory_space<vmem>> -> memref<1x1x128x32xf32, #tpu.memory_space<vmem>>
    %dma_wait3A_164 = tpu.memref_squeeze %dma_wait3A_163 : memref<1x1x128x32xf32, #tpu.memory_space<vmem>> -> memref<128x32xf32, #tpu.memory_space<vmem>>
    %dma_wait3A_165 = arith.constant 0 : i32
    %dma_wait3A_166 = tpu.memref_slice %arg9[%dma_wait3A_158, %dma_wait3A_159, %dma_wait3A_165] : memref<2x2x128xi32, #tpu.memory_space<vmem>> -> memref<1x1x128xi32, #tpu.memory_space<vmem>>
    %dma_wait3A_167 = tpu.memref_squeeze %dma_wait3A_166 : memref<1x1x128xi32, #tpu.memory_space<vmem>> -> memref<128xi32, #tpu.memory_space<vmem>>
    %dma_wait3A_168 = arith.constant 0 : i32
    %dma_wait3A_169 = arith.constant 0 : i32
    %dma_wait3A_170 = tpu.memref_slice %arg7[%dma_wait3A_168, %dma_wait3A_169] : memref<50000x32xf32, #tpu.memory_space<vmem_shared>> -> memref<50000x32xf32, #tpu.memory_space<vmem_shared>>
    %dma_wait3A_171 = tpu.memref_slice %arg12[%dma_wait3A_160] : memref<2x!tpu.dma_semaphore, #tpu.memory_space<semaphore_mem>> -> memref<1x!tpu.dma_semaphore, #tpu.memory_space<semaphore_mem>>
    %dma_wait3A_172 = tpu.memref_squeeze %dma_wait3A_171 : memref<1x!tpu.dma_semaphore, #tpu.memory_space<semaphore_mem>> -> memref<!tpu.dma_semaphore, #tpu.memory_space<semaphore_mem>>
    tpu.wait_indirect_dma semaphore(%dma_wait3A_172 : memref<!tpu.dma_semaphore, #tpu.memory_space<semaphore_mem>>) src(%dma_wait3A_164 : memref<128x32xf32, #tpu.memory_space<vmem>>) dst(%dma_wait3A_170 : memref<50000x32xf32, #tpu.memory_space<vmem_shared>>)
    %dma_wait3A_173 = arith.constant 1 : i32
    %dma_wait3A_174 = arith.constant 0 : i32
    %dma_wait3A_175 = arith.constant 1 : i32
    %dma_wait3A_176 = arith.constant 0 : i32
    %dma_wait3A_177 = arith.constant 1 : i32
    %dma_wait3A_178 = arith.constant 0 : i32
    %dma_wait3A_179 = arith.constant 0 : i32
    %dma_wait3A_180 = tpu.memref_slice %arg10[%dma_wait3A_173, %dma_wait3A_174, %dma_wait3A_178, %dma_wait3A_179] : memref<2x2x128x32xf32, #tpu.memory_space<vmem>> -> memref<1x1x128x32xf32, #tpu.memory_space<vmem>>
    %dma_wait3A_181 = tpu.memref_squeeze %dma_wait3A_180 : memref<1x1x128x32xf32, #tpu.memory_space<vmem>> -> memref<128x32xf32, #tpu.memory_space<vmem>>
    %dma_wait3A_182 = arith.constant 0 : i32
    %dma_wait3A_183 = tpu.memref_slice %arg9[%dma_wait3A_175, %dma_wait3A_176, %dma_wait3A_182] : memref<2x2x128xi32, #tpu.memory_space<vmem>> -> memref<1x1x128xi32, #tpu.memory_space<vmem>>
    %dma_wait3A_184 = tpu.memref_squeeze %dma_wait3A_183 : memref<1x1x128xi32, #tpu.memory_space<vmem>> -> memref<128xi32, #tpu.memory_space<vmem>>
    %dma_wait3A_185 = arith.constant 0 : i32
    %dma_wait3A_186 = arith.constant 0 : i32
    %dma_wait3A_187 = tpu.memref_slice %arg7[%dma_wait3A_185, %dma_wait3A_186] : memref<50000x32xf32, #tpu.memory_space<vmem_shared>> -> memref<50000x32xf32, #tpu.memory_space<vmem_shared>>
    %dma_wait3A_188 = tpu.memref_slice %arg12[%dma_wait3A_177] : memref<2x!tpu.dma_semaphore, #tpu.memory_space<semaphore_mem>> -> memref<1x!tpu.dma_semaphore, #tpu.memory_space<semaphore_mem>>
    %dma_wait3A_189 = tpu.memref_squeeze %dma_wait3A_188 : memref<1x!tpu.dma_semaphore, #tpu.memory_space<semaphore_mem>> -> memref<!tpu.dma_semaphore, #tpu.memory_space<semaphore_mem>>
    tpu.wait_indirect_dma semaphore(%dma_wait3A_189 : memref<!tpu.dma_semaphore, #tpu.memory_space<semaphore_mem>>) src(%dma_wait3A_181 : memref<128x32xf32, #tpu.memory_space<vmem>>) dst(%dma_wait3A_187 : memref<50000x32xf32, #tpu.memory_space<vmem_shared>>)
    %dma_wait3A_190 = arith.constant 1 : i32
    %dma_wait3A_191 = arith.constant 1 : i32
    %dma_wait3A_192 = arith.constant 1 : i32
    %dma_wait3A_193 = arith.constant 1 : i32
    %dma_wait3A_194 = arith.constant 1 : i32
    %dma_wait3A_195 = arith.constant 0 : i32
    %dma_wait3A_196 = arith.constant 0 : i32
    %dma_wait3A_197 = tpu.memref_slice %arg10[%dma_wait3A_190, %dma_wait3A_191, %dma_wait3A_195, %dma_wait3A_196] : memref<2x2x128x32xf32, #tpu.memory_space<vmem>> -> memref<1x1x128x32xf32, #tpu.memory_space<vmem>>
    %dma_wait3A_198 = tpu.memref_squeeze %dma_wait3A_197 : memref<1x1x128x32xf32, #tpu.memory_space<vmem>> -> memref<128x32xf32, #tpu.memory_space<vmem>>
    %dma_wait3A_199 = arith.constant 0 : i32
    %dma_wait3A_200 = tpu.memref_slice %arg9[%dma_wait3A_192, %dma_wait3A_193, %dma_wait3A_199] : memref<2x2x128xi32, #tpu.memory_space<vmem>> -> memref<1x1x128xi32, #tpu.memory_space<vmem>>
    %dma_wait3A_201 = tpu.memref_squeeze %dma_wait3A_200 : memref<1x1x128xi32, #tpu.memory_space<vmem>> -> memref<128xi32, #tpu.memory_space<vmem>>
    %dma_wait3A_202 = arith.constant 0 : i32
    %dma_wait3A_203 = arith.constant 0 : i32
    %dma_wait3A_204 = tpu.memref_slice %arg7[%dma_wait3A_202, %dma_wait3A_203] : memref<50000x32xf32, #tpu.memory_space<vmem_shared>> -> memref<50000x32xf32, #tpu.memory_space<vmem_shared>>
    %dma_wait3A_205 = tpu.memref_slice %arg12[%dma_wait3A_194] : memref<2x!tpu.dma_semaphore, #tpu.memory_space<semaphore_mem>> -> memref<1x!tpu.dma_semaphore, #tpu.memory_space<semaphore_mem>>
    %dma_wait3A_206 = tpu.memref_squeeze %dma_wait3A_205 : memref<1x!tpu.dma_semaphore, #tpu.memory_space<semaphore_mem>> -> memref<!tpu.dma_semaphore, #tpu.memory_space<semaphore_mem>>
    tpu.wait_indirect_dma semaphore(%dma_wait3A_206 : memref<!tpu.dma_semaphore, #tpu.memory_space<semaphore_mem>>) src(%dma_wait3A_198 : memref<128x32xf32, #tpu.memory_space<vmem>>) dst(%dma_wait3A_204 : memref<50000x32xf32, #tpu.memory_space<vmem_shared>>)
    %lt3A = arith.constant 10 : i32
    %lt3A_207 = arith.cmpi slt, %arg1, %lt3A : i32
    %convert_element_type3A = arith.extui %lt3A_207 : i1 to i32
    %cond3A = arith.constant 0 : i32
    %cond3A_208 = arith.cmpi ne, %convert_element_type3A, %cond3A : i32
    scf.if %cond3A_208 {
      %mul3A_214 = arith.constant 6250 : i32
      %mul3A_215 = arith.muli %arg0, %mul3A_214 : i32
      %add3A_216 = arith.constant 6240 : i32
      %add3A_217 = arith.addi %mul3A_215, %add3A_216 : i32
      %add3A_218 = arith.addi %add3A_217, %arg1 : i32
      %add3A_219 = arith.constant 6240 : i32
      %add3A_220 = arith.addi %add3A_219, %arg1 : i32
      %run_scoped3A_221 = arith.constant 0 : i32
      "tpu.region"() ({
        %run_scoped3A_255 = tpu.sem_alloc : memref<!tpu.dma_semaphore, #tpu.memory_space<semaphore_mem>>
        %dma_start3A_256 = arith.constant 0 : i32
        %dma_start3A_257 = arith.constant 0 : i32
        %dma_start3A_258 = tpu.memref_slice %arg8[%run_scoped3A_221, %dma_start3A_256, %dma_start3A_257] : memref<2x2x128xi32, #tpu.memory_space<vmem>> -> memref<1x1x128xi32, #tpu.memory_space<vmem>>
        %dma_start3A_259 = tpu.memref_squeeze %dma_start3A_258 : memref<1x1x128xi32, #tpu.memory_space<vmem>> -> memref<1x128xi32, #tpu.memory_space<vmem>>
        %dma_start3A_260 = arith.constant 0 : i32
        %dma_start3A_261 = tpu.memref_slice %arg3[%add3A_218, %dma_start3A_260] : memref<12500x128xi32, #tpu.memory_space<hbm>> -> memref<1x128xi32, #tpu.memory_space<hbm>>
        %dma_start3A_262 = arith.constant 0 : i32
        %dma_start3A_263 = arith.constant 0 : i32
        %dma_start3A_264 = tpu.memref_slice %arg8[%run_scoped3A_221, %dma_start3A_262, %dma_start3A_263] : memref<2x2x128xi32, #tpu.memory_space<vmem>> -> memref<1x1x128xi32, #tpu.memory_space<vmem>>
        %dma_start3A_265 = tpu.memref_squeeze %dma_start3A_264 : memref<1x1x128xi32, #tpu.memory_space<vmem>> -> memref<1x128xi32, #tpu.memory_space<vmem>>
        %dma_start3A_266 = arith.constant 0 : i32
        %dma_start3A_267 = tpu.memref_slice %arg3[%add3A_218, %dma_start3A_266] : memref<12500x128xi32, #tpu.memory_space<hbm>> -> memref<1x128xi32, #tpu.memory_space<hbm>>
        tpu.enqueue_dma source(%dma_start3A_267 : memref<1x128xi32, #tpu.memory_space<hbm>>) target(%dma_start3A_265 : memref<1x128xi32, #tpu.memory_space<vmem>>) target_semaphore(%run_scoped3A_255 : memref<!tpu.dma_semaphore, #tpu.memory_space<semaphore_mem>>)
        %dma_wait3A_268 = arith.constant 0 : i32
        %dma_wait3A_269 = arith.constant 0 : i32
        %dma_wait3A_270 = tpu.memref_slice %arg8[%run_scoped3A_221, %dma_wait3A_268, %dma_wait3A_269] : memref<2x2x128xi32, #tpu.memory_space<vmem>> -> memref<1x1x128xi32, #tpu.memory_space<vmem>>
        %dma_wait3A_271 = tpu.memref_squeeze %dma_wait3A_270 : memref<1x1x128xi32, #tpu.memory_space<vmem>> -> memref<1x128xi32, #tpu.memory_space<vmem>>
        %dma_wait3A_272 = arith.constant 0 : i32
        %dma_wait3A_273 = tpu.memref_slice %arg3[%add3A_218, %dma_wait3A_272] : memref<12500x128xi32, #tpu.memory_space<hbm>> -> memref<1x128xi32, #tpu.memory_space<hbm>>
        %dma_wait3A_274 = arith.constant 0 : i32
        %dma_wait3A_275 = arith.constant 0 : i32
        %dma_wait3A_276 = tpu.memref_slice %arg8[%run_scoped3A_221, %dma_wait3A_274, %dma_wait3A_275] : memref<2x2x128xi32, #tpu.memory_space<vmem>> -> memref<1x1x128xi32, #tpu.memory_space<vmem>>
        %dma_wait3A_277 = tpu.memref_squeeze %dma_wait3A_276 : memref<1x1x128xi32, #tpu.memory_space<vmem>> -> memref<1x128xi32, #tpu.memory_space<vmem>>
        %dma_wait3A_278 = arith.constant 0 : i32
        %dma_wait3A_279 = tpu.memref_slice %arg3[%add3A_218, %dma_wait3A_278] : memref<12500x128xi32, #tpu.memory_space<hbm>> -> memref<1x128xi32, #tpu.memory_space<hbm>>
        tpu.wait_dma2 semaphore(%run_scoped3A_255 : memref<!tpu.dma_semaphore, #tpu.memory_space<semaphore_mem>>) src(%dma_wait3A_279 : memref<1x128xi32, #tpu.memory_space<hbm>>) dst(%dma_wait3A_277 : memref<1x128xi32, #tpu.memory_space<vmem>>)
        tpu.yield
      }) : () -> ()
      %run_scoped3A_222 = arith.constant 0 : i32
      "tpu.region"() ({
        %run_scoped3A_255 = tpu.sem_alloc : memref<!tpu.dma_semaphore, #tpu.memory_space<semaphore_mem>>
        %dma_start3A_256 = arith.constant 0 : i32
        %dma_start3A_257 = arith.constant 0 : i32
        %dma_start3A_258 = tpu.memref_slice %arg9[%run_scoped3A_222, %dma_start3A_256, %dma_start3A_257] : memref<2x2x128xi32, #tpu.memory_space<vmem>> -> memref<1x1x128xi32, #tpu.memory_space<vmem>>
        %dma_start3A_259 = tpu.memref_squeeze %dma_start3A_258 : memref<1x1x128xi32, #tpu.memory_space<vmem>> -> memref<1x128xi32, #tpu.memory_space<vmem>>
        %dma_start3A_260 = arith.constant 0 : i32
        %dma_start3A_261 = tpu.memref_slice %arg4[%add3A_220, %dma_start3A_260] : memref<6250x128xi32, #tpu.memory_space<hbm>> -> memref<1x128xi32, #tpu.memory_space<hbm>>
        %dma_start3A_262 = arith.constant 0 : i32
        %dma_start3A_263 = arith.constant 0 : i32
        %dma_start3A_264 = tpu.memref_slice %arg9[%run_scoped3A_222, %dma_start3A_262, %dma_start3A_263] : memref<2x2x128xi32, #tpu.memory_space<vmem>> -> memref<1x1x128xi32, #tpu.memory_space<vmem>>
        %dma_start3A_265 = tpu.memref_squeeze %dma_start3A_264 : memref<1x1x128xi32, #tpu.memory_space<vmem>> -> memref<1x128xi32, #tpu.memory_space<vmem>>
        %dma_start3A_266 = arith.constant 0 : i32
        %dma_start3A_267 = tpu.memref_slice %arg4[%add3A_220, %dma_start3A_266] : memref<6250x128xi32, #tpu.memory_space<hbm>> -> memref<1x128xi32, #tpu.memory_space<hbm>>
        tpu.enqueue_dma source(%dma_start3A_267 : memref<1x128xi32, #tpu.memory_space<hbm>>) target(%dma_start3A_265 : memref<1x128xi32, #tpu.memory_space<vmem>>) target_semaphore(%run_scoped3A_255 : memref<!tpu.dma_semaphore, #tpu.memory_space<semaphore_mem>>)
        %dma_wait3A_268 = arith.constant 0 : i32
        %dma_wait3A_269 = arith.constant 0 : i32
        %dma_wait3A_270 = tpu.memref_slice %arg9[%run_scoped3A_222, %dma_wait3A_268, %dma_wait3A_269] : memref<2x2x128xi32, #tpu.memory_space<vmem>> -> memref<1x1x128xi32, #tpu.memory_space<vmem>>
        %dma_wait3A_271 = tpu.memref_squeeze %dma_wait3A_270 : memref<1x1x128xi32, #tpu.memory_space<vmem>> -> memref<1x128xi32, #tpu.memory_space<vmem>>
        %dma_wait3A_272 = arith.constant 0 : i32
        %dma_wait3A_273 = tpu.memref_slice %arg4[%add3A_220, %dma_wait3A_272] : memref<6250x128xi32, #tpu.memory_space<hbm>> -> memref<1x128xi32, #tpu.memory_space<hbm>>
        %dma_wait3A_274 = arith.constant 0 : i32
        %dma_wait3A_275 = arith.constant 0 : i32
        %dma_wait3A_276 = tpu.memref_slice %arg9[%run_scoped3A_222, %dma_wait3A_274, %dma_wait3A_275] : memref<2x2x128xi32, #tpu.memory_space<vmem>> -> memref<1x1x128xi32, #tpu.memory_space<vmem>>
        %dma_wait3A_277 = tpu.memref_squeeze %dma_wait3A_276 : memref<1x1x128xi32, #tpu.memory_space<vmem>> -> memref<1x128xi32, #tpu.memory_space<vmem>>
        %dma_wait3A_278 = arith.constant 0 : i32
        %dma_wait3A_279 = tpu.memref_slice %arg4[%add3A_220, %dma_wait3A_278] : memref<6250x128xi32, #tpu.memory_space<hbm>> -> memref<1x128xi32, #tpu.memory_space<hbm>>
        tpu.wait_dma2 semaphore(%run_scoped3A_255 : memref<!tpu.dma_semaphore, #tpu.memory_space<semaphore_mem>>) src(%dma_wait3A_279 : memref<1x128xi32, #tpu.memory_space<hbm>>) dst(%dma_wait3A_277 : memref<1x128xi32, #tpu.memory_space<vmem>>)
        tpu.yield
      }) : () -> ()
      %dma_start3A_223 = arith.constant 0 : i32
      %dma_start3A_224 = arith.constant 0 : i32
      %dma_start3A_225 = arith.constant 0 : i32
      %dma_start3A_226 = arith.constant 0 : i32
      %dma_start3A_227 = arith.constant 0 : i32
      %dma_start3A_228 = arith.constant 0 : i32
      %dma_start3A_229 = tpu.memref_slice %arg10[%dma_start3A_225, %dma_start3A_226, %dma_start3A_227, %dma_start3A_228] : memref<2x2x128x32xf32, #tpu.memory_space<vmem>> -> memref<1x1x128x32xf32, #tpu.memory_space<vmem>>
      %dma_start3A_230 = tpu.memref_squeeze %dma_start3A_229 : memref<1x1x128x32xf32, #tpu.memory_space<vmem>> -> memref<128x32xf32, #tpu.memory_space<vmem>>
      %dma_start3A_231 = arith.constant 0 : i32
      %dma_start3A_232 = tpu.memref_slice %arg8[%dma_start3A_223, %dma_start3A_224, %dma_start3A_231] : memref<2x2x128xi32, #tpu.memory_space<vmem>> -> memref<1x1x128xi32, #tpu.memory_space<vmem>>
      %dma_start3A_233 = tpu.memref_squeeze %dma_start3A_232 : memref<1x1x128xi32, #tpu.memory_space<vmem>> -> memref<128xi32, #tpu.memory_space<vmem>>
      %dma_start3A_234 = arith.constant 0 : i32
      %dma_start3A_235 = arith.constant 0 : i32
      %dma_start3A_236 = tpu.memref_slice %arg2[%dma_start3A_234, %dma_start3A_235] : memref<100000x32xf32, #tpu.memory_space<hbm>> -> memref<100000x32xf32, #tpu.memory_space<hbm>>
      tpu.enqueue_indirect_dma source(%dma_start3A_236 : memref<100000x32xf32, #tpu.memory_space<hbm>>) target(%dma_start3A_230 : memref<128x32xf32, #tpu.memory_space<vmem>>) offsets(%dma_start3A_233 : memref<128xi32, #tpu.memory_space<vmem>>) semaphore(%arg11 : memref<!tpu.dma_semaphore, #tpu.memory_space<semaphore_mem>>)
      %dma_wait3A_237 = arith.constant 0 : i32
      %dma_wait3A_238 = arith.constant 0 : i32
      %dma_wait3A_239 = arith.constant 0 : i32
      %dma_wait3A_240 = arith.constant 0 : i32
      %dma_wait3A_241 = arith.constant 0 : i32
      %dma_wait3A_242 = arith.constant 0 : i32
      %dma_wait3A_243 = tpu.memref_slice %arg10[%dma_wait3A_239, %dma_wait3A_240, %dma_wait3A_241, %dma_wait3A_242] : memref<2x2x128x32xf32, #tpu.memory_space<vmem>> -> memref<1x1x128x32xf32, #tpu.memory_space<vmem>>
      %dma_wait3A_244 = tpu.memref_squeeze %dma_wait3A_243 : memref<1x1x128x32xf32, #tpu.memory_space<vmem>> -> memref<128x32xf32, #tpu.memory_space<vmem>>
      %dma_wait3A_245 = arith.constant 0 : i32
      %dma_wait3A_246 = tpu.memref_slice %arg8[%dma_wait3A_237, %dma_wait3A_238, %dma_wait3A_245] : memref<2x2x128xi32, #tpu.memory_space<vmem>> -> memref<1x1x128xi32, #tpu.memory_space<vmem>>
      %dma_wait3A_247 = tpu.memref_squeeze %dma_wait3A_246 : memref<1x1x128xi32, #tpu.memory_space<vmem>> -> memref<128xi32, #tpu.memory_space<vmem>>
      %dma_wait3A_248 = arith.constant 0 : i32
      %dma_wait3A_249 = arith.constant 0 : i32
      %dma_wait3A_250 = tpu.memref_slice %arg2[%dma_wait3A_248, %dma_wait3A_249] : memref<100000x32xf32, #tpu.memory_space<hbm>> -> memref<100000x32xf32, #tpu.memory_space<hbm>>
      tpu.wait_indirect_dma semaphore(%arg11 : memref<!tpu.dma_semaphore, #tpu.memory_space<semaphore_mem>>) src(%dma_wait3A_250 : memref<100000x32xf32, #tpu.memory_space<hbm>>) dst(%dma_wait3A_244 : memref<128x32xf32, #tpu.memory_space<vmem>>)
      %run_scoped3A_251 = arith.constant 0 : i32
      %run_scoped3A_252 = arith.constant 0 : i32
      %run_scoped3A_253 = arith.constant 0 : i32
      %run_scoped3A_254 = arith.constant 0 : i32
      "tpu.region"() ({
        %run_scoped3A_255 = tpu.sem_alloc : memref<!tpu.dma_semaphore, #tpu.memory_space<semaphore_mem>>
        %dma_start3A_256 = arith.constant 0 : i32
        %dma_start3A_257 = arith.constant 0 : i32
        %dma_start3A_258 = tpu.memref_slice %arg10[%run_scoped3A_251, %run_scoped3A_252, %dma_start3A_256, %dma_start3A_257] : memref<2x2x128x32xf32, #tpu.memory_space<vmem>> -> memref<1x1x128x32xf32, #tpu.memory_space<vmem>>
        %dma_start3A_259 = tpu.memref_squeeze %dma_start3A_258 : memref<1x1x128x32xf32, #tpu.memory_space<vmem>> -> memref<128x32xf32, #tpu.memory_space<vmem>>
        %dma_start3A_260 = arith.constant 0 : i32
        %dma_start3A_261 = tpu.memref_slice %arg9[%run_scoped3A_253, %run_scoped3A_254, %dma_start3A_260] : memref<2x2x128xi32, #tpu.memory_space<vmem>> -> memref<1x1x128xi32, #tpu.memory_space<vmem>>
        %dma_start3A_262 = tpu.memref_squeeze %dma_start3A_261 : memref<1x1x128xi32, #tpu.memory_space<vmem>> -> memref<128xi32, #tpu.memory_space<vmem>>
        %dma_start3A_263 = arith.constant 0 : i32
        %dma_start3A_264 = arith.constant 0 : i32
        %dma_start3A_265 = tpu.memref_slice %arg7[%dma_start3A_263, %dma_start3A_264] : memref<50000x32xf32, #tpu.memory_space<vmem_shared>> -> memref<50000x32xf32, #tpu.memory_space<vmem_shared>>
        tpu.enqueue_indirect_dma source(%dma_start3A_259 : memref<128x32xf32, #tpu.memory_space<vmem>>) target(%dma_start3A_265 : memref<50000x32xf32, #tpu.memory_space<vmem_shared>>) offsets(%dma_start3A_262 : memref<128xi32, #tpu.memory_space<vmem>>) semaphore(%run_scoped3A_255 : memref<!tpu.dma_semaphore, #tpu.memory_space<semaphore_mem>>) {add = true}
        %dma_wait3A_266 = arith.constant 0 : i32
        %dma_wait3A_267 = arith.constant 0 : i32
        %dma_wait3A_268 = tpu.memref_slice %arg10[%run_scoped3A_251, %run_scoped3A_252, %dma_wait3A_266, %dma_wait3A_267] : memref<2x2x128x32xf32, #tpu.memory_space<vmem>> -> memref<1x1x128x32xf32, #tpu.memory_space<vmem>>
        %dma_wait3A_269 = tpu.memref_squeeze %dma_wait3A_268 : memref<1x1x128x32xf32, #tpu.memory_space<vmem>> -> memref<128x32xf32, #tpu.memory_space<vmem>>
        %dma_wait3A_270 = arith.constant 0 : i32
        %dma_wait3A_271 = tpu.memref_slice %arg9[%run_scoped3A_253, %run_scoped3A_254, %dma_wait3A_270] : memref<2x2x128xi32, #tpu.memory_space<vmem>> -> memref<1x1x128xi32, #tpu.memory_space<vmem>>
        %dma_wait3A_272 = tpu.memref_squeeze %dma_wait3A_271 : memref<1x1x128xi32, #tpu.memory_space<vmem>> -> memref<128xi32, #tpu.memory_space<vmem>>
        %dma_wait3A_273 = arith.constant 0 : i32
        %dma_wait3A_274 = arith.constant 0 : i32
        %dma_wait3A_275 = tpu.memref_slice %arg7[%dma_wait3A_273, %dma_wait3A_274] : memref<50000x32xf32, #tpu.memory_space<vmem_shared>> -> memref<50000x32xf32, #tpu.memory_space<vmem_shared>>
        tpu.wait_indirect_dma semaphore(%run_scoped3A_255 : memref<!tpu.dma_semaphore, #tpu.memory_space<semaphore_mem>>) src(%dma_wait3A_269 : memref<128x32xf32, #tpu.memory_space<vmem>>) dst(%dma_wait3A_275 : memref<50000x32xf32, #tpu.memory_space<vmem_shared>>)
        tpu.yield
      }) : () -> ()
    } else {
    }
    %barrier3A_209 = arith.constant 0 : index
    tpu.barrier barrier_id(%barrier3A_209)
    %eq3A = arith.constant 0 : i32
    %eq3A_210 = arith.cmpi eq, %arg1, %eq3A : i32
    %convert_element_type3A_211 = arith.extui %eq3A_210 : i1 to i32
    %cond3A_212 = arith.constant 0 : i32
    %cond3A_213 = arith.cmpi ne, %convert_element_type3A_211, %cond3A_212 : i32
    scf.if %cond3A_213 {
      "tpu.region"() ({
        %run_scoped3A_214 = tpu.sem_alloc : memref<!tpu.dma_semaphore, #tpu.memory_space<semaphore_mem>>
        %dma_start3A_215 = arith.constant 0 : i32
        %dma_start3A_216 = arith.constant 0 : i32
        %dma_start3A_217 = tpu.memref_slice %arg6[%arg0, %dma_start3A_215, %dma_start3A_216] : memref<2x50000x32xf32, #tpu.memory_space<hbm>> -> memref<1x50000x32xf32, #tpu.memory_space<hbm>>
        %dma_start3A_218 = tpu.memref_squeeze %dma_start3A_217 : memref<1x50000x32xf32, #tpu.memory_space<hbm>> -> memref<50000x32xf32, #tpu.memory_space<hbm>>
        tpu.enqueue_dma source(%arg7 : memref<50000x32xf32, #tpu.memory_space<vmem_shared>>) target(%dma_start3A_218 : memref<50000x32xf32, #tpu.memory_space<hbm>>) target_semaphore(%run_scoped3A_214 : memref<!tpu.dma_semaphore, #tpu.memory_space<semaphore_mem>>)
        %dma_wait3A_219 = arith.constant 0 : i32
        %dma_wait3A_220 = arith.constant 0 : i32
        %dma_wait3A_221 = tpu.memref_slice %arg6[%arg0, %dma_wait3A_219, %dma_wait3A_220] : memref<2x50000x32xf32, #tpu.memory_space<hbm>> -> memref<1x50000x32xf32, #tpu.memory_space<hbm>>
        %dma_wait3A_222 = tpu.memref_squeeze %dma_wait3A_221 : memref<1x50000x32xf32, #tpu.memory_space<hbm>> -> memref<50000x32xf32, #tpu.memory_space<hbm>>
        tpu.wait_dma2 semaphore(%run_scoped3A_214 : memref<!tpu.dma_semaphore, #tpu.memory_space<semaphore_mem>>) src(%arg7 : memref<50000x32xf32, #tpu.memory_space<vmem_shared>>) dst(%dma_wait3A_222 : memref<50000x32xf32, #tpu.memory_space<hbm>>)
        tpu.yield
      }) : () -> ()
    } else {
    }
    return
  }
}

#map = affine_map<(d0, d1) -> (0, 0)>
#map1 = affine_map<(d0, d1) -> (0, 0, 0)>
module attributes {stable_mosaic.version = 14 : i64} {
  func.func @_deg_body(%arg0: i32, %arg1: i32, %arg2: memref<12500x128xi32, #tpu.memory_space<hbm>>, %arg3: memref<128x16xf32, #tpu.memory_space<hbm>>, %arg4: memref<3125x16xf32, #tpu.memory_space<hbm>>, %arg5: memref<2x50000x16xf32, #tpu.memory_space<hbm>>, %arg6: memref<50000x16xf32, #tpu.memory_space<vmem_shared>>, %arg7: memref<2x10x128xi32, #tpu.memory_space<vmem>>, %arg8: memref<128x16xf32, #tpu.memory_space<vmem>>, %arg9: memref<2x!tpu.dma_semaphore, #tpu.memory_space<semaphore_mem>>) attributes {dimension_semantics = [#tpu.dimension_semantics<core_parallel>, #tpu.dimension_semantics<subcore_parallel>], iteration_bounds = array<i64: 2, 16>, scalar_prefetch = 0 : i64, scratch_operands = 4 : i64, tpu.core_type = #tpu.core_type<sc_vector_subcore>, window_params = [{transform_indices = #map}, {transform_indices = #map}, {transform_indices = #map}, {transform_indices = #map1}]} {
    %mul3A = arith.constant 3125 : i32
    %mul3A_0 = arith.muli %arg1, %mul3A : i32
    "tpu.region"() ({
      %run_scoped3A_457 = tpu.sem_alloc : memref<!tpu.dma_semaphore, #tpu.memory_space<semaphore_mem>>
      %dma_start3A_458 = arith.constant 0 : i32
      %dma_start3A_459 = tpu.memref_slice %arg6[%mul3A_0, %dma_start3A_458] : memref<50000x16xf32, #tpu.memory_space<vmem_shared>> -> memref<3125x16xf32, #tpu.memory_space<vmem_shared>>
      tpu.enqueue_dma source(%arg4 : memref<3125x16xf32, #tpu.memory_space<hbm>>) target(%dma_start3A_459 : memref<3125x16xf32, #tpu.memory_space<vmem_shared>>) target_semaphore(%run_scoped3A_457 : memref<!tpu.dma_semaphore, #tpu.memory_space<semaphore_mem>>)
      %dma_wait3A_460 = arith.constant 0 : i32
      %dma_wait3A_461 = tpu.memref_slice %arg6[%mul3A_0, %dma_wait3A_460] : memref<50000x16xf32, #tpu.memory_space<vmem_shared>> -> memref<3125x16xf32, #tpu.memory_space<vmem_shared>>
      tpu.wait_dma2 semaphore(%run_scoped3A_457 : memref<!tpu.dma_semaphore, #tpu.memory_space<semaphore_mem>>) src(%arg4 : memref<3125x16xf32, #tpu.memory_space<hbm>>) dst(%dma_wait3A_461 : memref<3125x16xf32, #tpu.memory_space<vmem_shared>>)
      tpu.yield
    }) : () -> ()
    "tpu.region"() ({
      %run_scoped3A_457 = tpu.sem_alloc : memref<!tpu.dma_semaphore, #tpu.memory_space<semaphore_mem>>
      tpu.enqueue_dma source(%arg3 : memref<128x16xf32, #tpu.memory_space<hbm>>) target(%arg8 : memref<128x16xf32, #tpu.memory_space<vmem>>) target_semaphore(%run_scoped3A_457 : memref<!tpu.dma_semaphore, #tpu.memory_space<semaphore_mem>>)
      tpu.wait_dma2 semaphore(%run_scoped3A_457 : memref<!tpu.dma_semaphore, #tpu.memory_space<semaphore_mem>>) src(%arg3 : memref<128x16xf32, #tpu.memory_space<hbm>>) dst(%arg8 : memref<128x16xf32, #tpu.memory_space<vmem>>)
      tpu.yield
    }) : () -> ()
    %barrier3A = arith.constant 0 : index
    tpu.barrier barrier_id(%barrier3A)
    %mul3A_1 = arith.constant 6250 : i32
    %mul3A_2 = arith.muli %arg0, %mul3A_1 : i32
    %mul3A_3 = arith.constant 390 : i32
    %mul3A_4 = arith.muli %arg1, %mul3A_3 : i32
    %add3A = arith.addi %mul3A_2, %mul3A_4 : i32
    %scan3A = arith.constant 0 : i32
    %scan3A_5 = arith.constant 0 : i32
    %scan3A_6 = arith.constant 19 : i32
    %scan3A_7 = arith.addi %scan3A_5, %scan3A_6 : i32
    %scan3A_8 = arith.constant 1 : i32
    scf.for %scan3A_457 = %scan3A_5 to %scan3A_7 step %scan3A_8  : i32 {
      %mul3A_458 = arith.constant 2 : i32
      %mul3A_459 = arith.muli %mul3A_458, %scan3A_457 : i32
      %mul3A_460 = arith.constant 10 : i32
      %mul3A_461 = arith.muli %mul3A_459, %mul3A_460 : i32
      %add3A_462 = arith.addi %add3A, %mul3A_461 : i32
      %ge3A = arith.constant 1 : i32
      %ge3A_463 = arith.cmpi sge, %scan3A_457, %ge3A : i32
      %convert_element_type3A_464 = arith.extui %ge3A_463 : i1 to i32
      %cond3A_465 = arith.constant 0 : i32
      %cond3A_466 = arith.cmpi ne, %convert_element_type3A_464, %cond3A_465 : i32
      scf.if %cond3A_466 {
        %dma_wait3A_696 = arith.constant 0 : i32
        %dma_wait3A_697 = arith.constant 0 : i32
        %dma_wait3A_698 = arith.constant 0 : i32
        %dma_wait3A_699 = arith.constant 0 : i32
        %dma_wait3A_700 = tpu.memref_slice %arg7[%dma_wait3A_696, %dma_wait3A_697, %dma_wait3A_699] : memref<2x10x128xi32, #tpu.memory_space<vmem>> -> memref<1x1x128xi32, #tpu.memory_space<vmem>>
        %dma_wait3A_701 = tpu.memref_squeeze %dma_wait3A_700 : memref<1x1x128xi32, #tpu.memory_space<vmem>> -> memref<128xi32, #tpu.memory_space<vmem>>
        %dma_wait3A_702 = arith.constant 0 : i32
        %dma_wait3A_703 = arith.constant 0 : i32
        %dma_wait3A_704 = tpu.memref_slice %arg6[%dma_wait3A_702, %dma_wait3A_703] : memref<50000x16xf32, #tpu.memory_space<vmem_shared>> -> memref<50000x16xf32, #tpu.memory_space<vmem_shared>>
        %dma_wait3A_705 = tpu.memref_slice %arg9[%dma_wait3A_698] : memref<2x!tpu.dma_semaphore, #tpu.memory_space<semaphore_mem>> -> memref<1x!tpu.dma_semaphore, #tpu.memory_space<semaphore_mem>>
        %dma_wait3A_706 = tpu.memref_squeeze %dma_wait3A_705 : memref<1x!tpu.dma_semaphore, #tpu.memory_space<semaphore_mem>> -> memref<!tpu.dma_semaphore, #tpu.memory_space<semaphore_mem>>
        tpu.wait_indirect_dma semaphore(%dma_wait3A_706 : memref<!tpu.dma_semaphore, #tpu.memory_space<semaphore_mem>>) src(%arg8 : memref<128x16xf32, #tpu.memory_space<vmem>>) dst(%dma_wait3A_704 : memref<50000x16xf32, #tpu.memory_space<vmem_shared>>)
        %dma_wait3A_707 = arith.constant 0 : i32
        %dma_wait3A_708 = arith.constant 1 : i32
        %dma_wait3A_709 = arith.constant 0 : i32
        %dma_wait3A_710 = arith.constant 0 : i32
        %dma_wait3A_711 = tpu.memref_slice %arg7[%dma_wait3A_707, %dma_wait3A_708, %dma_wait3A_710] : memref<2x10x128xi32, #tpu.memory_space<vmem>> -> memref<1x1x128xi32, #tpu.memory_space<vmem>>
        %dma_wait3A_712 = tpu.memref_squeeze %dma_wait3A_711 : memref<1x1x128xi32, #tpu.memory_space<vmem>> -> memref<128xi32, #tpu.memory_space<vmem>>
        %dma_wait3A_713 = arith.constant 0 : i32
        %dma_wait3A_714 = arith.constant 0 : i32
        %dma_wait3A_715 = tpu.memref_slice %arg6[%dma_wait3A_713, %dma_wait3A_714] : memref<50000x16xf32, #tpu.memory_space<vmem_shared>> -> memref<50000x16xf32, #tpu.memory_space<vmem_shared>>
        %dma_wait3A_716 = tpu.memref_slice %arg9[%dma_wait3A_709] : memref<2x!tpu.dma_semaphore, #tpu.memory_space<semaphore_mem>> -> memref<1x!tpu.dma_semaphore, #tpu.memory_space<semaphore_mem>>
        %dma_wait3A_717 = tpu.memref_squeeze %dma_wait3A_716 : memref<1x!tpu.dma_semaphore, #tpu.memory_space<semaphore_mem>> -> memref<!tpu.dma_semaphore, #tpu.memory_space<semaphore_mem>>
        tpu.wait_indirect_dma semaphore(%dma_wait3A_717 : memref<!tpu.dma_semaphore, #tpu.memory_space<semaphore_mem>>) src(%arg8 : memref<128x16xf32, #tpu.memory_space<vmem>>) dst(%dma_wait3A_715 : memref<50000x16xf32, #tpu.memory_space<vmem_shared>>)
        %dma_wait3A_718 = arith.constant 0 : i32
        %dma_wait3A_719 = arith.constant 2 : i32
        %dma_wait3A_720 = arith.constant 0 : i32
        %dma_wait3A_721 = arith.constant 0 : i32
        %dma_wait3A_722 = tpu.memref_slice %arg7[%dma_wait3A_718, %dma_wait3A_719, %dma_wait3A_721] : memref<2x10x128xi32, #tpu.memory_space<vmem>> -> memref<1x1x128xi32, #tpu.memory_space<vmem>>
        %dma_wait3A_723 = tpu.memref_squeeze %dma_wait3A_722 : memref<1x1x128xi32, #tpu.memory_space<vmem>> -> memref<128xi32, #tpu.memory_space<vmem>>
        %dma_wait3A_724 = arith.constant 0 : i32
        %dma_wait3A_725 = arith.constant 0 : i32
        %dma_wait3A_726 = tpu.memref_slice %arg6[%dma_wait3A_724, %dma_wait3A_725] : memref<50000x16xf32, #tpu.memory_space<vmem_shared>> -> memref<50000x16xf32, #tpu.memory_space<vmem_shared>>
        %dma_wait3A_727 = tpu.memref_slice %arg9[%dma_wait3A_720] : memref<2x!tpu.dma_semaphore, #tpu.memory_space<semaphore_mem>> -> memref<1x!tpu.dma_semaphore, #tpu.memory_space<semaphore_mem>>
        %dma_wait3A_728 = tpu.memref_squeeze %dma_wait3A_727 : memref<1x!tpu.dma_semaphore, #tpu.memory_space<semaphore_mem>> -> memref<!tpu.dma_semaphore, #tpu.memory_space<semaphore_mem>>
        tpu.wait_indirect_dma semaphore(%dma_wait3A_728 : memref<!tpu.dma_semaphore, #tpu.memory_space<semaphore_mem>>) src(%arg8 : memref<128x16xf32, #tpu.memory_space<vmem>>) dst(%dma_wait3A_726 : memref<50000x16xf32, #tpu.memory_space<vmem_shared>>)
        %dma_wait3A_729 = arith.constant 0 : i32
        %dma_wait3A_730 = arith.constant 3 : i32
        %dma_wait3A_731 = arith.constant 0 : i32
        %dma_wait3A_732 = arith.constant 0 : i32
        %dma_wait3A_733 = tpu.memref_slice %arg7[%dma_wait3A_729, %dma_wait3A_730, %dma_wait3A_732] : memref<2x10x128xi32, #tpu.memory_space<vmem>> -> memref<1x1x128xi32, #tpu.memory_space<vmem>>
        %dma_wait3A_734 = tpu.memref_squeeze %dma_wait3A_733 : memref<1x1x128xi32, #tpu.memory_space<vmem>> -> memref<128xi32, #tpu.memory_space<vmem>>
        %dma_wait3A_735 = arith.constant 0 : i32
        %dma_wait3A_736 = arith.constant 0 : i32
        %dma_wait3A_737 = tpu.memref_slice %arg6[%dma_wait3A_735, %dma_wait3A_736] : memref<50000x16xf32, #tpu.memory_space<vmem_shared>> -> memref<50000x16xf32, #tpu.memory_space<vmem_shared>>
        %dma_wait3A_738 = tpu.memref_slice %arg9[%dma_wait3A_731] : memref<2x!tpu.dma_semaphore, #tpu.memory_space<semaphore_mem>> -> memref<1x!tpu.dma_semaphore, #tpu.memory_space<semaphore_mem>>
        %dma_wait3A_739 = tpu.memref_squeeze %dma_wait3A_738 : memref<1x!tpu.dma_semaphore, #tpu.memory_space<semaphore_mem>> -> memref<!tpu.dma_semaphore, #tpu.memory_space<semaphore_mem>>
        tpu.wait_indirect_dma semaphore(%dma_wait3A_739 : memref<!tpu.dma_semaphore, #tpu.memory_space<semaphore_mem>>) src(%arg8 : memref<128x16xf32, #tpu.memory_space<vmem>>) dst(%dma_wait3A_737 : memref<50000x16xf32, #tpu.memory_space<vmem_shared>>)
        %dma_wait3A_740 = arith.constant 0 : i32
        %dma_wait3A_741 = arith.constant 4 : i32
        %dma_wait3A_742 = arith.constant 0 : i32
        %dma_wait3A_743 = arith.constant 0 : i32
        %dma_wait3A_744 = tpu.memref_slice %arg7[%dma_wait3A_740, %dma_wait3A_741, %dma_wait3A_743] : memref<2x10x128xi32, #tpu.memory_space<vmem>> -> memref<1x1x128xi32, #tpu.memory_space<vmem>>
        %dma_wait3A_745 = tpu.memref_squeeze %dma_wait3A_744 : memref<1x1x128xi32, #tpu.memory_space<vmem>> -> memref<128xi32, #tpu.memory_space<vmem>>
        %dma_wait3A_746 = arith.constant 0 : i32
        %dma_wait3A_747 = arith.constant 0 : i32
        %dma_wait3A_748 = tpu.memref_slice %arg6[%dma_wait3A_746, %dma_wait3A_747] : memref<50000x16xf32, #tpu.memory_space<vmem_shared>> -> memref<50000x16xf32, #tpu.memory_space<vmem_shared>>
        %dma_wait3A_749 = tpu.memref_slice %arg9[%dma_wait3A_742] : memref<2x!tpu.dma_semaphore, #tpu.memory_space<semaphore_mem>> -> memref<1x!tpu.dma_semaphore, #tpu.memory_space<semaphore_mem>>
        %dma_wait3A_750 = tpu.memref_squeeze %dma_wait3A_749 : memref<1x!tpu.dma_semaphore, #tpu.memory_space<semaphore_mem>> -> memref<!tpu.dma_semaphore, #tpu.memory_space<semaphore_mem>>
        tpu.wait_indirect_dma semaphore(%dma_wait3A_750 : memref<!tpu.dma_semaphore, #tpu.memory_space<semaphore_mem>>) src(%arg8 : memref<128x16xf32, #tpu.memory_space<vmem>>) dst(%dma_wait3A_748 : memref<50000x16xf32, #tpu.memory_space<vmem_shared>>)
        %dma_wait3A_751 = arith.constant 0 : i32
        %dma_wait3A_752 = arith.constant 5 : i32
        %dma_wait3A_753 = arith.constant 0 : i32
        %dma_wait3A_754 = arith.constant 0 : i32
        %dma_wait3A_755 = tpu.memref_slice %arg7[%dma_wait3A_751, %dma_wait3A_752, %dma_wait3A_754] : memref<2x10x128xi32, #tpu.memory_space<vmem>> -> memref<1x1x128xi32, #tpu.memory_space<vmem>>
        %dma_wait3A_756 = tpu.memref_squeeze %dma_wait3A_755 : memref<1x1x128xi32, #tpu.memory_space<vmem>> -> memref<128xi32, #tpu.memory_space<vmem>>
        %dma_wait3A_757 = arith.constant 0 : i32
        %dma_wait3A_758 = arith.constant 0 : i32
        %dma_wait3A_759 = tpu.memref_slice %arg6[%dma_wait3A_757, %dma_wait3A_758] : memref<50000x16xf32, #tpu.memory_space<vmem_shared>> -> memref<50000x16xf32, #tpu.memory_space<vmem_shared>>
        %dma_wait3A_760 = tpu.memref_slice %arg9[%dma_wait3A_753] : memref<2x!tpu.dma_semaphore, #tpu.memory_space<semaphore_mem>> -> memref<1x!tpu.dma_semaphore, #tpu.memory_space<semaphore_mem>>
        %dma_wait3A_761 = tpu.memref_squeeze %dma_wait3A_760 : memref<1x!tpu.dma_semaphore, #tpu.memory_space<semaphore_mem>> -> memref<!tpu.dma_semaphore, #tpu.memory_space<semaphore_mem>>
        tpu.wait_indirect_dma semaphore(%dma_wait3A_761 : memref<!tpu.dma_semaphore, #tpu.memory_space<semaphore_mem>>) src(%arg8 : memref<128x16xf32, #tpu.memory_space<vmem>>) dst(%dma_wait3A_759 : memref<50000x16xf32, #tpu.memory_space<vmem_shared>>)
        %dma_wait3A_762 = arith.constant 0 : i32
        %dma_wait3A_763 = arith.constant 6 : i32
        %dma_wait3A_764 = arith.constant 0 : i32
        %dma_wait3A_765 = arith.constant 0 : i32
        %dma_wait3A_766 = tpu.memref_slice %arg7[%dma_wait3A_762, %dma_wait3A_763, %dma_wait3A_765] : memref<2x10x128xi32, #tpu.memory_space<vmem>> -> memref<1x1x128xi32, #tpu.memory_space<vmem>>
        %dma_wait3A_767 = tpu.memref_squeeze %dma_wait3A_766 : memref<1x1x128xi32, #tpu.memory_space<vmem>> -> memref<128xi32, #tpu.memory_space<vmem>>
        %dma_wait3A_768 = arith.constant 0 : i32
        %dma_wait3A_769 = arith.constant 0 : i32
        %dma_wait3A_770 = tpu.memref_slice %arg6[%dma_wait3A_768, %dma_wait3A_769] : memref<50000x16xf32, #tpu.memory_space<vmem_shared>> -> memref<50000x16xf32, #tpu.memory_space<vmem_shared>>
        %dma_wait3A_771 = tpu.memref_slice %arg9[%dma_wait3A_764] : memref<2x!tpu.dma_semaphore, #tpu.memory_space<semaphore_mem>> -> memref<1x!tpu.dma_semaphore, #tpu.memory_space<semaphore_mem>>
        %dma_wait3A_772 = tpu.memref_squeeze %dma_wait3A_771 : memref<1x!tpu.dma_semaphore, #tpu.memory_space<semaphore_mem>> -> memref<!tpu.dma_semaphore, #tpu.memory_space<semaphore_mem>>
        tpu.wait_indirect_dma semaphore(%dma_wait3A_772 : memref<!tpu.dma_semaphore, #tpu.memory_space<semaphore_mem>>) src(%arg8 : memref<128x16xf32, #tpu.memory_space<vmem>>) dst(%dma_wait3A_770 : memref<50000x16xf32, #tpu.memory_space<vmem_shared>>)
        %dma_wait3A_773 = arith.constant 0 : i32
        %dma_wait3A_774 = arith.constant 7 : i32
        %dma_wait3A_775 = arith.constant 0 : i32
        %dma_wait3A_776 = arith.constant 0 : i32
        %dma_wait3A_777 = tpu.memref_slice %arg7[%dma_wait3A_773, %dma_wait3A_774, %dma_wait3A_776] : memref<2x10x128xi32, #tpu.memory_space<vmem>> -> memref<1x1x128xi32, #tpu.memory_space<vmem>>
        %dma_wait3A_778 = tpu.memref_squeeze %dma_wait3A_777 : memref<1x1x128xi32, #tpu.memory_space<vmem>> -> memref<128xi32, #tpu.memory_space<vmem>>
        %dma_wait3A_779 = arith.constant 0 : i32
        %dma_wait3A_780 = arith.constant 0 : i32
        %dma_wait3A_781 = tpu.memref_slice %arg6[%dma_wait3A_779, %dma_wait3A_780] : memref<50000x16xf32, #tpu.memory_space<vmem_shared>> -> memref<50000x16xf32, #tpu.memory_space<vmem_shared>>
        %dma_wait3A_782 = tpu.memref_slice %arg9[%dma_wait3A_775] : memref<2x!tpu.dma_semaphore, #tpu.memory_space<semaphore_mem>> -> memref<1x!tpu.dma_semaphore, #tpu.memory_space<semaphore_mem>>
        %dma_wait3A_783 = tpu.memref_squeeze %dma_wait3A_782 : memref<1x!tpu.dma_semaphore, #tpu.memory_space<semaphore_mem>> -> memref<!tpu.dma_semaphore, #tpu.memory_space<semaphore_mem>>
        tpu.wait_indirect_dma semaphore(%dma_wait3A_783 : memref<!tpu.dma_semaphore, #tpu.memory_space<semaphore_mem>>) src(%arg8 : memref<128x16xf32, #tpu.memory_space<vmem>>) dst(%dma_wait3A_781 : memref<50000x16xf32, #tpu.memory_space<vmem_shared>>)
        %dma_wait3A_784 = arith.constant 0 : i32
        %dma_wait3A_785 = arith.constant 8 : i32
        %dma_wait3A_786 = arith.constant 0 : i32
        %dma_wait3A_787 = arith.constant 0 : i32
        %dma_wait3A_788 = tpu.memref_slice %arg7[%dma_wait3A_784, %dma_wait3A_785, %dma_wait3A_787] : memref<2x10x128xi32, #tpu.memory_space<vmem>> -> memref<1x1x128xi32, #tpu.memory_space<vmem>>
        %dma_wait3A_789 = tpu.memref_squeeze %dma_wait3A_788 : memref<1x1x128xi32, #tpu.memory_space<vmem>> -> memref<128xi32, #tpu.memory_space<vmem>>
        %dma_wait3A_790 = arith.constant 0 : i32
        %dma_wait3A_791 = arith.constant 0 : i32
        %dma_wait3A_792 = tpu.memref_slice %arg6[%dma_wait3A_790, %dma_wait3A_791] : memref<50000x16xf32, #tpu.memory_space<vmem_shared>> -> memref<50000x16xf32, #tpu.memory_space<vmem_shared>>
        %dma_wait3A_793 = tpu.memref_slice %arg9[%dma_wait3A_786] : memref<2x!tpu.dma_semaphore, #tpu.memory_space<semaphore_mem>> -> memref<1x!tpu.dma_semaphore, #tpu.memory_space<semaphore_mem>>
        %dma_wait3A_794 = tpu.memref_squeeze %dma_wait3A_793 : memref<1x!tpu.dma_semaphore, #tpu.memory_space<semaphore_mem>> -> memref<!tpu.dma_semaphore, #tpu.memory_space<semaphore_mem>>
        tpu.wait_indirect_dma semaphore(%dma_wait3A_794 : memref<!tpu.dma_semaphore, #tpu.memory_space<semaphore_mem>>) src(%arg8 : memref<128x16xf32, #tpu.memory_space<vmem>>) dst(%dma_wait3A_792 : memref<50000x16xf32, #tpu.memory_space<vmem_shared>>)
        %dma_wait3A_795 = arith.constant 0 : i32
        %dma_wait3A_796 = arith.constant 9 : i32
        %dma_wait3A_797 = arith.constant 0 : i32
        %dma_wait3A_798 = arith.constant 0 : i32
        %dma_wait3A_799 = tpu.memref_slice %arg7[%dma_wait3A_795, %dma_wait3A_796, %dma_wait3A_798] : memref<2x10x128xi32, #tpu.memory_space<vmem>> -> memref<1x1x128xi32, #tpu.memory_space<vmem>>
        %dma_wait3A_800 = tpu.memref_squeeze %dma_wait3A_799 : memref<1x1x128xi32, #tpu.memory_space<vmem>> -> memref<128xi32, #tpu.memory_space<vmem>>
        %dma_wait3A_801 = arith.constant 0 : i32
        %dma_wait3A_802 = arith.constant 0 : i32
        %dma_wait3A_803 = tpu.memref_slice %arg6[%dma_wait3A_801, %dma_wait3A_802] : memref<50000x16xf32, #tpu.memory_space<vmem_shared>> -> memref<50000x16xf32, #tpu.memory_space<vmem_shared>>
        %dma_wait3A_804 = tpu.memref_slice %arg9[%dma_wait3A_797] : memref<2x!tpu.dma_semaphore, #tpu.memory_space<semaphore_mem>> -> memref<1x!tpu.dma_semaphore, #tpu.memory_space<semaphore_mem>>
        %dma_wait3A_805 = tpu.memref_squeeze %dma_wait3A_804 : memref<1x!tpu.dma_semaphore, #tpu.memory_space<semaphore_mem>> -> memref<!tpu.dma_semaphore, #tpu.memory_space<semaphore_mem>>
        tpu.wait_indirect_dma semaphore(%dma_wait3A_805 : memref<!tpu.dma_semaphore, #tpu.memory_space<semaphore_mem>>) src(%arg8 : memref<128x16xf32, #tpu.memory_space<vmem>>) dst(%dma_wait3A_803 : memref<50000x16xf32, #tpu.memory_space<vmem_shared>>)
      } else {
      }
      %run_scoped3A_467 = arith.constant 0 : i32
      "tpu.region"() ({
        %run_scoped3A_696 = tpu.sem_alloc : memref<!tpu.dma_semaphore, #tpu.memory_space<semaphore_mem>>
        %dma_start3A_697 = arith.constant 0 : i32
        %dma_start3A_698 = arith.constant 0 : i32
        %dma_start3A_699 = tpu.memref_slice %arg7[%run_scoped3A_467, %dma_start3A_697, %dma_start3A_698] : memref<2x10x128xi32, #tpu.memory_space<vmem>> -> memref<1x10x128xi32, #tpu.memory_space<vmem>>
        %dma_start3A_700 = tpu.memref_squeeze %dma_start3A_699 : memref<1x10x128xi32, #tpu.memory_space<vmem>> -> memref<10x128xi32, #tpu.memory_space<vmem>>
        %dma_start3A_701 = arith.constant 0 : i32
        %dma_start3A_702 = tpu.memref_slice %arg2[%add3A_462, %dma_start3A_701] : memref<12500x128xi32, #tpu.memory_space<hbm>> -> memref<10x128xi32, #tpu.memory_space<hbm>>
        %dma_start3A_703 = arith.constant 0 : i32
        %dma_start3A_704 = arith.constant 0 : i32
        %dma_start3A_705 = tpu.memref_slice %arg7[%run_scoped3A_467, %dma_start3A_703, %dma_start3A_704] : memref<2x10x128xi32, #tpu.memory_space<vmem>> -> memref<1x10x128xi32, #tpu.memory_space<vmem>>
        %dma_start3A_706 = tpu.memref_squeeze %dma_start3A_705 : memref<1x10x128xi32, #tpu.memory_space<vmem>> -> memref<10x128xi32, #tpu.memory_space<vmem>>
        %dma_start3A_707 = arith.constant 0 : i32
        %dma_start3A_708 = tpu.memref_slice %arg2[%add3A_462, %dma_start3A_707] : memref<12500x128xi32, #tpu.memory_space<hbm>> -> memref<10x128xi32, #tpu.memory_space<hbm>>
        tpu.enqueue_dma source(%dma_start3A_708 : memref<10x128xi32, #tpu.memory_space<hbm>>) target(%dma_start3A_706 : memref<10x128xi32, #tpu.memory_space<vmem>>) target_semaphore(%run_scoped3A_696 : memref<!tpu.dma_semaphore, #tpu.memory_space<semaphore_mem>>)
        %dma_wait3A_709 = arith.constant 0 : i32
        %dma_wait3A_710 = arith.constant 0 : i32
        %dma_wait3A_711 = tpu.memref_slice %arg7[%run_scoped3A_467, %dma_wait3A_709, %dma_wait3A_710] : memref<2x10x128xi32, #tpu.memory_space<vmem>> -> memref<1x10x128xi32, #tpu.memory_space<vmem>>
        %dma_wait3A_712 = tpu.memref_squeeze %dma_wait3A_711 : memref<1x10x128xi32, #tpu.memory_space<vmem>> -> memref<10x128xi32, #tpu.memory_space<vmem>>
        %dma_wait3A_713 = arith.constant 0 : i32
        %dma_wait3A_714 = tpu.memref_slice %arg2[%add3A_462, %dma_wait3A_713] : memref<12500x128xi32, #tpu.memory_space<hbm>> -> memref<10x128xi32, #tpu.memory_space<hbm>>
        %dma_wait3A_715 = arith.constant 0 : i32
        %dma_wait3A_716 = arith.constant 0 : i32
        %dma_wait3A_717 = tpu.memref_slice %arg7[%run_scoped3A_467, %dma_wait3A_715, %dma_wait3A_716] : memref<2x10x128xi32, #tpu.memory_space<vmem>> -> memref<1x10x128xi32, #tpu.memory_space<vmem>>
        %dma_wait3A_718 = tpu.memref_squeeze %dma_wait3A_717 : memref<1x10x128xi32, #tpu.memory_space<vmem>> -> memref<10x128xi32, #tpu.memory_space<vmem>>
        %dma_wait3A_719 = arith.constant 0 : i32
        %dma_wait3A_720 = tpu.memref_slice %arg2[%add3A_462, %dma_wait3A_719] : memref<12500x128xi32, #tpu.memory_space<hbm>> -> memref<10x128xi32, #tpu.memory_space<hbm>>
        tpu.wait_dma2 semaphore(%run_scoped3A_696 : memref<!tpu.dma_semaphore, #tpu.memory_space<semaphore_mem>>) src(%dma_wait3A_720 : memref<10x128xi32, #tpu.memory_space<hbm>>) dst(%dma_wait3A_718 : memref<10x128xi32, #tpu.memory_space<vmem>>)
        tpu.yield
      }) : () -> ()
      %dma_start3A_468 = arith.constant 0 : i32
      %dma_start3A_469 = arith.constant 0 : i32
      %dma_start3A_470 = arith.constant 0 : i32
      %dma_start3A_471 = arith.constant 0 : i32
      %dma_start3A_472 = tpu.memref_slice %arg7[%dma_start3A_468, %dma_start3A_469, %dma_start3A_471] : memref<2x10x128xi32, #tpu.memory_space<vmem>> -> memref<1x1x128xi32, #tpu.memory_space<vmem>>
      %dma_start3A_473 = tpu.memref_squeeze %dma_start3A_472 : memref<1x1x128xi32, #tpu.memory_space<vmem>> -> memref<128xi32, #tpu.memory_space<vmem>>
      %dma_start3A_474 = arith.constant 0 : i32
      %dma_start3A_475 = arith.constant 0 : i32
      %dma_start3A_476 = tpu.memref_slice %arg6[%dma_start3A_474, %dma_start3A_475] : memref<50000x16xf32, #tpu.memory_space<vmem_shared>> -> memref<50000x16xf32, #tpu.memory_space<vmem_shared>>
      %dma_start3A_477 = tpu.memref_slice %arg9[%dma_start3A_470] : memref<2x!tpu.dma_semaphore, #tpu.memory_space<semaphore_mem>> -> memref<1x!tpu.dma_semaphore, #tpu.memory_space<semaphore_mem>>
      %dma_start3A_478 = tpu.memref_squeeze %dma_start3A_477 : memref<1x!tpu.dma_semaphore, #tpu.memory_space<semaphore_mem>> -> memref<!tpu.dma_semaphore, #tpu.memory_space<semaphore_mem>>
      tpu.enqueue_indirect_dma source(%arg8 : memref<128x16xf32, #tpu.memory_space<vmem>>) target(%dma_start3A_476 : memref<50000x16xf32, #tpu.memory_space<vmem_shared>>) offsets(%dma_start3A_473 : memref<128xi32, #tpu.memory_space<vmem>>) semaphore(%dma_start3A_478 : memref<!tpu.dma_semaphore, #tpu.memory_space<semaphore_mem>>) {add = true}
      %dma_start3A_479 = arith.constant 0 : i32
      %dma_start3A_480 = arith.constant 1 : i32
      %dma_start3A_481 = arith.constant 0 : i32
      %dma_start3A_482 = arith.constant 0 : i32
      %dma_start3A_483 = tpu.memref_slice %arg7[%dma_start3A_479, %dma_start3A_480, %dma_start3A_482] : memref<2x10x128xi32, #tpu.memory_space<vmem>> -> memref<1x1x128xi32, #tpu.memory_space<vmem>>
      %dma_start3A_484 = tpu.memref_squeeze %dma_start3A_483 : memref<1x1x128xi32, #tpu.memory_space<vmem>> -> memref<128xi32, #tpu.memory_space<vmem>>
      %dma_start3A_485 = arith.constant 0 : i32
      %dma_start3A_486 = arith.constant 0 : i32
      %dma_start3A_487 = tpu.memref_slice %arg6[%dma_start3A_485, %dma_start3A_486] : memref<50000x16xf32, #tpu.memory_space<vmem_shared>> -> memref<50000x16xf32, #tpu.memory_space<vmem_shared>>
      %dma_start3A_488 = tpu.memref_slice %arg9[%dma_start3A_481] : memref<2x!tpu.dma_semaphore, #tpu.memory_space<semaphore_mem>> -> memref<1x!tpu.dma_semaphore, #tpu.memory_space<semaphore_mem>>
      %dma_start3A_489 = tpu.memref_squeeze %dma_start3A_488 : memref<1x!tpu.dma_semaphore, #tpu.memory_space<semaphore_mem>> -> memref<!tpu.dma_semaphore, #tpu.memory_space<semaphore_mem>>
      tpu.enqueue_indirect_dma source(%arg8 : memref<128x16xf32, #tpu.memory_space<vmem>>) target(%dma_start3A_487 : memref<50000x16xf32, #tpu.memory_space<vmem_shared>>) offsets(%dma_start3A_484 : memref<128xi32, #tpu.memory_space<vmem>>) semaphore(%dma_start3A_489 : memref<!tpu.dma_semaphore, #tpu.memory_space<semaphore_mem>>) {add = true}
      %dma_start3A_490 = arith.constant 0 : i32
      %dma_start3A_491 = arith.constant 2 : i32
      %dma_start3A_492 = arith.constant 0 : i32
      %dma_start3A_493 = arith.constant 0 : i32
      %dma_start3A_494 = tpu.memref_slice %arg7[%dma_start3A_490, %dma_start3A_491, %dma_start3A_493] : memref<2x10x128xi32, #tpu.memory_space<vmem>> -> memref<1x1x128xi32, #tpu.memory_space<vmem>>
      %dma_start3A_495 = tpu.memref_squeeze %dma_start3A_494 : memref<1x1x128xi32, #tpu.memory_space<vmem>> -> memref<128xi32, #tpu.memory_space<vmem>>
      %dma_start3A_496 = arith.constant 0 : i32
      %dma_start3A_497 = arith.constant 0 : i32
      %dma_start3A_498 = tpu.memref_slice %arg6[%dma_start3A_496, %dma_start3A_497] : memref<50000x16xf32, #tpu.memory_space<vmem_shared>> -> memref<50000x16xf32, #tpu.memory_space<vmem_shared>>
      %dma_start3A_499 = tpu.memref_slice %arg9[%dma_start3A_492] : memref<2x!tpu.dma_semaphore, #tpu.memory_space<semaphore_mem>> -> memref<1x!tpu.dma_semaphore, #tpu.memory_space<semaphore_mem>>
      %dma_start3A_500 = tpu.memref_squeeze %dma_start3A_499 : memref<1x!tpu.dma_semaphore, #tpu.memory_space<semaphore_mem>> -> memref<!tpu.dma_semaphore, #tpu.memory_space<semaphore_mem>>
      tpu.enqueue_indirect_dma source(%arg8 : memref<128x16xf32, #tpu.memory_space<vmem>>) target(%dma_start3A_498 : memref<50000x16xf32, #tpu.memory_space<vmem_shared>>) offsets(%dma_start3A_495 : memref<128xi32, #tpu.memory_space<vmem>>) semaphore(%dma_start3A_500 : memref<!tpu.dma_semaphore, #tpu.memory_space<semaphore_mem>>) {add = true}
      %dma_start3A_501 = arith.constant 0 : i32
      %dma_start3A_502 = arith.constant 3 : i32
      %dma_start3A_503 = arith.constant 0 : i32
      %dma_start3A_504 = arith.constant 0 : i32
      %dma_start3A_505 = tpu.memref_slice %arg7[%dma_start3A_501, %dma_start3A_502, %dma_start3A_504] : memref<2x10x128xi32, #tpu.memory_space<vmem>> -> memref<1x1x128xi32, #tpu.memory_space<vmem>>
      %dma_start3A_506 = tpu.memref_squeeze %dma_start3A_505 : memref<1x1x128xi32, #tpu.memory_space<vmem>> -> memref<128xi32, #tpu.memory_space<vmem>>
      %dma_start3A_507 = arith.constant 0 : i32
      %dma_start3A_508 = arith.constant 0 : i32
      %dma_start3A_509 = tpu.memref_slice %arg6[%dma_start3A_507, %dma_start3A_508] : memref<50000x16xf32, #tpu.memory_space<vmem_shared>> -> memref<50000x16xf32, #tpu.memory_space<vmem_shared>>
      %dma_start3A_510 = tpu.memref_slice %arg9[%dma_start3A_503] : memref<2x!tpu.dma_semaphore, #tpu.memory_space<semaphore_mem>> -> memref<1x!tpu.dma_semaphore, #tpu.memory_space<semaphore_mem>>
      %dma_start3A_511 = tpu.memref_squeeze %dma_start3A_510 : memref<1x!tpu.dma_semaphore, #tpu.memory_space<semaphore_mem>> -> memref<!tpu.dma_semaphore, #tpu.memory_space<semaphore_mem>>
      tpu.enqueue_indirect_dma source(%arg8 : memref<128x16xf32, #tpu.memory_space<vmem>>) target(%dma_start3A_509 : memref<50000x16xf32, #tpu.memory_space<vmem_shared>>) offsets(%dma_start3A_506 : memref<128xi32, #tpu.memory_space<vmem>>) semaphore(%dma_start3A_511 : memref<!tpu.dma_semaphore, #tpu.memory_space<semaphore_mem>>) {add = true}
      %dma_start3A_512 = arith.constant 0 : i32
      %dma_start3A_513 = arith.constant 4 : i32
      %dma_start3A_514 = arith.constant 0 : i32
      %dma_start3A_515 = arith.constant 0 : i32
      %dma_start3A_516 = tpu.memref_slice %arg7[%dma_start3A_512, %dma_start3A_513, %dma_start3A_515] : memref<2x10x128xi32, #tpu.memory_space<vmem>> -> memref<1x1x128xi32, #tpu.memory_space<vmem>>
      %dma_start3A_517 = tpu.memref_squeeze %dma_start3A_516 : memref<1x1x128xi32, #tpu.memory_space<vmem>> -> memref<128xi32, #tpu.memory_space<vmem>>
      %dma_start3A_518 = arith.constant 0 : i32
      %dma_start3A_519 = arith.constant 0 : i32
      %dma_start3A_520 = tpu.memref_slice %arg6[%dma_start3A_518, %dma_start3A_519] : memref<50000x16xf32, #tpu.memory_space<vmem_shared>> -> memref<50000x16xf32, #tpu.memory_space<vmem_shared>>
      %dma_start3A_521 = tpu.memref_slice %arg9[%dma_start3A_514] : memref<2x!tpu.dma_semaphore, #tpu.memory_space<semaphore_mem>> -> memref<1x!tpu.dma_semaphore, #tpu.memory_space<semaphore_mem>>
      %dma_start3A_522 = tpu.memref_squeeze %dma_start3A_521 : memref<1x!tpu.dma_semaphore, #tpu.memory_space<semaphore_mem>> -> memref<!tpu.dma_semaphore, #tpu.memory_space<semaphore_mem>>
      tpu.enqueue_indirect_dma source(%arg8 : memref<128x16xf32, #tpu.memory_space<vmem>>) target(%dma_start3A_520 : memref<50000x16xf32, #tpu.memory_space<vmem_shared>>) offsets(%dma_start3A_517 : memref<128xi32, #tpu.memory_space<vmem>>) semaphore(%dma_start3A_522 : memref<!tpu.dma_semaphore, #tpu.memory_space<semaphore_mem>>) {add = true}
      %dma_start3A_523 = arith.constant 0 : i32
      %dma_start3A_524 = arith.constant 5 : i32
      %dma_start3A_525 = arith.constant 0 : i32
      %dma_start3A_526 = arith.constant 0 : i32
      %dma_start3A_527 = tpu.memref_slice %arg7[%dma_start3A_523, %dma_start3A_524, %dma_start3A_526] : memref<2x10x128xi32, #tpu.memory_space<vmem>> -> memref<1x1x128xi32, #tpu.memory_space<vmem>>
      %dma_start3A_528 = tpu.memref_squeeze %dma_start3A_527 : memref<1x1x128xi32, #tpu.memory_space<vmem>> -> memref<128xi32, #tpu.memory_space<vmem>>
      %dma_start3A_529 = arith.constant 0 : i32
      %dma_start3A_530 = arith.constant 0 : i32
      %dma_start3A_531 = tpu.memref_slice %arg6[%dma_start3A_529, %dma_start3A_530] : memref<50000x16xf32, #tpu.memory_space<vmem_shared>> -> memref<50000x16xf32, #tpu.memory_space<vmem_shared>>
      %dma_start3A_532 = tpu.memref_slice %arg9[%dma_start3A_525] : memref<2x!tpu.dma_semaphore, #tpu.memory_space<semaphore_mem>> -> memref<1x!tpu.dma_semaphore, #tpu.memory_space<semaphore_mem>>
      %dma_start3A_533 = tpu.memref_squeeze %dma_start3A_532 : memref<1x!tpu.dma_semaphore, #tpu.memory_space<semaphore_mem>> -> memref<!tpu.dma_semaphore, #tpu.memory_space<semaphore_mem>>
      tpu.enqueue_indirect_dma source(%arg8 : memref<128x16xf32, #tpu.memory_space<vmem>>) target(%dma_start3A_531 : memref<50000x16xf32, #tpu.memory_space<vmem_shared>>) offsets(%dma_start3A_528 : memref<128xi32, #tpu.memory_space<vmem>>) semaphore(%dma_start3A_533 : memref<!tpu.dma_semaphore, #tpu.memory_space<semaphore_mem>>) {add = true}
      %dma_start3A_534 = arith.constant 0 : i32
      %dma_start3A_535 = arith.constant 6 : i32
      %dma_start3A_536 = arith.constant 0 : i32
      %dma_start3A_537 = arith.constant 0 : i32
      %dma_start3A_538 = tpu.memref_slice %arg7[%dma_start3A_534, %dma_start3A_535, %dma_start3A_537] : memref<2x10x128xi32, #tpu.memory_space<vmem>> -> memref<1x1x128xi32, #tpu.memory_space<vmem>>
      %dma_start3A_539 = tpu.memref_squeeze %dma_start3A_538 : memref<1x1x128xi32, #tpu.memory_space<vmem>> -> memref<128xi32, #tpu.memory_space<vmem>>
      %dma_start3A_540 = arith.constant 0 : i32
      %dma_start3A_541 = arith.constant 0 : i32
      %dma_start3A_542 = tpu.memref_slice %arg6[%dma_start3A_540, %dma_start3A_541] : memref<50000x16xf32, #tpu.memory_space<vmem_shared>> -> memref<50000x16xf32, #tpu.memory_space<vmem_shared>>
      %dma_start3A_543 = tpu.memref_slice %arg9[%dma_start3A_536] : memref<2x!tpu.dma_semaphore, #tpu.memory_space<semaphore_mem>> -> memref<1x!tpu.dma_semaphore, #tpu.memory_space<semaphore_mem>>
      %dma_start3A_544 = tpu.memref_squeeze %dma_start3A_543 : memref<1x!tpu.dma_semaphore, #tpu.memory_space<semaphore_mem>> -> memref<!tpu.dma_semaphore, #tpu.memory_space<semaphore_mem>>
      tpu.enqueue_indirect_dma source(%arg8 : memref<128x16xf32, #tpu.memory_space<vmem>>) target(%dma_start3A_542 : memref<50000x16xf32, #tpu.memory_space<vmem_shared>>) offsets(%dma_start3A_539 : memref<128xi32, #tpu.memory_space<vmem>>) semaphore(%dma_start3A_544 : memref<!tpu.dma_semaphore, #tpu.memory_space<semaphore_mem>>) {add = true}
      %dma_start3A_545 = arith.constant 0 : i32
      %dma_start3A_546 = arith.constant 7 : i32
      %dma_start3A_547 = arith.constant 0 : i32
      %dma_start3A_548 = arith.constant 0 : i32
      %dma_start3A_549 = tpu.memref_slice %arg7[%dma_start3A_545, %dma_start3A_546, %dma_start3A_548] : memref<2x10x128xi32, #tpu.memory_space<vmem>> -> memref<1x1x128xi32, #tpu.memory_space<vmem>>
      %dma_start3A_550 = tpu.memref_squeeze %dma_start3A_549 : memref<1x1x128xi32, #tpu.memory_space<vmem>> -> memref<128xi32, #tpu.memory_space<vmem>>
      %dma_start3A_551 = arith.constant 0 : i32
      %dma_start3A_552 = arith.constant 0 : i32
      %dma_start3A_553 = tpu.memref_slice %arg6[%dma_start3A_551, %dma_start3A_552] : memref<50000x16xf32, #tpu.memory_space<vmem_shared>> -> memref<50000x16xf32, #tpu.memory_space<vmem_shared>>
      %dma_start3A_554 = tpu.memref_slice %arg9[%dma_start3A_547] : memref<2x!tpu.dma_semaphore, #tpu.memory_space<semaphore_mem>> -> memref<1x!tpu.dma_semaphore, #tpu.memory_space<semaphore_mem>>
      %dma_start3A_555 = tpu.memref_squeeze %dma_start3A_554 : memref<1x!tpu.dma_semaphore, #tpu.memory_space<semaphore_mem>> -> memref<!tpu.dma_semaphore, #tpu.memory_space<semaphore_mem>>
      tpu.enqueue_indirect_dma source(%arg8 : memref<128x16xf32, #tpu.memory_space<vmem>>) target(%dma_start3A_553 : memref<50000x16xf32, #tpu.memory_space<vmem_shared>>) offsets(%dma_start3A_550 : memref<128xi32, #tpu.memory_space<vmem>>) semaphore(%dma_start3A_555 : memref<!tpu.dma_semaphore, #tpu.memory_space<semaphore_mem>>) {add = true}
      %dma_start3A_556 = arith.constant 0 : i32
      %dma_start3A_557 = arith.constant 8 : i32
      %dma_start3A_558 = arith.constant 0 : i32
      %dma_start3A_559 = arith.constant 0 : i32
      %dma_start3A_560 = tpu.memref_slice %arg7[%dma_start3A_556, %dma_start3A_557, %dma_start3A_559] : memref<2x10x128xi32, #tpu.memory_space<vmem>> -> memref<1x1x128xi32, #tpu.memory_space<vmem>>
      %dma_start3A_561 = tpu.memref_squeeze %dma_start3A_560 : memref<1x1x128xi32, #tpu.memory_space<vmem>> -> memref<128xi32, #tpu.memory_space<vmem>>
      %dma_start3A_562 = arith.constant 0 : i32
      %dma_start3A_563 = arith.constant 0 : i32
      %dma_start3A_564 = tpu.memref_slice %arg6[%dma_start3A_562, %dma_start3A_563] : memref<50000x16xf32, #tpu.memory_space<vmem_shared>> -> memref<50000x16xf32, #tpu.memory_space<vmem_shared>>
      %dma_start3A_565 = tpu.memref_slice %arg9[%dma_start3A_558] : memref<2x!tpu.dma_semaphore, #tpu.memory_space<semaphore_mem>> -> memref<1x!tpu.dma_semaphore, #tpu.memory_space<semaphore_mem>>
      %dma_start3A_566 = tpu.memref_squeeze %dma_start3A_565 : memref<1x!tpu.dma_semaphore, #tpu.memory_space<semaphore_mem>> -> memref<!tpu.dma_semaphore, #tpu.memory_space<semaphore_mem>>
      tpu.enqueue_indirect_dma source(%arg8 : memref<128x16xf32, #tpu.memory_space<vmem>>) target(%dma_start3A_564 : memref<50000x16xf32, #tpu.memory_space<vmem_shared>>) offsets(%dma_start3A_561 : memref<128xi32, #tpu.memory_space<vmem>>) semaphore(%dma_start3A_566 : memref<!tpu.dma_semaphore, #tpu.memory_space<semaphore_mem>>) {add = true}
      %dma_start3A_567 = arith.constant 0 : i32
      %dma_start3A_568 = arith.constant 9 : i32
      %dma_start3A_569 = arith.constant 0 : i32
      %dma_start3A_570 = arith.constant 0 : i32
      %dma_start3A_571 = tpu.memref_slice %arg7[%dma_start3A_567, %dma_start3A_568, %dma_start3A_570] : memref<2x10x128xi32, #tpu.memory_space<vmem>> -> memref<1x1x128xi32, #tpu.memory_space<vmem>>
      %dma_start3A_572 = tpu.memref_squeeze %dma_start3A_571 : memref<1x1x128xi32, #tpu.memory_space<vmem>> -> memref<128xi32, #tpu.memory_space<vmem>>
      %dma_start3A_573 = arith.constant 0 : i32
      %dma_start3A_574 = arith.constant 0 : i32
      %dma_start3A_575 = tpu.memref_slice %arg6[%dma_start3A_573, %dma_start3A_574] : memref<50000x16xf32, #tpu.memory_space<vmem_shared>> -> memref<50000x16xf32, #tpu.memory_space<vmem_shared>>
      %dma_start3A_576 = tpu.memref_slice %arg9[%dma_start3A_569] : memref<2x!tpu.dma_semaphore, #tpu.memory_space<semaphore_mem>> -> memref<1x!tpu.dma_semaphore, #tpu.memory_space<semaphore_mem>>
      %dma_start3A_577 = tpu.memref_squeeze %dma_start3A_576 : memref<1x!tpu.dma_semaphore, #tpu.memory_space<semaphore_mem>> -> memref<!tpu.dma_semaphore, #tpu.memory_space<semaphore_mem>>
      tpu.enqueue_indirect_dma source(%arg8 : memref<128x16xf32, #tpu.memory_space<vmem>>) target(%dma_start3A_575 : memref<50000x16xf32, #tpu.memory_space<vmem_shared>>) offsets(%dma_start3A_572 : memref<128xi32, #tpu.memory_space<vmem>>) semaphore(%dma_start3A_577 : memref<!tpu.dma_semaphore, #tpu.memory_space<semaphore_mem>>) {add = true}
      %add3A_578 = arith.constant 10 : i32
      %add3A_579 = arith.addi %add3A_462, %add3A_578 : i32
      %ge3A_580 = arith.constant 1 : i32
      %ge3A_581 = arith.cmpi sge, %scan3A_457, %ge3A_580 : i32
      %convert_element_type3A_582 = arith.extui %ge3A_581 : i1 to i32
      %cond3A_583 = arith.constant 0 : i32
      %cond3A_584 = arith.cmpi ne, %convert_element_type3A_582, %cond3A_583 : i32
      scf.if %cond3A_584 {
        %dma_wait3A_696 = arith.constant 1 : i32
        %dma_wait3A_697 = arith.constant 0 : i32
        %dma_wait3A_698 = arith.constant 1 : i32
        %dma_wait3A_699 = arith.constant 0 : i32
        %dma_wait3A_700 = tpu.memref_slice %arg7[%dma_wait3A_696, %dma_wait3A_697, %dma_wait3A_699] : memref<2x10x128xi32, #tpu.memory_space<vmem>> -> memref<1x1x128xi32, #tpu.memory_space<vmem>>
        %dma_wait3A_701 = tpu.memref_squeeze %dma_wait3A_700 : memref<1x1x128xi32, #tpu.memory_space<vmem>> -> memref<128xi32, #tpu.memory_space<vmem>>
        %dma_wait3A_702 = arith.constant 0 : i32
        %dma_wait3A_703 = arith.constant 0 : i32
        %dma_wait3A_704 = tpu.memref_slice %arg6[%dma_wait3A_702, %dma_wait3A_703] : memref<50000x16xf32, #tpu.memory_space<vmem_shared>> -> memref<50000x16xf32, #tpu.memory_space<vmem_shared>>
        %dma_wait3A_705 = tpu.memref_slice %arg9[%dma_wait3A_698] : memref<2x!tpu.dma_semaphore, #tpu.memory_space<semaphore_mem>> -> memref<1x!tpu.dma_semaphore, #tpu.memory_space<semaphore_mem>>
        %dma_wait3A_706 = tpu.memref_squeeze %dma_wait3A_705 : memref<1x!tpu.dma_semaphore, #tpu.memory_space<semaphore_mem>> -> memref<!tpu.dma_semaphore, #tpu.memory_space<semaphore_mem>>
        tpu.wait_indirect_dma semaphore(%dma_wait3A_706 : memref<!tpu.dma_semaphore, #tpu.memory_space<semaphore_mem>>) src(%arg8 : memref<128x16xf32, #tpu.memory_space<vmem>>) dst(%dma_wait3A_704 : memref<50000x16xf32, #tpu.memory_space<vmem_shared>>)
        %dma_wait3A_707 = arith.constant 1 : i32
        %dma_wait3A_708 = arith.constant 1 : i32
        %dma_wait3A_709 = arith.constant 1 : i32
        %dma_wait3A_710 = arith.constant 0 : i32
        %dma_wait3A_711 = tpu.memref_slice %arg7[%dma_wait3A_707, %dma_wait3A_708, %dma_wait3A_710] : memref<2x10x128xi32, #tpu.memory_space<vmem>> -> memref<1x1x128xi32, #tpu.memory_space<vmem>>
        %dma_wait3A_712 = tpu.memref_squeeze %dma_wait3A_711 : memref<1x1x128xi32, #tpu.memory_space<vmem>> -> memref<128xi32, #tpu.memory_space<vmem>>
        %dma_wait3A_713 = arith.constant 0 : i32
        %dma_wait3A_714 = arith.constant 0 : i32
        %dma_wait3A_715 = tpu.memref_slice %arg6[%dma_wait3A_713, %dma_wait3A_714] : memref<50000x16xf32, #tpu.memory_space<vmem_shared>> -> memref<50000x16xf32, #tpu.memory_space<vmem_shared>>
        %dma_wait3A_716 = tpu.memref_slice %arg9[%dma_wait3A_709] : memref<2x!tpu.dma_semaphore, #tpu.memory_space<semaphore_mem>> -> memref<1x!tpu.dma_semaphore, #tpu.memory_space<semaphore_mem>>
        %dma_wait3A_717 = tpu.memref_squeeze %dma_wait3A_716 : memref<1x!tpu.dma_semaphore, #tpu.memory_space<semaphore_mem>> -> memref<!tpu.dma_semaphore, #tpu.memory_space<semaphore_mem>>
        tpu.wait_indirect_dma semaphore(%dma_wait3A_717 : memref<!tpu.dma_semaphore, #tpu.memory_space<semaphore_mem>>) src(%arg8 : memref<128x16xf32, #tpu.memory_space<vmem>>) dst(%dma_wait3A_715 : memref<50000x16xf32, #tpu.memory_space<vmem_shared>>)
        %dma_wait3A_718 = arith.constant 1 : i32
        %dma_wait3A_719 = arith.constant 2 : i32
        %dma_wait3A_720 = arith.constant 1 : i32
        %dma_wait3A_721 = arith.constant 0 : i32
        %dma_wait3A_722 = tpu.memref_slice %arg7[%dma_wait3A_718, %dma_wait3A_719, %dma_wait3A_721] : memref<2x10x128xi32, #tpu.memory_space<vmem>> -> memref<1x1x128xi32, #tpu.memory_space<vmem>>
        %dma_wait3A_723 = tpu.memref_squeeze %dma_wait3A_722 : memref<1x1x128xi32, #tpu.memory_space<vmem>> -> memref<128xi32, #tpu.memory_space<vmem>>
        %dma_wait3A_724 = arith.constant 0 : i32
        %dma_wait3A_725 = arith.constant 0 : i32
        %dma_wait3A_726 = tpu.memref_slice %arg6[%dma_wait3A_724, %dma_wait3A_725] : memref<50000x16xf32, #tpu.memory_space<vmem_shared>> -> memref<50000x16xf32, #tpu.memory_space<vmem_shared>>
        %dma_wait3A_727 = tpu.memref_slice %arg9[%dma_wait3A_720] : memref<2x!tpu.dma_semaphore, #tpu.memory_space<semaphore_mem>> -> memref<1x!tpu.dma_semaphore, #tpu.memory_space<semaphore_mem>>
        %dma_wait3A_728 = tpu.memref_squeeze %dma_wait3A_727 : memref<1x!tpu.dma_semaphore, #tpu.memory_space<semaphore_mem>> -> memref<!tpu.dma_semaphore, #tpu.memory_space<semaphore_mem>>
        tpu.wait_indirect_dma semaphore(%dma_wait3A_728 : memref<!tpu.dma_semaphore, #tpu.memory_space<semaphore_mem>>) src(%arg8 : memref<128x16xf32, #tpu.memory_space<vmem>>) dst(%dma_wait3A_726 : memref<50000x16xf32, #tpu.memory_space<vmem_shared>>)
        %dma_wait3A_729 = arith.constant 1 : i32
        %dma_wait3A_730 = arith.constant 3 : i32
        %dma_wait3A_731 = arith.constant 1 : i32
        %dma_wait3A_732 = arith.constant 0 : i32
        %dma_wait3A_733 = tpu.memref_slice %arg7[%dma_wait3A_729, %dma_wait3A_730, %dma_wait3A_732] : memref<2x10x128xi32, #tpu.memory_space<vmem>> -> memref<1x1x128xi32, #tpu.memory_space<vmem>>
        %dma_wait3A_734 = tpu.memref_squeeze %dma_wait3A_733 : memref<1x1x128xi32, #tpu.memory_space<vmem>> -> memref<128xi32, #tpu.memory_space<vmem>>
        %dma_wait3A_735 = arith.constant 0 : i32
        %dma_wait3A_736 = arith.constant 0 : i32
        %dma_wait3A_737 = tpu.memref_slice %arg6[%dma_wait3A_735, %dma_wait3A_736] : memref<50000x16xf32, #tpu.memory_space<vmem_shared>> -> memref<50000x16xf32, #tpu.memory_space<vmem_shared>>
        %dma_wait3A_738 = tpu.memref_slice %arg9[%dma_wait3A_731] : memref<2x!tpu.dma_semaphore, #tpu.memory_space<semaphore_mem>> -> memref<1x!tpu.dma_semaphore, #tpu.memory_space<semaphore_mem>>
        %dma_wait3A_739 = tpu.memref_squeeze %dma_wait3A_738 : memref<1x!tpu.dma_semaphore, #tpu.memory_space<semaphore_mem>> -> memref<!tpu.dma_semaphore, #tpu.memory_space<semaphore_mem>>
        tpu.wait_indirect_dma semaphore(%dma_wait3A_739 : memref<!tpu.dma_semaphore, #tpu.memory_space<semaphore_mem>>) src(%arg8 : memref<128x16xf32, #tpu.memory_space<vmem>>) dst(%dma_wait3A_737 : memref<50000x16xf32, #tpu.memory_space<vmem_shared>>)
        %dma_wait3A_740 = arith.constant 1 : i32
        %dma_wait3A_741 = arith.constant 4 : i32
        %dma_wait3A_742 = arith.constant 1 : i32
        %dma_wait3A_743 = arith.constant 0 : i32
        %dma_wait3A_744 = tpu.memref_slice %arg7[%dma_wait3A_740, %dma_wait3A_741, %dma_wait3A_743] : memref<2x10x128xi32, #tpu.memory_space<vmem>> -> memref<1x1x128xi32, #tpu.memory_space<vmem>>
        %dma_wait3A_745 = tpu.memref_squeeze %dma_wait3A_744 : memref<1x1x128xi32, #tpu.memory_space<vmem>> -> memref<128xi32, #tpu.memory_space<vmem>>
        %dma_wait3A_746 = arith.constant 0 : i32
        %dma_wait3A_747 = arith.constant 0 : i32
        %dma_wait3A_748 = tpu.memref_slice %arg6[%dma_wait3A_746, %dma_wait3A_747] : memref<50000x16xf32, #tpu.memory_space<vmem_shared>> -> memref<50000x16xf32, #tpu.memory_space<vmem_shared>>
        %dma_wait3A_749 = tpu.memref_slice %arg9[%dma_wait3A_742] : memref<2x!tpu.dma_semaphore, #tpu.memory_space<semaphore_mem>> -> memref<1x!tpu.dma_semaphore, #tpu.memory_space<semaphore_mem>>
        %dma_wait3A_750 = tpu.memref_squeeze %dma_wait3A_749 : memref<1x!tpu.dma_semaphore, #tpu.memory_space<semaphore_mem>> -> memref<!tpu.dma_semaphore, #tpu.memory_space<semaphore_mem>>
        tpu.wait_indirect_dma semaphore(%dma_wait3A_750 : memref<!tpu.dma_semaphore, #tpu.memory_space<semaphore_mem>>) src(%arg8 : memref<128x16xf32, #tpu.memory_space<vmem>>) dst(%dma_wait3A_748 : memref<50000x16xf32, #tpu.memory_space<vmem_shared>>)
        %dma_wait3A_751 = arith.constant 1 : i32
        %dma_wait3A_752 = arith.constant 5 : i32
        %dma_wait3A_753 = arith.constant 1 : i32
        %dma_wait3A_754 = arith.constant 0 : i32
        %dma_wait3A_755 = tpu.memref_slice %arg7[%dma_wait3A_751, %dma_wait3A_752, %dma_wait3A_754] : memref<2x10x128xi32, #tpu.memory_space<vmem>> -> memref<1x1x128xi32, #tpu.memory_space<vmem>>
        %dma_wait3A_756 = tpu.memref_squeeze %dma_wait3A_755 : memref<1x1x128xi32, #tpu.memory_space<vmem>> -> memref<128xi32, #tpu.memory_space<vmem>>
        %dma_wait3A_757 = arith.constant 0 : i32
        %dma_wait3A_758 = arith.constant 0 : i32
        %dma_wait3A_759 = tpu.memref_slice %arg6[%dma_wait3A_757, %dma_wait3A_758] : memref<50000x16xf32, #tpu.memory_space<vmem_shared>> -> memref<50000x16xf32, #tpu.memory_space<vmem_shared>>
        %dma_wait3A_760 = tpu.memref_slice %arg9[%dma_wait3A_753] : memref<2x!tpu.dma_semaphore, #tpu.memory_space<semaphore_mem>> -> memref<1x!tpu.dma_semaphore, #tpu.memory_space<semaphore_mem>>
        %dma_wait3A_761 = tpu.memref_squeeze %dma_wait3A_760 : memref<1x!tpu.dma_semaphore, #tpu.memory_space<semaphore_mem>> -> memref<!tpu.dma_semaphore, #tpu.memory_space<semaphore_mem>>
        tpu.wait_indirect_dma semaphore(%dma_wait3A_761 : memref<!tpu.dma_semaphore, #tpu.memory_space<semaphore_mem>>) src(%arg8 : memref<128x16xf32, #tpu.memory_space<vmem>>) dst(%dma_wait3A_759 : memref<50000x16xf32, #tpu.memory_space<vmem_shared>>)
        %dma_wait3A_762 = arith.constant 1 : i32
        %dma_wait3A_763 = arith.constant 6 : i32
        %dma_wait3A_764 = arith.constant 1 : i32
        %dma_wait3A_765 = arith.constant 0 : i32
        %dma_wait3A_766 = tpu.memref_slice %arg7[%dma_wait3A_762, %dma_wait3A_763, %dma_wait3A_765] : memref<2x10x128xi32, #tpu.memory_space<vmem>> -> memref<1x1x128xi32, #tpu.memory_space<vmem>>
        %dma_wait3A_767 = tpu.memref_squeeze %dma_wait3A_766 : memref<1x1x128xi32, #tpu.memory_space<vmem>> -> memref<128xi32, #tpu.memory_space<vmem>>
        %dma_wait3A_768 = arith.constant 0 : i32
        %dma_wait3A_769 = arith.constant 0 : i32
        %dma_wait3A_770 = tpu.memref_slice %arg6[%dma_wait3A_768, %dma_wait3A_769] : memref<50000x16xf32, #tpu.memory_space<vmem_shared>> -> memref<50000x16xf32, #tpu.memory_space<vmem_shared>>
        %dma_wait3A_771 = tpu.memref_slice %arg9[%dma_wait3A_764] : memref<2x!tpu.dma_semaphore, #tpu.memory_space<semaphore_mem>> -> memref<1x!tpu.dma_semaphore, #tpu.memory_space<semaphore_mem>>
        %dma_wait3A_772 = tpu.memref_squeeze %dma_wait3A_771 : memref<1x!tpu.dma_semaphore, #tpu.memory_space<semaphore_mem>> -> memref<!tpu.dma_semaphore, #tpu.memory_space<semaphore_mem>>
        tpu.wait_indirect_dma semaphore(%dma_wait3A_772 : memref<!tpu.dma_semaphore, #tpu.memory_space<semaphore_mem>>) src(%arg8 : memref<128x16xf32, #tpu.memory_space<vmem>>) dst(%dma_wait3A_770 : memref<50000x16xf32, #tpu.memory_space<vmem_shared>>)
        %dma_wait3A_773 = arith.constant 1 : i32
        %dma_wait3A_774 = arith.constant 7 : i32
        %dma_wait3A_775 = arith.constant 1 : i32
        %dma_wait3A_776 = arith.constant 0 : i32
        %dma_wait3A_777 = tpu.memref_slice %arg7[%dma_wait3A_773, %dma_wait3A_774, %dma_wait3A_776] : memref<2x10x128xi32, #tpu.memory_space<vmem>> -> memref<1x1x128xi32, #tpu.memory_space<vmem>>
        %dma_wait3A_778 = tpu.memref_squeeze %dma_wait3A_777 : memref<1x1x128xi32, #tpu.memory_space<vmem>> -> memref<128xi32, #tpu.memory_space<vmem>>
        %dma_wait3A_779 = arith.constant 0 : i32
        %dma_wait3A_780 = arith.constant 0 : i32
        %dma_wait3A_781 = tpu.memref_slice %arg6[%dma_wait3A_779, %dma_wait3A_780] : memref<50000x16xf32, #tpu.memory_space<vmem_shared>> -> memref<50000x16xf32, #tpu.memory_space<vmem_shared>>
        %dma_wait3A_782 = tpu.memref_slice %arg9[%dma_wait3A_775] : memref<2x!tpu.dma_semaphore, #tpu.memory_space<semaphore_mem>> -> memref<1x!tpu.dma_semaphore, #tpu.memory_space<semaphore_mem>>
        %dma_wait3A_783 = tpu.memref_squeeze %dma_wait3A_782 : memref<1x!tpu.dma_semaphore, #tpu.memory_space<semaphore_mem>> -> memref<!tpu.dma_semaphore, #tpu.memory_space<semaphore_mem>>
        tpu.wait_indirect_dma semaphore(%dma_wait3A_783 : memref<!tpu.dma_semaphore, #tpu.memory_space<semaphore_mem>>) src(%arg8 : memref<128x16xf32, #tpu.memory_space<vmem>>) dst(%dma_wait3A_781 : memref<50000x16xf32, #tpu.memory_space<vmem_shared>>)
        %dma_wait3A_784 = arith.constant 1 : i32
        %dma_wait3A_785 = arith.constant 8 : i32
        %dma_wait3A_786 = arith.constant 1 : i32
        %dma_wait3A_787 = arith.constant 0 : i32
        %dma_wait3A_788 = tpu.memref_slice %arg7[%dma_wait3A_784, %dma_wait3A_785, %dma_wait3A_787] : memref<2x10x128xi32, #tpu.memory_space<vmem>> -> memref<1x1x128xi32, #tpu.memory_space<vmem>>
        %dma_wait3A_789 = tpu.memref_squeeze %dma_wait3A_788 : memref<1x1x128xi32, #tpu.memory_space<vmem>> -> memref<128xi32, #tpu.memory_space<vmem>>
        %dma_wait3A_790 = arith.constant 0 : i32
        %dma_wait3A_791 = arith.constant 0 : i32
        %dma_wait3A_792 = tpu.memref_slice %arg6[%dma_wait3A_790, %dma_wait3A_791] : memref<50000x16xf32, #tpu.memory_space<vmem_shared>> -> memref<50000x16xf32, #tpu.memory_space<vmem_shared>>
        %dma_wait3A_793 = tpu.memref_slice %arg9[%dma_wait3A_786] : memref<2x!tpu.dma_semaphore, #tpu.memory_space<semaphore_mem>> -> memref<1x!tpu.dma_semaphore, #tpu.memory_space<semaphore_mem>>
        %dma_wait3A_794 = tpu.memref_squeeze %dma_wait3A_793 : memref<1x!tpu.dma_semaphore, #tpu.memory_space<semaphore_mem>> -> memref<!tpu.dma_semaphore, #tpu.memory_space<semaphore_mem>>
        tpu.wait_indirect_dma semaphore(%dma_wait3A_794 : memref<!tpu.dma_semaphore, #tpu.memory_space<semaphore_mem>>) src(%arg8 : memref<128x16xf32, #tpu.memory_space<vmem>>) dst(%dma_wait3A_792 : memref<50000x16xf32, #tpu.memory_space<vmem_shared>>)
        %dma_wait3A_795 = arith.constant 1 : i32
        %dma_wait3A_796 = arith.constant 9 : i32
        %dma_wait3A_797 = arith.constant 1 : i32
        %dma_wait3A_798 = arith.constant 0 : i32
        %dma_wait3A_799 = tpu.memref_slice %arg7[%dma_wait3A_795, %dma_wait3A_796, %dma_wait3A_798] : memref<2x10x128xi32, #tpu.memory_space<vmem>> -> memref<1x1x128xi32, #tpu.memory_space<vmem>>
        %dma_wait3A_800 = tpu.memref_squeeze %dma_wait3A_799 : memref<1x1x128xi32, #tpu.memory_space<vmem>> -> memref<128xi32, #tpu.memory_space<vmem>>
        %dma_wait3A_801 = arith.constant 0 : i32
        %dma_wait3A_802 = arith.constant 0 : i32
        %dma_wait3A_803 = tpu.memref_slice %arg6[%dma_wait3A_801, %dma_wait3A_802] : memref<50000x16xf32, #tpu.memory_space<vmem_shared>> -> memref<50000x16xf32, #tpu.memory_space<vmem_shared>>
        %dma_wait3A_804 = tpu.memref_slice %arg9[%dma_wait3A_797] : memref<2x!tpu.dma_semaphore, #tpu.memory_space<semaphore_mem>> -> memref<1x!tpu.dma_semaphore, #tpu.memory_space<semaphore_mem>>
        %dma_wait3A_805 = tpu.memref_squeeze %dma_wait3A_804 : memref<1x!tpu.dma_semaphore, #tpu.memory_space<semaphore_mem>> -> memref<!tpu.dma_semaphore, #tpu.memory_space<semaphore_mem>>
        tpu.wait_indirect_dma semaphore(%dma_wait3A_805 : memref<!tpu.dma_semaphore, #tpu.memory_space<semaphore_mem>>) src(%arg8 : memref<128x16xf32, #tpu.memory_space<vmem>>) dst(%dma_wait3A_803 : memref<50000x16xf32, #tpu.memory_space<vmem_shared>>)
      } else {
      }
      %run_scoped3A_585 = arith.constant 1 : i32
      "tpu.region"() ({
        %run_scoped3A_696 = tpu.sem_alloc : memref<!tpu.dma_semaphore, #tpu.memory_space<semaphore_mem>>
        %dma_start3A_697 = arith.constant 0 : i32
        %dma_start3A_698 = arith.constant 0 : i32
        %dma_start3A_699 = tpu.memref_slice %arg7[%run_scoped3A_585, %dma_start3A_697, %dma_start3A_698] : memref<2x10x128xi32, #tpu.memory_space<vmem>> -> memref<1x10x128xi32, #tpu.memory_space<vmem>>
        %dma_start3A_700 = tpu.memref_squeeze %dma_start3A_699 : memref<1x10x128xi32, #tpu.memory_space<vmem>> -> memref<10x128xi32, #tpu.memory_space<vmem>>
        %dma_start3A_701 = arith.constant 0 : i32
        %dma_start3A_702 = tpu.memref_slice %arg2[%add3A_579, %dma_start3A_701] : memref<12500x128xi32, #tpu.memory_space<hbm>> -> memref<10x128xi32, #tpu.memory_space<hbm>>
        %dma_start3A_703 = arith.constant 0 : i32
        %dma_start3A_704 = arith.constant 0 : i32
        %dma_start3A_705 = tpu.memref_slice %arg7[%run_scoped3A_585, %dma_start3A_703, %dma_start3A_704] : memref<2x10x128xi32, #tpu.memory_space<vmem>> -> memref<1x10x128xi32, #tpu.memory_space<vmem>>
        %dma_start3A_706 = tpu.memref_squeeze %dma_start3A_705 : memref<1x10x128xi32, #tpu.memory_space<vmem>> -> memref<10x128xi32, #tpu.memory_space<vmem>>
        %dma_start3A_707 = arith.constant 0 : i32
        %dma_start3A_708 = tpu.memref_slice %arg2[%add3A_579, %dma_start3A_707] : memref<12500x128xi32, #tpu.memory_space<hbm>> -> memref<10x128xi32, #tpu.memory_space<hbm>>
        tpu.enqueue_dma source(%dma_start3A_708 : memref<10x128xi32, #tpu.memory_space<hbm>>) target(%dma_start3A_706 : memref<10x128xi32, #tpu.memory_space<vmem>>) target_semaphore(%run_scoped3A_696 : memref<!tpu.dma_semaphore, #tpu.memory_space<semaphore_mem>>)
        %dma_wait3A_709 = arith.constant 0 : i32
        %dma_wait3A_710 = arith.constant 0 : i32
        %dma_wait3A_711 = tpu.memref_slice %arg7[%run_scoped3A_585, %dma_wait3A_709, %dma_wait3A_710] : memref<2x10x128xi32, #tpu.memory_space<vmem>> -> memref<1x10x128xi32, #tpu.memory_space<vmem>>
        %dma_wait3A_712 = tpu.memref_squeeze %dma_wait3A_711 : memref<1x10x128xi32, #tpu.memory_space<vmem>> -> memref<10x128xi32, #tpu.memory_space<vmem>>
        %dma_wait3A_713 = arith.constant 0 : i32
        %dma_wait3A_714 = tpu.memref_slice %arg2[%add3A_579, %dma_wait3A_713] : memref<12500x128xi32, #tpu.memory_space<hbm>> -> memref<10x128xi32, #tpu.memory_space<hbm>>
        %dma_wait3A_715 = arith.constant 0 : i32
        %dma_wait3A_716 = arith.constant 0 : i32
        %dma_wait3A_717 = tpu.memref_slice %arg7[%run_scoped3A_585, %dma_wait3A_715, %dma_wait3A_716] : memref<2x10x128xi32, #tpu.memory_space<vmem>> -> memref<1x10x128xi32, #tpu.memory_space<vmem>>
        %dma_wait3A_718 = tpu.memref_squeeze %dma_wait3A_717 : memref<1x10x128xi32, #tpu.memory_space<vmem>> -> memref<10x128xi32, #tpu.memory_space<vmem>>
        %dma_wait3A_719 = arith.constant 0 : i32
        %dma_wait3A_720 = tpu.memref_slice %arg2[%add3A_579, %dma_wait3A_719] : memref<12500x128xi32, #tpu.memory_space<hbm>> -> memref<10x128xi32, #tpu.memory_space<hbm>>
        tpu.wait_dma2 semaphore(%run_scoped3A_696 : memref<!tpu.dma_semaphore, #tpu.memory_space<semaphore_mem>>) src(%dma_wait3A_720 : memref<10x128xi32, #tpu.memory_space<hbm>>) dst(%dma_wait3A_718 : memref<10x128xi32, #tpu.memory_space<vmem>>)
        tpu.yield
      }) : () -> ()
      %dma_start3A_586 = arith.constant 1 : i32
      %dma_start3A_587 = arith.constant 0 : i32
      %dma_start3A_588 = arith.constant 1 : i32
      %dma_start3A_589 = arith.constant 0 : i32
      %dma_start3A_590 = tpu.memref_slice %arg7[%dma_start3A_586, %dma_start3A_587, %dma_start3A_589] : memref<2x10x128xi32, #tpu.memory_space<vmem>> -> memref<1x1x128xi32, #tpu.memory_space<vmem>>
      %dma_start3A_591 = tpu.memref_squeeze %dma_start3A_590 : memref<1x1x128xi32, #tpu.memory_space<vmem>> -> memref<128xi32, #tpu.memory_space<vmem>>
      %dma_start3A_592 = arith.constant 0 : i32
      %dma_start3A_593 = arith.constant 0 : i32
      %dma_start3A_594 = tpu.memref_slice %arg6[%dma_start3A_592, %dma_start3A_593] : memref<50000x16xf32, #tpu.memory_space<vmem_shared>> -> memref<50000x16xf32, #tpu.memory_space<vmem_shared>>
      %dma_start3A_595 = tpu.memref_slice %arg9[%dma_start3A_588] : memref<2x!tpu.dma_semaphore, #tpu.memory_space<semaphore_mem>> -> memref<1x!tpu.dma_semaphore, #tpu.memory_space<semaphore_mem>>
      %dma_start3A_596 = tpu.memref_squeeze %dma_start3A_595 : memref<1x!tpu.dma_semaphore, #tpu.memory_space<semaphore_mem>> -> memref<!tpu.dma_semaphore, #tpu.memory_space<semaphore_mem>>
      tpu.enqueue_indirect_dma source(%arg8 : memref<128x16xf32, #tpu.memory_space<vmem>>) target(%dma_start3A_594 : memref<50000x16xf32, #tpu.memory_space<vmem_shared>>) offsets(%dma_start3A_591 : memref<128xi32, #tpu.memory_space<vmem>>) semaphore(%dma_start3A_596 : memref<!tpu.dma_semaphore, #tpu.memory_space<semaphore_mem>>) {add = true}
      %dma_start3A_597 = arith.constant 1 : i32
      %dma_start3A_598 = arith.constant 1 : i32
      %dma_start3A_599 = arith.constant 1 : i32
      %dma_start3A_600 = arith.constant 0 : i32
      %dma_start3A_601 = tpu.memref_slice %arg7[%dma_start3A_597, %dma_start3A_598, %dma_start3A_600] : memref<2x10x128xi32, #tpu.memory_space<vmem>> -> memref<1x1x128xi32, #tpu.memory_space<vmem>>
      %dma_start3A_602 = tpu.memref_squeeze %dma_start3A_601 : memref<1x1x128xi32, #tpu.memory_space<vmem>> -> memref<128xi32, #tpu.memory_space<vmem>>
      %dma_start3A_603 = arith.constant 0 : i32
      %dma_start3A_604 = arith.constant 0 : i32
      %dma_start3A_605 = tpu.memref_slice %arg6[%dma_start3A_603, %dma_start3A_604] : memref<50000x16xf32, #tpu.memory_space<vmem_shared>> -> memref<50000x16xf32, #tpu.memory_space<vmem_shared>>
      %dma_start3A_606 = tpu.memref_slice %arg9[%dma_start3A_599] : memref<2x!tpu.dma_semaphore, #tpu.memory_space<semaphore_mem>> -> memref<1x!tpu.dma_semaphore, #tpu.memory_space<semaphore_mem>>
      %dma_start3A_607 = tpu.memref_squeeze %dma_start3A_606 : memref<1x!tpu.dma_semaphore, #tpu.memory_space<semaphore_mem>> -> memref<!tpu.dma_semaphore, #tpu.memory_space<semaphore_mem>>
      tpu.enqueue_indirect_dma source(%arg8 : memref<128x16xf32, #tpu.memory_space<vmem>>) target(%dma_start3A_605 : memref<50000x16xf32, #tpu.memory_space<vmem_shared>>) offsets(%dma_start3A_602 : memref<128xi32, #tpu.memory_space<vmem>>) semaphore(%dma_start3A_607 : memref<!tpu.dma_semaphore, #tpu.memory_space<semaphore_mem>>) {add = true}
      %dma_start3A_608 = arith.constant 1 : i32
      %dma_start3A_609 = arith.constant 2 : i32
      %dma_start3A_610 = arith.constant 1 : i32
      %dma_start3A_611 = arith.constant 0 : i32
      %dma_start3A_612 = tpu.memref_slice %arg7[%dma_start3A_608, %dma_start3A_609, %dma_start3A_611] : memref<2x10x128xi32, #tpu.memory_space<vmem>> -> memref<1x1x128xi32, #tpu.memory_space<vmem>>
      %dma_start3A_613 = tpu.memref_squeeze %dma_start3A_612 : memref<1x1x128xi32, #tpu.memory_space<vmem>> -> memref<128xi32, #tpu.memory_space<vmem>>
      %dma_start3A_614 = arith.constant 0 : i32
      %dma_start3A_615 = arith.constant 0 : i32
      %dma_start3A_616 = tpu.memref_slice %arg6[%dma_start3A_614, %dma_start3A_615] : memref<50000x16xf32, #tpu.memory_space<vmem_shared>> -> memref<50000x16xf32, #tpu.memory_space<vmem_shared>>
      %dma_start3A_617 = tpu.memref_slice %arg9[%dma_start3A_610] : memref<2x!tpu.dma_semaphore, #tpu.memory_space<semaphore_mem>> -> memref<1x!tpu.dma_semaphore, #tpu.memory_space<semaphore_mem>>
      %dma_start3A_618 = tpu.memref_squeeze %dma_start3A_617 : memref<1x!tpu.dma_semaphore, #tpu.memory_space<semaphore_mem>> -> memref<!tpu.dma_semaphore, #tpu.memory_space<semaphore_mem>>
      tpu.enqueue_indirect_dma source(%arg8 : memref<128x16xf32, #tpu.memory_space<vmem>>) target(%dma_start3A_616 : memref<50000x16xf32, #tpu.memory_space<vmem_shared>>) offsets(%dma_start3A_613 : memref<128xi32, #tpu.memory_space<vmem>>) semaphore(%dma_start3A_618 : memref<!tpu.dma_semaphore, #tpu.memory_space<semaphore_mem>>) {add = true}
      %dma_start3A_619 = arith.constant 1 : i32
      %dma_start3A_620 = arith.constant 3 : i32
      %dma_start3A_621 = arith.constant 1 : i32
      %dma_start3A_622 = arith.constant 0 : i32
      %dma_start3A_623 = tpu.memref_slice %arg7[%dma_start3A_619, %dma_start3A_620, %dma_start3A_622] : memref<2x10x128xi32, #tpu.memory_space<vmem>> -> memref<1x1x128xi32, #tpu.memory_space<vmem>>
      %dma_start3A_624 = tpu.memref_squeeze %dma_start3A_623 : memref<1x1x128xi32, #tpu.memory_space<vmem>> -> memref<128xi32, #tpu.memory_space<vmem>>
      %dma_start3A_625 = arith.constant 0 : i32
      %dma_start3A_626 = arith.constant 0 : i32
      %dma_start3A_627 = tpu.memref_slice %arg6[%dma_start3A_625, %dma_start3A_626] : memref<50000x16xf32, #tpu.memory_space<vmem_shared>> -> memref<50000x16xf32, #tpu.memory_space<vmem_shared>>
      %dma_start3A_628 = tpu.memref_slice %arg9[%dma_start3A_621] : memref<2x!tpu.dma_semaphore, #tpu.memory_space<semaphore_mem>> -> memref<1x!tpu.dma_semaphore, #tpu.memory_space<semaphore_mem>>
      %dma_start3A_629 = tpu.memref_squeeze %dma_start3A_628 : memref<1x!tpu.dma_semaphore, #tpu.memory_space<semaphore_mem>> -> memref<!tpu.dma_semaphore, #tpu.memory_space<semaphore_mem>>
      tpu.enqueue_indirect_dma source(%arg8 : memref<128x16xf32, #tpu.memory_space<vmem>>) target(%dma_start3A_627 : memref<50000x16xf32, #tpu.memory_space<vmem_shared>>) offsets(%dma_start3A_624 : memref<128xi32, #tpu.memory_space<vmem>>) semaphore(%dma_start3A_629 : memref<!tpu.dma_semaphore, #tpu.memory_space<semaphore_mem>>) {add = true}
      %dma_start3A_630 = arith.constant 1 : i32
      %dma_start3A_631 = arith.constant 4 : i32
      %dma_start3A_632 = arith.constant 1 : i32
      %dma_start3A_633 = arith.constant 0 : i32
      %dma_start3A_634 = tpu.memref_slice %arg7[%dma_start3A_630, %dma_start3A_631, %dma_start3A_633] : memref<2x10x128xi32, #tpu.memory_space<vmem>> -> memref<1x1x128xi32, #tpu.memory_space<vmem>>
      %dma_start3A_635 = tpu.memref_squeeze %dma_start3A_634 : memref<1x1x128xi32, #tpu.memory_space<vmem>> -> memref<128xi32, #tpu.memory_space<vmem>>
      %dma_start3A_636 = arith.constant 0 : i32
      %dma_start3A_637 = arith.constant 0 : i32
      %dma_start3A_638 = tpu.memref_slice %arg6[%dma_start3A_636, %dma_start3A_637] : memref<50000x16xf32, #tpu.memory_space<vmem_shared>> -> memref<50000x16xf32, #tpu.memory_space<vmem_shared>>
      %dma_start3A_639 = tpu.memref_slice %arg9[%dma_start3A_632] : memref<2x!tpu.dma_semaphore, #tpu.memory_space<semaphore_mem>> -> memref<1x!tpu.dma_semaphore, #tpu.memory_space<semaphore_mem>>
      %dma_start3A_640 = tpu.memref_squeeze %dma_start3A_639 : memref<1x!tpu.dma_semaphore, #tpu.memory_space<semaphore_mem>> -> memref<!tpu.dma_semaphore, #tpu.memory_space<semaphore_mem>>
      tpu.enqueue_indirect_dma source(%arg8 : memref<128x16xf32, #tpu.memory_space<vmem>>) target(%dma_start3A_638 : memref<50000x16xf32, #tpu.memory_space<vmem_shared>>) offsets(%dma_start3A_635 : memref<128xi32, #tpu.memory_space<vmem>>) semaphore(%dma_start3A_640 : memref<!tpu.dma_semaphore, #tpu.memory_space<semaphore_mem>>) {add = true}
      %dma_start3A_641 = arith.constant 1 : i32
      %dma_start3A_642 = arith.constant 5 : i32
      %dma_start3A_643 = arith.constant 1 : i32
      %dma_start3A_644 = arith.constant 0 : i32
      %dma_start3A_645 = tpu.memref_slice %arg7[%dma_start3A_641, %dma_start3A_642, %dma_start3A_644] : memref<2x10x128xi32, #tpu.memory_space<vmem>> -> memref<1x1x128xi32, #tpu.memory_space<vmem>>
      %dma_start3A_646 = tpu.memref_squeeze %dma_start3A_645 : memref<1x1x128xi32, #tpu.memory_space<vmem>> -> memref<128xi32, #tpu.memory_space<vmem>>
      %dma_start3A_647 = arith.constant 0 : i32
      %dma_start3A_648 = arith.constant 0 : i32
      %dma_start3A_649 = tpu.memref_slice %arg6[%dma_start3A_647, %dma_start3A_648] : memref<50000x16xf32, #tpu.memory_space<vmem_shared>> -> memref<50000x16xf32, #tpu.memory_space<vmem_shared>>
      %dma_start3A_650 = tpu.memref_slice %arg9[%dma_start3A_643] : memref<2x!tpu.dma_semaphore, #tpu.memory_space<semaphore_mem>> -> memref<1x!tpu.dma_semaphore, #tpu.memory_space<semaphore_mem>>
      %dma_start3A_651 = tpu.memref_squeeze %dma_start3A_650 : memref<1x!tpu.dma_semaphore, #tpu.memory_space<semaphore_mem>> -> memref<!tpu.dma_semaphore, #tpu.memory_space<semaphore_mem>>
      tpu.enqueue_indirect_dma source(%arg8 : memref<128x16xf32, #tpu.memory_space<vmem>>) target(%dma_start3A_649 : memref<50000x16xf32, #tpu.memory_space<vmem_shared>>) offsets(%dma_start3A_646 : memref<128xi32, #tpu.memory_space<vmem>>) semaphore(%dma_start3A_651 : memref<!tpu.dma_semaphore, #tpu.memory_space<semaphore_mem>>) {add = true}
      %dma_start3A_652 = arith.constant 1 : i32
      %dma_start3A_653 = arith.constant 6 : i32
      %dma_start3A_654 = arith.constant 1 : i32
      %dma_start3A_655 = arith.constant 0 : i32
      %dma_start3A_656 = tpu.memref_slice %arg7[%dma_start3A_652, %dma_start3A_653, %dma_start3A_655] : memref<2x10x128xi32, #tpu.memory_space<vmem>> -> memref<1x1x128xi32, #tpu.memory_space<vmem>>
      %dma_start3A_657 = tpu.memref_squeeze %dma_start3A_656 : memref<1x1x128xi32, #tpu.memory_space<vmem>> -> memref<128xi32, #tpu.memory_space<vmem>>
      %dma_start3A_658 = arith.constant 0 : i32
      %dma_start3A_659 = arith.constant 0 : i32
      %dma_start3A_660 = tpu.memref_slice %arg6[%dma_start3A_658, %dma_start3A_659] : memref<50000x16xf32, #tpu.memory_space<vmem_shared>> -> memref<50000x16xf32, #tpu.memory_space<vmem_shared>>
      %dma_start3A_661 = tpu.memref_slice %arg9[%dma_start3A_654] : memref<2x!tpu.dma_semaphore, #tpu.memory_space<semaphore_mem>> -> memref<1x!tpu.dma_semaphore, #tpu.memory_space<semaphore_mem>>
      %dma_start3A_662 = tpu.memref_squeeze %dma_start3A_661 : memref<1x!tpu.dma_semaphore, #tpu.memory_space<semaphore_mem>> -> memref<!tpu.dma_semaphore, #tpu.memory_space<semaphore_mem>>
      tpu.enqueue_indirect_dma source(%arg8 : memref<128x16xf32, #tpu.memory_space<vmem>>) target(%dma_start3A_660 : memref<50000x16xf32, #tpu.memory_space<vmem_shared>>) offsets(%dma_start3A_657 : memref<128xi32, #tpu.memory_space<vmem>>) semaphore(%dma_start3A_662 : memref<!tpu.dma_semaphore, #tpu.memory_space<semaphore_mem>>) {add = true}
      %dma_start3A_663 = arith.constant 1 : i32
      %dma_start3A_664 = arith.constant 7 : i32
      %dma_start3A_665 = arith.constant 1 : i32
      %dma_start3A_666 = arith.constant 0 : i32
      %dma_start3A_667 = tpu.memref_slice %arg7[%dma_start3A_663, %dma_start3A_664, %dma_start3A_666] : memref<2x10x128xi32, #tpu.memory_space<vmem>> -> memref<1x1x128xi32, #tpu.memory_space<vmem>>
      %dma_start3A_668 = tpu.memref_squeeze %dma_start3A_667 : memref<1x1x128xi32, #tpu.memory_space<vmem>> -> memref<128xi32, #tpu.memory_space<vmem>>
      %dma_start3A_669 = arith.constant 0 : i32
      %dma_start3A_670 = arith.constant 0 : i32
      %dma_start3A_671 = tpu.memref_slice %arg6[%dma_start3A_669, %dma_start3A_670] : memref<50000x16xf32, #tpu.memory_space<vmem_shared>> -> memref<50000x16xf32, #tpu.memory_space<vmem_shared>>
      %dma_start3A_672 = tpu.memref_slice %arg9[%dma_start3A_665] : memref<2x!tpu.dma_semaphore, #tpu.memory_space<semaphore_mem>> -> memref<1x!tpu.dma_semaphore, #tpu.memory_space<semaphore_mem>>
      %dma_start3A_673 = tpu.memref_squeeze %dma_start3A_672 : memref<1x!tpu.dma_semaphore, #tpu.memory_space<semaphore_mem>> -> memref<!tpu.dma_semaphore, #tpu.memory_space<semaphore_mem>>
      tpu.enqueue_indirect_dma source(%arg8 : memref<128x16xf32, #tpu.memory_space<vmem>>) target(%dma_start3A_671 : memref<50000x16xf32, #tpu.memory_space<vmem_shared>>) offsets(%dma_start3A_668 : memref<128xi32, #tpu.memory_space<vmem>>) semaphore(%dma_start3A_673 : memref<!tpu.dma_semaphore, #tpu.memory_space<semaphore_mem>>) {add = true}
      %dma_start3A_674 = arith.constant 1 : i32
      %dma_start3A_675 = arith.constant 8 : i32
      %dma_start3A_676 = arith.constant 1 : i32
      %dma_start3A_677 = arith.constant 0 : i32
      %dma_start3A_678 = tpu.memref_slice %arg7[%dma_start3A_674, %dma_start3A_675, %dma_start3A_677] : memref<2x10x128xi32, #tpu.memory_space<vmem>> -> memref<1x1x128xi32, #tpu.memory_space<vmem>>
      %dma_start3A_679 = tpu.memref_squeeze %dma_start3A_678 : memref<1x1x128xi32, #tpu.memory_space<vmem>> -> memref<128xi32, #tpu.memory_space<vmem>>
      %dma_start3A_680 = arith.constant 0 : i32
      %dma_start3A_681 = arith.constant 0 : i32
      %dma_start3A_682 = tpu.memref_slice %arg6[%dma_start3A_680, %dma_start3A_681] : memref<50000x16xf32, #tpu.memory_space<vmem_shared>> -> memref<50000x16xf32, #tpu.memory_space<vmem_shared>>
      %dma_start3A_683 = tpu.memref_slice %arg9[%dma_start3A_676] : memref<2x!tpu.dma_semaphore, #tpu.memory_space<semaphore_mem>> -> memref<1x!tpu.dma_semaphore, #tpu.memory_space<semaphore_mem>>
      %dma_start3A_684 = tpu.memref_squeeze %dma_start3A_683 : memref<1x!tpu.dma_semaphore, #tpu.memory_space<semaphore_mem>> -> memref<!tpu.dma_semaphore, #tpu.memory_space<semaphore_mem>>
      tpu.enqueue_indirect_dma source(%arg8 : memref<128x16xf32, #tpu.memory_space<vmem>>) target(%dma_start3A_682 : memref<50000x16xf32, #tpu.memory_space<vmem_shared>>) offsets(%dma_start3A_679 : memref<128xi32, #tpu.memory_space<vmem>>) semaphore(%dma_start3A_684 : memref<!tpu.dma_semaphore, #tpu.memory_space<semaphore_mem>>) {add = true}
      %dma_start3A_685 = arith.constant 1 : i32
      %dma_start3A_686 = arith.constant 9 : i32
      %dma_start3A_687 = arith.constant 1 : i32
      %dma_start3A_688 = arith.constant 0 : i32
      %dma_start3A_689 = tpu.memref_slice %arg7[%dma_start3A_685, %dma_start3A_686, %dma_start3A_688] : memref<2x10x128xi32, #tpu.memory_space<vmem>> -> memref<1x1x128xi32, #tpu.memory_space<vmem>>
      %dma_start3A_690 = tpu.memref_squeeze %dma_start3A_689 : memref<1x1x128xi32, #tpu.memory_space<vmem>> -> memref<128xi32, #tpu.memory_space<vmem>>
      %dma_start3A_691 = arith.constant 0 : i32
      %dma_start3A_692 = arith.constant 0 : i32
      %dma_start3A_693 = tpu.memref_slice %arg6[%dma_start3A_691, %dma_start3A_692] : memref<50000x16xf32, #tpu.memory_space<vmem_shared>> -> memref<50000x16xf32, #tpu.memory_space<vmem_shared>>
      %dma_start3A_694 = tpu.memref_slice %arg9[%dma_start3A_687] : memref<2x!tpu.dma_semaphore, #tpu.memory_space<semaphore_mem>> -> memref<1x!tpu.dma_semaphore, #tpu.memory_space<semaphore_mem>>
      %dma_start3A_695 = tpu.memref_squeeze %dma_start3A_694 : memref<1x!tpu.dma_semaphore, #tpu.memory_space<semaphore_mem>> -> memref<!tpu.dma_semaphore, #tpu.memory_space<semaphore_mem>>
      tpu.enqueue_indirect_dma source(%arg8 : memref<128x16xf32, #tpu.memory_space<vmem>>) target(%dma_start3A_693 : memref<50000x16xf32, #tpu.memory_space<vmem_shared>>) offsets(%dma_start3A_690 : memref<128xi32, #tpu.memory_space<vmem>>) semaphore(%dma_start3A_695 : memref<!tpu.dma_semaphore, #tpu.memory_space<semaphore_mem>>) {add = true}
    }
    %scan3A_9 = arith.constant 19 : i32
    %add3A_10 = arith.constant 380 : i32
    %add3A_11 = arith.addi %add3A, %add3A_10 : i32
    %dma_wait3A = arith.constant 0 : i32
    %dma_wait3A_12 = arith.constant 0 : i32
    %dma_wait3A_13 = arith.constant 0 : i32
    %dma_wait3A_14 = arith.constant 0 : i32
    %dma_wait3A_15 = tpu.memref_slice %arg7[%dma_wait3A, %dma_wait3A_12, %dma_wait3A_14] : memref<2x10x128xi32, #tpu.memory_space<vmem>> -> memref<1x1x128xi32, #tpu.memory_space<vmem>>
    %dma_wait3A_16 = tpu.memref_squeeze %dma_wait3A_15 : memref<1x1x128xi32, #tpu.memory_space<vmem>> -> memref<128xi32, #tpu.memory_space<vmem>>
    %dma_wait3A_17 = arith.constant 0 : i32
    %dma_wait3A_18 = arith.constant 0 : i32
    %dma_wait3A_19 = tpu.memref_slice %arg6[%dma_wait3A_17, %dma_wait3A_18] : memref<50000x16xf32, #tpu.memory_space<vmem_shared>> -> memref<50000x16xf32, #tpu.memory_space<vmem_shared>>
    %dma_wait3A_20 = tpu.memref_slice %arg9[%dma_wait3A_13] : memref<2x!tpu.dma_semaphore, #tpu.memory_space<semaphore_mem>> -> memref<1x!tpu.dma_semaphore, #tpu.memory_space<semaphore_mem>>
    %dma_wait3A_21 = tpu.memref_squeeze %dma_wait3A_20 : memref<1x!tpu.dma_semaphore, #tpu.memory_space<semaphore_mem>> -> memref<!tpu.dma_semaphore, #tpu.memory_space<semaphore_mem>>
    tpu.wait_indirect_dma semaphore(%dma_wait3A_21 : memref<!tpu.dma_semaphore, #tpu.memory_space<semaphore_mem>>) src(%arg8 : memref<128x16xf32, #tpu.memory_space<vmem>>) dst(%dma_wait3A_19 : memref<50000x16xf32, #tpu.memory_space<vmem_shared>>)
    %dma_wait3A_22 = arith.constant 0 : i32
    %dma_wait3A_23 = arith.constant 1 : i32
    %dma_wait3A_24 = arith.constant 0 : i32
    %dma_wait3A_25 = arith.constant 0 : i32
    %dma_wait3A_26 = tpu.memref_slice %arg7[%dma_wait3A_22, %dma_wait3A_23, %dma_wait3A_25] : memref<2x10x128xi32, #tpu.memory_space<vmem>> -> memref<1x1x128xi32, #tpu.memory_space<vmem>>
    %dma_wait3A_27 = tpu.memref_squeeze %dma_wait3A_26 : memref<1x1x128xi32, #tpu.memory_space<vmem>> -> memref<128xi32, #tpu.memory_space<vmem>>
    %dma_wait3A_28 = arith.constant 0 : i32
    %dma_wait3A_29 = arith.constant 0 : i32
    %dma_wait3A_30 = tpu.memref_slice %arg6[%dma_wait3A_28, %dma_wait3A_29] : memref<50000x16xf32, #tpu.memory_space<vmem_shared>> -> memref<50000x16xf32, #tpu.memory_space<vmem_shared>>
    %dma_wait3A_31 = tpu.memref_slice %arg9[%dma_wait3A_24] : memref<2x!tpu.dma_semaphore, #tpu.memory_space<semaphore_mem>> -> memref<1x!tpu.dma_semaphore, #tpu.memory_space<semaphore_mem>>
    %dma_wait3A_32 = tpu.memref_squeeze %dma_wait3A_31 : memref<1x!tpu.dma_semaphore, #tpu.memory_space<semaphore_mem>> -> memref<!tpu.dma_semaphore, #tpu.memory_space<semaphore_mem>>
    tpu.wait_indirect_dma semaphore(%dma_wait3A_32 : memref<!tpu.dma_semaphore, #tpu.memory_space<semaphore_mem>>) src(%arg8 : memref<128x16xf32, #tpu.memory_space<vmem>>) dst(%dma_wait3A_30 : memref<50000x16xf32, #tpu.memory_space<vmem_shared>>)
    %dma_wait3A_33 = arith.constant 0 : i32
    %dma_wait3A_34 = arith.constant 2 : i32
    %dma_wait3A_35 = arith.constant 0 : i32
    %dma_wait3A_36 = arith.constant 0 : i32
    %dma_wait3A_37 = tpu.memref_slice %arg7[%dma_wait3A_33, %dma_wait3A_34, %dma_wait3A_36] : memref<2x10x128xi32, #tpu.memory_space<vmem>> -> memref<1x1x128xi32, #tpu.memory_space<vmem>>
    %dma_wait3A_38 = tpu.memref_squeeze %dma_wait3A_37 : memref<1x1x128xi32, #tpu.memory_space<vmem>> -> memref<128xi32, #tpu.memory_space<vmem>>
    %dma_wait3A_39 = arith.constant 0 : i32
    %dma_wait3A_40 = arith.constant 0 : i32
    %dma_wait3A_41 = tpu.memref_slice %arg6[%dma_wait3A_39, %dma_wait3A_40] : memref<50000x16xf32, #tpu.memory_space<vmem_shared>> -> memref<50000x16xf32, #tpu.memory_space<vmem_shared>>
    %dma_wait3A_42 = tpu.memref_slice %arg9[%dma_wait3A_35] : memref<2x!tpu.dma_semaphore, #tpu.memory_space<semaphore_mem>> -> memref<1x!tpu.dma_semaphore, #tpu.memory_space<semaphore_mem>>
    %dma_wait3A_43 = tpu.memref_squeeze %dma_wait3A_42 : memref<1x!tpu.dma_semaphore, #tpu.memory_space<semaphore_mem>> -> memref<!tpu.dma_semaphore, #tpu.memory_space<semaphore_mem>>
    tpu.wait_indirect_dma semaphore(%dma_wait3A_43 : memref<!tpu.dma_semaphore, #tpu.memory_space<semaphore_mem>>) src(%arg8 : memref<128x16xf32, #tpu.memory_space<vmem>>) dst(%dma_wait3A_41 : memref<50000x16xf32, #tpu.memory_space<vmem_shared>>)
    %dma_wait3A_44 = arith.constant 0 : i32
    %dma_wait3A_45 = arith.constant 3 : i32
    %dma_wait3A_46 = arith.constant 0 : i32
    %dma_wait3A_47 = arith.constant 0 : i32
    %dma_wait3A_48 = tpu.memref_slice %arg7[%dma_wait3A_44, %dma_wait3A_45, %dma_wait3A_47] : memref<2x10x128xi32, #tpu.memory_space<vmem>> -> memref<1x1x128xi32, #tpu.memory_space<vmem>>
    %dma_wait3A_49 = tpu.memref_squeeze %dma_wait3A_48 : memref<1x1x128xi32, #tpu.memory_space<vmem>> -> memref<128xi32, #tpu.memory_space<vmem>>
    %dma_wait3A_50 = arith.constant 0 : i32
    %dma_wait3A_51 = arith.constant 0 : i32
    %dma_wait3A_52 = tpu.memref_slice %arg6[%dma_wait3A_50, %dma_wait3A_51] : memref<50000x16xf32, #tpu.memory_space<vmem_shared>> -> memref<50000x16xf32, #tpu.memory_space<vmem_shared>>
    %dma_wait3A_53 = tpu.memref_slice %arg9[%dma_wait3A_46] : memref<2x!tpu.dma_semaphore, #tpu.memory_space<semaphore_mem>> -> memref<1x!tpu.dma_semaphore, #tpu.memory_space<semaphore_mem>>
    %dma_wait3A_54 = tpu.memref_squeeze %dma_wait3A_53 : memref<1x!tpu.dma_semaphore, #tpu.memory_space<semaphore_mem>> -> memref<!tpu.dma_semaphore, #tpu.memory_space<semaphore_mem>>
    tpu.wait_indirect_dma semaphore(%dma_wait3A_54 : memref<!tpu.dma_semaphore, #tpu.memory_space<semaphore_mem>>) src(%arg8 : memref<128x16xf32, #tpu.memory_space<vmem>>) dst(%dma_wait3A_52 : memref<50000x16xf32, #tpu.memory_space<vmem_shared>>)
    %dma_wait3A_55 = arith.constant 0 : i32
    %dma_wait3A_56 = arith.constant 4 : i32
    %dma_wait3A_57 = arith.constant 0 : i32
    %dma_wait3A_58 = arith.constant 0 : i32
    %dma_wait3A_59 = tpu.memref_slice %arg7[%dma_wait3A_55, %dma_wait3A_56, %dma_wait3A_58] : memref<2x10x128xi32, #tpu.memory_space<vmem>> -> memref<1x1x128xi32, #tpu.memory_space<vmem>>
    %dma_wait3A_60 = tpu.memref_squeeze %dma_wait3A_59 : memref<1x1x128xi32, #tpu.memory_space<vmem>> -> memref<128xi32, #tpu.memory_space<vmem>>
    %dma_wait3A_61 = arith.constant 0 : i32
    %dma_wait3A_62 = arith.constant 0 : i32
    %dma_wait3A_63 = tpu.memref_slice %arg6[%dma_wait3A_61, %dma_wait3A_62] : memref<50000x16xf32, #tpu.memory_space<vmem_shared>> -> memref<50000x16xf32, #tpu.memory_space<vmem_shared>>
    %dma_wait3A_64 = tpu.memref_slice %arg9[%dma_wait3A_57] : memref<2x!tpu.dma_semaphore, #tpu.memory_space<semaphore_mem>> -> memref<1x!tpu.dma_semaphore, #tpu.memory_space<semaphore_mem>>
    %dma_wait3A_65 = tpu.memref_squeeze %dma_wait3A_64 : memref<1x!tpu.dma_semaphore, #tpu.memory_space<semaphore_mem>> -> memref<!tpu.dma_semaphore, #tpu.memory_space<semaphore_mem>>
    tpu.wait_indirect_dma semaphore(%dma_wait3A_65 : memref<!tpu.dma_semaphore, #tpu.memory_space<semaphore_mem>>) src(%arg8 : memref<128x16xf32, #tpu.memory_space<vmem>>) dst(%dma_wait3A_63 : memref<50000x16xf32, #tpu.memory_space<vmem_shared>>)
    %dma_wait3A_66 = arith.constant 0 : i32
    %dma_wait3A_67 = arith.constant 5 : i32
    %dma_wait3A_68 = arith.constant 0 : i32
    %dma_wait3A_69 = arith.constant 0 : i32
    %dma_wait3A_70 = tpu.memref_slice %arg7[%dma_wait3A_66, %dma_wait3A_67, %dma_wait3A_69] : memref<2x10x128xi32, #tpu.memory_space<vmem>> -> memref<1x1x128xi32, #tpu.memory_space<vmem>>
    %dma_wait3A_71 = tpu.memref_squeeze %dma_wait3A_70 : memref<1x1x128xi32, #tpu.memory_space<vmem>> -> memref<128xi32, #tpu.memory_space<vmem>>
    %dma_wait3A_72 = arith.constant 0 : i32
    %dma_wait3A_73 = arith.constant 0 : i32
    %dma_wait3A_74 = tpu.memref_slice %arg6[%dma_wait3A_72, %dma_wait3A_73] : memref<50000x16xf32, #tpu.memory_space<vmem_shared>> -> memref<50000x16xf32, #tpu.memory_space<vmem_shared>>
    %dma_wait3A_75 = tpu.memref_slice %arg9[%dma_wait3A_68] : memref<2x!tpu.dma_semaphore, #tpu.memory_space<semaphore_mem>> -> memref<1x!tpu.dma_semaphore, #tpu.memory_space<semaphore_mem>>
    %dma_wait3A_76 = tpu.memref_squeeze %dma_wait3A_75 : memref<1x!tpu.dma_semaphore, #tpu.memory_space<semaphore_mem>> -> memref<!tpu.dma_semaphore, #tpu.memory_space<semaphore_mem>>
    tpu.wait_indirect_dma semaphore(%dma_wait3A_76 : memref<!tpu.dma_semaphore, #tpu.memory_space<semaphore_mem>>) src(%arg8 : memref<128x16xf32, #tpu.memory_space<vmem>>) dst(%dma_wait3A_74 : memref<50000x16xf32, #tpu.memory_space<vmem_shared>>)
    %dma_wait3A_77 = arith.constant 0 : i32
    %dma_wait3A_78 = arith.constant 6 : i32
    %dma_wait3A_79 = arith.constant 0 : i32
    %dma_wait3A_80 = arith.constant 0 : i32
    %dma_wait3A_81 = tpu.memref_slice %arg7[%dma_wait3A_77, %dma_wait3A_78, %dma_wait3A_80] : memref<2x10x128xi32, #tpu.memory_space<vmem>> -> memref<1x1x128xi32, #tpu.memory_space<vmem>>
    %dma_wait3A_82 = tpu.memref_squeeze %dma_wait3A_81 : memref<1x1x128xi32, #tpu.memory_space<vmem>> -> memref<128xi32, #tpu.memory_space<vmem>>
    %dma_wait3A_83 = arith.constant 0 : i32
    %dma_wait3A_84 = arith.constant 0 : i32
    %dma_wait3A_85 = tpu.memref_slice %arg6[%dma_wait3A_83, %dma_wait3A_84] : memref<50000x16xf32, #tpu.memory_space<vmem_shared>> -> memref<50000x16xf32, #tpu.memory_space<vmem_shared>>
    %dma_wait3A_86 = tpu.memref_slice %arg9[%dma_wait3A_79] : memref<2x!tpu.dma_semaphore, #tpu.memory_space<semaphore_mem>> -> memref<1x!tpu.dma_semaphore, #tpu.memory_space<semaphore_mem>>
    %dma_wait3A_87 = tpu.memref_squeeze %dma_wait3A_86 : memref<1x!tpu.dma_semaphore, #tpu.memory_space<semaphore_mem>> -> memref<!tpu.dma_semaphore, #tpu.memory_space<semaphore_mem>>
    tpu.wait_indirect_dma semaphore(%dma_wait3A_87 : memref<!tpu.dma_semaphore, #tpu.memory_space<semaphore_mem>>) src(%arg8 : memref<128x16xf32, #tpu.memory_space<vmem>>) dst(%dma_wait3A_85 : memref<50000x16xf32, #tpu.memory_space<vmem_shared>>)
    %dma_wait3A_88 = arith.constant 0 : i32
    %dma_wait3A_89 = arith.constant 7 : i32
    %dma_wait3A_90 = arith.constant 0 : i32
    %dma_wait3A_91 = arith.constant 0 : i32
    %dma_wait3A_92 = tpu.memref_slice %arg7[%dma_wait3A_88, %dma_wait3A_89, %dma_wait3A_91] : memref<2x10x128xi32, #tpu.memory_space<vmem>> -> memref<1x1x128xi32, #tpu.memory_space<vmem>>
    %dma_wait3A_93 = tpu.memref_squeeze %dma_wait3A_92 : memref<1x1x128xi32, #tpu.memory_space<vmem>> -> memref<128xi32, #tpu.memory_space<vmem>>
    %dma_wait3A_94 = arith.constant 0 : i32
    %dma_wait3A_95 = arith.constant 0 : i32
    %dma_wait3A_96 = tpu.memref_slice %arg6[%dma_wait3A_94, %dma_wait3A_95] : memref<50000x16xf32, #tpu.memory_space<vmem_shared>> -> memref<50000x16xf32, #tpu.memory_space<vmem_shared>>
    %dma_wait3A_97 = tpu.memref_slice %arg9[%dma_wait3A_90] : memref<2x!tpu.dma_semaphore, #tpu.memory_space<semaphore_mem>> -> memref<1x!tpu.dma_semaphore, #tpu.memory_space<semaphore_mem>>
    %dma_wait3A_98 = tpu.memref_squeeze %dma_wait3A_97 : memref<1x!tpu.dma_semaphore, #tpu.memory_space<semaphore_mem>> -> memref<!tpu.dma_semaphore, #tpu.memory_space<semaphore_mem>>
    tpu.wait_indirect_dma semaphore(%dma_wait3A_98 : memref<!tpu.dma_semaphore, #tpu.memory_space<semaphore_mem>>) src(%arg8 : memref<128x16xf32, #tpu.memory_space<vmem>>) dst(%dma_wait3A_96 : memref<50000x16xf32, #tpu.memory_space<vmem_shared>>)
    %dma_wait3A_99 = arith.constant 0 : i32
    %dma_wait3A_100 = arith.constant 8 : i32
    %dma_wait3A_101 = arith.constant 0 : i32
    %dma_wait3A_102 = arith.constant 0 : i32
    %dma_wait3A_103 = tpu.memref_slice %arg7[%dma_wait3A_99, %dma_wait3A_100, %dma_wait3A_102] : memref<2x10x128xi32, #tpu.memory_space<vmem>> -> memref<1x1x128xi32, #tpu.memory_space<vmem>>
    %dma_wait3A_104 = tpu.memref_squeeze %dma_wait3A_103 : memref<1x1x128xi32, #tpu.memory_space<vmem>> -> memref<128xi32, #tpu.memory_space<vmem>>
    %dma_wait3A_105 = arith.constant 0 : i32
    %dma_wait3A_106 = arith.constant 0 : i32
    %dma_wait3A_107 = tpu.memref_slice %arg6[%dma_wait3A_105, %dma_wait3A_106] : memref<50000x16xf32, #tpu.memory_space<vmem_shared>> -> memref<50000x16xf32, #tpu.memory_space<vmem_shared>>
    %dma_wait3A_108 = tpu.memref_slice %arg9[%dma_wait3A_101] : memref<2x!tpu.dma_semaphore, #tpu.memory_space<semaphore_mem>> -> memref<1x!tpu.dma_semaphore, #tpu.memory_space<semaphore_mem>>
    %dma_wait3A_109 = tpu.memref_squeeze %dma_wait3A_108 : memref<1x!tpu.dma_semaphore, #tpu.memory_space<semaphore_mem>> -> memref<!tpu.dma_semaphore, #tpu.memory_space<semaphore_mem>>
    tpu.wait_indirect_dma semaphore(%dma_wait3A_109 : memref<!tpu.dma_semaphore, #tpu.memory_space<semaphore_mem>>) src(%arg8 : memref<128x16xf32, #tpu.memory_space<vmem>>) dst(%dma_wait3A_107 : memref<50000x16xf32, #tpu.memory_space<vmem_shared>>)
    %dma_wait3A_110 = arith.constant 0 : i32
    %dma_wait3A_111 = arith.constant 9 : i32
    %dma_wait3A_112 = arith.constant 0 : i32
    %dma_wait3A_113 = arith.constant 0 : i32
    %dma_wait3A_114 = tpu.memref_slice %arg7[%dma_wait3A_110, %dma_wait3A_111, %dma_wait3A_113] : memref<2x10x128xi32, #tpu.memory_space<vmem>> -> memref<1x1x128xi32, #tpu.memory_space<vmem>>
    %dma_wait3A_115 = tpu.memref_squeeze %dma_wait3A_114 : memref<1x1x128xi32, #tpu.memory_space<vmem>> -> memref<128xi32, #tpu.memory_space<vmem>>
    %dma_wait3A_116 = arith.constant 0 : i32
    %dma_wait3A_117 = arith.constant 0 : i32
    %dma_wait3A_118 = tpu.memref_slice %arg6[%dma_wait3A_116, %dma_wait3A_117] : memref<50000x16xf32, #tpu.memory_space<vmem_shared>> -> memref<50000x16xf32, #tpu.memory_space<vmem_shared>>
    %dma_wait3A_119 = tpu.memref_slice %arg9[%dma_wait3A_112] : memref<2x!tpu.dma_semaphore, #tpu.memory_space<semaphore_mem>> -> memref<1x!tpu.dma_semaphore, #tpu.memory_space<semaphore_mem>>
    %dma_wait3A_120 = tpu.memref_squeeze %dma_wait3A_119 : memref<1x!tpu.dma_semaphore, #tpu.memory_space<semaphore_mem>> -> memref<!tpu.dma_semaphore, #tpu.memory_space<semaphore_mem>>
    tpu.wait_indirect_dma semaphore(%dma_wait3A_120 : memref<!tpu.dma_semaphore, #tpu.memory_space<semaphore_mem>>) src(%arg8 : memref<128x16xf32, #tpu.memory_space<vmem>>) dst(%dma_wait3A_118 : memref<50000x16xf32, #tpu.memory_space<vmem_shared>>)
    %run_scoped3A = arith.constant 0 : i32
    "tpu.region"() ({
      %run_scoped3A_457 = tpu.sem_alloc : memref<!tpu.dma_semaphore, #tpu.memory_space<semaphore_mem>>
      %dma_start3A_458 = arith.constant 0 : i32
      %dma_start3A_459 = arith.constant 0 : i32
      %dma_start3A_460 = tpu.memref_slice %arg7[%run_scoped3A, %dma_start3A_458, %dma_start3A_459] : memref<2x10x128xi32, #tpu.memory_space<vmem>> -> memref<1x10x128xi32, #tpu.memory_space<vmem>>
      %dma_start3A_461 = tpu.memref_squeeze %dma_start3A_460 : memref<1x10x128xi32, #tpu.memory_space<vmem>> -> memref<10x128xi32, #tpu.memory_space<vmem>>
      %dma_start3A_462 = arith.constant 0 : i32
      %dma_start3A_463 = tpu.memref_slice %arg2[%add3A_11, %dma_start3A_462] : memref<12500x128xi32, #tpu.memory_space<hbm>> -> memref<10x128xi32, #tpu.memory_space<hbm>>
      %dma_start3A_464 = arith.constant 0 : i32
      %dma_start3A_465 = arith.constant 0 : i32
      %dma_start3A_466 = tpu.memref_slice %arg7[%run_scoped3A, %dma_start3A_464, %dma_start3A_465] : memref<2x10x128xi32, #tpu.memory_space<vmem>> -> memref<1x10x128xi32, #tpu.memory_space<vmem>>
      %dma_start3A_467 = tpu.memref_squeeze %dma_start3A_466 : memref<1x10x128xi32, #tpu.memory_space<vmem>> -> memref<10x128xi32, #tpu.memory_space<vmem>>
      %dma_start3A_468 = arith.constant 0 : i32
      %dma_start3A_469 = tpu.memref_slice %arg2[%add3A_11, %dma_start3A_468] : memref<12500x128xi32, #tpu.memory_space<hbm>> -> memref<10x128xi32, #tpu.memory_space<hbm>>
      tpu.enqueue_dma source(%dma_start3A_469 : memref<10x128xi32, #tpu.memory_space<hbm>>) target(%dma_start3A_467 : memref<10x128xi32, #tpu.memory_space<vmem>>) target_semaphore(%run_scoped3A_457 : memref<!tpu.dma_semaphore, #tpu.memory_space<semaphore_mem>>)
      %dma_wait3A_470 = arith.constant 0 : i32
      %dma_wait3A_471 = arith.constant 0 : i32
      %dma_wait3A_472 = tpu.memref_slice %arg7[%run_scoped3A, %dma_wait3A_470, %dma_wait3A_471] : memref<2x10x128xi32, #tpu.memory_space<vmem>> -> memref<1x10x128xi32, #tpu.memory_space<vmem>>
      %dma_wait3A_473 = tpu.memref_squeeze %dma_wait3A_472 : memref<1x10x128xi32, #tpu.memory_space<vmem>> -> memref<10x128xi32, #tpu.memory_space<vmem>>
      %dma_wait3A_474 = arith.constant 0 : i32
      %dma_wait3A_475 = tpu.memref_slice %arg2[%add3A_11, %dma_wait3A_474] : memref<12500x128xi32, #tpu.memory_space<hbm>> -> memref<10x128xi32, #tpu.memory_space<hbm>>
      %dma_wait3A_476 = arith.constant 0 : i32
      %dma_wait3A_477 = arith.constant 0 : i32
      %dma_wait3A_478 = tpu.memref_slice %arg7[%run_scoped3A, %dma_wait3A_476, %dma_wait3A_477] : memref<2x10x128xi32, #tpu.memory_space<vmem>> -> memref<1x10x128xi32, #tpu.memory_space<vmem>>
      %dma_wait3A_479 = tpu.memref_squeeze %dma_wait3A_478 : memref<1x10x128xi32, #tpu.memory_space<vmem>> -> memref<10x128xi32, #tpu.memory_space<vmem>>
      %dma_wait3A_480 = arith.constant 0 : i32
      %dma_wait3A_481 = tpu.memref_slice %arg2[%add3A_11, %dma_wait3A_480] : memref<12500x128xi32, #tpu.memory_space<hbm>> -> memref<10x128xi32, #tpu.memory_space<hbm>>
      tpu.wait_dma2 semaphore(%run_scoped3A_457 : memref<!tpu.dma_semaphore, #tpu.memory_space<semaphore_mem>>) src(%dma_wait3A_481 : memref<10x128xi32, #tpu.memory_space<hbm>>) dst(%dma_wait3A_479 : memref<10x128xi32, #tpu.memory_space<vmem>>)
      tpu.yield
    }) : () -> ()
    %dma_start3A = arith.constant 0 : i32
    %dma_start3A_121 = arith.constant 0 : i32
    %dma_start3A_122 = arith.constant 0 : i32
    %dma_start3A_123 = arith.constant 0 : i32
    %dma_start3A_124 = tpu.memref_slice %arg7[%dma_start3A, %dma_start3A_121, %dma_start3A_123] : memref<2x10x128xi32, #tpu.memory_space<vmem>> -> memref<1x1x128xi32, #tpu.memory_space<vmem>>
    %dma_start3A_125 = tpu.memref_squeeze %dma_start3A_124 : memref<1x1x128xi32, #tpu.memory_space<vmem>> -> memref<128xi32, #tpu.memory_space<vmem>>
    %dma_start3A_126 = arith.constant 0 : i32
    %dma_start3A_127 = arith.constant 0 : i32
    %dma_start3A_128 = tpu.memref_slice %arg6[%dma_start3A_126, %dma_start3A_127] : memref<50000x16xf32, #tpu.memory_space<vmem_shared>> -> memref<50000x16xf32, #tpu.memory_space<vmem_shared>>
    %dma_start3A_129 = tpu.memref_slice %arg9[%dma_start3A_122] : memref<2x!tpu.dma_semaphore, #tpu.memory_space<semaphore_mem>> -> memref<1x!tpu.dma_semaphore, #tpu.memory_space<semaphore_mem>>
    %dma_start3A_130 = tpu.memref_squeeze %dma_start3A_129 : memref<1x!tpu.dma_semaphore, #tpu.memory_space<semaphore_mem>> -> memref<!tpu.dma_semaphore, #tpu.memory_space<semaphore_mem>>
    tpu.enqueue_indirect_dma source(%arg8 : memref<128x16xf32, #tpu.memory_space<vmem>>) target(%dma_start3A_128 : memref<50000x16xf32, #tpu.memory_space<vmem_shared>>) offsets(%dma_start3A_125 : memref<128xi32, #tpu.memory_space<vmem>>) semaphore(%dma_start3A_130 : memref<!tpu.dma_semaphore, #tpu.memory_space<semaphore_mem>>) {add = true}
    %dma_start3A_131 = arith.constant 0 : i32
    %dma_start3A_132 = arith.constant 1 : i32
    %dma_start3A_133 = arith.constant 0 : i32
    %dma_start3A_134 = arith.constant 0 : i32
    %dma_start3A_135 = tpu.memref_slice %arg7[%dma_start3A_131, %dma_start3A_132, %dma_start3A_134] : memref<2x10x128xi32, #tpu.memory_space<vmem>> -> memref<1x1x128xi32, #tpu.memory_space<vmem>>
    %dma_start3A_136 = tpu.memref_squeeze %dma_start3A_135 : memref<1x1x128xi32, #tpu.memory_space<vmem>> -> memref<128xi32, #tpu.memory_space<vmem>>
    %dma_start3A_137 = arith.constant 0 : i32
    %dma_start3A_138 = arith.constant 0 : i32
    %dma_start3A_139 = tpu.memref_slice %arg6[%dma_start3A_137, %dma_start3A_138] : memref<50000x16xf32, #tpu.memory_space<vmem_shared>> -> memref<50000x16xf32, #tpu.memory_space<vmem_shared>>
    %dma_start3A_140 = tpu.memref_slice %arg9[%dma_start3A_133] : memref<2x!tpu.dma_semaphore, #tpu.memory_space<semaphore_mem>> -> memref<1x!tpu.dma_semaphore, #tpu.memory_space<semaphore_mem>>
    %dma_start3A_141 = tpu.memref_squeeze %dma_start3A_140 : memref<1x!tpu.dma_semaphore, #tpu.memory_space<semaphore_mem>> -> memref<!tpu.dma_semaphore, #tpu.memory_space<semaphore_mem>>
    tpu.enqueue_indirect_dma source(%arg8 : memref<128x16xf32, #tpu.memory_space<vmem>>) target(%dma_start3A_139 : memref<50000x16xf32, #tpu.memory_space<vmem_shared>>) offsets(%dma_start3A_136 : memref<128xi32, #tpu.memory_space<vmem>>) semaphore(%dma_start3A_141 : memref<!tpu.dma_semaphore, #tpu.memory_space<semaphore_mem>>) {add = true}
    %dma_start3A_142 = arith.constant 0 : i32
    %dma_start3A_143 = arith.constant 2 : i32
    %dma_start3A_144 = arith.constant 0 : i32
    %dma_start3A_145 = arith.constant 0 : i32
    %dma_start3A_146 = tpu.memref_slice %arg7[%dma_start3A_142, %dma_start3A_143, %dma_start3A_145] : memref<2x10x128xi32, #tpu.memory_space<vmem>> -> memref<1x1x128xi32, #tpu.memory_space<vmem>>
    %dma_start3A_147 = tpu.memref_squeeze %dma_start3A_146 : memref<1x1x128xi32, #tpu.memory_space<vmem>> -> memref<128xi32, #tpu.memory_space<vmem>>
    %dma_start3A_148 = arith.constant 0 : i32
    %dma_start3A_149 = arith.constant 0 : i32
    %dma_start3A_150 = tpu.memref_slice %arg6[%dma_start3A_148, %dma_start3A_149] : memref<50000x16xf32, #tpu.memory_space<vmem_shared>> -> memref<50000x16xf32, #tpu.memory_space<vmem_shared>>
    %dma_start3A_151 = tpu.memref_slice %arg9[%dma_start3A_144] : memref<2x!tpu.dma_semaphore, #tpu.memory_space<semaphore_mem>> -> memref<1x!tpu.dma_semaphore, #tpu.memory_space<semaphore_mem>>
    %dma_start3A_152 = tpu.memref_squeeze %dma_start3A_151 : memref<1x!tpu.dma_semaphore, #tpu.memory_space<semaphore_mem>> -> memref<!tpu.dma_semaphore, #tpu.memory_space<semaphore_mem>>
    tpu.enqueue_indirect_dma source(%arg8 : memref<128x16xf32, #tpu.memory_space<vmem>>) target(%dma_start3A_150 : memref<50000x16xf32, #tpu.memory_space<vmem_shared>>) offsets(%dma_start3A_147 : memref<128xi32, #tpu.memory_space<vmem>>) semaphore(%dma_start3A_152 : memref<!tpu.dma_semaphore, #tpu.memory_space<semaphore_mem>>) {add = true}
    %dma_start3A_153 = arith.constant 0 : i32
    %dma_start3A_154 = arith.constant 3 : i32
    %dma_start3A_155 = arith.constant 0 : i32
    %dma_start3A_156 = arith.constant 0 : i32
    %dma_start3A_157 = tpu.memref_slice %arg7[%dma_start3A_153, %dma_start3A_154, %dma_start3A_156] : memref<2x10x128xi32, #tpu.memory_space<vmem>> -> memref<1x1x128xi32, #tpu.memory_space<vmem>>
    %dma_start3A_158 = tpu.memref_squeeze %dma_start3A_157 : memref<1x1x128xi32, #tpu.memory_space<vmem>> -> memref<128xi32, #tpu.memory_space<vmem>>
    %dma_start3A_159 = arith.constant 0 : i32
    %dma_start3A_160 = arith.constant 0 : i32
    %dma_start3A_161 = tpu.memref_slice %arg6[%dma_start3A_159, %dma_start3A_160] : memref<50000x16xf32, #tpu.memory_space<vmem_shared>> -> memref<50000x16xf32, #tpu.memory_space<vmem_shared>>
    %dma_start3A_162 = tpu.memref_slice %arg9[%dma_start3A_155] : memref<2x!tpu.dma_semaphore, #tpu.memory_space<semaphore_mem>> -> memref<1x!tpu.dma_semaphore, #tpu.memory_space<semaphore_mem>>
    %dma_start3A_163 = tpu.memref_squeeze %dma_start3A_162 : memref<1x!tpu.dma_semaphore, #tpu.memory_space<semaphore_mem>> -> memref<!tpu.dma_semaphore, #tpu.memory_space<semaphore_mem>>
    tpu.enqueue_indirect_dma source(%arg8 : memref<128x16xf32, #tpu.memory_space<vmem>>) target(%dma_start3A_161 : memref<50000x16xf32, #tpu.memory_space<vmem_shared>>) offsets(%dma_start3A_158 : memref<128xi32, #tpu.memory_space<vmem>>) semaphore(%dma_start3A_163 : memref<!tpu.dma_semaphore, #tpu.memory_space<semaphore_mem>>) {add = true}
    %dma_start3A_164 = arith.constant 0 : i32
    %dma_start3A_165 = arith.constant 4 : i32
    %dma_start3A_166 = arith.constant 0 : i32
    %dma_start3A_167 = arith.constant 0 : i32
    %dma_start3A_168 = tpu.memref_slice %arg7[%dma_start3A_164, %dma_start3A_165, %dma_start3A_167] : memref<2x10x128xi32, #tpu.memory_space<vmem>> -> memref<1x1x128xi32, #tpu.memory_space<vmem>>
    %dma_start3A_169 = tpu.memref_squeeze %dma_start3A_168 : memref<1x1x128xi32, #tpu.memory_space<vmem>> -> memref<128xi32, #tpu.memory_space<vmem>>
    %dma_start3A_170 = arith.constant 0 : i32
    %dma_start3A_171 = arith.constant 0 : i32
    %dma_start3A_172 = tpu.memref_slice %arg6[%dma_start3A_170, %dma_start3A_171] : memref<50000x16xf32, #tpu.memory_space<vmem_shared>> -> memref<50000x16xf32, #tpu.memory_space<vmem_shared>>
    %dma_start3A_173 = tpu.memref_slice %arg9[%dma_start3A_166] : memref<2x!tpu.dma_semaphore, #tpu.memory_space<semaphore_mem>> -> memref<1x!tpu.dma_semaphore, #tpu.memory_space<semaphore_mem>>
    %dma_start3A_174 = tpu.memref_squeeze %dma_start3A_173 : memref<1x!tpu.dma_semaphore, #tpu.memory_space<semaphore_mem>> -> memref<!tpu.dma_semaphore, #tpu.memory_space<semaphore_mem>>
    tpu.enqueue_indirect_dma source(%arg8 : memref<128x16xf32, #tpu.memory_space<vmem>>) target(%dma_start3A_172 : memref<50000x16xf32, #tpu.memory_space<vmem_shared>>) offsets(%dma_start3A_169 : memref<128xi32, #tpu.memory_space<vmem>>) semaphore(%dma_start3A_174 : memref<!tpu.dma_semaphore, #tpu.memory_space<semaphore_mem>>) {add = true}
    %dma_start3A_175 = arith.constant 0 : i32
    %dma_start3A_176 = arith.constant 5 : i32
    %dma_start3A_177 = arith.constant 0 : i32
    %dma_start3A_178 = arith.constant 0 : i32
    %dma_start3A_179 = tpu.memref_slice %arg7[%dma_start3A_175, %dma_start3A_176, %dma_start3A_178] : memref<2x10x128xi32, #tpu.memory_space<vmem>> -> memref<1x1x128xi32, #tpu.memory_space<vmem>>
    %dma_start3A_180 = tpu.memref_squeeze %dma_start3A_179 : memref<1x1x128xi32, #tpu.memory_space<vmem>> -> memref<128xi32, #tpu.memory_space<vmem>>
    %dma_start3A_181 = arith.constant 0 : i32
    %dma_start3A_182 = arith.constant 0 : i32
    %dma_start3A_183 = tpu.memref_slice %arg6[%dma_start3A_181, %dma_start3A_182] : memref<50000x16xf32, #tpu.memory_space<vmem_shared>> -> memref<50000x16xf32, #tpu.memory_space<vmem_shared>>
    %dma_start3A_184 = tpu.memref_slice %arg9[%dma_start3A_177] : memref<2x!tpu.dma_semaphore, #tpu.memory_space<semaphore_mem>> -> memref<1x!tpu.dma_semaphore, #tpu.memory_space<semaphore_mem>>
    %dma_start3A_185 = tpu.memref_squeeze %dma_start3A_184 : memref<1x!tpu.dma_semaphore, #tpu.memory_space<semaphore_mem>> -> memref<!tpu.dma_semaphore, #tpu.memory_space<semaphore_mem>>
    tpu.enqueue_indirect_dma source(%arg8 : memref<128x16xf32, #tpu.memory_space<vmem>>) target(%dma_start3A_183 : memref<50000x16xf32, #tpu.memory_space<vmem_shared>>) offsets(%dma_start3A_180 : memref<128xi32, #tpu.memory_space<vmem>>) semaphore(%dma_start3A_185 : memref<!tpu.dma_semaphore, #tpu.memory_space<semaphore_mem>>) {add = true}
    %dma_start3A_186 = arith.constant 0 : i32
    %dma_start3A_187 = arith.constant 6 : i32
    %dma_start3A_188 = arith.constant 0 : i32
    %dma_start3A_189 = arith.constant 0 : i32
    %dma_start3A_190 = tpu.memref_slice %arg7[%dma_start3A_186, %dma_start3A_187, %dma_start3A_189] : memref<2x10x128xi32, #tpu.memory_space<vmem>> -> memref<1x1x128xi32, #tpu.memory_space<vmem>>
    %dma_start3A_191 = tpu.memref_squeeze %dma_start3A_190 : memref<1x1x128xi32, #tpu.memory_space<vmem>> -> memref<128xi32, #tpu.memory_space<vmem>>
    %dma_start3A_192 = arith.constant 0 : i32
    %dma_start3A_193 = arith.constant 0 : i32
    %dma_start3A_194 = tpu.memref_slice %arg6[%dma_start3A_192, %dma_start3A_193] : memref<50000x16xf32, #tpu.memory_space<vmem_shared>> -> memref<50000x16xf32, #tpu.memory_space<vmem_shared>>
    %dma_start3A_195 = tpu.memref_slice %arg9[%dma_start3A_188] : memref<2x!tpu.dma_semaphore, #tpu.memory_space<semaphore_mem>> -> memref<1x!tpu.dma_semaphore, #tpu.memory_space<semaphore_mem>>
    %dma_start3A_196 = tpu.memref_squeeze %dma_start3A_195 : memref<1x!tpu.dma_semaphore, #tpu.memory_space<semaphore_mem>> -> memref<!tpu.dma_semaphore, #tpu.memory_space<semaphore_mem>>
    tpu.enqueue_indirect_dma source(%arg8 : memref<128x16xf32, #tpu.memory_space<vmem>>) target(%dma_start3A_194 : memref<50000x16xf32, #tpu.memory_space<vmem_shared>>) offsets(%dma_start3A_191 : memref<128xi32, #tpu.memory_space<vmem>>) semaphore(%dma_start3A_196 : memref<!tpu.dma_semaphore, #tpu.memory_space<semaphore_mem>>) {add = true}
    %dma_start3A_197 = arith.constant 0 : i32
    %dma_start3A_198 = arith.constant 7 : i32
    %dma_start3A_199 = arith.constant 0 : i32
    %dma_start3A_200 = arith.constant 0 : i32
    %dma_start3A_201 = tpu.memref_slice %arg7[%dma_start3A_197, %dma_start3A_198, %dma_start3A_200] : memref<2x10x128xi32, #tpu.memory_space<vmem>> -> memref<1x1x128xi32, #tpu.memory_space<vmem>>
    %dma_start3A_202 = tpu.memref_squeeze %dma_start3A_201 : memref<1x1x128xi32, #tpu.memory_space<vmem>> -> memref<128xi32, #tpu.memory_space<vmem>>
    %dma_start3A_203 = arith.constant 0 : i32
    %dma_start3A_204 = arith.constant 0 : i32
    %dma_start3A_205 = tpu.memref_slice %arg6[%dma_start3A_203, %dma_start3A_204] : memref<50000x16xf32, #tpu.memory_space<vmem_shared>> -> memref<50000x16xf32, #tpu.memory_space<vmem_shared>>
    %dma_start3A_206 = tpu.memref_slice %arg9[%dma_start3A_199] : memref<2x!tpu.dma_semaphore, #tpu.memory_space<semaphore_mem>> -> memref<1x!tpu.dma_semaphore, #tpu.memory_space<semaphore_mem>>
    %dma_start3A_207 = tpu.memref_squeeze %dma_start3A_206 : memref<1x!tpu.dma_semaphore, #tpu.memory_space<semaphore_mem>> -> memref<!tpu.dma_semaphore, #tpu.memory_space<semaphore_mem>>
    tpu.enqueue_indirect_dma source(%arg8 : memref<128x16xf32, #tpu.memory_space<vmem>>) target(%dma_start3A_205 : memref<50000x16xf32, #tpu.memory_space<vmem_shared>>) offsets(%dma_start3A_202 : memref<128xi32, #tpu.memory_space<vmem>>) semaphore(%dma_start3A_207 : memref<!tpu.dma_semaphore, #tpu.memory_space<semaphore_mem>>) {add = true}
    %dma_start3A_208 = arith.constant 0 : i32
    %dma_start3A_209 = arith.constant 8 : i32
    %dma_start3A_210 = arith.constant 0 : i32
    %dma_start3A_211 = arith.constant 0 : i32
    %dma_start3A_212 = tpu.memref_slice %arg7[%dma_start3A_208, %dma_start3A_209, %dma_start3A_211] : memref<2x10x128xi32, #tpu.memory_space<vmem>> -> memref<1x1x128xi32, #tpu.memory_space<vmem>>
    %dma_start3A_213 = tpu.memref_squeeze %dma_start3A_212 : memref<1x1x128xi32, #tpu.memory_space<vmem>> -> memref<128xi32, #tpu.memory_space<vmem>>
    %dma_start3A_214 = arith.constant 0 : i32
    %dma_start3A_215 = arith.constant 0 : i32
    %dma_start3A_216 = tpu.memref_slice %arg6[%dma_start3A_214, %dma_start3A_215] : memref<50000x16xf32, #tpu.memory_space<vmem_shared>> -> memref<50000x16xf32, #tpu.memory_space<vmem_shared>>
    %dma_start3A_217 = tpu.memref_slice %arg9[%dma_start3A_210] : memref<2x!tpu.dma_semaphore, #tpu.memory_space<semaphore_mem>> -> memref<1x!tpu.dma_semaphore, #tpu.memory_space<semaphore_mem>>
    %dma_start3A_218 = tpu.memref_squeeze %dma_start3A_217 : memref<1x!tpu.dma_semaphore, #tpu.memory_space<semaphore_mem>> -> memref<!tpu.dma_semaphore, #tpu.memory_space<semaphore_mem>>
    tpu.enqueue_indirect_dma source(%arg8 : memref<128x16xf32, #tpu.memory_space<vmem>>) target(%dma_start3A_216 : memref<50000x16xf32, #tpu.memory_space<vmem_shared>>) offsets(%dma_start3A_213 : memref<128xi32, #tpu.memory_space<vmem>>) semaphore(%dma_start3A_218 : memref<!tpu.dma_semaphore, #tpu.memory_space<semaphore_mem>>) {add = true}
    %dma_start3A_219 = arith.constant 0 : i32
    %dma_start3A_220 = arith.constant 9 : i32
    %dma_start3A_221 = arith.constant 0 : i32
    %dma_start3A_222 = arith.constant 0 : i32
    %dma_start3A_223 = tpu.memref_slice %arg7[%dma_start3A_219, %dma_start3A_220, %dma_start3A_222] : memref<2x10x128xi32, #tpu.memory_space<vmem>> -> memref<1x1x128xi32, #tpu.memory_space<vmem>>
    %dma_start3A_224 = tpu.memref_squeeze %dma_start3A_223 : memref<1x1x128xi32, #tpu.memory_space<vmem>> -> memref<128xi32, #tpu.memory_space<vmem>>
    %dma_start3A_225 = arith.constant 0 : i32
    %dma_start3A_226 = arith.constant 0 : i32
    %dma_start3A_227 = tpu.memref_slice %arg6[%dma_start3A_225, %dma_start3A_226] : memref<50000x16xf32, #tpu.memory_space<vmem_shared>> -> memref<50000x16xf32, #tpu.memory_space<vmem_shared>>
    %dma_start3A_228 = tpu.memref_slice %arg9[%dma_start3A_221] : memref<2x!tpu.dma_semaphore, #tpu.memory_space<semaphore_mem>> -> memref<1x!tpu.dma_semaphore, #tpu.memory_space<semaphore_mem>>
    %dma_start3A_229 = tpu.memref_squeeze %dma_start3A_228 : memref<1x!tpu.dma_semaphore, #tpu.memory_space<semaphore_mem>> -> memref<!tpu.dma_semaphore, #tpu.memory_space<semaphore_mem>>
    tpu.enqueue_indirect_dma source(%arg8 : memref<128x16xf32, #tpu.memory_space<vmem>>) target(%dma_start3A_227 : memref<50000x16xf32, #tpu.memory_space<vmem_shared>>) offsets(%dma_start3A_224 : memref<128xi32, #tpu.memory_space<vmem>>) semaphore(%dma_start3A_229 : memref<!tpu.dma_semaphore, #tpu.memory_space<semaphore_mem>>) {add = true}
    %dma_wait3A_230 = arith.constant 0 : i32
    %dma_wait3A_231 = arith.constant 0 : i32
    %dma_wait3A_232 = arith.constant 0 : i32
    %dma_wait3A_233 = arith.constant 0 : i32
    %dma_wait3A_234 = tpu.memref_slice %arg7[%dma_wait3A_230, %dma_wait3A_231, %dma_wait3A_233] : memref<2x10x128xi32, #tpu.memory_space<vmem>> -> memref<1x1x128xi32, #tpu.memory_space<vmem>>
    %dma_wait3A_235 = tpu.memref_squeeze %dma_wait3A_234 : memref<1x1x128xi32, #tpu.memory_space<vmem>> -> memref<128xi32, #tpu.memory_space<vmem>>
    %dma_wait3A_236 = arith.constant 0 : i32
    %dma_wait3A_237 = arith.constant 0 : i32
    %dma_wait3A_238 = tpu.memref_slice %arg6[%dma_wait3A_236, %dma_wait3A_237] : memref<50000x16xf32, #tpu.memory_space<vmem_shared>> -> memref<50000x16xf32, #tpu.memory_space<vmem_shared>>
    %dma_wait3A_239 = tpu.memref_slice %arg9[%dma_wait3A_232] : memref<2x!tpu.dma_semaphore, #tpu.memory_space<semaphore_mem>> -> memref<1x!tpu.dma_semaphore, #tpu.memory_space<semaphore_mem>>
    %dma_wait3A_240 = tpu.memref_squeeze %dma_wait3A_239 : memref<1x!tpu.dma_semaphore, #tpu.memory_space<semaphore_mem>> -> memref<!tpu.dma_semaphore, #tpu.memory_space<semaphore_mem>>
    tpu.wait_indirect_dma semaphore(%dma_wait3A_240 : memref<!tpu.dma_semaphore, #tpu.memory_space<semaphore_mem>>) src(%arg8 : memref<128x16xf32, #tpu.memory_space<vmem>>) dst(%dma_wait3A_238 : memref<50000x16xf32, #tpu.memory_space<vmem_shared>>)
    %dma_wait3A_241 = arith.constant 0 : i32
    %dma_wait3A_242 = arith.constant 1 : i32
    %dma_wait3A_243 = arith.constant 0 : i32
    %dma_wait3A_244 = arith.constant 0 : i32
    %dma_wait3A_245 = tpu.memref_slice %arg7[%dma_wait3A_241, %dma_wait3A_242, %dma_wait3A_244] : memref<2x10x128xi32, #tpu.memory_space<vmem>> -> memref<1x1x128xi32, #tpu.memory_space<vmem>>
    %dma_wait3A_246 = tpu.memref_squeeze %dma_wait3A_245 : memref<1x1x128xi32, #tpu.memory_space<vmem>> -> memref<128xi32, #tpu.memory_space<vmem>>
    %dma_wait3A_247 = arith.constant 0 : i32
    %dma_wait3A_248 = arith.constant 0 : i32
    %dma_wait3A_249 = tpu.memref_slice %arg6[%dma_wait3A_247, %dma_wait3A_248] : memref<50000x16xf32, #tpu.memory_space<vmem_shared>> -> memref<50000x16xf32, #tpu.memory_space<vmem_shared>>
    %dma_wait3A_250 = tpu.memref_slice %arg9[%dma_wait3A_243] : memref<2x!tpu.dma_semaphore, #tpu.memory_space<semaphore_mem>> -> memref<1x!tpu.dma_semaphore, #tpu.memory_space<semaphore_mem>>
    %dma_wait3A_251 = tpu.memref_squeeze %dma_wait3A_250 : memref<1x!tpu.dma_semaphore, #tpu.memory_space<semaphore_mem>> -> memref<!tpu.dma_semaphore, #tpu.memory_space<semaphore_mem>>
    tpu.wait_indirect_dma semaphore(%dma_wait3A_251 : memref<!tpu.dma_semaphore, #tpu.memory_space<semaphore_mem>>) src(%arg8 : memref<128x16xf32, #tpu.memory_space<vmem>>) dst(%dma_wait3A_249 : memref<50000x16xf32, #tpu.memory_space<vmem_shared>>)
    %dma_wait3A_252 = arith.constant 0 : i32
    %dma_wait3A_253 = arith.constant 2 : i32
    %dma_wait3A_254 = arith.constant 0 : i32
    %dma_wait3A_255 = arith.constant 0 : i32
    %dma_wait3A_256 = tpu.memref_slice %arg7[%dma_wait3A_252, %dma_wait3A_253, %dma_wait3A_255] : memref<2x10x128xi32, #tpu.memory_space<vmem>> -> memref<1x1x128xi32, #tpu.memory_space<vmem>>
    %dma_wait3A_257 = tpu.memref_squeeze %dma_wait3A_256 : memref<1x1x128xi32, #tpu.memory_space<vmem>> -> memref<128xi32, #tpu.memory_space<vmem>>
    %dma_wait3A_258 = arith.constant 0 : i32
    %dma_wait3A_259 = arith.constant 0 : i32
    %dma_wait3A_260 = tpu.memref_slice %arg6[%dma_wait3A_258, %dma_wait3A_259] : memref<50000x16xf32, #tpu.memory_space<vmem_shared>> -> memref<50000x16xf32, #tpu.memory_space<vmem_shared>>
    %dma_wait3A_261 = tpu.memref_slice %arg9[%dma_wait3A_254] : memref<2x!tpu.dma_semaphore, #tpu.memory_space<semaphore_mem>> -> memref<1x!tpu.dma_semaphore, #tpu.memory_space<semaphore_mem>>
    %dma_wait3A_262 = tpu.memref_squeeze %dma_wait3A_261 : memref<1x!tpu.dma_semaphore, #tpu.memory_space<semaphore_mem>> -> memref<!tpu.dma_semaphore, #tpu.memory_space<semaphore_mem>>
    tpu.wait_indirect_dma semaphore(%dma_wait3A_262 : memref<!tpu.dma_semaphore, #tpu.memory_space<semaphore_mem>>) src(%arg8 : memref<128x16xf32, #tpu.memory_space<vmem>>) dst(%dma_wait3A_260 : memref<50000x16xf32, #tpu.memory_space<vmem_shared>>)
    %dma_wait3A_263 = arith.constant 0 : i32
    %dma_wait3A_264 = arith.constant 3 : i32
    %dma_wait3A_265 = arith.constant 0 : i32
    %dma_wait3A_266 = arith.constant 0 : i32
    %dma_wait3A_267 = tpu.memref_slice %arg7[%dma_wait3A_263, %dma_wait3A_264, %dma_wait3A_266] : memref<2x10x128xi32, #tpu.memory_space<vmem>> -> memref<1x1x128xi32, #tpu.memory_space<vmem>>
    %dma_wait3A_268 = tpu.memref_squeeze %dma_wait3A_267 : memref<1x1x128xi32, #tpu.memory_space<vmem>> -> memref<128xi32, #tpu.memory_space<vmem>>
    %dma_wait3A_269 = arith.constant 0 : i32
    %dma_wait3A_270 = arith.constant 0 : i32
    %dma_wait3A_271 = tpu.memref_slice %arg6[%dma_wait3A_269, %dma_wait3A_270] : memref<50000x16xf32, #tpu.memory_space<vmem_shared>> -> memref<50000x16xf32, #tpu.memory_space<vmem_shared>>
    %dma_wait3A_272 = tpu.memref_slice %arg9[%dma_wait3A_265] : memref<2x!tpu.dma_semaphore, #tpu.memory_space<semaphore_mem>> -> memref<1x!tpu.dma_semaphore, #tpu.memory_space<semaphore_mem>>
    %dma_wait3A_273 = tpu.memref_squeeze %dma_wait3A_272 : memref<1x!tpu.dma_semaphore, #tpu.memory_space<semaphore_mem>> -> memref<!tpu.dma_semaphore, #tpu.memory_space<semaphore_mem>>
    tpu.wait_indirect_dma semaphore(%dma_wait3A_273 : memref<!tpu.dma_semaphore, #tpu.memory_space<semaphore_mem>>) src(%arg8 : memref<128x16xf32, #tpu.memory_space<vmem>>) dst(%dma_wait3A_271 : memref<50000x16xf32, #tpu.memory_space<vmem_shared>>)
    %dma_wait3A_274 = arith.constant 0 : i32
    %dma_wait3A_275 = arith.constant 4 : i32
    %dma_wait3A_276 = arith.constant 0 : i32
    %dma_wait3A_277 = arith.constant 0 : i32
    %dma_wait3A_278 = tpu.memref_slice %arg7[%dma_wait3A_274, %dma_wait3A_275, %dma_wait3A_277] : memref<2x10x128xi32, #tpu.memory_space<vmem>> -> memref<1x1x128xi32, #tpu.memory_space<vmem>>
    %dma_wait3A_279 = tpu.memref_squeeze %dma_wait3A_278 : memref<1x1x128xi32, #tpu.memory_space<vmem>> -> memref<128xi32, #tpu.memory_space<vmem>>
    %dma_wait3A_280 = arith.constant 0 : i32
    %dma_wait3A_281 = arith.constant 0 : i32
    %dma_wait3A_282 = tpu.memref_slice %arg6[%dma_wait3A_280, %dma_wait3A_281] : memref<50000x16xf32, #tpu.memory_space<vmem_shared>> -> memref<50000x16xf32, #tpu.memory_space<vmem_shared>>
    %dma_wait3A_283 = tpu.memref_slice %arg9[%dma_wait3A_276] : memref<2x!tpu.dma_semaphore, #tpu.memory_space<semaphore_mem>> -> memref<1x!tpu.dma_semaphore, #tpu.memory_space<semaphore_mem>>
    %dma_wait3A_284 = tpu.memref_squeeze %dma_wait3A_283 : memref<1x!tpu.dma_semaphore, #tpu.memory_space<semaphore_mem>> -> memref<!tpu.dma_semaphore, #tpu.memory_space<semaphore_mem>>
    tpu.wait_indirect_dma semaphore(%dma_wait3A_284 : memref<!tpu.dma_semaphore, #tpu.memory_space<semaphore_mem>>) src(%arg8 : memref<128x16xf32, #tpu.memory_space<vmem>>) dst(%dma_wait3A_282 : memref<50000x16xf32, #tpu.memory_space<vmem_shared>>)
    %dma_wait3A_285 = arith.constant 0 : i32
    %dma_wait3A_286 = arith.constant 5 : i32
    %dma_wait3A_287 = arith.constant 0 : i32
    %dma_wait3A_288 = arith.constant 0 : i32
    %dma_wait3A_289 = tpu.memref_slice %arg7[%dma_wait3A_285, %dma_wait3A_286, %dma_wait3A_288] : memref<2x10x128xi32, #tpu.memory_space<vmem>> -> memref<1x1x128xi32, #tpu.memory_space<vmem>>
    %dma_wait3A_290 = tpu.memref_squeeze %dma_wait3A_289 : memref<1x1x128xi32, #tpu.memory_space<vmem>> -> memref<128xi32, #tpu.memory_space<vmem>>
    %dma_wait3A_291 = arith.constant 0 : i32
    %dma_wait3A_292 = arith.constant 0 : i32
    %dma_wait3A_293 = tpu.memref_slice %arg6[%dma_wait3A_291, %dma_wait3A_292] : memref<50000x16xf32, #tpu.memory_space<vmem_shared>> -> memref<50000x16xf32, #tpu.memory_space<vmem_shared>>
    %dma_wait3A_294 = tpu.memref_slice %arg9[%dma_wait3A_287] : memref<2x!tpu.dma_semaphore, #tpu.memory_space<semaphore_mem>> -> memref<1x!tpu.dma_semaphore, #tpu.memory_space<semaphore_mem>>
    %dma_wait3A_295 = tpu.memref_squeeze %dma_wait3A_294 : memref<1x!tpu.dma_semaphore, #tpu.memory_space<semaphore_mem>> -> memref<!tpu.dma_semaphore, #tpu.memory_space<semaphore_mem>>
    tpu.wait_indirect_dma semaphore(%dma_wait3A_295 : memref<!tpu.dma_semaphore, #tpu.memory_space<semaphore_mem>>) src(%arg8 : memref<128x16xf32, #tpu.memory_space<vmem>>) dst(%dma_wait3A_293 : memref<50000x16xf32, #tpu.memory_space<vmem_shared>>)
    %dma_wait3A_296 = arith.constant 0 : i32
    %dma_wait3A_297 = arith.constant 6 : i32
    %dma_wait3A_298 = arith.constant 0 : i32
    %dma_wait3A_299 = arith.constant 0 : i32
    %dma_wait3A_300 = tpu.memref_slice %arg7[%dma_wait3A_296, %dma_wait3A_297, %dma_wait3A_299] : memref<2x10x128xi32, #tpu.memory_space<vmem>> -> memref<1x1x128xi32, #tpu.memory_space<vmem>>
    %dma_wait3A_301 = tpu.memref_squeeze %dma_wait3A_300 : memref<1x1x128xi32, #tpu.memory_space<vmem>> -> memref<128xi32, #tpu.memory_space<vmem>>
    %dma_wait3A_302 = arith.constant 0 : i32
    %dma_wait3A_303 = arith.constant 0 : i32
    %dma_wait3A_304 = tpu.memref_slice %arg6[%dma_wait3A_302, %dma_wait3A_303] : memref<50000x16xf32, #tpu.memory_space<vmem_shared>> -> memref<50000x16xf32, #tpu.memory_space<vmem_shared>>
    %dma_wait3A_305 = tpu.memref_slice %arg9[%dma_wait3A_298] : memref<2x!tpu.dma_semaphore, #tpu.memory_space<semaphore_mem>> -> memref<1x!tpu.dma_semaphore, #tpu.memory_space<semaphore_mem>>
    %dma_wait3A_306 = tpu.memref_squeeze %dma_wait3A_305 : memref<1x!tpu.dma_semaphore, #tpu.memory_space<semaphore_mem>> -> memref<!tpu.dma_semaphore, #tpu.memory_space<semaphore_mem>>
    tpu.wait_indirect_dma semaphore(%dma_wait3A_306 : memref<!tpu.dma_semaphore, #tpu.memory_space<semaphore_mem>>) src(%arg8 : memref<128x16xf32, #tpu.memory_space<vmem>>) dst(%dma_wait3A_304 : memref<50000x16xf32, #tpu.memory_space<vmem_shared>>)
    %dma_wait3A_307 = arith.constant 0 : i32
    %dma_wait3A_308 = arith.constant 7 : i32
    %dma_wait3A_309 = arith.constant 0 : i32
    %dma_wait3A_310 = arith.constant 0 : i32
    %dma_wait3A_311 = tpu.memref_slice %arg7[%dma_wait3A_307, %dma_wait3A_308, %dma_wait3A_310] : memref<2x10x128xi32, #tpu.memory_space<vmem>> -> memref<1x1x128xi32, #tpu.memory_space<vmem>>
    %dma_wait3A_312 = tpu.memref_squeeze %dma_wait3A_311 : memref<1x1x128xi32, #tpu.memory_space<vmem>> -> memref<128xi32, #tpu.memory_space<vmem>>
    %dma_wait3A_313 = arith.constant 0 : i32
    %dma_wait3A_314 = arith.constant 0 : i32
    %dma_wait3A_315 = tpu.memref_slice %arg6[%dma_wait3A_313, %dma_wait3A_314] : memref<50000x16xf32, #tpu.memory_space<vmem_shared>> -> memref<50000x16xf32, #tpu.memory_space<vmem_shared>>
    %dma_wait3A_316 = tpu.memref_slice %arg9[%dma_wait3A_309] : memref<2x!tpu.dma_semaphore, #tpu.memory_space<semaphore_mem>> -> memref<1x!tpu.dma_semaphore, #tpu.memory_space<semaphore_mem>>
    %dma_wait3A_317 = tpu.memref_squeeze %dma_wait3A_316 : memref<1x!tpu.dma_semaphore, #tpu.memory_space<semaphore_mem>> -> memref<!tpu.dma_semaphore, #tpu.memory_space<semaphore_mem>>
    tpu.wait_indirect_dma semaphore(%dma_wait3A_317 : memref<!tpu.dma_semaphore, #tpu.memory_space<semaphore_mem>>) src(%arg8 : memref<128x16xf32, #tpu.memory_space<vmem>>) dst(%dma_wait3A_315 : memref<50000x16xf32, #tpu.memory_space<vmem_shared>>)
    %dma_wait3A_318 = arith.constant 0 : i32
    %dma_wait3A_319 = arith.constant 8 : i32
    %dma_wait3A_320 = arith.constant 0 : i32
    %dma_wait3A_321 = arith.constant 0 : i32
    %dma_wait3A_322 = tpu.memref_slice %arg7[%dma_wait3A_318, %dma_wait3A_319, %dma_wait3A_321] : memref<2x10x128xi32, #tpu.memory_space<vmem>> -> memref<1x1x128xi32, #tpu.memory_space<vmem>>
    %dma_wait3A_323 = tpu.memref_squeeze %dma_wait3A_322 : memref<1x1x128xi32, #tpu.memory_space<vmem>> -> memref<128xi32, #tpu.memory_space<vmem>>
    %dma_wait3A_324 = arith.constant 0 : i32
    %dma_wait3A_325 = arith.constant 0 : i32
    %dma_wait3A_326 = tpu.memref_slice %arg6[%dma_wait3A_324, %dma_wait3A_325] : memref<50000x16xf32, #tpu.memory_space<vmem_shared>> -> memref<50000x16xf32, #tpu.memory_space<vmem_shared>>
    %dma_wait3A_327 = tpu.memref_slice %arg9[%dma_wait3A_320] : memref<2x!tpu.dma_semaphore, #tpu.memory_space<semaphore_mem>> -> memref<1x!tpu.dma_semaphore, #tpu.memory_space<semaphore_mem>>
    %dma_wait3A_328 = tpu.memref_squeeze %dma_wait3A_327 : memref<1x!tpu.dma_semaphore, #tpu.memory_space<semaphore_mem>> -> memref<!tpu.dma_semaphore, #tpu.memory_space<semaphore_mem>>
    tpu.wait_indirect_dma semaphore(%dma_wait3A_328 : memref<!tpu.dma_semaphore, #tpu.memory_space<semaphore_mem>>) src(%arg8 : memref<128x16xf32, #tpu.memory_space<vmem>>) dst(%dma_wait3A_326 : memref<50000x16xf32, #tpu.memory_space<vmem_shared>>)
    %dma_wait3A_329 = arith.constant 0 : i32
    %dma_wait3A_330 = arith.constant 9 : i32
    %dma_wait3A_331 = arith.constant 0 : i32
    %dma_wait3A_332 = arith.constant 0 : i32
    %dma_wait3A_333 = tpu.memref_slice %arg7[%dma_wait3A_329, %dma_wait3A_330, %dma_wait3A_332] : memref<2x10x128xi32, #tpu.memory_space<vmem>> -> memref<1x1x128xi32, #tpu.memory_space<vmem>>
    %dma_wait3A_334 = tpu.memref_squeeze %dma_wait3A_333 : memref<1x1x128xi32, #tpu.memory_space<vmem>> -> memref<128xi32, #tpu.memory_space<vmem>>
    %dma_wait3A_335 = arith.constant 0 : i32
    %dma_wait3A_336 = arith.constant 0 : i32
    %dma_wait3A_337 = tpu.memref_slice %arg6[%dma_wait3A_335, %dma_wait3A_336] : memref<50000x16xf32, #tpu.memory_space<vmem_shared>> -> memref<50000x16xf32, #tpu.memory_space<vmem_shared>>
    %dma_wait3A_338 = tpu.memref_slice %arg9[%dma_wait3A_331] : memref<2x!tpu.dma_semaphore, #tpu.memory_space<semaphore_mem>> -> memref<1x!tpu.dma_semaphore, #tpu.memory_space<semaphore_mem>>
    %dma_wait3A_339 = tpu.memref_squeeze %dma_wait3A_338 : memref<1x!tpu.dma_semaphore, #tpu.memory_space<semaphore_mem>> -> memref<!tpu.dma_semaphore, #tpu.memory_space<semaphore_mem>>
    tpu.wait_indirect_dma semaphore(%dma_wait3A_339 : memref<!tpu.dma_semaphore, #tpu.memory_space<semaphore_mem>>) src(%arg8 : memref<128x16xf32, #tpu.memory_space<vmem>>) dst(%dma_wait3A_337 : memref<50000x16xf32, #tpu.memory_space<vmem_shared>>)
    %dma_wait3A_340 = arith.constant 1 : i32
    %dma_wait3A_341 = arith.constant 0 : i32
    %dma_wait3A_342 = arith.constant 1 : i32
    %dma_wait3A_343 = arith.constant 0 : i32
    %dma_wait3A_344 = tpu.memref_slice %arg7[%dma_wait3A_340, %dma_wait3A_341, %dma_wait3A_343] : memref<2x10x128xi32, #tpu.memory_space<vmem>> -> memref<1x1x128xi32, #tpu.memory_space<vmem>>
    %dma_wait3A_345 = tpu.memref_squeeze %dma_wait3A_344 : memref<1x1x128xi32, #tpu.memory_space<vmem>> -> memref<128xi32, #tpu.memory_space<vmem>>
    %dma_wait3A_346 = arith.constant 0 : i32
    %dma_wait3A_347 = arith.constant 0 : i32
    %dma_wait3A_348 = tpu.memref_slice %arg6[%dma_wait3A_346, %dma_wait3A_347] : memref<50000x16xf32, #tpu.memory_space<vmem_shared>> -> memref<50000x16xf32, #tpu.memory_space<vmem_shared>>
    %dma_wait3A_349 = tpu.memref_slice %arg9[%dma_wait3A_342] : memref<2x!tpu.dma_semaphore, #tpu.memory_space<semaphore_mem>> -> memref<1x!tpu.dma_semaphore, #tpu.memory_space<semaphore_mem>>
    %dma_wait3A_350 = tpu.memref_squeeze %dma_wait3A_349 : memref<1x!tpu.dma_semaphore, #tpu.memory_space<semaphore_mem>> -> memref<!tpu.dma_semaphore, #tpu.memory_space<semaphore_mem>>
    tpu.wait_indirect_dma semaphore(%dma_wait3A_350 : memref<!tpu.dma_semaphore, #tpu.memory_space<semaphore_mem>>) src(%arg8 : memref<128x16xf32, #tpu.memory_space<vmem>>) dst(%dma_wait3A_348 : memref<50000x16xf32, #tpu.memory_space<vmem_shared>>)
    %dma_wait3A_351 = arith.constant 1 : i32
    %dma_wait3A_352 = arith.constant 1 : i32
    %dma_wait3A_353 = arith.constant 1 : i32
    %dma_wait3A_354 = arith.constant 0 : i32
    %dma_wait3A_355 = tpu.memref_slice %arg7[%dma_wait3A_351, %dma_wait3A_352, %dma_wait3A_354] : memref<2x10x128xi32, #tpu.memory_space<vmem>> -> memref<1x1x128xi32, #tpu.memory_space<vmem>>
    %dma_wait3A_356 = tpu.memref_squeeze %dma_wait3A_355 : memref<1x1x128xi32, #tpu.memory_space<vmem>> -> memref<128xi32, #tpu.memory_space<vmem>>
    %dma_wait3A_357 = arith.constant 0 : i32
    %dma_wait3A_358 = arith.constant 0 : i32
    %dma_wait3A_359 = tpu.memref_slice %arg6[%dma_wait3A_357, %dma_wait3A_358] : memref<50000x16xf32, #tpu.memory_space<vmem_shared>> -> memref<50000x16xf32, #tpu.memory_space<vmem_shared>>
    %dma_wait3A_360 = tpu.memref_slice %arg9[%dma_wait3A_353] : memref<2x!tpu.dma_semaphore, #tpu.memory_space<semaphore_mem>> -> memref<1x!tpu.dma_semaphore, #tpu.memory_space<semaphore_mem>>
    %dma_wait3A_361 = tpu.memref_squeeze %dma_wait3A_360 : memref<1x!tpu.dma_semaphore, #tpu.memory_space<semaphore_mem>> -> memref<!tpu.dma_semaphore, #tpu.memory_space<semaphore_mem>>
    tpu.wait_indirect_dma semaphore(%dma_wait3A_361 : memref<!tpu.dma_semaphore, #tpu.memory_space<semaphore_mem>>) src(%arg8 : memref<128x16xf32, #tpu.memory_space<vmem>>) dst(%dma_wait3A_359 : memref<50000x16xf32, #tpu.memory_space<vmem_shared>>)
    %dma_wait3A_362 = arith.constant 1 : i32
    %dma_wait3A_363 = arith.constant 2 : i32
    %dma_wait3A_364 = arith.constant 1 : i32
    %dma_wait3A_365 = arith.constant 0 : i32
    %dma_wait3A_366 = tpu.memref_slice %arg7[%dma_wait3A_362, %dma_wait3A_363, %dma_wait3A_365] : memref<2x10x128xi32, #tpu.memory_space<vmem>> -> memref<1x1x128xi32, #tpu.memory_space<vmem>>
    %dma_wait3A_367 = tpu.memref_squeeze %dma_wait3A_366 : memref<1x1x128xi32, #tpu.memory_space<vmem>> -> memref<128xi32, #tpu.memory_space<vmem>>
    %dma_wait3A_368 = arith.constant 0 : i32
    %dma_wait3A_369 = arith.constant 0 : i32
    %dma_wait3A_370 = tpu.memref_slice %arg6[%dma_wait3A_368, %dma_wait3A_369] : memref<50000x16xf32, #tpu.memory_space<vmem_shared>> -> memref<50000x16xf32, #tpu.memory_space<vmem_shared>>
    %dma_wait3A_371 = tpu.memref_slice %arg9[%dma_wait3A_364] : memref<2x!tpu.dma_semaphore, #tpu.memory_space<semaphore_mem>> -> memref<1x!tpu.dma_semaphore, #tpu.memory_space<semaphore_mem>>
    %dma_wait3A_372 = tpu.memref_squeeze %dma_wait3A_371 : memref<1x!tpu.dma_semaphore, #tpu.memory_space<semaphore_mem>> -> memref<!tpu.dma_semaphore, #tpu.memory_space<semaphore_mem>>
    tpu.wait_indirect_dma semaphore(%dma_wait3A_372 : memref<!tpu.dma_semaphore, #tpu.memory_space<semaphore_mem>>) src(%arg8 : memref<128x16xf32, #tpu.memory_space<vmem>>) dst(%dma_wait3A_370 : memref<50000x16xf32, #tpu.memory_space<vmem_shared>>)
    %dma_wait3A_373 = arith.constant 1 : i32
    %dma_wait3A_374 = arith.constant 3 : i32
    %dma_wait3A_375 = arith.constant 1 : i32
    %dma_wait3A_376 = arith.constant 0 : i32
    %dma_wait3A_377 = tpu.memref_slice %arg7[%dma_wait3A_373, %dma_wait3A_374, %dma_wait3A_376] : memref<2x10x128xi32, #tpu.memory_space<vmem>> -> memref<1x1x128xi32, #tpu.memory_space<vmem>>
    %dma_wait3A_378 = tpu.memref_squeeze %dma_wait3A_377 : memref<1x1x128xi32, #tpu.memory_space<vmem>> -> memref<128xi32, #tpu.memory_space<vmem>>
    %dma_wait3A_379 = arith.constant 0 : i32
    %dma_wait3A_380 = arith.constant 0 : i32
    %dma_wait3A_381 = tpu.memref_slice %arg6[%dma_wait3A_379, %dma_wait3A_380] : memref<50000x16xf32, #tpu.memory_space<vmem_shared>> -> memref<50000x16xf32, #tpu.memory_space<vmem_shared>>
    %dma_wait3A_382 = tpu.memref_slice %arg9[%dma_wait3A_375] : memref<2x!tpu.dma_semaphore, #tpu.memory_space<semaphore_mem>> -> memref<1x!tpu.dma_semaphore, #tpu.memory_space<semaphore_mem>>
    %dma_wait3A_383 = tpu.memref_squeeze %dma_wait3A_382 : memref<1x!tpu.dma_semaphore, #tpu.memory_space<semaphore_mem>> -> memref<!tpu.dma_semaphore, #tpu.memory_space<semaphore_mem>>
    tpu.wait_indirect_dma semaphore(%dma_wait3A_383 : memref<!tpu.dma_semaphore, #tpu.memory_space<semaphore_mem>>) src(%arg8 : memref<128x16xf32, #tpu.memory_space<vmem>>) dst(%dma_wait3A_381 : memref<50000x16xf32, #tpu.memory_space<vmem_shared>>)
    %dma_wait3A_384 = arith.constant 1 : i32
    %dma_wait3A_385 = arith.constant 4 : i32
    %dma_wait3A_386 = arith.constant 1 : i32
    %dma_wait3A_387 = arith.constant 0 : i32
    %dma_wait3A_388 = tpu.memref_slice %arg7[%dma_wait3A_384, %dma_wait3A_385, %dma_wait3A_387] : memref<2x10x128xi32, #tpu.memory_space<vmem>> -> memref<1x1x128xi32, #tpu.memory_space<vmem>>
    %dma_wait3A_389 = tpu.memref_squeeze %dma_wait3A_388 : memref<1x1x128xi32, #tpu.memory_space<vmem>> -> memref<128xi32, #tpu.memory_space<vmem>>
    %dma_wait3A_390 = arith.constant 0 : i32
    %dma_wait3A_391 = arith.constant 0 : i32
    %dma_wait3A_392 = tpu.memref_slice %arg6[%dma_wait3A_390, %dma_wait3A_391] : memref<50000x16xf32, #tpu.memory_space<vmem_shared>> -> memref<50000x16xf32, #tpu.memory_space<vmem_shared>>
    %dma_wait3A_393 = tpu.memref_slice %arg9[%dma_wait3A_386] : memref<2x!tpu.dma_semaphore, #tpu.memory_space<semaphore_mem>> -> memref<1x!tpu.dma_semaphore, #tpu.memory_space<semaphore_mem>>
    %dma_wait3A_394 = tpu.memref_squeeze %dma_wait3A_393 : memref<1x!tpu.dma_semaphore, #tpu.memory_space<semaphore_mem>> -> memref<!tpu.dma_semaphore, #tpu.memory_space<semaphore_mem>>
    tpu.wait_indirect_dma semaphore(%dma_wait3A_394 : memref<!tpu.dma_semaphore, #tpu.memory_space<semaphore_mem>>) src(%arg8 : memref<128x16xf32, #tpu.memory_space<vmem>>) dst(%dma_wait3A_392 : memref<50000x16xf32, #tpu.memory_space<vmem_shared>>)
    %dma_wait3A_395 = arith.constant 1 : i32
    %dma_wait3A_396 = arith.constant 5 : i32
    %dma_wait3A_397 = arith.constant 1 : i32
    %dma_wait3A_398 = arith.constant 0 : i32
    %dma_wait3A_399 = tpu.memref_slice %arg7[%dma_wait3A_395, %dma_wait3A_396, %dma_wait3A_398] : memref<2x10x128xi32, #tpu.memory_space<vmem>> -> memref<1x1x128xi32, #tpu.memory_space<vmem>>
    %dma_wait3A_400 = tpu.memref_squeeze %dma_wait3A_399 : memref<1x1x128xi32, #tpu.memory_space<vmem>> -> memref<128xi32, #tpu.memory_space<vmem>>
    %dma_wait3A_401 = arith.constant 0 : i32
    %dma_wait3A_402 = arith.constant 0 : i32
    %dma_wait3A_403 = tpu.memref_slice %arg6[%dma_wait3A_401, %dma_wait3A_402] : memref<50000x16xf32, #tpu.memory_space<vmem_shared>> -> memref<50000x16xf32, #tpu.memory_space<vmem_shared>>
    %dma_wait3A_404 = tpu.memref_slice %arg9[%dma_wait3A_397] : memref<2x!tpu.dma_semaphore, #tpu.memory_space<semaphore_mem>> -> memref<1x!tpu.dma_semaphore, #tpu.memory_space<semaphore_mem>>
    %dma_wait3A_405 = tpu.memref_squeeze %dma_wait3A_404 : memref<1x!tpu.dma_semaphore, #tpu.memory_space<semaphore_mem>> -> memref<!tpu.dma_semaphore, #tpu.memory_space<semaphore_mem>>
    tpu.wait_indirect_dma semaphore(%dma_wait3A_405 : memref<!tpu.dma_semaphore, #tpu.memory_space<semaphore_mem>>) src(%arg8 : memref<128x16xf32, #tpu.memory_space<vmem>>) dst(%dma_wait3A_403 : memref<50000x16xf32, #tpu.memory_space<vmem_shared>>)
    %dma_wait3A_406 = arith.constant 1 : i32
    %dma_wait3A_407 = arith.constant 6 : i32
    %dma_wait3A_408 = arith.constant 1 : i32
    %dma_wait3A_409 = arith.constant 0 : i32
    %dma_wait3A_410 = tpu.memref_slice %arg7[%dma_wait3A_406, %dma_wait3A_407, %dma_wait3A_409] : memref<2x10x128xi32, #tpu.memory_space<vmem>> -> memref<1x1x128xi32, #tpu.memory_space<vmem>>
    %dma_wait3A_411 = tpu.memref_squeeze %dma_wait3A_410 : memref<1x1x128xi32, #tpu.memory_space<vmem>> -> memref<128xi32, #tpu.memory_space<vmem>>
    %dma_wait3A_412 = arith.constant 0 : i32
    %dma_wait3A_413 = arith.constant 0 : i32
    %dma_wait3A_414 = tpu.memref_slice %arg6[%dma_wait3A_412, %dma_wait3A_413] : memref<50000x16xf32, #tpu.memory_space<vmem_shared>> -> memref<50000x16xf32, #tpu.memory_space<vmem_shared>>
    %dma_wait3A_415 = tpu.memref_slice %arg9[%dma_wait3A_408] : memref<2x!tpu.dma_semaphore, #tpu.memory_space<semaphore_mem>> -> memref<1x!tpu.dma_semaphore, #tpu.memory_space<semaphore_mem>>
    %dma_wait3A_416 = tpu.memref_squeeze %dma_wait3A_415 : memref<1x!tpu.dma_semaphore, #tpu.memory_space<semaphore_mem>> -> memref<!tpu.dma_semaphore, #tpu.memory_space<semaphore_mem>>
    tpu.wait_indirect_dma semaphore(%dma_wait3A_416 : memref<!tpu.dma_semaphore, #tpu.memory_space<semaphore_mem>>) src(%arg8 : memref<128x16xf32, #tpu.memory_space<vmem>>) dst(%dma_wait3A_414 : memref<50000x16xf32, #tpu.memory_space<vmem_shared>>)
    %dma_wait3A_417 = arith.constant 1 : i32
    %dma_wait3A_418 = arith.constant 7 : i32
    %dma_wait3A_419 = arith.constant 1 : i32
    %dma_wait3A_420 = arith.constant 0 : i32
    %dma_wait3A_421 = tpu.memref_slice %arg7[%dma_wait3A_417, %dma_wait3A_418, %dma_wait3A_420] : memref<2x10x128xi32, #tpu.memory_space<vmem>> -> memref<1x1x128xi32, #tpu.memory_space<vmem>>
    %dma_wait3A_422 = tpu.memref_squeeze %dma_wait3A_421 : memref<1x1x128xi32, #tpu.memory_space<vmem>> -> memref<128xi32, #tpu.memory_space<vmem>>
    %dma_wait3A_423 = arith.constant 0 : i32
    %dma_wait3A_424 = arith.constant 0 : i32
    %dma_wait3A_425 = tpu.memref_slice %arg6[%dma_wait3A_423, %dma_wait3A_424] : memref<50000x16xf32, #tpu.memory_space<vmem_shared>> -> memref<50000x16xf32, #tpu.memory_space<vmem_shared>>
    %dma_wait3A_426 = tpu.memref_slice %arg9[%dma_wait3A_419] : memref<2x!tpu.dma_semaphore, #tpu.memory_space<semaphore_mem>> -> memref<1x!tpu.dma_semaphore, #tpu.memory_space<semaphore_mem>>
    %dma_wait3A_427 = tpu.memref_squeeze %dma_wait3A_426 : memref<1x!tpu.dma_semaphore, #tpu.memory_space<semaphore_mem>> -> memref<!tpu.dma_semaphore, #tpu.memory_space<semaphore_mem>>
    tpu.wait_indirect_dma semaphore(%dma_wait3A_427 : memref<!tpu.dma_semaphore, #tpu.memory_space<semaphore_mem>>) src(%arg8 : memref<128x16xf32, #tpu.memory_space<vmem>>) dst(%dma_wait3A_425 : memref<50000x16xf32, #tpu.memory_space<vmem_shared>>)
    %dma_wait3A_428 = arith.constant 1 : i32
    %dma_wait3A_429 = arith.constant 8 : i32
    %dma_wait3A_430 = arith.constant 1 : i32
    %dma_wait3A_431 = arith.constant 0 : i32
    %dma_wait3A_432 = tpu.memref_slice %arg7[%dma_wait3A_428, %dma_wait3A_429, %dma_wait3A_431] : memref<2x10x128xi32, #tpu.memory_space<vmem>> -> memref<1x1x128xi32, #tpu.memory_space<vmem>>
    %dma_wait3A_433 = tpu.memref_squeeze %dma_wait3A_432 : memref<1x1x128xi32, #tpu.memory_space<vmem>> -> memref<128xi32, #tpu.memory_space<vmem>>
    %dma_wait3A_434 = arith.constant 0 : i32
    %dma_wait3A_435 = arith.constant 0 : i32
    %dma_wait3A_436 = tpu.memref_slice %arg6[%dma_wait3A_434, %dma_wait3A_435] : memref<50000x16xf32, #tpu.memory_space<vmem_shared>> -> memref<50000x16xf32, #tpu.memory_space<vmem_shared>>
    %dma_wait3A_437 = tpu.memref_slice %arg9[%dma_wait3A_430] : memref<2x!tpu.dma_semaphore, #tpu.memory_space<semaphore_mem>> -> memref<1x!tpu.dma_semaphore, #tpu.memory_space<semaphore_mem>>
    %dma_wait3A_438 = tpu.memref_squeeze %dma_wait3A_437 : memref<1x!tpu.dma_semaphore, #tpu.memory_space<semaphore_mem>> -> memref<!tpu.dma_semaphore, #tpu.memory_space<semaphore_mem>>
    tpu.wait_indirect_dma semaphore(%dma_wait3A_438 : memref<!tpu.dma_semaphore, #tpu.memory_space<semaphore_mem>>) src(%arg8 : memref<128x16xf32, #tpu.memory_space<vmem>>) dst(%dma_wait3A_436 : memref<50000x16xf32, #tpu.memory_space<vmem_shared>>)
    %dma_wait3A_439 = arith.constant 1 : i32
    %dma_wait3A_440 = arith.constant 9 : i32
    %dma_wait3A_441 = arith.constant 1 : i32
    %dma_wait3A_442 = arith.constant 0 : i32
    %dma_wait3A_443 = tpu.memref_slice %arg7[%dma_wait3A_439, %dma_wait3A_440, %dma_wait3A_442] : memref<2x10x128xi32, #tpu.memory_space<vmem>> -> memref<1x1x128xi32, #tpu.memory_space<vmem>>
    %dma_wait3A_444 = tpu.memref_squeeze %dma_wait3A_443 : memref<1x1x128xi32, #tpu.memory_space<vmem>> -> memref<128xi32, #tpu.memory_space<vmem>>
    %dma_wait3A_445 = arith.constant 0 : i32
    %dma_wait3A_446 = arith.constant 0 : i32
    %dma_wait3A_447 = tpu.memref_slice %arg6[%dma_wait3A_445, %dma_wait3A_446] : memref<50000x16xf32, #tpu.memory_space<vmem_shared>> -> memref<50000x16xf32, #tpu.memory_space<vmem_shared>>
    %dma_wait3A_448 = tpu.memref_slice %arg9[%dma_wait3A_441] : memref<2x!tpu.dma_semaphore, #tpu.memory_space<semaphore_mem>> -> memref<1x!tpu.dma_semaphore, #tpu.memory_space<semaphore_mem>>
    %dma_wait3A_449 = tpu.memref_squeeze %dma_wait3A_448 : memref<1x!tpu.dma_semaphore, #tpu.memory_space<semaphore_mem>> -> memref<!tpu.dma_semaphore, #tpu.memory_space<semaphore_mem>>
    tpu.wait_indirect_dma semaphore(%dma_wait3A_449 : memref<!tpu.dma_semaphore, #tpu.memory_space<semaphore_mem>>) src(%arg8 : memref<128x16xf32, #tpu.memory_space<vmem>>) dst(%dma_wait3A_447 : memref<50000x16xf32, #tpu.memory_space<vmem_shared>>)
    %lt3A = arith.constant 10 : i32
    %lt3A_450 = arith.cmpi slt, %arg1, %lt3A : i32
    %convert_element_type3A = arith.extui %lt3A_450 : i1 to i32
    %cond3A = arith.constant 0 : i32
    %cond3A_451 = arith.cmpi ne, %convert_element_type3A, %cond3A : i32
    scf.if %cond3A_451 {
      %mul3A_457 = arith.constant 6250 : i32
      %mul3A_458 = arith.muli %arg0, %mul3A_457 : i32
      %add3A_459 = arith.constant 6240 : i32
      %add3A_460 = arith.addi %mul3A_458, %add3A_459 : i32
      %add3A_461 = arith.addi %add3A_460, %arg1 : i32
      %run_scoped3A_462 = arith.constant 0 : i32
      "tpu.region"() ({
        %run_scoped3A_465 = tpu.sem_alloc : memref<!tpu.dma_semaphore, #tpu.memory_space<semaphore_mem>>
        %dma_start3A_466 = arith.constant 0 : i32
        %dma_start3A_467 = arith.constant 0 : i32
        %dma_start3A_468 = tpu.memref_slice %arg7[%run_scoped3A_462, %dma_start3A_466, %dma_start3A_467] : memref<2x10x128xi32, #tpu.memory_space<vmem>> -> memref<1x1x128xi32, #tpu.memory_space<vmem>>
        %dma_start3A_469 = tpu.memref_squeeze %dma_start3A_468 : memref<1x1x128xi32, #tpu.memory_space<vmem>> -> memref<1x128xi32, #tpu.memory_space<vmem>>
        %dma_start3A_470 = arith.constant 0 : i32
        %dma_start3A_471 = tpu.memref_slice %arg2[%add3A_461, %dma_start3A_470] : memref<12500x128xi32, #tpu.memory_space<hbm>> -> memref<1x128xi32, #tpu.memory_space<hbm>>
        %dma_start3A_472 = arith.constant 0 : i32
        %dma_start3A_473 = arith.constant 0 : i32
        %dma_start3A_474 = tpu.memref_slice %arg7[%run_scoped3A_462, %dma_start3A_472, %dma_start3A_473] : memref<2x10x128xi32, #tpu.memory_space<vmem>> -> memref<1x1x128xi32, #tpu.memory_space<vmem>>
        %dma_start3A_475 = tpu.memref_squeeze %dma_start3A_474 : memref<1x1x128xi32, #tpu.memory_space<vmem>> -> memref<1x128xi32, #tpu.memory_space<vmem>>
        %dma_start3A_476 = arith.constant 0 : i32
        %dma_start3A_477 = tpu.memref_slice %arg2[%add3A_461, %dma_start3A_476] : memref<12500x128xi32, #tpu.memory_space<hbm>> -> memref<1x128xi32, #tpu.memory_space<hbm>>
        tpu.enqueue_dma source(%dma_start3A_477 : memref<1x128xi32, #tpu.memory_space<hbm>>) target(%dma_start3A_475 : memref<1x128xi32, #tpu.memory_space<vmem>>) target_semaphore(%run_scoped3A_465 : memref<!tpu.dma_semaphore, #tpu.memory_space<semaphore_mem>>)
        %dma_wait3A_478 = arith.constant 0 : i32
        %dma_wait3A_479 = arith.constant 0 : i32
        %dma_wait3A_480 = tpu.memref_slice %arg7[%run_scoped3A_462, %dma_wait3A_478, %dma_wait3A_479] : memref<2x10x128xi32, #tpu.memory_space<vmem>> -> memref<1x1x128xi32, #tpu.memory_space<vmem>>
        %dma_wait3A_481 = tpu.memref_squeeze %dma_wait3A_480 : memref<1x1x128xi32, #tpu.memory_space<vmem>> -> memref<1x128xi32, #tpu.memory_space<vmem>>
        %dma_wait3A_482 = arith.constant 0 : i32
        %dma_wait3A_483 = tpu.memref_slice %arg2[%add3A_461, %dma_wait3A_482] : memref<12500x128xi32, #tpu.memory_space<hbm>> -> memref<1x128xi32, #tpu.memory_space<hbm>>
        %dma_wait3A_484 = arith.constant 0 : i32
        %dma_wait3A_485 = arith.constant 0 : i32
        %dma_wait3A_486 = tpu.memref_slice %arg7[%run_scoped3A_462, %dma_wait3A_484, %dma_wait3A_485] : memref<2x10x128xi32, #tpu.memory_space<vmem>> -> memref<1x1x128xi32, #tpu.memory_space<vmem>>
        %dma_wait3A_487 = tpu.memref_squeeze %dma_wait3A_486 : memref<1x1x128xi32, #tpu.memory_space<vmem>> -> memref<1x128xi32, #tpu.memory_space<vmem>>
        %dma_wait3A_488 = arith.constant 0 : i32
        %dma_wait3A_489 = tpu.memref_slice %arg2[%add3A_461, %dma_wait3A_488] : memref<12500x128xi32, #tpu.memory_space<hbm>> -> memref<1x128xi32, #tpu.memory_space<hbm>>
        tpu.wait_dma2 semaphore(%run_scoped3A_465 : memref<!tpu.dma_semaphore, #tpu.memory_space<semaphore_mem>>) src(%dma_wait3A_489 : memref<1x128xi32, #tpu.memory_space<hbm>>) dst(%dma_wait3A_487 : memref<1x128xi32, #tpu.memory_space<vmem>>)
        tpu.yield
      }) : () -> ()
      %run_scoped3A_463 = arith.constant 0 : i32
      %run_scoped3A_464 = arith.constant 0 : i32
      "tpu.region"() ({
        %run_scoped3A_465 = tpu.sem_alloc : memref<!tpu.dma_semaphore, #tpu.memory_space<semaphore_mem>>
        %dma_start3A_466 = arith.constant 0 : i32
        %dma_start3A_467 = tpu.memref_slice %arg7[%run_scoped3A_463, %run_scoped3A_464, %dma_start3A_466] : memref<2x10x128xi32, #tpu.memory_space<vmem>> -> memref<1x1x128xi32, #tpu.memory_space<vmem>>
        %dma_start3A_468 = tpu.memref_squeeze %dma_start3A_467 : memref<1x1x128xi32, #tpu.memory_space<vmem>> -> memref<128xi32, #tpu.memory_space<vmem>>
        %dma_start3A_469 = arith.constant 0 : i32
        %dma_start3A_470 = arith.constant 0 : i32
        %dma_start3A_471 = tpu.memref_slice %arg6[%dma_start3A_469, %dma_start3A_470] : memref<50000x16xf32, #tpu.memory_space<vmem_shared>> -> memref<50000x16xf32, #tpu.memory_space<vmem_shared>>
        tpu.enqueue_indirect_dma source(%arg8 : memref<128x16xf32, #tpu.memory_space<vmem>>) target(%dma_start3A_471 : memref<50000x16xf32, #tpu.memory_space<vmem_shared>>) offsets(%dma_start3A_468 : memref<128xi32, #tpu.memory_space<vmem>>) semaphore(%run_scoped3A_465 : memref<!tpu.dma_semaphore, #tpu.memory_space<semaphore_mem>>) {add = true}
        %dma_wait3A_472 = arith.constant 0 : i32
        %dma_wait3A_473 = tpu.memref_slice %arg7[%run_scoped3A_463, %run_scoped3A_464, %dma_wait3A_472] : memref<2x10x128xi32, #tpu.memory_space<vmem>> -> memref<1x1x128xi32, #tpu.memory_space<vmem>>
        %dma_wait3A_474 = tpu.memref_squeeze %dma_wait3A_473 : memref<1x1x128xi32, #tpu.memory_space<vmem>> -> memref<128xi32, #tpu.memory_space<vmem>>
        %dma_wait3A_475 = arith.constant 0 : i32
        %dma_wait3A_476 = arith.constant 0 : i32
        %dma_wait3A_477 = tpu.memref_slice %arg6[%dma_wait3A_475, %dma_wait3A_476] : memref<50000x16xf32, #tpu.memory_space<vmem_shared>> -> memref<50000x16xf32, #tpu.memory_space<vmem_shared>>
        tpu.wait_indirect_dma semaphore(%run_scoped3A_465 : memref<!tpu.dma_semaphore, #tpu.memory_space<semaphore_mem>>) src(%arg8 : memref<128x16xf32, #tpu.memory_space<vmem>>) dst(%dma_wait3A_477 : memref<50000x16xf32, #tpu.memory_space<vmem_shared>>)
        tpu.yield
      }) : () -> ()
    } else {
    }
    %barrier3A_452 = arith.constant 0 : index
    tpu.barrier barrier_id(%barrier3A_452)
    %eq3A = arith.constant 0 : i32
    %eq3A_453 = arith.cmpi eq, %arg1, %eq3A : i32
    %convert_element_type3A_454 = arith.extui %eq3A_453 : i1 to i32
    %cond3A_455 = arith.constant 0 : i32
    %cond3A_456 = arith.cmpi ne, %convert_element_type3A_454, %cond3A_455 : i32
    scf.if %cond3A_456 {
      "tpu.region"() ({
        %run_scoped3A_457 = tpu.sem_alloc : memref<!tpu.dma_semaphore, #tpu.memory_space<semaphore_mem>>
        %dma_start3A_458 = arith.constant 0 : i32
        %dma_start3A_459 = arith.constant 0 : i32
        %dma_start3A_460 = tpu.memref_slice %arg5[%arg0, %dma_start3A_458, %dma_start3A_459] : memref<2x50000x16xf32, #tpu.memory_space<hbm>> -> memref<1x50000x16xf32, #tpu.memory_space<hbm>>
        %dma_start3A_461 = tpu.memref_squeeze %dma_start3A_460 : memref<1x50000x16xf32, #tpu.memory_space<hbm>> -> memref<50000x16xf32, #tpu.memory_space<hbm>>
        tpu.enqueue_dma source(%arg6 : memref<50000x16xf32, #tpu.memory_space<vmem_shared>>) target(%dma_start3A_461 : memref<50000x16xf32, #tpu.memory_space<hbm>>) target_semaphore(%run_scoped3A_457 : memref<!tpu.dma_semaphore, #tpu.memory_space<semaphore_mem>>)
        %dma_wait3A_462 = arith.constant 0 : i32
        %dma_wait3A_463 = arith.constant 0 : i32
        %dma_wait3A_464 = tpu.memref_slice %arg5[%arg0, %dma_wait3A_462, %dma_wait3A_463] : memref<2x50000x16xf32, #tpu.memory_space<hbm>> -> memref<1x50000x16xf32, #tpu.memory_space<hbm>>
        %dma_wait3A_465 = tpu.memref_squeeze %dma_wait3A_464 : memref<1x50000x16xf32, #tpu.memory_space<hbm>> -> memref<50000x16xf32, #tpu.memory_space<hbm>>
        tpu.wait_dma2 semaphore(%run_scoped3A_457 : memref<!tpu.dma_semaphore, #tpu.memory_space<semaphore_mem>>) src(%arg6 : memref<50000x16xf32, #tpu.memory_space<vmem_shared>>) dst(%dma_wait3A_465 : memref<50000x16xf32, #tpu.memory_space<hbm>>)
        tpu.yield
      }) : () -> ()
    } else {
    }
    return
  }
}

module attributes {stable_mosaic.version = 14 : i64} {
  func.func @_lstm_body(%arg0: i32, %arg1: memref<2000x8x64xf32, #tpu.memory_space<vmem>>, %arg2: memref<2000x1xi32, #tpu.memory_space<vmem>>, %arg3: memref<64x64xf32, #tpu.memory_space<vmem>>, %arg4: memref<1x64xf32, #tpu.memory_space<vmem>>, %arg5: memref<64x256xf32, #tpu.memory_space<vmem>>, %arg6: memref<64x256xf32, #tpu.memory_space<vmem>>, %arg7: memref<1x256xf32, #tpu.memory_space<vmem>>, %arg8: memref<2000x64xf32, #tpu.memory_space<vmem>>) attributes {dimension_semantics = [#tpu.dimension_semantics<arbitrary>], iteration_bounds = array<i64: 25>, scalar_prefetch = 0 : i64, scratch_operands = 0 : i64, tpu.core_type = #tpu.core_type<tc>, window_params = [{transform_indices = @transform_0, window_bounds = array<i64: 2000, 8, 64>}, {transform_indices = @transform_1, window_bounds = array<i64: 2000, 1>}, {pipeline_mode = #tpu.pipeline_mode<synchronous>, transform_indices = @transform_2, window_bounds = array<i64: 64, 64>}, {pipeline_mode = #tpu.pipeline_mode<synchronous>, transform_indices = @transform_3, window_bounds = array<i64: 1, 64>}, {pipeline_mode = #tpu.pipeline_mode<synchronous>, transform_indices = @transform_4, window_bounds = array<i64: 64, 256>}, {pipeline_mode = #tpu.pipeline_mode<synchronous>, transform_indices = @transform_5, window_bounds = array<i64: 64, 256>}, {pipeline_mode = #tpu.pipeline_mode<synchronous>, transform_indices = @transform_6, window_bounds = array<i64: 1, 256>}, {transform_indices = @transform_7, window_bounds = array<i64: 2000, 64>}]} {
    %get3A = arith.constant 0 : index
    %get3A_0 = arith.constant 0 : index
    %get3A_1 = vector.load %arg2[%get3A, %get3A_0] : memref<2000x1xi32, #tpu.memory_space<vmem>>, vector<2000x1xi32>
    %broadcast_in_dim3A = arith.constant 0.000000e+00 : f32
    %broadcast_in_dim3A_2 = vector.broadcast %broadcast_in_dim3A : f32 to vector<2000x64xf32>
    %broadcast_in_dim3A_3 = arith.constant 0.000000e+00 : f32
    %broadcast_in_dim3A_4 = vector.broadcast %broadcast_in_dim3A_3 : f32 to vector<2000x64xf32>
    %get3A_5 = arith.constant 0 : index
    %get3A_6 = arith.constant 0 : index
    %get3A_7 = vector.load %arg3[%get3A_5, %get3A_6] : memref<64x64xf32, #tpu.memory_space<vmem>>, vector<64x64xf32>
    %get3A_8 = arith.constant 0 : index
    %get3A_9 = arith.constant 0 : index
    %get3A_10 = vector.load %arg5[%get3A_8, %get3A_9] : memref<64x256xf32, #tpu.memory_space<vmem>>, vector<64x256xf32>
    %convert_element_type3A = arith.truncf %get3A_10 : vector<64x256xf32> to vector<64x256xbf16>
    %get3A_11 = arith.constant 0 : index
    %get3A_12 = arith.constant 0 : index
    %get3A_13 = vector.load %arg6[%get3A_11, %get3A_12] : memref<64x256xf32, #tpu.memory_space<vmem>>, vector<64x256xf32>
    %convert_element_type3A_14 = arith.truncf %get3A_13 : vector<64x256xf32> to vector<64x256xbf16>
    %get3A_15 = arith.constant 0 : index
    %get3A_16 = arith.constant 0 : index
    %get3A_17 = vector.load %arg7[%get3A_15, %get3A_16] : memref<1x256xf32, #tpu.memory_space<vmem>>, vector<1x256xf32>
    %get3A_18 = arith.constant 0 : index
    %get3A_19 = arith.constant 0 : index
    %get3A_20 = vector.load %arg4[%get3A_18, %get3A_19] : memref<1x64xf32, #tpu.memory_space<vmem>>, vector<1x64xf32>
    %get3A_21 = arith.constant 0 : index
    %get3A_22 = arith.constant 0 : index
    %get3A_23 = arith.constant 0 : index
    %get3A_24 = vector.load %arg1[%get3A_21, %get3A_22, %get3A_23] : memref<2000x8x64xf32, #tpu.memory_space<vmem>>, vector<2000x1x64xf32>
    %get3A_25 = vector.shape_cast %get3A_24 : vector<2000x1x64xf32> to vector<2000x64xf32>
    %dot_general3A = arith.constant dense<0.000000e+00> : vector<2000x64xf32>
    %dot_general3A_26 = tpu.matmul %get3A_25, %get3A_7, %dot_general3A {dimension_numbers = #tpu.dot_dimension_numbers<[1], [0], [0], [1], [0, 0, 1, 1], [], []>, transpose_lhs_hint = false} : vector<2000x64xf32>, vector<64x64xf32>, vector<2000x64xf32> -> vector<2000x64xf32>
    %add3A = vector.broadcast %get3A_20 : vector<1x64xf32> to vector<2000x64xf32>
    %add3A_27 = arith.addf %dot_general3A_26, %add3A : vector<2000x64xf32>
    %convert_element_type3A_28 = arith.truncf %add3A_27 : vector<2000x64xf32> to vector<2000x64xbf16>
    %dot_general3A_29 = arith.constant dense<0.000000e+00> : vector<2000x256xf32>
    %dot_general3A_30 = tpu.matmul %convert_element_type3A_28, %convert_element_type3A, %dot_general3A_29 {dimension_numbers = #tpu.dot_dimension_numbers<[1], [0], [0], [1], [0, 0, 1, 1], [], []>, transpose_lhs_hint = false} : vector<2000x64xbf16>, vector<64x256xbf16>, vector<2000x256xf32> -> vector<2000x256xf32>
    %convert_element_type3A_31 = arith.truncf %broadcast_in_dim3A_2 : vector<2000x64xf32> to vector<2000x64xbf16>
    %dot_general3A_32 = arith.constant dense<0.000000e+00> : vector<2000x256xf32>
    %dot_general3A_33 = tpu.matmul %convert_element_type3A_31, %convert_element_type3A_14, %dot_general3A_32 {dimension_numbers = #tpu.dot_dimension_numbers<[1], [0], [0], [1], [0, 0, 1, 1], [], []>, transpose_lhs_hint = false} : vector<2000x64xbf16>, vector<64x256xbf16>, vector<2000x256xf32> -> vector<2000x256xf32>
    %add3A_34 = arith.addf %dot_general3A_30, %dot_general3A_33 : vector<2000x256xf32>
    %add3A_35 = vector.broadcast %get3A_17 : vector<1x256xf32> to vector<2000x256xf32>
    %add3A_36 = arith.addf %add3A_34, %add3A_35 : vector<2000x256xf32>
    %slice3A = vector.extract_strided_slice %add3A_36 {offsets = [0, 0], sizes = [2000, 64], strides = [1, 1]} : vector<2000x256xf32> to vector<2000x64xf32>
    %logistic3A = arith.negf %slice3A : vector<2000x64xf32>
    %logistic3A_37 = math.exp %logistic3A : vector<2000x64xf32>
    %logistic3A_38 = arith.constant 1.000000e+00 : f32
    %logistic3A_39 = vector.broadcast %logistic3A_38 : f32 to vector<2000x64xf32>
    %logistic3A_40 = arith.addf %logistic3A_39, %logistic3A_37 : vector<2000x64xf32>
    %logistic3A_41 = arith.divf %logistic3A_39, %logistic3A_40 : vector<2000x64xf32>
    %slice3A_42 = vector.extract_strided_slice %add3A_36 {offsets = [0, 64], sizes = [2000, 64], strides = [1, 1]} : vector<2000x256xf32> to vector<2000x64xf32>
    %logistic3A_43 = arith.negf %slice3A_42 : vector<2000x64xf32>
    %logistic3A_44 = math.exp %logistic3A_43 : vector<2000x64xf32>
    %logistic3A_45 = arith.constant 1.000000e+00 : f32
    %logistic3A_46 = vector.broadcast %logistic3A_45 : f32 to vector<2000x64xf32>
    %logistic3A_47 = arith.addf %logistic3A_46, %logistic3A_44 : vector<2000x64xf32>
    %logistic3A_48 = arith.divf %logistic3A_46, %logistic3A_47 : vector<2000x64xf32>
    %slice3A_49 = vector.extract_strided_slice %add3A_36 {offsets = [0, 128], sizes = [2000, 64], strides = [1, 1]} : vector<2000x256xf32> to vector<2000x64xf32>
    %tanh3A = math.tanh %slice3A_49 : vector<2000x64xf32>
    %slice3A_50 = vector.extract_strided_slice %add3A_36 {offsets = [0, 192], sizes = [2000, 64], strides = [1, 1]} : vector<2000x256xf32> to vector<2000x64xf32>
    %logistic3A_51 = arith.negf %slice3A_50 : vector<2000x64xf32>
    %logistic3A_52 = math.exp %logistic3A_51 : vector<2000x64xf32>
    %logistic3A_53 = arith.constant 1.000000e+00 : f32
    %logistic3A_54 = vector.broadcast %logistic3A_53 : f32 to vector<2000x64xf32>
    %logistic3A_55 = arith.addf %logistic3A_54, %logistic3A_52 : vector<2000x64xf32>
    %logistic3A_56 = arith.divf %logistic3A_54, %logistic3A_55 : vector<2000x64xf32>
    %mul3A = arith.mulf %logistic3A_48, %broadcast_in_dim3A_4 : vector<2000x64xf32>
    %mul3A_57 = arith.mulf %logistic3A_41, %tanh3A : vector<2000x64xf32>
    %add3A_58 = arith.addf %mul3A, %mul3A_57 : vector<2000x64xf32>
    %tanh3A_59 = math.tanh %add3A_58 : vector<2000x64xf32>
    %mul3A_60 = arith.mulf %logistic3A_56, %tanh3A_59 : vector<2000x64xf32>
    %gt3A = arith.constant 0 : i32
    %gt3A_61 = vector.broadcast %gt3A : i32 to vector<2000x1xi32>
    %gt3A_62 = arith.cmpi sgt, %get3A_1, %gt3A_61 : vector<2000x1xi32>
    %broadcast_in_dim3A_63 = vector.shape_cast %gt3A_62 : vector<2000x1xi1> to vector<2000x1xi1>
    %broadcast_in_dim3A_64 = vector.broadcast %broadcast_in_dim3A_63 : vector<2000x1xi1> to vector<2000x64xi1>
    %select_n3A = arith.select %broadcast_in_dim3A_64, %mul3A_60, %broadcast_in_dim3A_2 : vector<2000x64xi1>, vector<2000x64xf32>
    %broadcast_in_dim3A_65 = vector.shape_cast %gt3A_62 : vector<2000x1xi1> to vector<2000x1xi1>
    %broadcast_in_dim3A_66 = vector.broadcast %broadcast_in_dim3A_65 : vector<2000x1xi1> to vector<2000x64xi1>
    %select_n3A_67 = arith.select %broadcast_in_dim3A_66, %add3A_58, %broadcast_in_dim3A_4 : vector<2000x64xi1>, vector<2000x64xf32>
    %get3A_68 = arith.constant 0 : index
    %get3A_69 = arith.constant 1 : index
    %get3A_70 = arith.constant 0 : index
    %get3A_71 = vector.load %arg1[%get3A_68, %get3A_69, %get3A_70] : memref<2000x8x64xf32, #tpu.memory_space<vmem>>, vector<2000x1x64xf32>
    %get3A_72 = vector.shape_cast %get3A_71 : vector<2000x1x64xf32> to vector<2000x64xf32>
    %dot_general3A_73 = arith.constant dense<0.000000e+00> : vector<2000x64xf32>
    %dot_general3A_74 = tpu.matmul %get3A_72, %get3A_7, %dot_general3A_73 {dimension_numbers = #tpu.dot_dimension_numbers<[1], [0], [0], [1], [0, 0, 1, 1], [], []>, transpose_lhs_hint = false} : vector<2000x64xf32>, vector<64x64xf32>, vector<2000x64xf32> -> vector<2000x64xf32>
    %add3A_75 = vector.broadcast %get3A_20 : vector<1x64xf32> to vector<2000x64xf32>
    %add3A_76 = arith.addf %dot_general3A_74, %add3A_75 : vector<2000x64xf32>
    %convert_element_type3A_77 = arith.truncf %add3A_76 : vector<2000x64xf32> to vector<2000x64xbf16>
    %dot_general3A_78 = arith.constant dense<0.000000e+00> : vector<2000x256xf32>
    %dot_general3A_79 = tpu.matmul %convert_element_type3A_77, %convert_element_type3A, %dot_general3A_78 {dimension_numbers = #tpu.dot_dimension_numbers<[1], [0], [0], [1], [0, 0, 1, 1], [], []>, transpose_lhs_hint = false} : vector<2000x64xbf16>, vector<64x256xbf16>, vector<2000x256xf32> -> vector<2000x256xf32>
    %convert_element_type3A_80 = arith.truncf %select_n3A : vector<2000x64xf32> to vector<2000x64xbf16>
    %dot_general3A_81 = arith.constant dense<0.000000e+00> : vector<2000x256xf32>
    %dot_general3A_82 = tpu.matmul %convert_element_type3A_80, %convert_element_type3A_14, %dot_general3A_81 {dimension_numbers = #tpu.dot_dimension_numbers<[1], [0], [0], [1], [0, 0, 1, 1], [], []>, transpose_lhs_hint = false} : vector<2000x64xbf16>, vector<64x256xbf16>, vector<2000x256xf32> -> vector<2000x256xf32>
    %add3A_83 = arith.addf %dot_general3A_79, %dot_general3A_82 : vector<2000x256xf32>
    %add3A_84 = vector.broadcast %get3A_17 : vector<1x256xf32> to vector<2000x256xf32>
    %add3A_85 = arith.addf %add3A_83, %add3A_84 : vector<2000x256xf32>
    %slice3A_86 = vector.extract_strided_slice %add3A_85 {offsets = [0, 0], sizes = [2000, 64], strides = [1, 1]} : vector<2000x256xf32> to vector<2000x64xf32>
    %logistic3A_87 = arith.negf %slice3A_86 : vector<2000x64xf32>
    %logistic3A_88 = math.exp %logistic3A_87 : vector<2000x64xf32>
    %logistic3A_89 = arith.constant 1.000000e+00 : f32
    %logistic3A_90 = vector.broadcast %logistic3A_89 : f32 to vector<2000x64xf32>
    %logistic3A_91 = arith.addf %logistic3A_90, %logistic3A_88 : vector<2000x64xf32>
    %logistic3A_92 = arith.divf %logistic3A_90, %logistic3A_91 : vector<2000x64xf32>
    %slice3A_93 = vector.extract_strided_slice %add3A_85 {offsets = [0, 64], sizes = [2000, 64], strides = [1, 1]} : vector<2000x256xf32> to vector<2000x64xf32>
    %logistic3A_94 = arith.negf %slice3A_93 : vector<2000x64xf32>
    %logistic3A_95 = math.exp %logistic3A_94 : vector<2000x64xf32>
    %logistic3A_96 = arith.constant 1.000000e+00 : f32
    %logistic3A_97 = vector.broadcast %logistic3A_96 : f32 to vector<2000x64xf32>
    %logistic3A_98 = arith.addf %logistic3A_97, %logistic3A_95 : vector<2000x64xf32>
    %logistic3A_99 = arith.divf %logistic3A_97, %logistic3A_98 : vector<2000x64xf32>
    %slice3A_100 = vector.extract_strided_slice %add3A_85 {offsets = [0, 128], sizes = [2000, 64], strides = [1, 1]} : vector<2000x256xf32> to vector<2000x64xf32>
    %tanh3A_101 = math.tanh %slice3A_100 : vector<2000x64xf32>
    %slice3A_102 = vector.extract_strided_slice %add3A_85 {offsets = [0, 192], sizes = [2000, 64], strides = [1, 1]} : vector<2000x256xf32> to vector<2000x64xf32>
    %logistic3A_103 = arith.negf %slice3A_102 : vector<2000x64xf32>
    %logistic3A_104 = math.exp %logistic3A_103 : vector<2000x64xf32>
    %logistic3A_105 = arith.constant 1.000000e+00 : f32
    %logistic3A_106 = vector.broadcast %logistic3A_105 : f32 to vector<2000x64xf32>
    %logistic3A_107 = arith.addf %logistic3A_106, %logistic3A_104 : vector<2000x64xf32>
    %logistic3A_108 = arith.divf %logistic3A_106, %logistic3A_107 : vector<2000x64xf32>
    %mul3A_109 = arith.mulf %logistic3A_99, %select_n3A_67 : vector<2000x64xf32>
    %mul3A_110 = arith.mulf %logistic3A_92, %tanh3A_101 : vector<2000x64xf32>
    %add3A_111 = arith.addf %mul3A_109, %mul3A_110 : vector<2000x64xf32>
    %tanh3A_112 = math.tanh %add3A_111 : vector<2000x64xf32>
    %mul3A_113 = arith.mulf %logistic3A_108, %tanh3A_112 : vector<2000x64xf32>
    %gt3A_114 = arith.constant 1 : i32
    %gt3A_115 = vector.broadcast %gt3A_114 : i32 to vector<2000x1xi32>
    %gt3A_116 = arith.cmpi sgt, %get3A_1, %gt3A_115 : vector<2000x1xi32>
    %broadcast_in_dim3A_117 = vector.shape_cast %gt3A_116 : vector<2000x1xi1> to vector<2000x1xi1>
    %broadcast_in_dim3A_118 = vector.broadcast %broadcast_in_dim3A_117 : vector<2000x1xi1> to vector<2000x64xi1>
    %select_n3A_119 = arith.select %broadcast_in_dim3A_118, %mul3A_113, %select_n3A : vector<2000x64xi1>, vector<2000x64xf32>
    %broadcast_in_dim3A_120 = vector.shape_cast %gt3A_116 : vector<2000x1xi1> to vector<2000x1xi1>
    %broadcast_in_dim3A_121 = vector.broadcast %broadcast_in_dim3A_120 : vector<2000x1xi1> to vector<2000x64xi1>
    %select_n3A_122 = arith.select %broadcast_in_dim3A_121, %add3A_111, %select_n3A_67 : vector<2000x64xi1>, vector<2000x64xf32>
    %get3A_123 = arith.constant 0 : index
    %get3A_124 = arith.constant 2 : index
    %get3A_125 = arith.constant 0 : index
    %get3A_126 = vector.load %arg1[%get3A_123, %get3A_124, %get3A_125] : memref<2000x8x64xf32, #tpu.memory_space<vmem>>, vector<2000x1x64xf32>
    %get3A_127 = vector.shape_cast %get3A_126 : vector<2000x1x64xf32> to vector<2000x64xf32>
    %dot_general3A_128 = arith.constant dense<0.000000e+00> : vector<2000x64xf32>
    %dot_general3A_129 = tpu.matmul %get3A_127, %get3A_7, %dot_general3A_128 {dimension_numbers = #tpu.dot_dimension_numbers<[1], [0], [0], [1], [0, 0, 1, 1], [], []>, transpose_lhs_hint = false} : vector<2000x64xf32>, vector<64x64xf32>, vector<2000x64xf32> -> vector<2000x64xf32>
    %add3A_130 = vector.broadcast %get3A_20 : vector<1x64xf32> to vector<2000x64xf32>
    %add3A_131 = arith.addf %dot_general3A_129, %add3A_130 : vector<2000x64xf32>
    %convert_element_type3A_132 = arith.truncf %add3A_131 : vector<2000x64xf32> to vector<2000x64xbf16>
    %dot_general3A_133 = arith.constant dense<0.000000e+00> : vector<2000x256xf32>
    %dot_general3A_134 = tpu.matmul %convert_element_type3A_132, %convert_element_type3A, %dot_general3A_133 {dimension_numbers = #tpu.dot_dimension_numbers<[1], [0], [0], [1], [0, 0, 1, 1], [], []>, transpose_lhs_hint = false} : vector<2000x64xbf16>, vector<64x256xbf16>, vector<2000x256xf32> -> vector<2000x256xf32>
    %convert_element_type3A_135 = arith.truncf %select_n3A_119 : vector<2000x64xf32> to vector<2000x64xbf16>
    %dot_general3A_136 = arith.constant dense<0.000000e+00> : vector<2000x256xf32>
    %dot_general3A_137 = tpu.matmul %convert_element_type3A_135, %convert_element_type3A_14, %dot_general3A_136 {dimension_numbers = #tpu.dot_dimension_numbers<[1], [0], [0], [1], [0, 0, 1, 1], [], []>, transpose_lhs_hint = false} : vector<2000x64xbf16>, vector<64x256xbf16>, vector<2000x256xf32> -> vector<2000x256xf32>
    %add3A_138 = arith.addf %dot_general3A_134, %dot_general3A_137 : vector<2000x256xf32>
    %add3A_139 = vector.broadcast %get3A_17 : vector<1x256xf32> to vector<2000x256xf32>
    %add3A_140 = arith.addf %add3A_138, %add3A_139 : vector<2000x256xf32>
    %slice3A_141 = vector.extract_strided_slice %add3A_140 {offsets = [0, 0], sizes = [2000, 64], strides = [1, 1]} : vector<2000x256xf32> to vector<2000x64xf32>
    %logistic3A_142 = arith.negf %slice3A_141 : vector<2000x64xf32>
    %logistic3A_143 = math.exp %logistic3A_142 : vector<2000x64xf32>
    %logistic3A_144 = arith.constant 1.000000e+00 : f32
    %logistic3A_145 = vector.broadcast %logistic3A_144 : f32 to vector<2000x64xf32>
    %logistic3A_146 = arith.addf %logistic3A_145, %logistic3A_143 : vector<2000x64xf32>
    %logistic3A_147 = arith.divf %logistic3A_145, %logistic3A_146 : vector<2000x64xf32>
    %slice3A_148 = vector.extract_strided_slice %add3A_140 {offsets = [0, 64], sizes = [2000, 64], strides = [1, 1]} : vector<2000x256xf32> to vector<2000x64xf32>
    %logistic3A_149 = arith.negf %slice3A_148 : vector<2000x64xf32>
    %logistic3A_150 = math.exp %logistic3A_149 : vector<2000x64xf32>
    %logistic3A_151 = arith.constant 1.000000e+00 : f32
    %logistic3A_152 = vector.broadcast %logistic3A_151 : f32 to vector<2000x64xf32>
    %logistic3A_153 = arith.addf %logistic3A_152, %logistic3A_150 : vector<2000x64xf32>
    %logistic3A_154 = arith.divf %logistic3A_152, %logistic3A_153 : vector<2000x64xf32>
    %slice3A_155 = vector.extract_strided_slice %add3A_140 {offsets = [0, 128], sizes = [2000, 64], strides = [1, 1]} : vector<2000x256xf32> to vector<2000x64xf32>
    %tanh3A_156 = math.tanh %slice3A_155 : vector<2000x64xf32>
    %slice3A_157 = vector.extract_strided_slice %add3A_140 {offsets = [0, 192], sizes = [2000, 64], strides = [1, 1]} : vector<2000x256xf32> to vector<2000x64xf32>
    %logistic3A_158 = arith.negf %slice3A_157 : vector<2000x64xf32>
    %logistic3A_159 = math.exp %logistic3A_158 : vector<2000x64xf32>
    %logistic3A_160 = arith.constant 1.000000e+00 : f32
    %logistic3A_161 = vector.broadcast %logistic3A_160 : f32 to vector<2000x64xf32>
    %logistic3A_162 = arith.addf %logistic3A_161, %logistic3A_159 : vector<2000x64xf32>
    %logistic3A_163 = arith.divf %logistic3A_161, %logistic3A_162 : vector<2000x64xf32>
    %mul3A_164 = arith.mulf %logistic3A_154, %select_n3A_122 : vector<2000x64xf32>
    %mul3A_165 = arith.mulf %logistic3A_147, %tanh3A_156 : vector<2000x64xf32>
    %add3A_166 = arith.addf %mul3A_164, %mul3A_165 : vector<2000x64xf32>
    %tanh3A_167 = math.tanh %add3A_166 : vector<2000x64xf32>
    %mul3A_168 = arith.mulf %logistic3A_163, %tanh3A_167 : vector<2000x64xf32>
    %gt3A_169 = arith.constant 2 : i32
    %gt3A_170 = vector.broadcast %gt3A_169 : i32 to vector<2000x1xi32>
    %gt3A_171 = arith.cmpi sgt, %get3A_1, %gt3A_170 : vector<2000x1xi32>
    %broadcast_in_dim3A_172 = vector.shape_cast %gt3A_171 : vector<2000x1xi1> to vector<2000x1xi1>
    %broadcast_in_dim3A_173 = vector.broadcast %broadcast_in_dim3A_172 : vector<2000x1xi1> to vector<2000x64xi1>
    %select_n3A_174 = arith.select %broadcast_in_dim3A_173, %mul3A_168, %select_n3A_119 : vector<2000x64xi1>, vector<2000x64xf32>
    %broadcast_in_dim3A_175 = vector.shape_cast %gt3A_171 : vector<2000x1xi1> to vector<2000x1xi1>
    %broadcast_in_dim3A_176 = vector.broadcast %broadcast_in_dim3A_175 : vector<2000x1xi1> to vector<2000x64xi1>
    %select_n3A_177 = arith.select %broadcast_in_dim3A_176, %add3A_166, %select_n3A_122 : vector<2000x64xi1>, vector<2000x64xf32>
    %get3A_178 = arith.constant 0 : index
    %get3A_179 = arith.constant 3 : index
    %get3A_180 = arith.constant 0 : index
    %get3A_181 = vector.load %arg1[%get3A_178, %get3A_179, %get3A_180] : memref<2000x8x64xf32, #tpu.memory_space<vmem>>, vector<2000x1x64xf32>
    %get3A_182 = vector.shape_cast %get3A_181 : vector<2000x1x64xf32> to vector<2000x64xf32>
    %dot_general3A_183 = arith.constant dense<0.000000e+00> : vector<2000x64xf32>
    %dot_general3A_184 = tpu.matmul %get3A_182, %get3A_7, %dot_general3A_183 {dimension_numbers = #tpu.dot_dimension_numbers<[1], [0], [0], [1], [0, 0, 1, 1], [], []>, transpose_lhs_hint = false} : vector<2000x64xf32>, vector<64x64xf32>, vector<2000x64xf32> -> vector<2000x64xf32>
    %add3A_185 = vector.broadcast %get3A_20 : vector<1x64xf32> to vector<2000x64xf32>
    %add3A_186 = arith.addf %dot_general3A_184, %add3A_185 : vector<2000x64xf32>
    %convert_element_type3A_187 = arith.truncf %add3A_186 : vector<2000x64xf32> to vector<2000x64xbf16>
    %dot_general3A_188 = arith.constant dense<0.000000e+00> : vector<2000x256xf32>
    %dot_general3A_189 = tpu.matmul %convert_element_type3A_187, %convert_element_type3A, %dot_general3A_188 {dimension_numbers = #tpu.dot_dimension_numbers<[1], [0], [0], [1], [0, 0, 1, 1], [], []>, transpose_lhs_hint = false} : vector<2000x64xbf16>, vector<64x256xbf16>, vector<2000x256xf32> -> vector<2000x256xf32>
    %convert_element_type3A_190 = arith.truncf %select_n3A_174 : vector<2000x64xf32> to vector<2000x64xbf16>
    %dot_general3A_191 = arith.constant dense<0.000000e+00> : vector<2000x256xf32>
    %dot_general3A_192 = tpu.matmul %convert_element_type3A_190, %convert_element_type3A_14, %dot_general3A_191 {dimension_numbers = #tpu.dot_dimension_numbers<[1], [0], [0], [1], [0, 0, 1, 1], [], []>, transpose_lhs_hint = false} : vector<2000x64xbf16>, vector<64x256xbf16>, vector<2000x256xf32> -> vector<2000x256xf32>
    %add3A_193 = arith.addf %dot_general3A_189, %dot_general3A_192 : vector<2000x256xf32>
    %add3A_194 = vector.broadcast %get3A_17 : vector<1x256xf32> to vector<2000x256xf32>
    %add3A_195 = arith.addf %add3A_193, %add3A_194 : vector<2000x256xf32>
    %slice3A_196 = vector.extract_strided_slice %add3A_195 {offsets = [0, 0], sizes = [2000, 64], strides = [1, 1]} : vector<2000x256xf32> to vector<2000x64xf32>
    %logistic3A_197 = arith.negf %slice3A_196 : vector<2000x64xf32>
    %logistic3A_198 = math.exp %logistic3A_197 : vector<2000x64xf32>
    %logistic3A_199 = arith.constant 1.000000e+00 : f32
    %logistic3A_200 = vector.broadcast %logistic3A_199 : f32 to vector<2000x64xf32>
    %logistic3A_201 = arith.addf %logistic3A_200, %logistic3A_198 : vector<2000x64xf32>
    %logistic3A_202 = arith.divf %logistic3A_200, %logistic3A_201 : vector<2000x64xf32>
    %slice3A_203 = vector.extract_strided_slice %add3A_195 {offsets = [0, 64], sizes = [2000, 64], strides = [1, 1]} : vector<2000x256xf32> to vector<2000x64xf32>
    %logistic3A_204 = arith.negf %slice3A_203 : vector<2000x64xf32>
    %logistic3A_205 = math.exp %logistic3A_204 : vector<2000x64xf32>
    %logistic3A_206 = arith.constant 1.000000e+00 : f32
    %logistic3A_207 = vector.broadcast %logistic3A_206 : f32 to vector<2000x64xf32>
    %logistic3A_208 = arith.addf %logistic3A_207, %logistic3A_205 : vector<2000x64xf32>
    %logistic3A_209 = arith.divf %logistic3A_207, %logistic3A_208 : vector<2000x64xf32>
    %slice3A_210 = vector.extract_strided_slice %add3A_195 {offsets = [0, 128], sizes = [2000, 64], strides = [1, 1]} : vector<2000x256xf32> to vector<2000x64xf32>
    %tanh3A_211 = math.tanh %slice3A_210 : vector<2000x64xf32>
    %slice3A_212 = vector.extract_strided_slice %add3A_195 {offsets = [0, 192], sizes = [2000, 64], strides = [1, 1]} : vector<2000x256xf32> to vector<2000x64xf32>
    %logistic3A_213 = arith.negf %slice3A_212 : vector<2000x64xf32>
    %logistic3A_214 = math.exp %logistic3A_213 : vector<2000x64xf32>
    %logistic3A_215 = arith.constant 1.000000e+00 : f32
    %logistic3A_216 = vector.broadcast %logistic3A_215 : f32 to vector<2000x64xf32>
    %logistic3A_217 = arith.addf %logistic3A_216, %logistic3A_214 : vector<2000x64xf32>
    %logistic3A_218 = arith.divf %logistic3A_216, %logistic3A_217 : vector<2000x64xf32>
    %mul3A_219 = arith.mulf %logistic3A_209, %select_n3A_177 : vector<2000x64xf32>
    %mul3A_220 = arith.mulf %logistic3A_202, %tanh3A_211 : vector<2000x64xf32>
    %add3A_221 = arith.addf %mul3A_219, %mul3A_220 : vector<2000x64xf32>
    %tanh3A_222 = math.tanh %add3A_221 : vector<2000x64xf32>
    %mul3A_223 = arith.mulf %logistic3A_218, %tanh3A_222 : vector<2000x64xf32>
    %gt3A_224 = arith.constant 3 : i32
    %gt3A_225 = vector.broadcast %gt3A_224 : i32 to vector<2000x1xi32>
    %gt3A_226 = arith.cmpi sgt, %get3A_1, %gt3A_225 : vector<2000x1xi32>
    %broadcast_in_dim3A_227 = vector.shape_cast %gt3A_226 : vector<2000x1xi1> to vector<2000x1xi1>
    %broadcast_in_dim3A_228 = vector.broadcast %broadcast_in_dim3A_227 : vector<2000x1xi1> to vector<2000x64xi1>
    %select_n3A_229 = arith.select %broadcast_in_dim3A_228, %mul3A_223, %select_n3A_174 : vector<2000x64xi1>, vector<2000x64xf32>
    %broadcast_in_dim3A_230 = vector.shape_cast %gt3A_226 : vector<2000x1xi1> to vector<2000x1xi1>
    %broadcast_in_dim3A_231 = vector.broadcast %broadcast_in_dim3A_230 : vector<2000x1xi1> to vector<2000x64xi1>
    %select_n3A_232 = arith.select %broadcast_in_dim3A_231, %add3A_221, %select_n3A_177 : vector<2000x64xi1>, vector<2000x64xf32>
    %get3A_233 = arith.constant 0 : index
    %get3A_234 = arith.constant 4 : index
    %get3A_235 = arith.constant 0 : index
    %get3A_236 = vector.load %arg1[%get3A_233, %get3A_234, %get3A_235] : memref<2000x8x64xf32, #tpu.memory_space<vmem>>, vector<2000x1x64xf32>
    %get3A_237 = vector.shape_cast %get3A_236 : vector<2000x1x64xf32> to vector<2000x64xf32>
    %dot_general3A_238 = arith.constant dense<0.000000e+00> : vector<2000x64xf32>
    %dot_general3A_239 = tpu.matmul %get3A_237, %get3A_7, %dot_general3A_238 {dimension_numbers = #tpu.dot_dimension_numbers<[1], [0], [0], [1], [0, 0, 1, 1], [], []>, transpose_lhs_hint = false} : vector<2000x64xf32>, vector<64x64xf32>, vector<2000x64xf32> -> vector<2000x64xf32>
    %add3A_240 = vector.broadcast %get3A_20 : vector<1x64xf32> to vector<2000x64xf32>
    %add3A_241 = arith.addf %dot_general3A_239, %add3A_240 : vector<2000x64xf32>
    %convert_element_type3A_242 = arith.truncf %add3A_241 : vector<2000x64xf32> to vector<2000x64xbf16>
    %dot_general3A_243 = arith.constant dense<0.000000e+00> : vector<2000x256xf32>
    %dot_general3A_244 = tpu.matmul %convert_element_type3A_242, %convert_element_type3A, %dot_general3A_243 {dimension_numbers = #tpu.dot_dimension_numbers<[1], [0], [0], [1], [0, 0, 1, 1], [], []>, transpose_lhs_hint = false} : vector<2000x64xbf16>, vector<64x256xbf16>, vector<2000x256xf32> -> vector<2000x256xf32>
    %convert_element_type3A_245 = arith.truncf %select_n3A_229 : vector<2000x64xf32> to vector<2000x64xbf16>
    %dot_general3A_246 = arith.constant dense<0.000000e+00> : vector<2000x256xf32>
    %dot_general3A_247 = tpu.matmul %convert_element_type3A_245, %convert_element_type3A_14, %dot_general3A_246 {dimension_numbers = #tpu.dot_dimension_numbers<[1], [0], [0], [1], [0, 0, 1, 1], [], []>, transpose_lhs_hint = false} : vector<2000x64xbf16>, vector<64x256xbf16>, vector<2000x256xf32> -> vector<2000x256xf32>
    %add3A_248 = arith.addf %dot_general3A_244, %dot_general3A_247 : vector<2000x256xf32>
    %add3A_249 = vector.broadcast %get3A_17 : vector<1x256xf32> to vector<2000x256xf32>
    %add3A_250 = arith.addf %add3A_248, %add3A_249 : vector<2000x256xf32>
    %slice3A_251 = vector.extract_strided_slice %add3A_250 {offsets = [0, 0], sizes = [2000, 64], strides = [1, 1]} : vector<2000x256xf32> to vector<2000x64xf32>
    %logistic3A_252 = arith.negf %slice3A_251 : vector<2000x64xf32>
    %logistic3A_253 = math.exp %logistic3A_252 : vector<2000x64xf32>
    %logistic3A_254 = arith.constant 1.000000e+00 : f32
    %logistic3A_255 = vector.broadcast %logistic3A_254 : f32 to vector<2000x64xf32>
    %logistic3A_256 = arith.addf %logistic3A_255, %logistic3A_253 : vector<2000x64xf32>
    %logistic3A_257 = arith.divf %logistic3A_255, %logistic3A_256 : vector<2000x64xf32>
    %slice3A_258 = vector.extract_strided_slice %add3A_250 {offsets = [0, 64], sizes = [2000, 64], strides = [1, 1]} : vector<2000x256xf32> to vector<2000x64xf32>
    %logistic3A_259 = arith.negf %slice3A_258 : vector<2000x64xf32>
    %logistic3A_260 = math.exp %logistic3A_259 : vector<2000x64xf32>
    %logistic3A_261 = arith.constant 1.000000e+00 : f32
    %logistic3A_262 = vector.broadcast %logistic3A_261 : f32 to vector<2000x64xf32>
    %logistic3A_263 = arith.addf %logistic3A_262, %logistic3A_260 : vector<2000x64xf32>
    %logistic3A_264 = arith.divf %logistic3A_262, %logistic3A_263 : vector<2000x64xf32>
    %slice3A_265 = vector.extract_strided_slice %add3A_250 {offsets = [0, 128], sizes = [2000, 64], strides = [1, 1]} : vector<2000x256xf32> to vector<2000x64xf32>
    %tanh3A_266 = math.tanh %slice3A_265 : vector<2000x64xf32>
    %slice3A_267 = vector.extract_strided_slice %add3A_250 {offsets = [0, 192], sizes = [2000, 64], strides = [1, 1]} : vector<2000x256xf32> to vector<2000x64xf32>
    %logistic3A_268 = arith.negf %slice3A_267 : vector<2000x64xf32>
    %logistic3A_269 = math.exp %logistic3A_268 : vector<2000x64xf32>
    %logistic3A_270 = arith.constant 1.000000e+00 : f32
    %logistic3A_271 = vector.broadcast %logistic3A_270 : f32 to vector<2000x64xf32>
    %logistic3A_272 = arith.addf %logistic3A_271, %logistic3A_269 : vector<2000x64xf32>
    %logistic3A_273 = arith.divf %logistic3A_271, %logistic3A_272 : vector<2000x64xf32>
    %mul3A_274 = arith.mulf %logistic3A_264, %select_n3A_232 : vector<2000x64xf32>
    %mul3A_275 = arith.mulf %logistic3A_257, %tanh3A_266 : vector<2000x64xf32>
    %add3A_276 = arith.addf %mul3A_274, %mul3A_275 : vector<2000x64xf32>
    %tanh3A_277 = math.tanh %add3A_276 : vector<2000x64xf32>
    %mul3A_278 = arith.mulf %logistic3A_273, %tanh3A_277 : vector<2000x64xf32>
    %gt3A_279 = arith.constant 4 : i32
    %gt3A_280 = vector.broadcast %gt3A_279 : i32 to vector<2000x1xi32>
    %gt3A_281 = arith.cmpi sgt, %get3A_1, %gt3A_280 : vector<2000x1xi32>
    %broadcast_in_dim3A_282 = vector.shape_cast %gt3A_281 : vector<2000x1xi1> to vector<2000x1xi1>
    %broadcast_in_dim3A_283 = vector.broadcast %broadcast_in_dim3A_282 : vector<2000x1xi1> to vector<2000x64xi1>
    %select_n3A_284 = arith.select %broadcast_in_dim3A_283, %mul3A_278, %select_n3A_229 : vector<2000x64xi1>, vector<2000x64xf32>
    %broadcast_in_dim3A_285 = vector.shape_cast %gt3A_281 : vector<2000x1xi1> to vector<2000x1xi1>
    %broadcast_in_dim3A_286 = vector.broadcast %broadcast_in_dim3A_285 : vector<2000x1xi1> to vector<2000x64xi1>
    %select_n3A_287 = arith.select %broadcast_in_dim3A_286, %add3A_276, %select_n3A_232 : vector<2000x64xi1>, vector<2000x64xf32>
    %get3A_288 = arith.constant 0 : index
    %get3A_289 = arith.constant 5 : index
    %get3A_290 = arith.constant 0 : index
    %get3A_291 = vector.load %arg1[%get3A_288, %get3A_289, %get3A_290] : memref<2000x8x64xf32, #tpu.memory_space<vmem>>, vector<2000x1x64xf32>
    %get3A_292 = vector.shape_cast %get3A_291 : vector<2000x1x64xf32> to vector<2000x64xf32>
    %dot_general3A_293 = arith.constant dense<0.000000e+00> : vector<2000x64xf32>
    %dot_general3A_294 = tpu.matmul %get3A_292, %get3A_7, %dot_general3A_293 {dimension_numbers = #tpu.dot_dimension_numbers<[1], [0], [0], [1], [0, 0, 1, 1], [], []>, transpose_lhs_hint = false} : vector<2000x64xf32>, vector<64x64xf32>, vector<2000x64xf32> -> vector<2000x64xf32>
    %add3A_295 = vector.broadcast %get3A_20 : vector<1x64xf32> to vector<2000x64xf32>
    %add3A_296 = arith.addf %dot_general3A_294, %add3A_295 : vector<2000x64xf32>
    %convert_element_type3A_297 = arith.truncf %add3A_296 : vector<2000x64xf32> to vector<2000x64xbf16>
    %dot_general3A_298 = arith.constant dense<0.000000e+00> : vector<2000x256xf32>
    %dot_general3A_299 = tpu.matmul %convert_element_type3A_297, %convert_element_type3A, %dot_general3A_298 {dimension_numbers = #tpu.dot_dimension_numbers<[1], [0], [0], [1], [0, 0, 1, 1], [], []>, transpose_lhs_hint = false} : vector<2000x64xbf16>, vector<64x256xbf16>, vector<2000x256xf32> -> vector<2000x256xf32>
    %convert_element_type3A_300 = arith.truncf %select_n3A_284 : vector<2000x64xf32> to vector<2000x64xbf16>
    %dot_general3A_301 = arith.constant dense<0.000000e+00> : vector<2000x256xf32>
    %dot_general3A_302 = tpu.matmul %convert_element_type3A_300, %convert_element_type3A_14, %dot_general3A_301 {dimension_numbers = #tpu.dot_dimension_numbers<[1], [0], [0], [1], [0, 0, 1, 1], [], []>, transpose_lhs_hint = false} : vector<2000x64xbf16>, vector<64x256xbf16>, vector<2000x256xf32> -> vector<2000x256xf32>
    %add3A_303 = arith.addf %dot_general3A_299, %dot_general3A_302 : vector<2000x256xf32>
    %add3A_304 = vector.broadcast %get3A_17 : vector<1x256xf32> to vector<2000x256xf32>
    %add3A_305 = arith.addf %add3A_303, %add3A_304 : vector<2000x256xf32>
    %slice3A_306 = vector.extract_strided_slice %add3A_305 {offsets = [0, 0], sizes = [2000, 64], strides = [1, 1]} : vector<2000x256xf32> to vector<2000x64xf32>
    %logistic3A_307 = arith.negf %slice3A_306 : vector<2000x64xf32>
    %logistic3A_308 = math.exp %logistic3A_307 : vector<2000x64xf32>
    %logistic3A_309 = arith.constant 1.000000e+00 : f32
    %logistic3A_310 = vector.broadcast %logistic3A_309 : f32 to vector<2000x64xf32>
    %logistic3A_311 = arith.addf %logistic3A_310, %logistic3A_308 : vector<2000x64xf32>
    %logistic3A_312 = arith.divf %logistic3A_310, %logistic3A_311 : vector<2000x64xf32>
    %slice3A_313 = vector.extract_strided_slice %add3A_305 {offsets = [0, 64], sizes = [2000, 64], strides = [1, 1]} : vector<2000x256xf32> to vector<2000x64xf32>
    %logistic3A_314 = arith.negf %slice3A_313 : vector<2000x64xf32>
    %logistic3A_315 = math.exp %logistic3A_314 : vector<2000x64xf32>
    %logistic3A_316 = arith.constant 1.000000e+00 : f32
    %logistic3A_317 = vector.broadcast %logistic3A_316 : f32 to vector<2000x64xf32>
    %logistic3A_318 = arith.addf %logistic3A_317, %logistic3A_315 : vector<2000x64xf32>
    %logistic3A_319 = arith.divf %logistic3A_317, %logistic3A_318 : vector<2000x64xf32>
    %slice3A_320 = vector.extract_strided_slice %add3A_305 {offsets = [0, 128], sizes = [2000, 64], strides = [1, 1]} : vector<2000x256xf32> to vector<2000x64xf32>
    %tanh3A_321 = math.tanh %slice3A_320 : vector<2000x64xf32>
    %slice3A_322 = vector.extract_strided_slice %add3A_305 {offsets = [0, 192], sizes = [2000, 64], strides = [1, 1]} : vector<2000x256xf32> to vector<2000x64xf32>
    %logistic3A_323 = arith.negf %slice3A_322 : vector<2000x64xf32>
    %logistic3A_324 = math.exp %logistic3A_323 : vector<2000x64xf32>
    %logistic3A_325 = arith.constant 1.000000e+00 : f32
    %logistic3A_326 = vector.broadcast %logistic3A_325 : f32 to vector<2000x64xf32>
    %logistic3A_327 = arith.addf %logistic3A_326, %logistic3A_324 : vector<2000x64xf32>
    %logistic3A_328 = arith.divf %logistic3A_326, %logistic3A_327 : vector<2000x64xf32>
    %mul3A_329 = arith.mulf %logistic3A_319, %select_n3A_287 : vector<2000x64xf32>
    %mul3A_330 = arith.mulf %logistic3A_312, %tanh3A_321 : vector<2000x64xf32>
    %add3A_331 = arith.addf %mul3A_329, %mul3A_330 : vector<2000x64xf32>
    %tanh3A_332 = math.tanh %add3A_331 : vector<2000x64xf32>
    %mul3A_333 = arith.mulf %logistic3A_328, %tanh3A_332 : vector<2000x64xf32>
    %gt3A_334 = arith.constant 5 : i32
    %gt3A_335 = vector.broadcast %gt3A_334 : i32 to vector<2000x1xi32>
    %gt3A_336 = arith.cmpi sgt, %get3A_1, %gt3A_335 : vector<2000x1xi32>
    %broadcast_in_dim3A_337 = vector.shape_cast %gt3A_336 : vector<2000x1xi1> to vector<2000x1xi1>
    %broadcast_in_dim3A_338 = vector.broadcast %broadcast_in_dim3A_337 : vector<2000x1xi1> to vector<2000x64xi1>
    %select_n3A_339 = arith.select %broadcast_in_dim3A_338, %mul3A_333, %select_n3A_284 : vector<2000x64xi1>, vector<2000x64xf32>
    %broadcast_in_dim3A_340 = vector.shape_cast %gt3A_336 : vector<2000x1xi1> to vector<2000x1xi1>
    %broadcast_in_dim3A_341 = vector.broadcast %broadcast_in_dim3A_340 : vector<2000x1xi1> to vector<2000x64xi1>
    %select_n3A_342 = arith.select %broadcast_in_dim3A_341, %add3A_331, %select_n3A_287 : vector<2000x64xi1>, vector<2000x64xf32>
    %get3A_343 = arith.constant 0 : index
    %get3A_344 = arith.constant 6 : index
    %get3A_345 = arith.constant 0 : index
    %get3A_346 = vector.load %arg1[%get3A_343, %get3A_344, %get3A_345] : memref<2000x8x64xf32, #tpu.memory_space<vmem>>, vector<2000x1x64xf32>
    %get3A_347 = vector.shape_cast %get3A_346 : vector<2000x1x64xf32> to vector<2000x64xf32>
    %dot_general3A_348 = arith.constant dense<0.000000e+00> : vector<2000x64xf32>
    %dot_general3A_349 = tpu.matmul %get3A_347, %get3A_7, %dot_general3A_348 {dimension_numbers = #tpu.dot_dimension_numbers<[1], [0], [0], [1], [0, 0, 1, 1], [], []>, transpose_lhs_hint = false} : vector<2000x64xf32>, vector<64x64xf32>, vector<2000x64xf32> -> vector<2000x64xf32>
    %add3A_350 = vector.broadcast %get3A_20 : vector<1x64xf32> to vector<2000x64xf32>
    %add3A_351 = arith.addf %dot_general3A_349, %add3A_350 : vector<2000x64xf32>
    %convert_element_type3A_352 = arith.truncf %add3A_351 : vector<2000x64xf32> to vector<2000x64xbf16>
    %dot_general3A_353 = arith.constant dense<0.000000e+00> : vector<2000x256xf32>
    %dot_general3A_354 = tpu.matmul %convert_element_type3A_352, %convert_element_type3A, %dot_general3A_353 {dimension_numbers = #tpu.dot_dimension_numbers<[1], [0], [0], [1], [0, 0, 1, 1], [], []>, transpose_lhs_hint = false} : vector<2000x64xbf16>, vector<64x256xbf16>, vector<2000x256xf32> -> vector<2000x256xf32>
    %convert_element_type3A_355 = arith.truncf %select_n3A_339 : vector<2000x64xf32> to vector<2000x64xbf16>
    %dot_general3A_356 = arith.constant dense<0.000000e+00> : vector<2000x256xf32>
    %dot_general3A_357 = tpu.matmul %convert_element_type3A_355, %convert_element_type3A_14, %dot_general3A_356 {dimension_numbers = #tpu.dot_dimension_numbers<[1], [0], [0], [1], [0, 0, 1, 1], [], []>, transpose_lhs_hint = false} : vector<2000x64xbf16>, vector<64x256xbf16>, vector<2000x256xf32> -> vector<2000x256xf32>
    %add3A_358 = arith.addf %dot_general3A_354, %dot_general3A_357 : vector<2000x256xf32>
    %add3A_359 = vector.broadcast %get3A_17 : vector<1x256xf32> to vector<2000x256xf32>
    %add3A_360 = arith.addf %add3A_358, %add3A_359 : vector<2000x256xf32>
    %slice3A_361 = vector.extract_strided_slice %add3A_360 {offsets = [0, 0], sizes = [2000, 64], strides = [1, 1]} : vector<2000x256xf32> to vector<2000x64xf32>
    %logistic3A_362 = arith.negf %slice3A_361 : vector<2000x64xf32>
    %logistic3A_363 = math.exp %logistic3A_362 : vector<2000x64xf32>
    %logistic3A_364 = arith.constant 1.000000e+00 : f32
    %logistic3A_365 = vector.broadcast %logistic3A_364 : f32 to vector<2000x64xf32>
    %logistic3A_366 = arith.addf %logistic3A_365, %logistic3A_363 : vector<2000x64xf32>
    %logistic3A_367 = arith.divf %logistic3A_365, %logistic3A_366 : vector<2000x64xf32>
    %slice3A_368 = vector.extract_strided_slice %add3A_360 {offsets = [0, 64], sizes = [2000, 64], strides = [1, 1]} : vector<2000x256xf32> to vector<2000x64xf32>
    %logistic3A_369 = arith.negf %slice3A_368 : vector<2000x64xf32>
    %logistic3A_370 = math.exp %logistic3A_369 : vector<2000x64xf32>
    %logistic3A_371 = arith.constant 1.000000e+00 : f32
    %logistic3A_372 = vector.broadcast %logistic3A_371 : f32 to vector<2000x64xf32>
    %logistic3A_373 = arith.addf %logistic3A_372, %logistic3A_370 : vector<2000x64xf32>
    %logistic3A_374 = arith.divf %logistic3A_372, %logistic3A_373 : vector<2000x64xf32>
    %slice3A_375 = vector.extract_strided_slice %add3A_360 {offsets = [0, 128], sizes = [2000, 64], strides = [1, 1]} : vector<2000x256xf32> to vector<2000x64xf32>
    %tanh3A_376 = math.tanh %slice3A_375 : vector<2000x64xf32>
    %slice3A_377 = vector.extract_strided_slice %add3A_360 {offsets = [0, 192], sizes = [2000, 64], strides = [1, 1]} : vector<2000x256xf32> to vector<2000x64xf32>
    %logistic3A_378 = arith.negf %slice3A_377 : vector<2000x64xf32>
    %logistic3A_379 = math.exp %logistic3A_378 : vector<2000x64xf32>
    %logistic3A_380 = arith.constant 1.000000e+00 : f32
    %logistic3A_381 = vector.broadcast %logistic3A_380 : f32 to vector<2000x64xf32>
    %logistic3A_382 = arith.addf %logistic3A_381, %logistic3A_379 : vector<2000x64xf32>
    %logistic3A_383 = arith.divf %logistic3A_381, %logistic3A_382 : vector<2000x64xf32>
    %mul3A_384 = arith.mulf %logistic3A_374, %select_n3A_342 : vector<2000x64xf32>
    %mul3A_385 = arith.mulf %logistic3A_367, %tanh3A_376 : vector<2000x64xf32>
    %add3A_386 = arith.addf %mul3A_384, %mul3A_385 : vector<2000x64xf32>
    %tanh3A_387 = math.tanh %add3A_386 : vector<2000x64xf32>
    %mul3A_388 = arith.mulf %logistic3A_383, %tanh3A_387 : vector<2000x64xf32>
    %gt3A_389 = arith.constant 6 : i32
    %gt3A_390 = vector.broadcast %gt3A_389 : i32 to vector<2000x1xi32>
    %gt3A_391 = arith.cmpi sgt, %get3A_1, %gt3A_390 : vector<2000x1xi32>
    %broadcast_in_dim3A_392 = vector.shape_cast %gt3A_391 : vector<2000x1xi1> to vector<2000x1xi1>
    %broadcast_in_dim3A_393 = vector.broadcast %broadcast_in_dim3A_392 : vector<2000x1xi1> to vector<2000x64xi1>
    %select_n3A_394 = arith.select %broadcast_in_dim3A_393, %mul3A_388, %select_n3A_339 : vector<2000x64xi1>, vector<2000x64xf32>
    %broadcast_in_dim3A_395 = vector.shape_cast %gt3A_391 : vector<2000x1xi1> to vector<2000x1xi1>
    %broadcast_in_dim3A_396 = vector.broadcast %broadcast_in_dim3A_395 : vector<2000x1xi1> to vector<2000x64xi1>
    %select_n3A_397 = arith.select %broadcast_in_dim3A_396, %add3A_386, %select_n3A_342 : vector<2000x64xi1>, vector<2000x64xf32>
    %get3A_398 = arith.constant 0 : index
    %get3A_399 = arith.constant 7 : index
    %get3A_400 = arith.constant 0 : index
    %get3A_401 = vector.load %arg1[%get3A_398, %get3A_399, %get3A_400] : memref<2000x8x64xf32, #tpu.memory_space<vmem>>, vector<2000x1x64xf32>
    %get3A_402 = vector.shape_cast %get3A_401 : vector<2000x1x64xf32> to vector<2000x64xf32>
    %dot_general3A_403 = arith.constant dense<0.000000e+00> : vector<2000x64xf32>
    %dot_general3A_404 = tpu.matmul %get3A_402, %get3A_7, %dot_general3A_403 {dimension_numbers = #tpu.dot_dimension_numbers<[1], [0], [0], [1], [0, 0, 1, 1], [], []>, transpose_lhs_hint = false} : vector<2000x64xf32>, vector<64x64xf32>, vector<2000x64xf32> -> vector<2000x64xf32>
    %add3A_405 = vector.broadcast %get3A_20 : vector<1x64xf32> to vector<2000x64xf32>
    %add3A_406 = arith.addf %dot_general3A_404, %add3A_405 : vector<2000x64xf32>
    %convert_element_type3A_407 = arith.truncf %add3A_406 : vector<2000x64xf32> to vector<2000x64xbf16>
    %dot_general3A_408 = arith.constant dense<0.000000e+00> : vector<2000x256xf32>
    %dot_general3A_409 = tpu.matmul %convert_element_type3A_407, %convert_element_type3A, %dot_general3A_408 {dimension_numbers = #tpu.dot_dimension_numbers<[1], [0], [0], [1], [0, 0, 1, 1], [], []>, transpose_lhs_hint = false} : vector<2000x64xbf16>, vector<64x256xbf16>, vector<2000x256xf32> -> vector<2000x256xf32>
    %convert_element_type3A_410 = arith.truncf %select_n3A_394 : vector<2000x64xf32> to vector<2000x64xbf16>
    %dot_general3A_411 = arith.constant dense<0.000000e+00> : vector<2000x256xf32>
    %dot_general3A_412 = tpu.matmul %convert_element_type3A_410, %convert_element_type3A_14, %dot_general3A_411 {dimension_numbers = #tpu.dot_dimension_numbers<[1], [0], [0], [1], [0, 0, 1, 1], [], []>, transpose_lhs_hint = false} : vector<2000x64xbf16>, vector<64x256xbf16>, vector<2000x256xf32> -> vector<2000x256xf32>
    %add3A_413 = arith.addf %dot_general3A_409, %dot_general3A_412 : vector<2000x256xf32>
    %add3A_414 = vector.broadcast %get3A_17 : vector<1x256xf32> to vector<2000x256xf32>
    %add3A_415 = arith.addf %add3A_413, %add3A_414 : vector<2000x256xf32>
    %slice3A_416 = vector.extract_strided_slice %add3A_415 {offsets = [0, 0], sizes = [2000, 64], strides = [1, 1]} : vector<2000x256xf32> to vector<2000x64xf32>
    %logistic3A_417 = arith.negf %slice3A_416 : vector<2000x64xf32>
    %logistic3A_418 = math.exp %logistic3A_417 : vector<2000x64xf32>
    %logistic3A_419 = arith.constant 1.000000e+00 : f32
    %logistic3A_420 = vector.broadcast %logistic3A_419 : f32 to vector<2000x64xf32>
    %logistic3A_421 = arith.addf %logistic3A_420, %logistic3A_418 : vector<2000x64xf32>
    %logistic3A_422 = arith.divf %logistic3A_420, %logistic3A_421 : vector<2000x64xf32>
    %slice3A_423 = vector.extract_strided_slice %add3A_415 {offsets = [0, 64], sizes = [2000, 64], strides = [1, 1]} : vector<2000x256xf32> to vector<2000x64xf32>
    %logistic3A_424 = arith.negf %slice3A_423 : vector<2000x64xf32>
    %logistic3A_425 = math.exp %logistic3A_424 : vector<2000x64xf32>
    %logistic3A_426 = arith.constant 1.000000e+00 : f32
    %logistic3A_427 = vector.broadcast %logistic3A_426 : f32 to vector<2000x64xf32>
    %logistic3A_428 = arith.addf %logistic3A_427, %logistic3A_425 : vector<2000x64xf32>
    %logistic3A_429 = arith.divf %logistic3A_427, %logistic3A_428 : vector<2000x64xf32>
    %slice3A_430 = vector.extract_strided_slice %add3A_415 {offsets = [0, 128], sizes = [2000, 64], strides = [1, 1]} : vector<2000x256xf32> to vector<2000x64xf32>
    %tanh3A_431 = math.tanh %slice3A_430 : vector<2000x64xf32>
    %slice3A_432 = vector.extract_strided_slice %add3A_415 {offsets = [0, 192], sizes = [2000, 64], strides = [1, 1]} : vector<2000x256xf32> to vector<2000x64xf32>
    %logistic3A_433 = arith.negf %slice3A_432 : vector<2000x64xf32>
    %logistic3A_434 = math.exp %logistic3A_433 : vector<2000x64xf32>
    %logistic3A_435 = arith.constant 1.000000e+00 : f32
    %logistic3A_436 = vector.broadcast %logistic3A_435 : f32 to vector<2000x64xf32>
    %logistic3A_437 = arith.addf %logistic3A_436, %logistic3A_434 : vector<2000x64xf32>
    %logistic3A_438 = arith.divf %logistic3A_436, %logistic3A_437 : vector<2000x64xf32>
    %mul3A_439 = arith.mulf %logistic3A_429, %select_n3A_397 : vector<2000x64xf32>
    %mul3A_440 = arith.mulf %logistic3A_422, %tanh3A_431 : vector<2000x64xf32>
    %add3A_441 = arith.addf %mul3A_439, %mul3A_440 : vector<2000x64xf32>
    %tanh3A_442 = math.tanh %add3A_441 : vector<2000x64xf32>
    %mul3A_443 = arith.mulf %logistic3A_438, %tanh3A_442 : vector<2000x64xf32>
    %gt3A_444 = arith.constant 7 : i32
    %gt3A_445 = vector.broadcast %gt3A_444 : i32 to vector<2000x1xi32>
    %gt3A_446 = arith.cmpi sgt, %get3A_1, %gt3A_445 : vector<2000x1xi32>
    %broadcast_in_dim3A_447 = vector.shape_cast %gt3A_446 : vector<2000x1xi1> to vector<2000x1xi1>
    %broadcast_in_dim3A_448 = vector.broadcast %broadcast_in_dim3A_447 : vector<2000x1xi1> to vector<2000x64xi1>
    %select_n3A_449 = arith.select %broadcast_in_dim3A_448, %mul3A_443, %select_n3A_394 : vector<2000x64xi1>, vector<2000x64xf32>
    %swap3A = arith.constant 0 : index
    %swap3A_450 = arith.constant 0 : index
    %swap3A_451 = vector.load %arg8[%swap3A, %swap3A_450] : memref<2000x64xf32, #tpu.memory_space<vmem>>, vector<2000x64xf32>
    tpu.vector_store %arg8[%swap3A, %swap3A_450], %select_n3A_449 {strides = array<i32>} : memref<2000x64xf32, #tpu.memory_space<vmem>>, vector<2000x64xf32>,
    return
  }
  func.func @transform_0(%arg0: i32) -> (i32, i32, i32) {
    %c0_i32 = arith.constant 0 : i32
    %c0_i32_0 = arith.constant 0 : i32
    %c0_i32_1 = arith.constant 0 : i32
    return %arg0, %c0_i32, %c0_i32_0 : i32, i32, i32
  }
  func.func @transform_1(%arg0: i32) -> (i32, i32) {
    %c0_i32 = arith.constant 0 : i32
    %c0_i32_0 = arith.constant 0 : i32
    return %arg0, %c0_i32 : i32, i32
  }
  func.func @transform_2(%arg0: i32) -> (i32, i32) {
    %c0_i32 = arith.constant 0 : i32
    %c0_i32_0 = arith.constant 0 : i32
    %c0_i32_1 = arith.constant 0 : i32
    return %c0_i32, %c0_i32_0 : i32, i32
  }
  func.func @transform_3(%arg0: i32) -> (i32, i32) {
    %c0_i32 = arith.constant 0 : i32
    %c0_i32_0 = arith.constant 0 : i32
    %c0_i32_1 = arith.constant 0 : i32
    return %c0_i32, %c0_i32_0 : i32, i32
  }
  func.func @transform_4(%arg0: i32) -> (i32, i32) {
    %c0_i32 = arith.constant 0 : i32
    %c0_i32_0 = arith.constant 0 : i32
    %c0_i32_1 = arith.constant 0 : i32
    return %c0_i32, %c0_i32_0 : i32, i32
  }
  func.func @transform_5(%arg0: i32) -> (i32, i32) {
    %c0_i32 = arith.constant 0 : i32
    %c0_i32_0 = arith.constant 0 : i32
    %c0_i32_1 = arith.constant 0 : i32
    return %c0_i32, %c0_i32_0 : i32, i32
  }
  func.func @transform_6(%arg0: i32) -> (i32, i32) {
    %c0_i32 = arith.constant 0 : i32
    %c0_i32_0 = arith.constant 0 : i32
    %c0_i32_1 = arith.constant 0 : i32
    return %c0_i32, %c0_i32_0 : i32, i32
  }
  func.func @transform_7(%arg0: i32) -> (i32, i32) {
    %c0_i32 = arith.constant 0 : i32
    %c0_i32_0 = arith.constant 0 : i32
    return %arg0, %c0_i32 : i32, i32
  }
}

module attributes {stable_mosaic.version = 14 : i64} {
  func.func @_feat_body(%arg0: i32, %arg1: memref<2000x64xf32, #tpu.memory_space<vmem>>, %arg2: memref<2000x16xf32, #tpu.memory_space<vmem>>, %arg3: memref<2x64x32xf32, #tpu.memory_space<vmem>>, %arg4: memref<2x2000x32xf32, #tpu.memory_space<vmem>>) attributes {dimension_semantics = [#tpu.dimension_semantics<arbitrary>], iteration_bounds = array<i64: 25>, scalar_prefetch = 0 : i64, scratch_operands = 0 : i64, tpu.core_type = #tpu.core_type<tc>, window_params = [{transform_indices = @transform_0, window_bounds = array<i64: 2000, 64>}, {transform_indices = @transform_1, window_bounds = array<i64: 2000, 16>}, {pipeline_mode = #tpu.pipeline_mode<synchronous>, transform_indices = @transform_2, window_bounds = array<i64: 2, 64, 32>}, {transform_indices = @transform_3, window_bounds = array<i64: 2, 2000, 32>}]} {
    %get3A = arith.constant 0 : index
    %get3A_0 = arith.constant 0 : index
    %get3A_1 = vector.load %arg2[%get3A, %get3A_0] : memref<2000x16xf32, #tpu.memory_space<vmem>>, vector<2000x16xf32>
    %slice3A = vector.extract_strided_slice %get3A_1 {offsets = [0, 0], sizes = [2000, 1], strides = [1, 1]} : vector<2000x16xf32> to vector<2000x1xf32>
    %max3A = arith.constant 1.000000e+00 : f32
    %max3A_2 = vector.broadcast %max3A : f32 to vector<2000x1xf32>
    %max3A_3 = arith.maximumf %slice3A, %max3A_2 : vector<2000x1xf32>
    %rsqrt3A = math.rsqrt %max3A_3 : vector<2000x1xf32>
    %get3A_4 = arith.constant 0 : index
    %get3A_5 = arith.constant 0 : index
    %get3A_6 = vector.load %arg1[%get3A_4, %get3A_5] : memref<2000x64xf32, #tpu.memory_space<vmem>>, vector<2000x64xf32>
    %get3A_7 = arith.constant 0 : index
    %get3A_8 = arith.constant 0 : index
    %get3A_9 = arith.constant 0 : index
    %get3A_10 = vector.load %arg3[%get3A_7, %get3A_8, %get3A_9] : memref<2x64x32xf32, #tpu.memory_space<vmem>>, vector<1x64x32xf32>
    %get3A_11 = vector.shape_cast %get3A_10 : vector<1x64x32xf32> to vector<64x32xf32>
    %dot_general3A = arith.constant dense<0.000000e+00> : vector<2000x32xf32>
    %dot_general3A_12 = tpu.matmul %get3A_6, %get3A_11, %dot_general3A {dimension_numbers = #tpu.dot_dimension_numbers<[1], [0], [0], [1], [0, 0, 1, 1], [], []>, transpose_lhs_hint = false} : vector<2000x64xf32>, vector<64x32xf32>, vector<2000x32xf32> -> vector<2000x32xf32>
    %mul3A = vector.broadcast %rsqrt3A : vector<2000x1xf32> to vector<2000x32xf32>
    %mul3A_13 = arith.mulf %dot_general3A_12, %mul3A : vector<2000x32xf32>
    %swap3A = arith.constant 0 : index
    %swap3A_14 = arith.constant 0 : index
    %swap3A_15 = arith.constant 0 : index
    %swap3A_16 = vector.load %arg4[%swap3A, %swap3A_14, %swap3A_15] : memref<2x2000x32xf32, #tpu.memory_space<vmem>>, vector<1x2000x32xf32>
    %swap3A_17 = vector.shape_cast %swap3A_16 : vector<1x2000x32xf32> to vector<2000x32xf32>
    %swap3A_18 = vector.shape_cast %mul3A_13 : vector<2000x32xf32> to vector<1x2000x32xf32>
    tpu.vector_store %arg4[%swap3A, %swap3A_14, %swap3A_15], %swap3A_18 {strides = array<i32>} : memref<2x2000x32xf32, #tpu.memory_space<vmem>>, vector<1x2000x32xf32>,
    %get3A_19 = arith.constant 1 : index
    %get3A_20 = arith.constant 0 : index
    %get3A_21 = arith.constant 0 : index
    %get3A_22 = vector.load %arg3[%get3A_19, %get3A_20, %get3A_21] : memref<2x64x32xf32, #tpu.memory_space<vmem>>, vector<1x64x32xf32>
    %get3A_23 = vector.shape_cast %get3A_22 : vector<1x64x32xf32> to vector<64x32xf32>
    %dot_general3A_24 = arith.constant dense<0.000000e+00> : vector<2000x32xf32>
    %dot_general3A_25 = tpu.matmul %get3A_6, %get3A_23, %dot_general3A_24 {dimension_numbers = #tpu.dot_dimension_numbers<[1], [0], [0], [1], [0, 0, 1, 1], [], []>, transpose_lhs_hint = false} : vector<2000x64xf32>, vector<64x32xf32>, vector<2000x32xf32> -> vector<2000x32xf32>
    %mul3A_26 = vector.broadcast %rsqrt3A : vector<2000x1xf32> to vector<2000x32xf32>
    %mul3A_27 = arith.mulf %dot_general3A_25, %mul3A_26 : vector<2000x32xf32>
    %swap3A_28 = arith.constant 1 : index
    %swap3A_29 = arith.constant 0 : index
    %swap3A_30 = arith.constant 0 : index
    %swap3A_31 = vector.load %arg4[%swap3A_28, %swap3A_29, %swap3A_30] : memref<2x2000x32xf32, #tpu.memory_space<vmem>>, vector<1x2000x32xf32>
    %swap3A_32 = vector.shape_cast %swap3A_31 : vector<1x2000x32xf32> to vector<2000x32xf32>
    %swap3A_33 = vector.shape_cast %mul3A_27 : vector<2000x32xf32> to vector<1x2000x32xf32>
    tpu.vector_store %arg4[%swap3A_28, %swap3A_29, %swap3A_30], %swap3A_33 {strides = array<i32>} : memref<2x2000x32xf32, #tpu.memory_space<vmem>>, vector<1x2000x32xf32>,
    return
  }
  func.func @transform_0(%arg0: i32) -> (i32, i32) {
    %c0_i32 = arith.constant 0 : i32
    %c0_i32_0 = arith.constant 0 : i32
    return %arg0, %c0_i32 : i32, i32
  }
  func.func @transform_1(%arg0: i32) -> (i32, i32) {
    %c0_i32 = arith.constant 0 : i32
    %c0_i32_0 = arith.constant 0 : i32
    return %arg0, %c0_i32 : i32, i32
  }
  func.func @transform_2(%arg0: i32) -> (i32, i32, i32) {
    %c0_i32 = arith.constant 0 : i32
    %c0_i32_0 = arith.constant 0 : i32
    %c0_i32_1 = arith.constant 0 : i32
    %c0_i32_2 = arith.constant 0 : i32
    return %c0_i32, %c0_i32_0, %c0_i32_1 : i32, i32, i32
  }
  func.func @transform_3(%arg0: i32) -> (i32, i32, i32) {
    %c0_i32 = arith.constant 0 : i32
    %c0_i32_0 = arith.constant 0 : i32
    %c0_i32_1 = arith.constant 0 : i32
    return %c0_i32, %arg0, %c0_i32_0 : i32, i32, i32
  }
}

module attributes {stable_mosaic.version = 14 : i64} {
  func.func @_mid_body(%arg0: i32, %arg1: memref<2x2000x32xf32, #tpu.memory_space<vmem>>, %arg2: memref<2000x16xf32, #tpu.memory_space<vmem>>, %arg3: memref<2000x16xf32, #tpu.memory_space<vmem>>, %arg4: memref<2x64x32xf32, #tpu.memory_space<vmem>>, %arg5: memref<1x64xf32, #tpu.memory_space<vmem>>, %arg6: memref<2x2000x32xf32, #tpu.memory_space<vmem>>) attributes {dimension_semantics = [#tpu.dimension_semantics<arbitrary>], iteration_bounds = array<i64: 25>, scalar_prefetch = 0 : i64, scratch_operands = 0 : i64, tpu.core_type = #tpu.core_type<tc>, window_params = [{transform_indices = @transform_0, window_bounds = array<i64: 2, 2000, 32>}, {transform_indices = @transform_1, window_bounds = array<i64: 2000, 16>}, {transform_indices = @transform_2, window_bounds = array<i64: 2000, 16>}, {pipeline_mode = #tpu.pipeline_mode<synchronous>, transform_indices = @transform_3, window_bounds = array<i64: 2, 64, 32>}, {pipeline_mode = #tpu.pipeline_mode<synchronous>, transform_indices = @transform_4, window_bounds = array<i64: 1, 64>}, {transform_indices = @transform_5, window_bounds = array<i64: 2, 2000, 32>}]} {
    %get3A = arith.constant 0 : index
    %get3A_0 = arith.constant 0 : index
    %get3A_1 = vector.load %arg2[%get3A, %get3A_0] : memref<2000x16xf32, #tpu.memory_space<vmem>>, vector<2000x16xf32>
    %slice3A = vector.extract_strided_slice %get3A_1 {offsets = [0, 0], sizes = [2000, 1], strides = [1, 1]} : vector<2000x16xf32> to vector<2000x1xf32>
    %max3A = arith.constant 1.000000e+00 : f32
    %max3A_2 = vector.broadcast %max3A : f32 to vector<2000x1xf32>
    %max3A_3 = arith.maximumf %slice3A, %max3A_2 : vector<2000x1xf32>
    %rsqrt3A = math.rsqrt %max3A_3 : vector<2000x1xf32>
    %get3A_4 = arith.constant 0 : index
    %get3A_5 = arith.constant 0 : index
    %get3A_6 = vector.load %arg3[%get3A_4, %get3A_5] : memref<2000x16xf32, #tpu.memory_space<vmem>>, vector<2000x16xf32>
    %slice3A_7 = vector.extract_strided_slice %get3A_6 {offsets = [0, 0], sizes = [2000, 1], strides = [1, 1]} : vector<2000x16xf32> to vector<2000x1xf32>
    %max3A_8 = arith.constant 1.000000e+00 : f32
    %max3A_9 = vector.broadcast %max3A_8 : f32 to vector<2000x1xf32>
    %max3A_10 = arith.maximumf %slice3A_7, %max3A_9 : vector<2000x1xf32>
    %rsqrt3A_11 = math.rsqrt %max3A_10 : vector<2000x1xf32>
    %get3A_12 = arith.constant 0 : index
    %get3A_13 = arith.constant 0 : index
    %get3A_14 = arith.constant 0 : index
    %get3A_15 = vector.load %arg1[%get3A_12, %get3A_13, %get3A_14] : memref<2x2000x32xf32, #tpu.memory_space<vmem>>, vector<1x2000x32xf32>
    %get3A_16 = vector.shape_cast %get3A_15 : vector<1x2000x32xf32> to vector<2000x32xf32>
    %get3A_17 = arith.constant 1 : index
    %get3A_18 = arith.constant 0 : index
    %get3A_19 = arith.constant 0 : index
    %get3A_20 = vector.load %arg1[%get3A_17, %get3A_18, %get3A_19] : memref<2x2000x32xf32, #tpu.memory_space<vmem>>, vector<1x2000x32xf32>
    %get3A_21 = vector.shape_cast %get3A_20 : vector<1x2000x32xf32> to vector<2000x32xf32>
    %concatenate3A = tpu.concatenate %get3A_16, %get3A_21 in 1 : vector<2000x32xf32>, vector<2000x32xf32> -> vector<2000x64xf32>
    %mul3A = vector.broadcast %rsqrt3A : vector<2000x1xf32> to vector<2000x64xf32>
    %mul3A_22 = arith.mulf %concatenate3A, %mul3A : vector<2000x64xf32>
    %get3A_23 = arith.constant 0 : index
    %get3A_24 = arith.constant 0 : index
    %get3A_25 = vector.load %arg5[%get3A_23, %get3A_24] : memref<1x64xf32, #tpu.memory_space<vmem>>, vector<1x64xf32>
    %add3A = vector.broadcast %get3A_25 : vector<1x64xf32> to vector<2000x64xf32>
    %add3A_26 = arith.addf %mul3A_22, %add3A : vector<2000x64xf32>
    %max3A_27 = arith.constant 0.000000e+00 : f32
    %max3A_28 = vector.broadcast %max3A_27 : f32 to vector<2000x64xf32>
    %max3A_29 = arith.maximumf %add3A_26, %max3A_28 : vector<2000x64xf32>
    %get3A_30 = arith.constant 0 : index
    %get3A_31 = arith.constant 0 : index
    %get3A_32 = arith.constant 0 : index
    %get3A_33 = vector.load %arg4[%get3A_30, %get3A_31, %get3A_32] : memref<2x64x32xf32, #tpu.memory_space<vmem>>, vector<1x64x32xf32>
    %get3A_34 = vector.shape_cast %get3A_33 : vector<1x64x32xf32> to vector<64x32xf32>
    %dot_general3A = arith.constant dense<0.000000e+00> : vector<2000x32xf32>
    %dot_general3A_35 = tpu.matmul %max3A_29, %get3A_34, %dot_general3A {dimension_numbers = #tpu.dot_dimension_numbers<[1], [0], [0], [1], [0, 0, 1, 1], [], []>, transpose_lhs_hint = false} : vector<2000x64xf32>, vector<64x32xf32>, vector<2000x32xf32> -> vector<2000x32xf32>
    %mul3A_36 = vector.broadcast %rsqrt3A_11 : vector<2000x1xf32> to vector<2000x32xf32>
    %mul3A_37 = arith.mulf %dot_general3A_35, %mul3A_36 : vector<2000x32xf32>
    %swap3A = arith.constant 0 : index
    %swap3A_38 = arith.constant 0 : index
    %swap3A_39 = arith.constant 0 : index
    %swap3A_40 = vector.load %arg6[%swap3A, %swap3A_38, %swap3A_39] : memref<2x2000x32xf32, #tpu.memory_space<vmem>>, vector<1x2000x32xf32>
    %swap3A_41 = vector.shape_cast %swap3A_40 : vector<1x2000x32xf32> to vector<2000x32xf32>
    %swap3A_42 = vector.shape_cast %mul3A_37 : vector<2000x32xf32> to vector<1x2000x32xf32>
    tpu.vector_store %arg6[%swap3A, %swap3A_38, %swap3A_39], %swap3A_42 {strides = array<i32>} : memref<2x2000x32xf32, #tpu.memory_space<vmem>>, vector<1x2000x32xf32>,
    %get3A_43 = arith.constant 1 : index
    %get3A_44 = arith.constant 0 : index
    %get3A_45 = arith.constant 0 : index
    %get3A_46 = vector.load %arg4[%get3A_43, %get3A_44, %get3A_45] : memref<2x64x32xf32, #tpu.memory_space<vmem>>, vector<1x64x32xf32>
    %get3A_47 = vector.shape_cast %get3A_46 : vector<1x64x32xf32> to vector<64x32xf32>
    %dot_general3A_48 = arith.constant dense<0.000000e+00> : vector<2000x32xf32>
    %dot_general3A_49 = tpu.matmul %max3A_29, %get3A_47, %dot_general3A_48 {dimension_numbers = #tpu.dot_dimension_numbers<[1], [0], [0], [1], [0, 0, 1, 1], [], []>, transpose_lhs_hint = false} : vector<2000x64xf32>, vector<64x32xf32>, vector<2000x32xf32> -> vector<2000x32xf32>
    %mul3A_50 = vector.broadcast %rsqrt3A_11 : vector<2000x1xf32> to vector<2000x32xf32>
    %mul3A_51 = arith.mulf %dot_general3A_49, %mul3A_50 : vector<2000x32xf32>
    %swap3A_52 = arith.constant 1 : index
    %swap3A_53 = arith.constant 0 : index
    %swap3A_54 = arith.constant 0 : index
    %swap3A_55 = vector.load %arg6[%swap3A_52, %swap3A_53, %swap3A_54] : memref<2x2000x32xf32, #tpu.memory_space<vmem>>, vector<1x2000x32xf32>
    %swap3A_56 = vector.shape_cast %swap3A_55 : vector<1x2000x32xf32> to vector<2000x32xf32>
    %swap3A_57 = vector.shape_cast %mul3A_51 : vector<2000x32xf32> to vector<1x2000x32xf32>
    tpu.vector_store %arg6[%swap3A_52, %swap3A_53, %swap3A_54], %swap3A_57 {strides = array<i32>} : memref<2x2000x32xf32, #tpu.memory_space<vmem>>, vector<1x2000x32xf32>,
    return
  }
  func.func @transform_0(%arg0: i32) -> (i32, i32, i32) {
    %c0_i32 = arith.constant 0 : i32
    %c0_i32_0 = arith.constant 0 : i32
    %c0_i32_1 = arith.constant 0 : i32
    return %c0_i32, %arg0, %c0_i32_0 : i32, i32, i32
  }
  func.func @transform_1(%arg0: i32) -> (i32, i32) {
    %c0_i32 = arith.constant 0 : i32
    %c0_i32_0 = arith.constant 0 : i32
    return %arg0, %c0_i32 : i32, i32
  }
  func.func @transform_2(%arg0: i32) -> (i32, i32) {
    %c0_i32 = arith.constant 0 : i32
    %c0_i32_0 = arith.constant 0 : i32
    return %arg0, %c0_i32 : i32, i32
  }
  func.func @transform_3(%arg0: i32) -> (i32, i32, i32) {
    %c0_i32 = arith.constant 0 : i32
    %c0_i32_0 = arith.constant 0 : i32
    %c0_i32_1 = arith.constant 0 : i32
    %c0_i32_2 = arith.constant 0 : i32
    return %c0_i32, %c0_i32_0, %c0_i32_1 : i32, i32, i32
  }
  func.func @transform_4(%arg0: i32) -> (i32, i32) {
    %c0_i32 = arith.constant 0 : i32
    %c0_i32_0 = arith.constant 0 : i32
    %c0_i32_1 = arith.constant 0 : i32
    return %c0_i32, %c0_i32_0 : i32, i32
  }
  func.func @transform_5(%arg0: i32) -> (i32, i32, i32) {
    %c0_i32 = arith.constant 0 : i32
    %c0_i32_0 = arith.constant 0 : i32
    %c0_i32_1 = arith.constant 0 : i32
    return %c0_i32, %arg0, %c0_i32_0 : i32, i32, i32
  }
}

module attributes {stable_mosaic.version = 14 : i64} {
  func.func @_pool_body(%arg0: i32, %arg1: memref<2x2000x32xf32, #tpu.memory_space<vmem>>, %arg2: memref<2000x16xf32, #tpu.memory_space<vmem>>, %arg3: memref<1x64xf32, #tpu.memory_space<vmem>>, %arg4: memref<64x2xf32, #tpu.memory_space<vmem>>, %arg5: memref<1x2xf32, #tpu.memory_space<vmem>>, %arg6: memref<1x2xf32, #tpu.memory_space<vmem>>, %arg7: memref<1x64xf32, #tpu.memory_space<vmem>>) attributes {dimension_semantics = [#tpu.dimension_semantics<arbitrary>], iteration_bounds = array<i64: 25>, scalar_prefetch = 0 : i64, scratch_operands = 1 : i64, tpu.core_type = #tpu.core_type<tc>, window_params = [{transform_indices = @transform_0, window_bounds = array<i64: 2, 2000, 32>}, {transform_indices = @transform_1, window_bounds = array<i64: 2000, 16>}, {pipeline_mode = #tpu.pipeline_mode<synchronous>, transform_indices = @transform_2, window_bounds = array<i64: 1, 64>}, {pipeline_mode = #tpu.pipeline_mode<synchronous>, transform_indices = @transform_3, window_bounds = array<i64: 64, 2>}, {pipeline_mode = #tpu.pipeline_mode<synchronous>, transform_indices = @transform_4, window_bounds = array<i64: 1, 2>}, {pipeline_mode = #tpu.pipeline_mode<synchronous>, transform_indices = @transform_5, window_bounds = array<i64: 1, 2>}]} {
    %eq3A = arith.constant 0 : i32
    %eq3A_0 = arith.cmpi eq, %arg0, %eq3A : i32
    %convert_element_type3A = arith.extui %eq3A_0 : i1 to i32
    %cond3A = arith.constant 0 : i32
    %cond3A_1 = arith.cmpi ne, %convert_element_type3A, %cond3A : i32
    scf.if %cond3A_1 {
      %broadcast_in_dim3A_36 = arith.constant 0.000000e+00 : f32
      %broadcast_in_dim3A_37 = vector.broadcast %broadcast_in_dim3A_36 : f32 to vector<1x64xf32>
      %swap3A_38 = arith.constant 0 : index
      %swap3A_39 = arith.constant 0 : index
      %swap3A_40 = vector.load %arg7[%swap3A_38, %swap3A_39] : memref<1x64xf32, #tpu.memory_space<vmem>>, vector<1x64xf32>
      tpu.vector_store %arg7[%swap3A_38, %swap3A_39], %broadcast_in_dim3A_37 {strides = array<i32>} : memref<1x64xf32, #tpu.memory_space<vmem>>, vector<1x64xf32>,
    } else {
    }
    %get3A = arith.constant 0 : index
    %get3A_2 = arith.constant 0 : index
    %get3A_3 = vector.load %arg2[%get3A, %get3A_2] : memref<2000x16xf32, #tpu.memory_space<vmem>>, vector<2000x16xf32>
    %slice3A = vector.extract_strided_slice %get3A_3 {offsets = [0, 0], sizes = [2000, 1], strides = [1, 1]} : vector<2000x16xf32> to vector<2000x1xf32>
    %max3A = arith.constant 1.000000e+00 : f32
    %max3A_4 = vector.broadcast %max3A : f32 to vector<2000x1xf32>
    %max3A_5 = arith.maximumf %slice3A, %max3A_4 : vector<2000x1xf32>
    %rsqrt3A = math.rsqrt %max3A_5 : vector<2000x1xf32>
    %get3A_6 = arith.constant 0 : index
    %get3A_7 = arith.constant 0 : index
    %get3A_8 = arith.constant 0 : index
    %get3A_9 = vector.load %arg1[%get3A_6, %get3A_7, %get3A_8] : memref<2x2000x32xf32, #tpu.memory_space<vmem>>, vector<1x2000x32xf32>
    %get3A_10 = vector.shape_cast %get3A_9 : vector<1x2000x32xf32> to vector<2000x32xf32>
    %get3A_11 = arith.constant 1 : index
    %get3A_12 = arith.constant 0 : index
    %get3A_13 = arith.constant 0 : index
    %get3A_14 = vector.load %arg1[%get3A_11, %get3A_12, %get3A_13] : memref<2x2000x32xf32, #tpu.memory_space<vmem>>, vector<1x2000x32xf32>
    %get3A_15 = vector.shape_cast %get3A_14 : vector<1x2000x32xf32> to vector<2000x32xf32>
    %concatenate3A = tpu.concatenate %get3A_10, %get3A_15 in 1 : vector<2000x32xf32>, vector<2000x32xf32> -> vector<2000x64xf32>
    %mul3A = vector.broadcast %rsqrt3A : vector<2000x1xf32> to vector<2000x64xf32>
    %mul3A_16 = arith.mulf %concatenate3A, %mul3A : vector<2000x64xf32>
    %get3A_17 = arith.constant 0 : index
    %get3A_18 = arith.constant 0 : index
    %get3A_19 = vector.load %arg3[%get3A_17, %get3A_18] : memref<1x64xf32, #tpu.memory_space<vmem>>, vector<1x64xf32>
    %add3A = vector.broadcast %get3A_19 : vector<1x64xf32> to vector<2000x64xf32>
    %add3A_20 = arith.addf %mul3A_16, %add3A : vector<2000x64xf32>
    %max3A_21 = arith.constant 0.000000e+00 : f32
    %max3A_22 = vector.broadcast %max3A_21 : f32 to vector<2000x64xf32>
    %max3A_23 = arith.maximumf %add3A_20, %max3A_22 : vector<2000x64xf32>
    %get3A_24 = arith.constant 0 : index
    %get3A_25 = arith.constant 0 : index
    %get3A_26 = vector.load %arg7[%get3A_24, %get3A_25] : memref<1x64xf32, #tpu.memory_space<vmem>>, vector<1x64xf32>
    %reduce_sum3A = arith.constant dense<0.000000e+00> : vector<64xf32>
    %reduce_sum3A_27 = vector.multi_reduction <add>, %max3A_23, %reduce_sum3A [0] : vector<2000x64xf32> to vector<64xf32>
    %broadcast_in_dim3A = vector.shape_cast %reduce_sum3A_27 : vector<64xf32> to vector<1x64xf32>
    %add3A_28 = arith.addf %get3A_26, %broadcast_in_dim3A : vector<1x64xf32>
    %swap3A = arith.constant 0 : index
    %swap3A_29 = arith.constant 0 : index
    %swap3A_30 = vector.load %arg7[%swap3A, %swap3A_29] : memref<1x64xf32, #tpu.memory_space<vmem>>, vector<1x64xf32>
    tpu.vector_store %arg7[%swap3A, %swap3A_29], %add3A_28 {strides = array<i32>} : memref<1x64xf32, #tpu.memory_space<vmem>>, vector<1x64xf32>,
    %eq3A_31 = arith.constant 24 : i32
    %eq3A_32 = arith.cmpi eq, %arg0, %eq3A_31 : i32
    %convert_element_type3A_33 = arith.extui %eq3A_32 : i1 to i32
    %cond3A_34 = arith.constant 0 : i32
    %cond3A_35 = arith.cmpi ne, %convert_element_type3A_33, %cond3A_34 : i32
    scf.if %cond3A_35 {
      %get3A_36 = arith.constant 0 : index
      %get3A_37 = arith.constant 0 : index
      %get3A_38 = vector.load %arg7[%get3A_36, %get3A_37] : memref<1x64xf32, #tpu.memory_space<vmem>>, vector<1x64xf32>
      %mul3A_39 = arith.constant 2.000000e-05 : f32
      %mul3A_40 = vector.broadcast %mul3A_39 : f32 to vector<1x64xf32>
      %mul3A_41 = arith.mulf %get3A_38, %mul3A_40 : vector<1x64xf32>
      %get3A_42 = arith.constant 0 : index
      %get3A_43 = arith.constant 0 : index
      %get3A_44 = vector.load %arg4[%get3A_42, %get3A_43] : memref<64x2xf32, #tpu.memory_space<vmem>>, vector<64x2xf32>
      %dot_general3A = arith.constant dense<0.000000e+00> : vector<1x2xf32>
      %dot_general3A_45 = tpu.matmul %mul3A_41, %get3A_44, %dot_general3A {dimension_numbers = #tpu.dot_dimension_numbers<[1], [0], [0], [1], [0, 0, 1, 1], [], []>, transpose_lhs_hint = false} : vector<1x64xf32>, vector<64x2xf32>, vector<1x2xf32> -> vector<1x2xf32>
      %get3A_46 = arith.constant 0 : index
      %get3A_47 = arith.constant 0 : index
      %get3A_48 = vector.load %arg5[%get3A_46, %get3A_47] : memref<1x2xf32, #tpu.memory_space<vmem>>, vector<1x2xf32>
      %add3A_49 = arith.addf %dot_general3A_45, %get3A_48 : vector<1x2xf32>
      %swap3A_50 = arith.constant 0 : index
      %swap3A_51 = arith.constant 0 : index
      %swap3A_52 = vector.load %arg6[%swap3A_50, %swap3A_51] : memref<1x2xf32, #tpu.memory_space<vmem>>, vector<1x2xf32>
      tpu.vector_store %arg6[%swap3A_50, %swap3A_51], %add3A_49 {strides = array<i32>} : memref<1x2xf32, #tpu.memory_space<vmem>>, vector<1x2xf32>,
    } else {
    }
    return
  }
  func.func @transform_0(%arg0: i32) -> (i32, i32, i32) {
    %c0_i32 = arith.constant 0 : i32
    %c0_i32_0 = arith.constant 0 : i32
    %c0_i32_1 = arith.constant 0 : i32
    return %c0_i32, %arg0, %c0_i32_0 : i32, i32, i32
  }
  func.func @transform_1(%arg0: i32) -> (i32, i32) {
    %c0_i32 = arith.constant 0 : i32
    %c0_i32_0 = arith.constant 0 : i32
    return %arg0, %c0_i32 : i32, i32
  }
  func.func @transform_2(%arg0: i32) -> (i32, i32) {
    %c0_i32 = arith.constant 0 : i32
    %c0_i32_0 = arith.constant 0 : i32
    %c0_i32_1 = arith.constant 0 : i32
    return %c0_i32, %c0_i32_0 : i32, i32
  }
  func.func @transform_3(%arg0: i32) -> (i32, i32) {
    %c0_i32 = arith.constant 0 : i32
    %c0_i32_0 = arith.constant 0 : i32
    %c0_i32_1 = arith.constant 0 : i32
    return %c0_i32, %c0_i32_0 : i32, i32
  }
  func.func @transform_4(%arg0: i32) -> (i32, i32) {
    %c0_i32 = arith.constant 0 : i32
    %c0_i32_0 = arith.constant 0 : i32
    %c0_i32_1 = arith.constant 0 : i32
    return %c0_i32, %c0_i32_0 : i32, i32
  }
  func.func @transform_5(%arg0: i32) -> (i32, i32) {
    %c0_i32 = arith.constant 0 : i32
    %c0_i32_0 = arith.constant 0 : i32
    %c0_i32_1 = arith.constant 0 : i32
    return %c0_i32, %c0_i32_0 : i32, i32
  }
}

</mosaic_0001>

<sc_bundles>
// kernel: _run.12.cloned.1.call-start
scs
__scs_entry_jumppad:
0x0: {  	(pc) =	sbr.rel $0x88, $3  }
0x1: {  	(tag) =	ssettag $0x0;
	lr =	simm.s32 $0x1  }
0x2: {  	[smem:$0x3F92] =	sst lr;
	_ =	strace $0xD0000000  }
0x3: {  	_ = 	snop  }
0x4: {  	_ = 	snop  }
0x5: {  	_ = 	snop  }
0x6: {  	_ = 	snop  }
0x7: {  	_ = 	snop  }
__scs_overlays_trampoline_lowered:
0x8: {  	[smem:$0x3FA1] =	sst s0  }
0x9: {  	[smem:$0x3FA2] =	sst s1  }
0xa: {  	[smem:$0x3FA3] =	sst s2  }
0xb: {  	[smem:$0x3FA4] =	sst s3  }
0xc: {  	[smem:$0x3FA5] =	sst s4  }
0xd: {  	[smem:$0x3FA6] =	sst s5  }
0xe: {  	[smem:$0x3FA7] =	sst s6  }
0xf: {  	[smem:$0x3FA8] =	sst s7  }
0x10: {  	[smem:$0x3FA9] =	sst s8  }
0x11: {  	[smem:$0x3FAA] =	sst s9;
	s0 =	simm.s32 @!p0 $0x0  }
0x12: {  	s1 =	sld [smem:$0x3F90];
	s0 =	simm.s32 @p0 $0x1  }
0x13: {  	[smem:$0x3FAB] =	sst s0;
	s0 =	simm.s32 @!p1 $0x0  }
0x14: {  	s2 =	sld [smem:$0x3F8F];
	s0 =	simm.s32 @p1 $0x1  }
0x15: {  	[smem:$0x3FAC] =	sst s0;
	s0 =	simm.s32 @!p2 $0x0  }
0x16: {  	s3 =	sld [smem:$0x3FDB];
	s0 =	simm.s32 @p2 $0x1  }
0x17: {  	s4 =	simm.s32 $0x1BF5;
	[smem:$0x3FAE] =	sst s0  }
0x18: {  	s0 =	sld [smem:$0x3F91];
	_ =	swait.ge [sflag:s4], $0x0  }
0x19: {  	s7 =	sld [smem:$0x3F92]  }
0x1a: {  	s8 =	sadd.s32 $0xFFFFE003, lr  }
0x1b: {  	s9 =	sadd.s32 $0xFFFFFEF7, lr;
	s5 =	simm.s32 $0xFFFFFFFF;
	p2 =	slt.u32 s8, $0xFFFFF086  }
0x1c: {  	p1 =	slt.u32 s9, $0xF7A;
	s5 =	simm.s32 @!p2 $0x0  }
0x1d: {  	s5 =	simm.s32 @p1 $0x1;
	p0 =	seq.s32 s7, s2  }
0x1e: {  	s7 =	smul.u32 @!p0 $0xF7A, s2;
	p2 =	seq.s32 @!p0 s5, $0x0  }
0x1f: {  	s9 =	smul.u32 $0xF7A, s1;
	s8 =	simm.s32 @!p0 $0x1BF5;
	p2 =	por !p2, p0  }
0x20: {  	[sflag:s8] =	ssyncset.s32 @!p0 $0xFFFFF086;
	s6 =	sadd.s32 @!p0 s3, s7;
	s7 =	simm.s32 @!p0 $0x108  }
0x21: {  	s3 =	sadd.s32 s3, s9;
	s6 =	sadd.s32 @!p0 $0x88, s6;
	s7 =	simm.s32 @p2 $0x1082  }
0x22: {  	[simem:s7], [sflag:s8] =	dma.local @!p0 [hbm:s6], $0xF7A  }
0x23: {  	s9 =	sor.u32 $0xD0000000, s2;
	s6 =	simm.s32 $0x108;
	_ =	swait.ge @!p0 [sflag:s8], $0x0  }
0x24: {  	s3 =	sadd.s32 $0x88, s3;
	s6 =	simm.s32 @!p1 $0x1082;
	[sflag:s4] =	ssyncset.s32 $0xFFFFF086  }
0x25: {  	[simem:s6], [sflag:s4] =	dma.local [hbm:s3], $0xF7A  }
0x26: {  	[smem:$0x3F92] =	sst s1;
	(tag) =	ssettag s2;
	_ =	strace s9  }
0x27: {  	s1 =	sld [smem:$0x3FA2]  }
0x28: {  	s2 =	sld [smem:$0x3FA3]  }
0x29: {  	s4 =	sld [smem:$0x3FA5]  }
0x2a: {  	p0 =	seq.s32 s5, $0x0;
	s5 =	sld [smem:$0x3FA6]  }
0x2b: {  	s6 =	sld [smem:$0x3FA7]  }
0x2c: {  	s7 =	sld [smem:$0x3FA8]  }
0x2d: {  	s3 =	simm.s32 $0x108;
	s8 =	sld [smem:$0x3FA9]  }
0x2e: {  	s3 =	simm.s32 @!p0 $0x1082;
	s9 =	sld [smem:$0x3FAA]  }
0x2f: {  	lr =	sadd.s32 s0, s3;
	s0 =	sld [smem:$0x3FA1]  }
0x30: {  	s3 =	sld [smem:$0x3FA4]  }
0x31: {  	[smem:$0x3FAD] =	sst s10  }
0x32: {  	s10 =	sld [smem:$0x3FAB];
	_ =	sdelay $0x3  }
0x33: {  	p0 =	seq.s32 s10, $0x1;
	s10 =	sld [smem:$0x3FAD];
	_ =	sdelay $0x3  }
0x34: {  	[smem:$0x3FAD] =	sst s10  }
0x35: {  	s10 =	sld [smem:$0x3FAC];
	_ =	sdelay $0x3  }
0x36: {  	p1 =	seq.s32 s10, $0x1;
	s10 =	sld [smem:$0x3FAD];
	_ =	sdelay $0x3  }
0x37: {  	[smem:$0x3FAD] =	sst s10  }
0x38: {  	s10 =	sld [smem:$0x3FAE]  }
0x39: {  	_ = 	snop;
	(pc) =	sbr.ind lr, $3  }
0x3a: {  	_ = 	snop  }
0x3b: {  	_ = 	snop  }
0x3c: {  	p2 =	seq.s32 s10, $0x1;
	s10 =	sld [smem:$0x3FAD]  }
0x3d: {  	_ =	shalt  }
0x3e: {  	_ =	shalt  }
0x3f: {  	_ =	shalt  }
0x40: {  	_ =	shalt  }
0x41: {  	_ =	shalt  }
0x42: {  	_ =	shalt  }
0x43: {  	_ =	shalt  }
0x44: {  	_ =	shalt  }
0x45: {  	_ =	shalt  }
0x46: {  	_ =	shalt  }
0x47: {  	_ =	shalt  }
0x48: {  	_ =	shalt  }
0x49: {  	_ =	shalt  }
0x4a: {  	_ =	shalt  }
0x4b: {  	_ =	shalt  }
0x4c: {  	_ =	shalt  }
0x4d: {  	_ =	shalt  }
0x4e: {  	_ =	shalt  }
0x4f: {  	_ =	shalt  }
0x50: {  	_ =	shalt  }
0x51: {  	_ =	shalt  }
0x52: {  	_ =	shalt  }
0x53: {  	_ =	shalt  }
0x54: {  	_ =	shalt  }
0x55: {  	_ =	shalt  }
0x56: {  	_ =	shalt  }
0x57: {  	_ =	shalt  }
0x58: {  	_ =	shalt  }
0x59: {  	_ =	shalt  }
0x5a: {  	_ =	shalt  }
0x5b: {  	_ =	shalt  }
0x5c: {  	_ =	shalt  }
0x5d: {  	_ =	shalt  }
0x5e: {  	_ =	shalt  }
0x5f: {  	_ =	shalt  }
0x60: {  	_ =	shalt  }
0x61: {  	_ =	shalt  }
0x62: {  	_ =	shalt  }
0x63: {  	_ =	shalt  }
0x64: {  	_ =	shalt  }
0x65: {  	_ =	shalt  }
0x66: {  	_ =	shalt  }
0x67: {  	_ =	shalt  }
0x68: {  	_ =	shalt  }
0x69: {  	_ =	shalt  }
0x6a: {  	_ =	shalt  }
0x6b: {  	_ =	shalt  }
0x6c: {  	_ =	shalt  }
0x6d: {  	_ =	shalt  }
0x6e: {  	_ =	shalt  }
0x6f: {  	_ =	shalt  }
0x70: {  	_ =	shalt  }
0x71: {  	_ =	shalt  }
0x72: {  	_ =	shalt  }
0x73: {  	_ =	shalt  }
0x74: {  	_ =	shalt  }
0x75: {  	_ =	shalt  }
0x76: {  	_ =	shalt  }
0x77: {  	_ =	shalt  }
0x78: {  	_ =	shalt  }
0x79: {  	_ =	shalt  }
0x7a: {  	_ =	shalt  }
0x7b: {  	_ =	shalt  }
0x7c: {  	_ =	shalt  }
0x7d: {  	_ =	shalt  }
0x7e: {  	_ =	shalt  }
0x7f: {  	_ =	shalt  }
0x80: {  	_ =	shalt  }
0x81: {  	_ =	shalt  }
0x82: {  	_ =	shalt  }
0x83: {  	_ =	shalt  }
0x84: {  	_ =	shalt  }
0x85: {  	_ =	shalt  }
0x86: {  	_ =	shalt  }
0x87: {  	_ =	shalt  }
.Lfunc_end0:
.L_simem_size_0:
called_computation.1_lowered:
.L_overlay_start_0:
0x88: {  	s2 =	sld [smem:$0x3FD9]  }
0x89: {  	s3 =	sld [smem:$0x3FFE];
	_ =	sdelay $0x1  }
0x8a: {  	s1 =	srdreg.scid  }
0x8b: {  	s0 =	sand.u32 $0x1, s1  }
0x8c: {  	s16 =	sshll.u32 s0, $0xA;
	s2 =	sadd.s32 s3, s2  }
0x8d: {  	s2 =	sadd.s32 s2, s16  }
0x8e: {  	[smem:$0x3FB9] =	sst s2  }
0x8f: {  	_ = 	snop  }
0x90: {  	(tm) =	ssettm $0x1  }
0x91: {  	s17 =	sld [smem:$0x3FFB];
	_ =	sdelay $0x3  }
0x92: {  	_ =	strace s17  }
0x93: {  	s2 =	sld [smem:$0x3FFC];
	_ =	sdelay $0x3  }
0x94: {  	_ =	strace s2  }
0x95: {  	s2 =	sld [smem:$0x3FFD];
	_ =	sdelay $0x3  }
0x96: {  	_ =	strace s2  }
0x97: {  	_ =	strace $0x8FFFFFFF  }
0x98: {  	s18 =	sld [smem:$0x3FDB];
	_ =	sdelay $0x1  }
0x99: {  	s19 =	simm.s32 $_scs_section_size  }
0x9a: {  	s4 =	simm.s32 $_size__tile_overlayer_lowered;
	s5 =	simm.s32 $_tile_overlayer_lowered  }
0x9b: {  	s22 =	simm.s32 $0x1BFF;
	s21 =	sshll.u32 s5, $0x1;
	s2 =	sadd.s32 s19, s18  }
0x9c: {  	s6 =	simm.s32 $0x0;
	s20 =	sshll.u32 s4, $0x1;
	s4 =	sadd.s32 s21, s2  }
0x9d: {  	[timem:s6], [sflag:s22] =	dma.local [hbm:s4], s20  }
0x9e: {  	_ =	swait.ge [sflag:s22], s20  }
0x9f: {  	s3 =	ssub.s32 $0x0, s20;
	[sflag:s22] =	ssyncset.done $0x0  }
0xa0: {  	[sflag:s22] =	ssyncadd.s32 s3;
	_ =	sdelay $0x1  }
0xa1: {  	s23 =	simm.s32 $0x1B8B  }
0xa2: {  	_ =	swait.ge [sflag:s23], $0x1  }
0xa3: {  	[sflag:s23] =	ssyncset.done $0x0  }
0xa4: {  	s25 =	simm.s32 $0x1B8E;
	s24 =	sld [smem:$0x3FFE];
	[sflag:s23] =	ssyncadd.s32 $0xFFFFFFFF  }
0xa5: {  	s26 =	simm.s32 $execute0_lowered;
	[smem:$0x3FD2] =	sst s25  }
0xa6: {  	s4 =	sshll.u32 s26, $0x1;
	_ =	strace $0x80000049;
	[dreg:$0x1] =	wrdreg $0xFFFFFFFF  }
0xa7: {  	s28 =	simm.s32 $_size_execute0_lowered;
	s2 =	sadd.s32 s2, s4;
	[dreg:$0x0] =	wrdreg $0x0  }
0xa8: {  	s4 =	sshll.u32 s28, $0x1;
	[dreg:$0x2] =	wrdreg s2  }
0xa9: {  	[dreg:$0x3] =	wrdreg s4  }
0xaa: {  	[dreg:$0x4] =	wrdreg $0xC0  }
0xab: {  	_ =	task [dreg:s6], $0x5FFFF  }
0xac: {  	[dreg:$0x1] =	wrdreg $0xFFFFFFFF  }
0xad: {  	[dreg:$0x0] =	wrdreg $0x60  }
0xae: {  	[dreg:$0x2] =	wrdreg s24  }
0xaf: {  	[dreg:$0x3] =	wrdreg $0x0  }
0xb0: {  	[dreg:$0x4] =	wrdreg $0x9  }
0xb1: {  	_ =	task.clear_ibuf [dreg:s6], $0x5FFFF;
	_ =	strace $0x90000049  }
0xb2: {  	s29 =	simm.s32 $0x9;
	_ =	strace $0x8000004B  }
0xb3: {  	_ =	swait.ge [sflag:s29], $0x1  }
0xb4: {  	[sflag:s29] =	ssyncadd.s32 $0xFFFFFFFF  }
0xb5: {  	_ =	strace $0x9000004B  }
0xb6: {  	_ =	sfence  }
0xb7: {  	s30 =	sld [smem:$0x0];
	_ =	sdelay $0x2  }
0xb8: {  	s31 =	sshll.u32 s1, $0xD;
	s1 =	sshrl.u32 s1, $0x2  }
0xb9: {  	s3 =	sand.u32 $0x4000, s31;
	s1 =	sadd.s32 s1, s30  }
0xba: {  	s0 =	sor.u32 s3, s0;
	s1 =	sshll.u32 s1, $0x11  }
0xbb: {  	s0 =	sor.u32 s1, s0  }
0xbc: {  	s0 =	sadd.s32 $0x8F2B, s0  }
0xbd: {  	[sflag:s0] =	ssyncadd.remote.s32 $0x1  }
0xbe: {  	_ =	sfence.sel $0xFFFF  }
0xbf: {  	[dreg:$0x0] =	wrdreg $0xFFFFFFFF;
	(pc) =	sbr.abs _section_cstart, $3  }
0xc0: {  	[dreg:$0x1] =	wrdreg $0xFFFFFFFF  }
0xc1: {  	_ =	task.clear_ibuf [dreg:s6], $0x2FFFF;
	_ =	strace $0x9FFFFFFF  }
0xc2: {  	(tm) =	ssettm $0x7FFFFFFF  }
0xc3: {  	_ =	shalt  }
tec
execute0_lowered:
.L_overlay_start_1:
0x0: {  	(tag) =	ssettag $0x1  }
0x1: {  	s0 =	rddreg [dreg:$0x0]  }
0x2: {  	s1 =	rddreg [dreg:$0x1]  }
0x3: {  	s2 =	simm.s32 $0x0;
	s3 =	srdreg.scid;
	s26 =	stileid.u32  }
0x4: {  	s28 =	simm.s32 $0x1AAA0;
	s29 =	simm.s32 $0x18820;
	s30 =	simm.s32 $0x1BAA0  }
0x5: {  	s31 =	simm.s32 $0x18A20;
	[smem:$0x7FF] =	sst s2;
	s6 =	smul.u32 $0x61A80, s26  }
0x6: {  	s3 =	sand.u32 $0x1, s3;
	s4 =	sadd.s32 $0x3BCC00, s0;
	s11 =	smul.u32 $0x186, s26  }
0x7: {  	s7 =	sadd.s32 $0x4BE00, s0;
	s14 =	sadd.s32 $0x2800, s0;
	s17 =	smul.u32 $0xC300, s26  }
0x8: {  	s12 =	sadd.s32 $0x1B000, s0;
	s18 =	sshll.u32 s26, $0x6;
	s24 =	smul.u32 $0x1860, s26  }
0x9: {  	s21 =	sshll.u32 s26, $0x4;
	p0 =	slt.u32 s26, $0xA;
	s5 =	smul.u32 $0x30D40, s3  }
0xa: {  	_ =	strace $0x8000004A;
	s8 =	ssub.s32 $0x2, s3;
	s9 =	smul.u32 $0x186A, s3  }
0xb: {  	[dreg:$0x3] =	wrdreg s12;
	s22 =	sadd.s32 s21, s14;
	s3 =	smul.u32 $0x186A0, s3  }
0xc: {  	s21 =	simm.s32 $0x18720;
	p1 =	sne.s32 @p0 s26, $0x0;
	s10 =	sshrl.u32 s8, $0x1  }
0xd: {  	s6 =	sshrl.u32 s6, $0x2;
	s23 =	sadd.s32 $0x18600, s22;
	s22 =	simm.s32 $0x19AA0  }
0xe: {  	p1 =	por p1, !p0;
	s0 =	sadd.s32 s5, s0;
	s13 =	ssub.s32 s8, s10  }
0xf: {  	s16 =	sadd.s32 s11, s9;
	s15 =	sadd.s32 s6, s1;
	s6 =	sor.u32 $0x1C04, s18  }
0x10: {  	s10 =	sshrl.u32 s17, $0x3;
	s9 =	sadd.s32 s26, s9;
	[dreg:$0x7] =	wrdreg s23  }
0x11: {  	s25 =	sadd.s32 s3, s7;
	s17 =	simm.s32 $0x186A0;
	s18 =	simm.s32 $0x188A0  }
0x12: {  	s23 =	simm.s32 $0x1;
	s26 =	simm.s32 $0x189A0;
	s3 =	simm.s32 $0x3  }
0x13: {  	s5 =	simm.s32 $0x0;
	s8 =	sshll.u32 s16, $0x4;
	s19 =	sadd.s32 s14, s10  }
0x14: {  	s20 =	sshll.u32 s9, $0x4;
	s0 =	sadd.s32 $0x7CC00, s0;
	s12 =	smax.u32 s13, $0x1  }
0x15: {  	s13 =	sadd.s32 s24, s25;
	s14 =	sadd.s32 s24, s14;
	s8 =	sadd.s32 s8, s7  }
0x16: {  	s15 =	sshrl.u32 s15, $0x3;
	s16 =	simm.s32 $0x4;
	s8 =	sadd.s32 $0x1840, s8  }
0x17: {  	s24 =	simm.s32 $0x18920;
	[dreg:$0x4] =	wrdreg s8;
	s8 =	sadd.s32 $0x1840, s19  }
0x18: {  	s25 =	simm.s32 $0x187A0;
	[dreg:$0x5] =	wrdreg s8;
	s8 =	sadd.s32 s7, s20  }
0x19: {  	[dreg:$0x8] =	wrdreg s0;
	s0 =	simm.s32 $0x2;
	s8 =	sadd.s32 $0x18600, s8  }
0x1a: {  	s19 =	simm.s32 $0x80;
	s20 =	simm.s32 $0x18AA0;
	[dreg:$0x6] =	wrdreg s8  }
.LBB2_1:
0x1b: {  	s7 =	rddreg [dreg:$0x3]  }
0x1c: {  	[spmem:s15], [sflag:s6] =	dma.local [hbm:s7], $0x30D4  }
0x1d: {  	_ =	swait.ge [sflag:s16], $0x30D4  }
0x1e: {  	[sflag:s16] =	ssyncset.done $0x0  }
0x1f: {  	p2 =	por $0x1, $0x1;
	[sflag:s16] =	ssyncadd.s32 $0xFFFFCF2C  }
0x20: {  	s7 =	simm.s32 @!p2 $0x2;
	[bflag:$0x0] =	sbarrier.arrive $0xFFFF  }
0x21: {  	_ =	swait.ge @!p2 [sflag:s7], $0x1000  }
0x22: {  	[sflag:s7] =	ssyncset.done @!p2 $0x0  }
0x23: {  	[sflag:s7] =	ssyncadd.s32 @!p2 $0xFFFFF000  }
0x24: {  	_ =	swait.ge @!p2 [sflag:s7], $0x1000  }
0x25: {  	[sflag:s7] =	ssyncset.done @!p2 $0x0  }
0x26: {  	s10 =	sadd.s32 $0x0, s13;
	[sflag:s7] =	ssyncadd.s32 @!p2 $0xFFFFF000  }
0x27: {  	[tilespmem:s17], [sflag:$0x4] =	stream.linear.gather [hbm4b:s10+s2], $0x100, $0x38;
	[tilespmem:$0x1CAA0] =	vst v63  }
0x28: {  	_ =	swait.ge [sflag:s16], $0x100  }
0x29: {  	[sflag:s16] =	ssyncset.done $0x0  }
0x2a: {  	s8 =	sadd.s32 $0x0, s14;
	[sflag:s16] =	ssyncadd.s32 $0xFFFFFF00  }
0x2b: {  	[tilespmem:s18], [sflag:$0x4] =	stream.linear.gather [hbm4b:s8+s2], $0x100, $0x38;
	[tilespmem:$0x1CAA0] =	vst v63  }
0x2c: {  	_ =	swait.ge [sflag:s16], $0x100  }
0x2d: {  	[sflag:s16] =	ssyncset.done $0x0  }
0x2e: {  	[sflag:s16] =	ssyncadd.s32 $0xFFFFFF00  }
0x2f: {  	[tilespmem:s20], [sflag:$0x1] =	stream.indirect.gather [hbm4b:s4+s19], $0x20, s17, s19, $0xb8;
	[tilespmem:$0x1CAA0] =	vst v63  }
0x30: {  	_ = 	snop  }
0x31: {  	[tilespmem:s22], [sflag:$0x1] =	stream.indirect.gather [hbm4b:s4+s19], $0x20, s21, s19, $0xb8;
	[tilespmem:$0x1CAA0] =	vst v63  }
0x32: {  	_ =	swait.ge [sflag:s23], $0x1000  }
0x33: {  	[sflag:s23] =	ssyncset.done $0x0  }
0x34: {  	[sflag:s23] =	ssyncadd.s32 $0xFFFFF000  }
0x35: {  	_ =	swait.ge [sflag:s23], $0x1000  }
0x36: {  	[sflag:s23] =	ssyncset.done $0x0  }
0x37: {  	[sflag:s23] =	ssyncadd.s32 $0xFFFFF000  }
0x38: {  	[spmem:s1] =	stream.indirect.scatter.add.f32 [tilespmem:s20], [sflag:$0x2], $0x20, s18, s19, $0xb8;
	[tilespmem:$0x1CAA0] =	vst v63  }
0x39: {  	s9 =	simm.s32 @!p2 $0x3  }
0x3a: {  	[spmem:s1] =	stream.indirect.scatter.add.f32 [tilespmem:s22], [sflag:$0x2], $0x20, s24, s19, $0xb8;
	[tilespmem:$0x1CAA0] =	vst v63  }
0x3b: {  	_ =	swait.ge @!p2 [sflag:s9], $0x1000  }
0x3c: {  	[sflag:s9] =	ssyncset.done @!p2 $0x0  }
0x3d: {  	[sflag:s9] =	ssyncadd.s32 @!p2 $0xFFFFF000  }
0x3e: {  	_ =	swait.ge @!p2 [sflag:s9], $0x1000  }
0x3f: {  	[sflag:s9] =	ssyncset.done @!p2 $0x0  }
0x40: {  	s7 =	sadd.s32 $0x20, s10;
	[sflag:s9] =	ssyncadd.s32 @!p2 $0xFFFFF000  }
0x41: {  	[tilespmem:s25], [sflag:$0x4] =	stream.linear.gather [hbm4b:s7+s2], $0x100, $0x38;
	[tilespmem:$0x1CAA0] =	vst v63  }
0x42: {  	_ =	swait.ge [sflag:s16], $0x100  }
0x43: {  	[sflag:s16] =	ssyncset.done $0x0  }
0x44: {  	s11 =	sadd.s32 $0x20, s8;
	[sflag:s16] =	ssyncadd.s32 $0xFFFFFF00  }
0x45: {  	[tilespmem:s26], [sflag:$0x4] =	stream.linear.gather [hbm4b:s11+s2], $0x100, $0x38;
	[tilespmem:$0x1CAA0] =	vst v63  }
0x46: {  	_ =	swait.ge [sflag:s16], $0x100  }
0x47: {  	[sflag:s16] =	ssyncset.done $0x0  }
0x48: {  	[sflag:s16] =	ssyncadd.s32 $0xFFFFFF00  }
0x49: {  	[tilespmem:s28], [sflag:$0x1] =	stream.indirect.gather [hbm4b:s4+s19], $0x20, s25, s19, $0xb8;
	[tilespmem:$0x1CAA0] =	vst v63  }
0x4a: {  	_ = 	snop  }
0x4b: {  	[tilespmem:s30], [sflag:$0x1] =	stream.indirect.gather [hbm4b:s4+s19], $0x20, s29, s19, $0xb8;
	[tilespmem:$0x1CAA0] =	vst v63  }
0x4c: {  	_ =	swait.ge [sflag:s23], $0x1000  }
0x4d: {  	[sflag:s23] =	ssyncset.done $0x0  }
0x4e: {  	[sflag:s23] =	ssyncadd.s32 $0xFFFFF000  }
0x4f: {  	_ =	swait.ge [sflag:s23], $0x1000  }
0x50: {  	s8 =	simm.s32 $0x80;
	[sflag:s23] =	ssyncset.done $0x0  }
0x51: {  	p2 =	por $0x0, $0x0;
	s7 =	simm.s32 $0x40;
	[sflag:s23] =	ssyncadd.s32 $0xFFFFF000  }
0x52: {  	[spmem:s1] =	stream.indirect.scatter.add.f32 [tilespmem:s28], [sflag:$0x3], $0x20, s26, s19, $0xb8;
	[tilespmem:$0x1CAA0] =	vst v63  }
.LBB2_2:
0x53: {  	s9 =	simm.s32 @!p2 $0x2;
	s10 =	smov.u32 s8;
	s8 =	sadd.s32 $0x40, s8  }
0x54: {  	[spmem:s1] =	stream.indirect.scatter.add.f32 [tilespmem:s30], [sflag:$0x3], $0x20, s31, s19, $0xb8;
	[tilespmem:$0x1CAA0] =	vst v63  }
0x55: {  	p3 =	sne.s32 s8, $0x1840;
	_ =	swait.ge @!p2 [sflag:s9], $0x1000  }
0x56: {  	[sflag:s9] =	ssyncset.done @!p2 $0x0  }
0x57: {  	[sflag:s9] =	ssyncadd.s32 @!p2 $0xFFFFF000  }
0x58: {  	_ =	swait.ge @!p2 [sflag:s9], $0x1000  }
0x59: {  	[sflag:s9] =	ssyncset.done @!p2 $0x0  }
0x5a: {  	[sflag:s9] =	ssyncadd.s32 @!p2 $0xFFFFF000;
	s9 =	sadd.s32 s7, s13  }
0x5b: {  	[tilespmem:s17], [sflag:$0x4] =	stream.linear.gather [hbm4b:s9+s2], $0x100, $0x38;
	[tilespmem:$0x1CAA0] =	vst v63  }
0x5c: {  	_ =	swait.ge [sflag:s16], $0x100  }
0x5d: {  	[sflag:s16] =	ssyncset.done $0x0  }
0x5e: {  	s11 =	sadd.s32 s7, s14;
	s7 =	smov.u32 s10;
	[sflag:s16] =	ssyncadd.s32 $0xFFFFFF00  }
0x5f: {  	[tilespmem:s18], [sflag:$0x4] =	stream.linear.gather [hbm4b:s11+s2], $0x100, $0x38;
	[tilespmem:$0x1CAA0] =	vst v63  }
0x60: {  	_ =	swait.ge [sflag:s16], $0x100  }
0x61: {  	[sflag:s16] =	ssyncset.done $0x0  }
0x62: {  	[sflag:s16] =	ssyncadd.s32 $0xFFFFFF00  }
0x63: {  	[tilespmem:s20], [sflag:$0x1] =	stream.indirect.gather [hbm4b:s4+s19], $0x20, s17, s19, $0xb8;
	[tilespmem:$0x1CAA0] =	vst v63  }
0x64: {  	_ = 	snop  }
0x65: {  	[tilespmem:s22], [sflag:$0x1] =	stream.indirect.gather [hbm4b:s4+s19], $0x20, s21, s19, $0xb8;
	[tilespmem:$0x1CAA0] =	vst v63  }
0x66: {  	_ =	swait.ge [sflag:s23], $0x1000  }
0x67: {  	[sflag:s23] =	ssyncset.done $0x0  }
0x68: {  	[sflag:s23] =	ssyncadd.s32 $0xFFFFF000  }
0x69: {  	_ =	swait.ge [sflag:s23], $0x1000  }
0x6a: {  	[sflag:s23] =	ssyncset.done $0x0  }
0x6b: {  	[sflag:s23] =	ssyncadd.s32 $0xFFFFF000  }
0x6c: {  	[spmem:s1] =	stream.indirect.scatter.add.f32 [tilespmem:s20], [sflag:$0x2], $0x20, s18, s19, $0xb8;
	[tilespmem:$0x1CAA0] =	vst v63  }
0x6d: {  	s10 =	simm.s32 @!p2 $0x3  }
0x6e: {  	[spmem:s1] =	stream.indirect.scatter.add.f32 [tilespmem:s22], [sflag:$0x2], $0x20, s24, s19, $0xb8;
	[tilespmem:$0x1CAA0] =	vst v63  }
0x6f: {  	_ =	swait.ge @!p2 [sflag:s10], $0x1000  }
0x70: {  	[sflag:s10] =	ssyncset.done @!p2 $0x0  }
0x71: {  	[sflag:s10] =	ssyncadd.s32 @!p2 $0xFFFFF000  }
0x72: {  	_ =	swait.ge @!p2 [sflag:s10], $0x1000  }
0x73: {  	[sflag:s10] =	ssyncset.done @!p2 $0x0  }
0x74: {  	s9 =	sadd.s32 $0x20, s9;
	[sflag:s10] =	ssyncadd.s32 @!p2 $0xFFFFF000  }
0x75: {  	[tilespmem:s25], [sflag:$0x4] =	stream.linear.gather [hbm4b:s9+s2], $0x100, $0x38;
	[tilespmem:$0x1CAA0] =	vst v63  }
0x76: {  	_ =	swait.ge [sflag:s16], $0x100  }
0x77: {  	[sflag:s16] =	ssyncset.done $0x0  }
0x78: {  	s9 =	sadd.s32 $0x20, s11;
	[sflag:s16] =	ssyncadd.s32 $0xFFFFFF00  }
0x79: {  	[tilespmem:s26], [sflag:$0x4] =	stream.linear.gather [hbm4b:s9+s2], $0x100, $0x38;
	[tilespmem:$0x1CAA0] =	vst v63  }
0x7a: {  	_ =	swait.ge [sflag:s16], $0x100  }
0x7b: {  	[sflag:s16] =	ssyncset.done $0x0  }
0x7c: {  	[sflag:s16] =	ssyncadd.s32 $0xFFFFFF00  }
0x7d: {  	[tilespmem:s28], [sflag:$0x1] =	stream.indirect.gather [hbm4b:s4+s19], $0x20, s25, s19, $0xb8;
	[tilespmem:$0x1CAA0] =	vst v63  }
0x7e: {  	_ = 	snop  }
0x7f: {  	[tilespmem:s30], [sflag:$0x1] =	stream.indirect.gather [hbm4b:s4+s19], $0x20, s29, s19, $0xb8;
	[tilespmem:$0x1CAA0] =	vst v63  }
0x80: {  	_ =	swait.ge [sflag:s23], $0x1000  }
0x81: {  	[sflag:s23] =	ssyncset.done $0x0  }
.Ltmp0:
0x82: {  	[sflag:s23] =	ssyncadd.s32 $0xFFFFF000;
	(pc) =	sbr.rel @p3 .LBB2_2-.Ltmp0, $4  }
0x83: {  	_ =	swait.ge [sflag:s23], $0x1000  }
0x84: {  	[sflag:s23] =	ssyncset.done $0x0  }
0x85: {  	p2 =	seq.s32 s7, $0x0;
	[sflag:s23] =	ssyncadd.s32 $0xFFFFF000  }
0x86: {  	[spmem:s1] =	stream.indirect.scatter.add.f32 [tilespmem:s28], [sflag:$0x3], $0x20, s26, s19, $0xb8;
	[tilespmem:$0x1CAA0] =	vst v63  }
0x87: {  	s8 =	simm.s32 @!p2 $0x2  }
0x88: {  	[spmem:s1] =	stream.indirect.scatter.add.f32 [tilespmem:s30], [sflag:$0x3], $0x20, s31, s19, $0xb8;
	[tilespmem:$0x1CAA0] =	vst v63  }
0x89: {  	_ =	swait.ge @!p2 [sflag:s8], $0x1000  }
0x8a: {  	[sflag:s8] =	ssyncset.done @!p2 $0x0  }
0x8b: {  	[sflag:s8] =	ssyncadd.s32 @!p2 $0xFFFFF000  }
0x8c: {  	_ =	swait.ge @!p2 [sflag:s8], $0x1000  }
0x8d: {  	[sflag:s8] =	ssyncset.done @!p2 $0x0  }
0x8e: {  	s10 =	sadd.s32 s7, s13;
	[sflag:s8] =	ssyncadd.s32 @!p2 $0xFFFFF000  }
0x8f: {  	[tilespmem:s17], [sflag:$0x4] =	stream.linear.gather [hbm4b:s10+s2], $0x100, $0x38;
	[tilespmem:$0x1CAA0] =	vst v63  }
0x90: {  	_ =	swait.ge [sflag:s16], $0x100  }
0x91: {  	[sflag:s16] =	ssyncset.done $0x0  }
0x92: {  	s11 =	sadd.s32 s7, s14;
	[sflag:s16] =	ssyncadd.s32 $0xFFFFFF00  }
0x93: {  	[tilespmem:s18], [sflag:$0x4] =	stream.linear.gather [hbm4b:s11+s2], $0x100, $0x38;
	[tilespmem:$0x1CAA0] =	vst v63  }
0x94: {  	_ =	swait.ge [sflag:s16], $0x100  }
0x95: {  	[sflag:s16] =	ssyncset.done $0x0  }
0x96: {  	[sflag:s16] =	ssyncadd.s32 $0xFFFFFF00  }
0x97: {  	[tilespmem:s20], [sflag:$0x1] =	stream.indirect.gather [hbm4b:s4+s19], $0x20, s17, s19, $0xb8;
	[tilespmem:$0x1CAA0] =	vst v63  }
0x98: {  	_ = 	snop  }
0x99: {  	[tilespmem:s22], [sflag:$0x1] =	stream.indirect.gather [hbm4b:s4+s19], $0x20, s21, s19, $0xb8;
	[tilespmem:$0x1CAA0] =	vst v63  }
0x9a: {  	_ =	swait.ge [sflag:s23], $0x1000  }
0x9b: {  	[sflag:s23] =	ssyncset.done $0x0  }
0x9c: {  	[sflag:s23] =	ssyncadd.s32 $0xFFFFF000  }
0x9d: {  	_ =	swait.ge [sflag:s23], $0x1000  }
0x9e: {  	[sflag:s23] =	ssyncset.done $0x0  }
0x9f: {  	[sflag:s23] =	ssyncadd.s32 $0xFFFFF000  }
0xa0: {  	[spmem:s1] =	stream.indirect.scatter.add.f32 [tilespmem:s20], [sflag:$0x2], $0x20, s18, s19, $0xb8;
	[tilespmem:$0x1CAA0] =	vst v63  }
0xa1: {  	s9 =	simm.s32 @!p2 $0x3  }
0xa2: {  	[spmem:s1] =	stream.indirect.scatter.add.f32 [tilespmem:s22], [sflag:$0x2], $0x20, s24, s19, $0xb8;
	[tilespmem:$0x1CAA0] =	vst v63  }
0xa3: {  	_ =	swait.ge @!p2 [sflag:s9], $0x1000  }
0xa4: {  	[sflag:s9] =	ssyncset.done @!p2 $0x0  }
0xa5: {  	[sflag:s9] =	ssyncadd.s32 @!p2 $0xFFFFF000  }
0xa6: {  	_ =	swait.ge @!p2 [sflag:s9], $0x1000  }
0xa7: {  	[sflag:s9] =	ssyncset.done @!p2 $0x0  }
0xa8: {  	s8 =	sadd.s32 $0x20, s10;
	[sflag:s9] =	ssyncadd.s32 @!p2 $0xFFFFF000  }
0xa9: {  	[tilespmem:s25], [sflag:$0x4] =	stream.linear.gather [hbm4b:s8+s2], $0x100, $0x38;
	[tilespmem:$0x1CAA0] =	vst v63  }
0xaa: {  	_ =	swait.ge [sflag:s16], $0x100  }
0xab: {  	[sflag:s16] =	ssyncset.done $0x0  }
0xac: {  	s7 =	sadd.s32 $0x20, s11;
	[sflag:s16] =	ssyncadd.s32 $0xFFFFFF00  }
0xad: {  	[tilespmem:s26], [sflag:$0x4] =	stream.linear.gather [hbm4b:s7+s2], $0x100, $0x38;
	[tilespmem:$0x1CAA0] =	vst v63  }
0xae: {  	_ =	swait.ge [sflag:s16], $0x100  }
0xaf: {  	[sflag:s16] =	ssyncset.done $0x0  }
0xb0: {  	[sflag:s16] =	ssyncadd.s32 $0xFFFFFF00  }
0xb1: {  	[tilespmem:s28], [sflag:$0x1] =	stream.indirect.gather [hbm4b:s4+s19], $0x20, s25, s19, $0xb8;
	[tilespmem:$0x1CAA0] =	vst v63  }
0xb2: {  	_ = 	snop  }
0xb3: {  	[tilespmem:s30], [sflag:$0x1] =	stream.indirect.gather [hbm4b:s4+s19], $0x20, s29, s19, $0xb8;
	[tilespmem:$0x1CAA0] =	vst v63  }
0xb4: {  	_ =	swait.ge [sflag:s23], $0x1000  }
0xb5: {  	[sflag:s23] =	ssyncset.done $0x0  }
0xb6: {  	[sflag:s23] =	ssyncadd.s32 $0xFFFFF000  }
0xb7: {  	_ =	swait.ge [sflag:s23], $0x1000  }
0xb8: {  	[sflag:s23] =	ssyncset.done $0x0  }
0xb9: {  	[sflag:s23] =	ssyncadd.s32 $0xFFFFF000  }
0xba: {  	[spmem:s1] =	stream.indirect.scatter.add.f32 [tilespmem:s28], [sflag:$0x3], $0x20, s26, s19, $0xb8;
	[tilespmem:$0x1CAA0] =	vst v63  }
0xbb: {  	_ = 	snop  }
0xbc: {  	[spmem:s1] =	stream.indirect.scatter.add.f32 [tilespmem:s30], [sflag:$0x3], $0x20, s31, s19, $0xb8;
	[tilespmem:$0x1CAA0] =	vst v63  }
0xbd: {  	_ =	swait.ge [sflag:s0], $0x1000  }
0xbe: {  	[sflag:s0] =	ssyncset.done $0x0  }
0xbf: {  	[sflag:s0] =	ssyncadd.s32 $0xFFFFF000  }
0xc0: {  	_ =	swait.ge [sflag:s0], $0x1000  }
0xc1: {  	[sflag:s0] =	ssyncset.done $0x0  }
0xc2: {  	s10 =	rddreg [dreg:$0x4];
	[sflag:s0] =	ssyncadd.s32 $0xFFFFF000  }
0xc3: {  	[tilespmem:s17], [sflag:$0x4] =	stream.linear.gather [hbm4b:s10+s2], $0x100, $0x38;
	[tilespmem:$0x1CAA0] =	vst v63  }
0xc4: {  	_ =	swait.ge [sflag:s16], $0x100  }
0xc5: {  	[sflag:s16] =	ssyncset.done $0x0  }
0xc6: {  	s11 =	rddreg [dreg:$0x5];
	[sflag:s16] =	ssyncadd.s32 $0xFFFFFF00  }
0xc7: {  	[tilespmem:s18], [sflag:$0x4] =	stream.linear.gather [hbm4b:s11+s2], $0x100, $0x38;
	[tilespmem:$0x1CAA0] =	vst v63  }
0xc8: {  	_ =	swait.ge [sflag:s16], $0x100  }
0xc9: {  	[sflag:s16] =	ssyncset.done $0x0  }
0xca: {  	[sflag:s16] =	ssyncadd.s32 $0xFFFFFF00  }
0xcb: {  	[tilespmem:s20], [sflag:$0x1] =	stream.indirect.gather [hbm4b:s4+s19], $0x20, s17, s19, $0xb8;
	[tilespmem:$0x1CAA0] =	vst v63  }
0xcc: {  	_ = 	snop  }
0xcd: {  	[tilespmem:s22], [sflag:$0x1] =	stream.indirect.gather [hbm4b:s4+s19], $0x20, s21, s19, $0xb8;
	[tilespmem:$0x1CAA0] =	vst v63  }
0xce: {  	_ =	swait.ge [sflag:s23], $0x1000  }
0xcf: {  	[sflag:s23] =	ssyncset.done $0x0  }
0xd0: {  	[sflag:s23] =	ssyncadd.s32 $0xFFFFF000  }
0xd1: {  	_ =	swait.ge [sflag:s23], $0x1000  }
0xd2: {  	[sflag:s23] =	ssyncset.done $0x0  }
0xd3: {  	[sflag:s23] =	ssyncadd.s32 $0xFFFFF000  }
0xd4: {  	[spmem:s1] =	stream.indirect.scatter.add.f32 [tilespmem:s20], [sflag:$0x2], $0x20, s18, s19, $0xb8;
	[tilespmem:$0x1CAA0] =	vst v63  }
0xd5: {  	_ = 	snop  }
0xd6: {  	[spmem:s1] =	stream.indirect.scatter.add.f32 [tilespmem:s22], [sflag:$0x2], $0x20, s24, s19, $0xb8;
	[tilespmem:$0x1CAA0] =	vst v63  }
0xd7: {  	_ =	swait.ge [sflag:s0], $0x1000  }
0xd8: {  	[sflag:s0] =	ssyncset.done $0x0  }
0xd9: {  	[sflag:s0] =	ssyncadd.s32 $0xFFFFF000  }
0xda: {  	_ =	swait.ge [sflag:s0], $0x1000  }
0xdb: {  	[sflag:s0] =	ssyncset.done $0x0  }
0xdc: {  	[sflag:s0] =	ssyncadd.s32 $0xFFFFF000  }
0xdd: {  	_ =	swait.ge [sflag:s3], $0x1000  }
0xde: {  	[sflag:s3] =	ssyncset.done $0x0  }
0xdf: {  	[sflag:s3] =	ssyncadd.s32 $0xFFFFF000  }
0xe0: {  	_ =	swait.ge [sflag:s3], $0x1000  }
0xe1: {  	s8 =	simm.s32 @p0 $0x186A0;
	[sflag:s3] =	ssyncset.done $0x0  }
0xe2: {  	s7 =	simm.s32 @p0 $0x0;
	s9 =	rddreg [dreg:$0x6];
	[sflag:s3] =	ssyncadd.s32 $0xFFFFF000  }
0xe3: {  	[tilespmem:s8], [sflag:$0x4] =	stream.linear.gather @p0 [hbm4b:s9+s7], $0x80, $0x38;
	[tilespmem:$0x1CAA0] =	vst v63  }
0xe4: {  	s9 =	simm.s32 @p0 $0x4  }
0xe5: {  	_ =	swait.ge @p0 [sflag:s9], $0x80  }
0xe6: {  	[sflag:s9] =	ssyncset.done @p0 $0x0  }
0xe7: {  	s10 =	simm.s32 @p0 $0x188A0;
	s11 =	rddreg [dreg:$0x7];
	[sflag:s9] =	ssyncadd.s32 @p0 $0xFFFFFF80  }
0xe8: {  	[tilespmem:s10], [sflag:$0x4] =	stream.linear.gather @p0 [hbm4b:s11+s7], $0x80, $0x38;
	[tilespmem:$0x1CAA0] =	vst v63  }
0xe9: {  	_ =	swait.ge @p0 [sflag:s9], $0x80  }
0xea: {  	[sflag:s9] =	ssyncset.done @p0 $0x0  }
0xeb: {  	s7 =	simm.s32 @p0 $0x80;
	s11 =	simm.s32 @p0 $0x18AA0;
	[sflag:s9] =	ssyncadd.s32 @p0 $0xFFFFFF80  }
0xec: {  	[tilespmem:s11], [sflag:$0x1] =	stream.indirect.gather @p0 [hbm4b:s4+s7], $0x20, s8, s7, $0xb8;
	[tilespmem:$0x1CAA0] =	vst v63  }
0xed: {  	s8 =	simm.s32 @p0 $0x1  }
0xee: {  	_ =	swait.ge @p0 [sflag:s8], $0x1000  }
0xef: {  	[sflag:s8] =	ssyncset.done @p0 $0x0  }
0xf0: {  	[sflag:s8] =	ssyncadd.s32 @p0 $0xFFFFF000  }
0xf1: {  	[spmem:s1] =	stream.indirect.scatter.add.f32 @p0 [tilespmem:s11], [sflag:$0x4], $0x20, s10, s7, $0xb8;
	[tilespmem:$0x1CAA0] =	vst v63  }
0xf2: {  	_ =	swait.ge @p0 [sflag:s9], $0x1000  }
0xf3: {  	[sflag:s9] =	ssyncset.done @p0 $0x0  }
0xf4: {  	[sflag:s9] =	ssyncadd.s32 @p0 $0xFFFFF000  }
0xf5: {  	[bflag:$0x0] =	sbarrier.arrive @p0 $0xFFFF  }
0xf6: {  	s5 =	sadd.s32 $0x1, s5;
	s7 =	sshrl.u32 @!p1 s1, $0x3;
	s8 =	rddreg [dreg:$0x8]  }
0xf7: {  	[hbm:s8], [sflag:s6] =	dma.local @!p1 [spmem:s7], $0x30D40  }
0xf8: {  	p2 =	sne.s32 s5, s12;
	s7 =	simm.s32 @!p1 $0x4  }
.Ltmp1:
0xf9: {  	_ =	swait.ge @!p1 [sflag:s7], $0x30D40;
	(pc) =	sbr.rel @p2 .LBB2_1-.Ltmp1, $3  }
0xfa: {  	[sflag:s7] =	ssyncset.done @!p1 $0x0  }
0xfb: {  	[sflag:s7] =	ssyncadd.s32 @!p1 $0xFFFCF2C0  }
0xfc: {  	[bflag:$0x0] =	sbarrier.arrive @!p0 $0xFFFF;
	_ =	sdelay $0x1  }
0xfd: {  	_ =	sfence.sel $0x180000  }
0xfe: {  	[bflag:$0x0] =	sbarrier.arrive $0xFFFF  }
0xff: {  	_ =	strace $0x9000004A  }
0x100: {  	s0 =	stileid.u32;
	[bflag:$0x2] =	sbarrier.arrive $0xFFFF  }
0x101: {  	p0 =	sne.s32 s0, $0x0;
	s0 =	rddreg [dreg:$0x2]  }
0x102: {  	s0 =	sadd.s32 @!p0 $0x100000, s0  }
0x103: {  	[sflag:s0] =	ssyncadd.tile.s32 @!p0 $0x1;
	_ =	shalt  }
.Lfunc_end2:
_tile_overlayer_lowered:
.L_overlay_start_2:
0x104: {  	(tag) =	ssettag $0x2  }
0x105: {  	s0 =	rddreg [dreg:$0x0];
	s2 =	stileid.u32  }
0x106: {  	s1 =	rddreg [dreg:$0x1];
	p0 =	sne.s32 s2, $0x0  }
0x107: {  	s3 =	rddreg [dreg:$0x2];
	[bflag:$0x3] =	sbarrier.arrive $0xFFFF;
	s2 =	simm.s32 @!p0 $0x1C04  }
0x108: {  	[timem:s3], [sflag:s2] =	dma.local @!p0 [hbm:s0], s1  }
0x109: {  	s0 =	simm.s32 @!p0 $0x4  }
0x10a: {  	_ =	swait.ge @!p0 [sflag:s0], s1  }
0x10b: {  	s1 =	ssub.s32 @!p0 $0x0, s1;
	[sflag:s0] =	ssyncset.done @!p0 $0x0  }
0x10c: {  	[sflag:s0] =	ssyncadd.s32 @!p0 s1  }
0x10d: {  	[bflag:$0x3] =	sbarrier.arrive $0xFFFF  }
0x10e: {  	_ =	shalt  }

// kernel: _run.15.cloned.1.call-start
scs
__scs_entry_jumppad:
0x0: {  	(pc) =	sbr.rel $0x88, $3  }
0x1: {  	(tag) =	ssettag $0x0;
	lr =	simm.s32 $0x1  }
0x2: {  	[smem:$0x3F92] =	sst lr;
	_ =	strace $0xD0000000  }
0x3: {  	_ = 	snop  }
0x4: {  	_ = 	snop  }
0x5: {  	_ = 	snop  }
0x6: {  	_ = 	snop  }
0x7: {  	_ = 	snop  }
__scs_overlays_trampoline_lowered:
0x8: {  	[smem:$0x3FA1] =	sst s0  }
0x9: {  	[smem:$0x3FA2] =	sst s1  }
0xa: {  	[smem:$0x3FA3] =	sst s2  }
0xb: {  	[smem:$0x3FA4] =	sst s3  }
0xc: {  	[smem:$0x3FA5] =	sst s4  }
0xd: {  	[smem:$0x3FA6] =	sst s5  }
0xe: {  	[smem:$0x3FA7] =	sst s6  }
0xf: {  	[smem:$0x3FA8] =	sst s7  }
0x10: {  	[smem:$0x3FA9] =	sst s8  }
0x11: {  	[smem:$0x3FAA] =	sst s9;
	s0 =	simm.s32 @!p0 $0x0  }
0x12: {  	s1 =	sld [smem:$0x3F90];
	s0 =	simm.s32 @p0 $0x1  }
0x13: {  	[smem:$0x3FAB] =	sst s0;
	s0 =	simm.s32 @!p1 $0x0  }
0x14: {  	s2 =	sld [smem:$0x3F8F];
	s0 =	simm.s32 @p1 $0x1  }
0x15: {  	[smem:$0x3FAC] =	sst s0;
	s0 =	simm.s32 @!p2 $0x0  }
0x16: {  	s3 =	sld [smem:$0x3FDB];
	s0 =	simm.s32 @p2 $0x1  }
0x17: {  	s4 =	simm.s32 $0x1BF5;
	[smem:$0x3FAE] =	sst s0  }
0x18: {  	s0 =	sld [smem:$0x3F91];
	_ =	swait.ge [sflag:s4], $0x0  }
0x19: {  	s7 =	sld [smem:$0x3F92]  }
0x1a: {  	s8 =	sadd.s32 $0xFFFFE003, lr  }
0x1b: {  	s9 =	sadd.s32 $0xFFFFFEF7, lr;
	s5 =	simm.s32 $0xFFFFFFFF;
	p2 =	slt.u32 s8, $0xFFFFF086  }
0x1c: {  	p1 =	slt.u32 s9, $0xF7A;
	s5 =	simm.s32 @!p2 $0x0  }
0x1d: {  	s5 =	simm.s32 @p1 $0x1;
	p0 =	seq.s32 s7, s2  }
0x1e: {  	s7 =	smul.u32 @!p0 $0xF7A, s2;
	p2 =	seq.s32 @!p0 s5, $0x0  }
0x1f: {  	s9 =	smul.u32 $0xF7A, s1;
	s8 =	simm.s32 @!p0 $0x1BF5;
	p2 =	por !p2, p0  }
0x20: {  	[sflag:s8] =	ssyncset.s32 @!p0 $0xFFFFF086;
	s6 =	sadd.s32 @!p0 s3, s7;
	s7 =	simm.s32 @!p0 $0x108  }
0x21: {  	s3 =	sadd.s32 s3, s9;
	s6 =	sadd.s32 @!p0 $0x88, s6;
	s7 =	simm.s32 @p2 $0x1082  }
0x22: {  	[simem:s7], [sflag:s8] =	dma.local @!p0 [hbm:s6], $0xF7A  }
0x23: {  	s9 =	sor.u32 $0xD0000000, s2;
	s6 =	simm.s32 $0x108;
	_ =	swait.ge @!p0 [sflag:s8], $0x0  }
0x24: {  	s3 =	sadd.s32 $0x88, s3;
	s6 =	simm.s32 @!p1 $0x1082;
	[sflag:s4] =	ssyncset.s32 $0xFFFFF086  }
0x25: {  	[simem:s6], [sflag:s4] =	dma.local [hbm:s3], $0xF7A  }
0x26: {  	[smem:$0x3F92] =	sst s1;
	(tag) =	ssettag s2;
	_ =	strace s9  }
0x27: {  	s1 =	sld [smem:$0x3FA2]  }
0x28: {  	s2 =	sld [smem:$0x3FA3]  }
0x29: {  	s4 =	sld [smem:$0x3FA5]  }
0x2a: {  	p0 =	seq.s32 s5, $0x0;
	s5 =	sld [smem:$0x3FA6]  }
0x2b: {  	s6 =	sld [smem:$0x3FA7]  }
0x2c: {  	s7 =	sld [smem:$0x3FA8]  }
0x2d: {  	s3 =	simm.s32 $0x108;
	s8 =	sld [smem:$0x3FA9]  }
0x2e: {  	s3 =	simm.s32 @!p0 $0x1082;
	s9 =	sld [smem:$0x3FAA]  }
0x2f: {  	lr =	sadd.s32 s0, s3;
	s0 =	sld [smem:$0x3FA1]  }
0x30: {  	s3 =	sld [smem:$0x3FA4]  }
0x31: {  	[smem:$0x3FAD] =	sst s10  }
0x32: {  	s10 =	sld [smem:$0x3FAB];
	_ =	sdelay $0x3  }
0x33: {  	p0 =	seq.s32 s10, $0x1;
	s10 =	sld [smem:$0x3FAD];
	_ =	sdelay $0x3  }
0x34: {  	[smem:$0x3FAD] =	sst s10  }
0x35: {  	s10 =	sld [smem:$0x3FAC];
	_ =	sdelay $0x3  }
0x36: {  	p1 =	seq.s32 s10, $0x1;
	s10 =	sld [smem:$0x3FAD];
	_ =	sdelay $0x3  }
0x37: {  	[smem:$0x3FAD] =	sst s10  }
0x38: {  	s10 =	sld [smem:$0x3FAE]  }
0x39: {  	_ = 	snop;
	(pc) =	sbr.ind lr, $3  }
0x3a: {  	_ = 	snop  }
0x3b: {  	_ = 	snop  }
0x3c: {  	p2 =	seq.s32 s10, $0x1;
	s10 =	sld [smem:$0x3FAD]  }
0x3d: {  	_ =	shalt  }
0x3e: {  	_ =	shalt  }
0x3f: {  	_ =	shalt  }
0x40: {  	_ =	shalt  }
0x41: {  	_ =	shalt  }
0x42: {  	_ =	shalt  }
0x43: {  	_ =	shalt  }
0x44: {  	_ =	shalt  }
0x45: {  	_ =	shalt  }
0x46: {  	_ =	shalt  }
0x47: {  	_ =	shalt  }
0x48: {  	_ =	shalt  }
0x49: {  	_ =	shalt  }
0x4a: {  	_ =	shalt  }
0x4b: {  	_ =	shalt  }
0x4c: {  	_ =	shalt  }
0x4d: {  	_ =	shalt  }
0x4e: {  	_ =	shalt  }
0x4f: {  	_ =	shalt  }
0x50: {  	_ =	shalt  }
0x51: {  	_ =	shalt  }
0x52: {  	_ =	shalt  }
0x53: {  	_ =	shalt  }
0x54: {  	_ =	shalt  }
0x55: {  	_ =	shalt  }
0x56: {  	_ =	shalt  }
0x57: {  	_ =	shalt  }
0x58: {  	_ =	shalt  }
0x59: {  	_ =	shalt  }
0x5a: {  	_ =	shalt  }
0x5b: {  	_ =	shalt  }
0x5c: {  	_ =	shalt  }
0x5d: {  	_ =	shalt  }
0x5e: {  	_ =	shalt  }
0x5f: {  	_ =	shalt  }
0x60: {  	_ =	shalt  }
0x61: {  	_ =	shalt  }
0x62: {  	_ =	shalt  }
0x63: {  	_ =	shalt  }
0x64: {  	_ =	shalt  }
0x65: {  	_ =	shalt  }
0x66: {  	_ =	shalt  }
0x67: {  	_ =	shalt  }
0x68: {  	_ =	shalt  }
0x69: {  	_ =	shalt  }
0x6a: {  	_ =	shalt  }
0x6b: {  	_ =	shalt  }
0x6c: {  	_ =	shalt  }
0x6d: {  	_ =	shalt  }
0x6e: {  	_ =	shalt  }
0x6f: {  	_ =	shalt  }
0x70: {  	_ =	shalt  }
0x71: {  	_ =	shalt  }
0x72: {  	_ =	shalt  }
0x73: {  	_ =	shalt  }
0x74: {  	_ =	shalt  }
0x75: {  	_ =	shalt  }
0x76: {  	_ =	shalt  }
0x77: {  	_ =	shalt  }
0x78: {  	_ =	shalt  }
0x79: {  	_ =	shalt  }
0x7a: {  	_ =	shalt  }
0x7b: {  	_ =	shalt  }
0x7c: {  	_ =	shalt  }
0x7d: {  	_ =	shalt  }
0x7e: {  	_ =	shalt  }
0x7f: {  	_ =	shalt  }
0x80: {  	_ =	shalt  }
0x81: {  	_ =	shalt  }
0x82: {  	_ =	shalt  }
0x83: {  	_ =	shalt  }
0x84: {  	_ =	shalt  }
0x85: {  	_ =	shalt  }
0x86: {  	_ =	shalt  }
0x87: {  	_ =	shalt  }
.Lfunc_end0:
.L_simem_size_0:
called_computation.2_lowered:
.L_overlay_start_0:
0x88: {  	s2 =	sld [smem:$0x3FD9]  }
0x89: {  	s3 =	sld [smem:$0x3FFE];
	_ =	sdelay $0x1  }
0x8a: {  	s1 =	srdreg.scid  }
0x8b: {  	s0 =	sand.u32 $0x1, s1  }
0x8c: {  	s16 =	sshll.u32 s0, $0xA;
	s2 =	sadd.s32 s3, s2  }
0x8d: {  	s2 =	sadd.s32 s2, s16  }
0x8e: {  	[smem:$0x3FB9] =	sst s2  }
0x8f: {  	_ = 	snop  }
0x90: {  	(tm) =	ssettm $0x1  }
0x91: {  	s17 =	sld [smem:$0x3FFB];
	_ =	sdelay $0x3  }
0x92: {  	_ =	strace s17  }
0x93: {  	s2 =	sld [smem:$0x3FFC];
	_ =	sdelay $0x3  }
0x94: {  	_ =	strace s2  }
0x95: {  	s2 =	sld [smem:$0x3FFD];
	_ =	sdelay $0x3  }
0x96: {  	_ =	strace s2  }
0x97: {  	_ =	strace $0x8FFFFFFF  }
0x98: {  	s18 =	sld [smem:$0x3FDB];
	_ =	sdelay $0x1  }
0x99: {  	s19 =	simm.s32 $_scs_section_size  }
0x9a: {  	s4 =	simm.s32 $_size__tile_overlayer_lowered;
	s5 =	simm.s32 $_tile_overlayer_lowered  }
0x9b: {  	s22 =	simm.s32 $0x1BFF;
	s21 =	sshll.u32 s5, $0x1;
	s2 =	sadd.s32 s19, s18  }
0x9c: {  	s6 =	simm.s32 $0x0;
	s20 =	sshll.u32 s4, $0x1;
	s4 =	sadd.s32 s21, s2  }
0x9d: {  	[timem:s6], [sflag:s22] =	dma.local [hbm:s4], s20  }
0x9e: {  	_ =	swait.ge [sflag:s22], s20  }
0x9f: {  	s3 =	ssub.s32 $0x0, s20;
	[sflag:s22] =	ssyncset.done $0x0  }
0xa0: {  	[sflag:s22] =	ssyncadd.s32 s3;
	_ =	sdelay $0x1  }
0xa1: {  	s23 =	simm.s32 $0x1B8B  }
0xa2: {  	_ =	swait.ge [sflag:s23], $0x1  }
0xa3: {  	[sflag:s23] =	ssyncset.done $0x0  }
0xa4: {  	s25 =	simm.s32 $0x1B8E;
	s24 =	sld [smem:$0x3FFE];
	[sflag:s23] =	ssyncadd.s32 $0xFFFFFFFF  }
0xa5: {  	s26 =	simm.s32 $execute0_lowered;
	[smem:$0x3FD2] =	sst s25  }
0xa6: {  	s4 =	sshll.u32 s26, $0x1;
	_ =	strace $0x8000004C;
	[dreg:$0x1] =	wrdreg $0xFFFFFFFF  }
0xa7: {  	s28 =	simm.s32 $_size_execute0_lowered;
	s2 =	sadd.s32 s2, s4;
	[dreg:$0x0] =	wrdreg $0x0  }
0xa8: {  	s4 =	sshll.u32 s28, $0x1;
	[dreg:$0x2] =	wrdreg s2  }
0xa9: {  	[dreg:$0x3] =	wrdreg s4  }
0xaa: {  	[dreg:$0x4] =	wrdreg $0xC0  }
0xab: {  	_ =	task [dreg:s6], $0x5FFFF  }
0xac: {  	[dreg:$0x1] =	wrdreg $0xFFFFFFFF  }
0xad: {  	[dreg:$0x0] =	wrdreg $0x60  }
0xae: {  	[dreg:$0x2] =	wrdreg s24  }
0xaf: {  	[dreg:$0x3] =	wrdreg $0x0  }
0xb0: {  	[dreg:$0x4] =	wrdreg $0x9  }
0xb1: {  	_ =	task.clear_ibuf [dreg:s6], $0x5FFFF;
	_ =	strace $0x9000004C  }
0xb2: {  	s29 =	simm.s32 $0x9;
	_ =	strace $0x8000004E  }
0xb3: {  	_ =	swait.ge [sflag:s29], $0x1  }
0xb4: {  	[sflag:s29] =	ssyncadd.s32 $0xFFFFFFFF  }
0xb5: {  	_ =	strace $0x9000004E  }
0xb6: {  	_ =	sfence  }
0xb7: {  	s30 =	sld [smem:$0x0];
	_ =	sdelay $0x2  }
0xb8: {  	s31 =	sshll.u32 s1, $0xD;
	s1 =	sshrl.u32 s1, $0x2  }
0xb9: {  	s3 =	sand.u32 $0x4000, s31;
	s1 =	sadd.s32 s1, s30  }
0xba: {  	s0 =	sor.u32 s3, s0;
	s1 =	sshll.u32 s1, $0x11  }
0xbb: {  	s0 =	sor.u32 s1, s0  }
0xbc: {  	s0 =	sadd.s32 $0x8F2B, s0  }
0xbd: {  	[sflag:s0] =	ssyncadd.remote.s32 $0x1  }
0xbe: {  	_ =	sfence.sel $0xFFFF  }
0xbf: {  	[dreg:$0x0] =	wrdreg $0xFFFFFFFF;
	(pc) =	sbr.abs _section_cstart, $3  }
0xc0: {  	[dreg:$0x1] =	wrdreg $0xFFFFFFFF  }
0xc1: {  	_ =	task.clear_ibuf [dreg:s6], $0x2FFFF;
	_ =	strace $0x9FFFFFFF  }
0xc2: {  	(tm) =	ssettm $0x7FFFFFFF  }
0xc3: {  	_ =	shalt  }
tec
execute0_lowered:
.L_overlay_start_1:
0x0: {  	(tag) =	ssettag $0x1  }
0x1: {  	s0 =	rddreg [dreg:$0x0]  }
0x2: {  	s1 =	rddreg [dreg:$0x1]  }
0x3: {  	s2 =	simm.s32 $0x0;
	s3 =	srdreg.scid;
	s26 =	stileid.u32  }
0x4: {  	s28 =	simm.s32 $0x1AAA0;
	s29 =	simm.s32 $0x18820;
	s30 =	simm.s32 $0x1BAA0  }
0x5: {  	s31 =	simm.s32 $0x18A20;
	[smem:$0x7FF] =	sst s2;
	s6 =	smul.u32 $0x61A80, s26  }
0x6: {  	s3 =	sand.u32 $0x1, s3;
	s4 =	sadd.s32 $0x203600, s0;
	s11 =	smul.u32 $0x186, s26  }
0x7: {  	s7 =	sadd.s32 $0x4BE00, s0;
	s14 =	sadd.s32 $0x2800, s0;
	s17 =	smul.u32 $0xC300, s26  }
0x8: {  	s12 =	sadd.s32 $0x1B000, s0;
	s18 =	sshll.u32 s26, $0x6;
	s24 =	smul.u32 $0x1860, s26  }
0x9: {  	s21 =	sshll.u32 s26, $0x4;
	p0 =	slt.u32 s26, $0xA;
	s5 =	smul.u32 $0x30D40, s3  }
0xa: {  	_ =	strace $0x8000004D;
	s8 =	ssub.s32 $0x2, s3;
	s9 =	smul.u32 $0x186A, s3  }
0xb: {  	[dreg:$0x3] =	wrdreg s12;
	s22 =	sadd.s32 s21, s14;
	s3 =	smul.u32 $0x186A0, s3  }
0xc: {  	s21 =	simm.s32 $0x18720;
	p1 =	sne.s32 @p0 s26, $0x0;
	s10 =	sshrl.u32 s8, $0x1  }
0xd: {  	s6 =	sshrl.u32 s6, $0x2;
	s23 =	sadd.s32 $0x18600, s22;
	s22 =	simm.s32 $0x19AA0  }
0xe: {  	p1 =	por p1, !p0;
	s0 =	sadd.s32 s5, s0;
	s13 =	ssub.s32 s8, s10  }
0xf: {  	s16 =	sadd.s32 s11, s9;
	s15 =	sadd.s32 s6, s1;
	s6 =	sor.u32 $0x1C04, s18  }
0x10: {  	s10 =	sshrl.u32 s17, $0x3;
	s9 =	sadd.s32 s26, s9;
	[dreg:$0x7] =	wrdreg s23  }
0x11: {  	s25 =	sadd.s32 s3, s7;
	s17 =	simm.s32 $0x186A0;
	s18 =	simm.s32 $0x188A0  }
0x12: {  	s23 =	simm.s32 $0x1;
	s26 =	simm.s32 $0x189A0;
	s3 =	simm.s32 $0x3  }
0x13: {  	s5 =	simm.s32 $0x0;
	s8 =	sshll.u32 s16, $0x4;
	s19 =	sadd.s32 s14, s10  }
0x14: {  	s20 =	sshll.u32 s9, $0x4;
	s0 =	sadd.s32 $0x265200, s0;
	s12 =	smax.u32 s13, $0x1  }
0x15: {  	s13 =	sadd.s32 s24, s25;
	s14 =	sadd.s32 s24, s14;
	s8 =	sadd.s32 s8, s7  }
0x16: {  	s15 =	sshrl.u32 s15, $0x3;
	s16 =	simm.s32 $0x4;
	s8 =	sadd.s32 $0x1840, s8  }
0x17: {  	s24 =	simm.s32 $0x18920;
	[dreg:$0x4] =	wrdreg s8;
	s8 =	sadd.s32 $0x1840, s19  }
0x18: {  	s25 =	simm.s32 $0x187A0;
	[dreg:$0x5] =	wrdreg s8;
	s8 =	sadd.s32 s7, s20  }
0x19: {  	[dreg:$0x8] =	wrdreg s0;
	s0 =	simm.s32 $0x2;
	s8 =	sadd.s32 $0x18600, s8  }
0x1a: {  	s19 =	simm.s32 $0x80;
	s20 =	simm.s32 $0x18AA0;
	[dreg:$0x6] =	wrdreg s8  }
.LBB2_1:
0x1b: {  	s7 =	rddreg [dreg:$0x3]  }
0x1c: {  	[spmem:s15], [sflag:s6] =	dma.local [hbm:s7], $0x30D4  }
0x1d: {  	_ =	swait.ge [sflag:s16], $0x30D4  }
0x1e: {  	[sflag:s16] =	ssyncset.done $0x0  }
0x1f: {  	p2 =	por $0x1, $0x1;
	[sflag:s16] =	ssyncadd.s32 $0xFFFFCF2C  }
0x20: {  	s7 =	simm.s32 @!p2 $0x2;
	[bflag:$0x0] =	sbarrier.arrive $0xFFFF  }
0x21: {  	_ =	swait.ge @!p2 [sflag:s7], $0x1000  }
0x22: {  	[sflag:s7] =	ssyncset.done @!p2 $0x0  }
0x23: {  	[sflag:s7] =	ssyncadd.s32 @!p2 $0xFFFFF000  }
0x24: {  	_ =	swait.ge @!p2 [sflag:s7], $0x1000  }
0x25: {  	[sflag:s7] =	ssyncset.done @!p2 $0x0  }
0x26: {  	s10 =	sadd.s32 $0x0, s13;
	[sflag:s7] =	ssyncadd.s32 @!p2 $0xFFFFF000  }
0x27: {  	[tilespmem:s17], [sflag:$0x4] =	stream.linear.gather [hbm4b:s10+s2], $0x100, $0x38;
	[tilespmem:$0x1CAA0] =	vst v63  }
0x28: {  	_ =	swait.ge [sflag:s16], $0x100  }
0x29: {  	[sflag:s16] =	ssyncset.done $0x0  }
0x2a: {  	s8 =	sadd.s32 $0x0, s14;
	[sflag:s16] =	ssyncadd.s32 $0xFFFFFF00  }
0x2b: {  	[tilespmem:s18], [sflag:$0x4] =	stream.linear.gather [hbm4b:s8+s2], $0x100, $0x38;
	[tilespmem:$0x1CAA0] =	vst v63  }
0x2c: {  	_ =	swait.ge [sflag:s16], $0x100  }
0x2d: {  	[sflag:s16] =	ssyncset.done $0x0  }
0x2e: {  	[sflag:s16] =	ssyncadd.s32 $0xFFFFFF00  }
0x2f: {  	[tilespmem:s20], [sflag:$0x1] =	stream.indirect.gather [hbm4b:s4+s19], $0x20, s17, s19, $0xb8;
	[tilespmem:$0x1CAA0] =	vst v63  }
0x30: {  	_ = 	snop  }
0x31: {  	[tilespmem:s22], [sflag:$0x1] =	stream.indirect.gather [hbm4b:s4+s19], $0x20, s21, s19, $0xb8;
	[tilespmem:$0x1CAA0] =	vst v63  }
0x32: {  	_ =	swait.ge [sflag:s23], $0x1000  }
0x33: {  	[sflag:s23] =	ssyncset.done $0x0  }
0x34: {  	[sflag:s23] =	ssyncadd.s32 $0xFFFFF000  }
0x35: {  	_ =	swait.ge [sflag:s23], $0x1000  }
0x36: {  	[sflag:s23] =	ssyncset.done $0x0  }
0x37: {  	[sflag:s23] =	ssyncadd.s32 $0xFFFFF000  }
0x38: {  	[spmem:s1] =	stream.indirect.scatter.add.f32 [tilespmem:s20], [sflag:$0x2], $0x20, s18, s19, $0xb8;
	[tilespmem:$0x1CAA0] =	vst v63  }
0x39: {  	s9 =	simm.s32 @!p2 $0x3  }
0x3a: {  	[spmem:s1] =	stream.indirect.scatter.add.f32 [tilespmem:s22], [sflag:$0x2], $0x20, s24, s19, $0xb8;
	[tilespmem:$0x1CAA0] =	vst v63  }
0x3b: {  	_ =	swait.ge @!p2 [sflag:s9], $0x1000  }
0x3c: {  	[sflag:s9] =	ssyncset.done @!p2 $0x0  }
0x3d: {  	[sflag:s9] =	ssyncadd.s32 @!p2 $0xFFFFF000  }
0x3e: {  	_ =	swait.ge @!p2 [sflag:s9], $0x1000  }
0x3f: {  	[sflag:s9] =	ssyncset.done @!p2 $0x0  }
0x40: {  	s7 =	sadd.s32 $0x20, s10;
	[sflag:s9] =	ssyncadd.s32 @!p2 $0xFFFFF000  }
0x41: {  	[tilespmem:s25], [sflag:$0x4] =	stream.linear.gather [hbm4b:s7+s2], $0x100, $0x38;
	[tilespmem:$0x1CAA0] =	vst v63  }
0x42: {  	_ =	swait.ge [sflag:s16], $0x100  }
0x43: {  	[sflag:s16] =	ssyncset.done $0x0  }
0x44: {  	s11 =	sadd.s32 $0x20, s8;
	[sflag:s16] =	ssyncadd.s32 $0xFFFFFF00  }
0x45: {  	[tilespmem:s26], [sflag:$0x4] =	stream.linear.gather [hbm4b:s11+s2], $0x100, $0x38;
	[tilespmem:$0x1CAA0] =	vst v63  }
0x46: {  	_ =	swait.ge [sflag:s16], $0x100  }
0x47: {  	[sflag:s16] =	ssyncset.done $0x0  }
0x48: {  	[sflag:s16] =	ssyncadd.s32 $0xFFFFFF00  }
0x49: {  	[tilespmem:s28], [sflag:$0x1] =	stream.indirect.gather [hbm4b:s4+s19], $0x20, s25, s19, $0xb8;
	[tilespmem:$0x1CAA0] =	vst v63  }
0x4a: {  	_ = 	snop  }
0x4b: {  	[tilespmem:s30], [sflag:$0x1] =	stream.indirect.gather [hbm4b:s4+s19], $0x20, s29, s19, $0xb8;
	[tilespmem:$0x1CAA0] =	vst v63  }
0x4c: {  	_ =	swait.ge [sflag:s23], $0x1000  }
0x4d: {  	[sflag:s23] =	ssyncset.done $0x0  }
0x4e: {  	[sflag:s23] =	ssyncadd.s32 $0xFFFFF000  }
0x4f: {  	_ =	swait.ge [sflag:s23], $0x1000  }
0x50: {  	s8 =	simm.s32 $0x80;
	[sflag:s23] =	ssyncset.done $0x0  }
0x51: {  	p2 =	por $0x0, $0x0;
	s7 =	simm.s32 $0x40;
	[sflag:s23] =	ssyncadd.s32 $0xFFFFF000  }
0x52: {  	[spmem:s1] =	stream.indirect.scatter.add.f32 [tilespmem:s28], [sflag:$0x3], $0x20, s26, s19, $0xb8;
	[tilespmem:$0x1CAA0] =	vst v63  }
.LBB2_2:
0x53: {  	s9 =	simm.s32 @!p2 $0x2;
	s10 =	smov.u32 s8;
	s8 =	sadd.s32 $0x40, s8  }
0x54: {  	[spmem:s1] =	stream.indirect.scatter.add.f32 [tilespmem:s30], [sflag:$0x3], $0x20, s31, s19, $0xb8;
	[tilespmem:$0x1CAA0] =	vst v63  }
0x55: {  	p3 =	sne.s32 s8, $0x1840;
	_ =	swait.ge @!p2 [sflag:s9], $0x1000  }
0x56: {  	[sflag:s9] =	ssyncset.done @!p2 $0x0  }
0x57: {  	[sflag:s9] =	ssyncadd.s32 @!p2 $0xFFFFF000  }
0x58: {  	_ =	swait.ge @!p2 [sflag:s9], $0x1000  }
0x59: {  	[sflag:s9] =	ssyncset.done @!p2 $0x0  }
0x5a: {  	[sflag:s9] =	ssyncadd.s32 @!p2 $0xFFFFF000;
	s9 =	sadd.s32 s7, s13  }
0x5b: {  	[tilespmem:s17], [sflag:$0x4] =	stream.linear.gather [hbm4b:s9+s2], $0x100, $0x38;
	[tilespmem:$0x1CAA0] =	vst v63  }
0x5c: {  	_ =	swait.ge [sflag:s16], $0x100  }
0x5d: {  	[sflag:s16] =	ssyncset.done $0x0  }
0x5e: {  	s11 =	sadd.s32 s7, s14;
	s7 =	smov.u32 s10;
	[sflag:s16] =	ssyncadd.s32 $0xFFFFFF00  }
0x5f: {  	[tilespmem:s18], [sflag:$0x4] =	stream.linear.gather [hbm4b:s11+s2], $0x100, $0x38;
	[tilespmem:$0x1CAA0] =	vst v63  }
0x60: {  	_ =	swait.ge [sflag:s16], $0x100  }
0x61: {  	[sflag:s16] =	ssyncset.done $0x0  }
0x62: {  	[sflag:s16] =	ssyncadd.s32 $0xFFFFFF00  }
0x63: {  	[tilespmem:s20], [sflag:$0x1] =	stream.indirect.gather [hbm4b:s4+s19], $0x20, s17, s19, $0xb8;
	[tilespmem:$0x1CAA0] =	vst v63  }
0x64: {  	_ = 	snop  }
0x65: {  	[tilespmem:s22], [sflag:$0x1] =	stream.indirect.gather [hbm4b:s4+s19], $0x20, s21, s19, $0xb8;
	[tilespmem:$0x1CAA0] =	vst v63  }
0x66: {  	_ =	swait.ge [sflag:s23], $0x1000  }
0x67: {  	[sflag:s23] =	ssyncset.done $0x0  }
0x68: {  	[sflag:s23] =	ssyncadd.s32 $0xFFFFF000  }
0x69: {  	_ =	swait.ge [sflag:s23], $0x1000  }
0x6a: {  	[sflag:s23] =	ssyncset.done $0x0  }
0x6b: {  	[sflag:s23] =	ssyncadd.s32 $0xFFFFF000  }
0x6c: {  	[spmem:s1] =	stream.indirect.scatter.add.f32 [tilespmem:s20], [sflag:$0x2], $0x20, s18, s19, $0xb8;
	[tilespmem:$0x1CAA0] =	vst v63  }
0x6d: {  	s10 =	simm.s32 @!p2 $0x3  }
0x6e: {  	[spmem:s1] =	stream.indirect.scatter.add.f32 [tilespmem:s22], [sflag:$0x2], $0x20, s24, s19, $0xb8;
	[tilespmem:$0x1CAA0] =	vst v63  }
0x6f: {  	_ =	swait.ge @!p2 [sflag:s10], $0x1000  }
0x70: {  	[sflag:s10] =	ssyncset.done @!p2 $0x0  }
0x71: {  	[sflag:s10] =	ssyncadd.s32 @!p2 $0xFFFFF000  }
0x72: {  	_ =	swait.ge @!p2 [sflag:s10], $0x1000  }
0x73: {  	[sflag:s10] =	ssyncset.done @!p2 $0x0  }
0x74: {  	s9 =	sadd.s32 $0x20, s9;
	[sflag:s10] =	ssyncadd.s32 @!p2 $0xFFFFF000  }
0x75: {  	[tilespmem:s25], [sflag:$0x4] =	stream.linear.gather [hbm4b:s9+s2], $0x100, $0x38;
	[tilespmem:$0x1CAA0] =	vst v63  }
0x76: {  	_ =	swait.ge [sflag:s16], $0x100  }
0x77: {  	[sflag:s16] =	ssyncset.done $0x0  }
0x78: {  	s9 =	sadd.s32 $0x20, s11;
	[sflag:s16] =	ssyncadd.s32 $0xFFFFFF00  }
0x79: {  	[tilespmem:s26], [sflag:$0x4] =	stream.linear.gather [hbm4b:s9+s2], $0x100, $0x38;
	[tilespmem:$0x1CAA0] =	vst v63  }
0x7a: {  	_ =	swait.ge [sflag:s16], $0x100  }
0x7b: {  	[sflag:s16] =	ssyncset.done $0x0  }
0x7c: {  	[sflag:s16] =	ssyncadd.s32 $0xFFFFFF00  }
0x7d: {  	[tilespmem:s28], [sflag:$0x1] =	stream.indirect.gather [hbm4b:s4+s19], $0x20, s25, s19, $0xb8;
	[tilespmem:$0x1CAA0] =	vst v63  }
0x7e: {  	_ = 	snop  }
0x7f: {  	[tilespmem:s30], [sflag:$0x1] =	stream.indirect.gather [hbm4b:s4+s19], $0x20, s29, s19, $0xb8;
	[tilespmem:$0x1CAA0] =	vst v63  }
0x80: {  	_ =	swait.ge [sflag:s23], $0x1000  }
0x81: {  	[sflag:s23] =	ssyncset.done $0x0  }
.Ltmp0:
0x82: {  	[sflag:s23] =	ssyncadd.s32 $0xFFFFF000;
	(pc) =	sbr.rel @p3 .LBB2_2-.Ltmp0, $4  }
0x83: {  	_ =	swait.ge [sflag:s23], $0x1000  }
0x84: {  	[sflag:s23] =	ssyncset.done $0x0  }
0x85: {  	p2 =	seq.s32 s7, $0x0;
	[sflag:s23] =	ssyncadd.s32 $0xFFFFF000  }
0x86: {  	[spmem:s1] =	stream.indirect.scatter.add.f32 [tilespmem:s28], [sflag:$0x3], $0x20, s26, s19, $0xb8;
	[tilespmem:$0x1CAA0] =	vst v63  }
0x87: {  	s8 =	simm.s32 @!p2 $0x2  }
0x88: {  	[spmem:s1] =	stream.indirect.scatter.add.f32 [tilespmem:s30], [sflag:$0x3], $0x20, s31, s19, $0xb8;
	[tilespmem:$0x1CAA0] =	vst v63  }
0x89: {  	_ =	swait.ge @!p2 [sflag:s8], $0x1000  }
0x8a: {  	[sflag:s8] =	ssyncset.done @!p2 $0x0  }
0x8b: {  	[sflag:s8] =	ssyncadd.s32 @!p2 $0xFFFFF000  }
0x8c: {  	_ =	swait.ge @!p2 [sflag:s8], $0x1000  }
0x8d: {  	[sflag:s8] =	ssyncset.done @!p2 $0x0  }
0x8e: {  	s10 =	sadd.s32 s7, s13;
	[sflag:s8] =	ssyncadd.s32 @!p2 $0xFFFFF000  }
0x8f: {  	[tilespmem:s17], [sflag:$0x4] =	stream.linear.gather [hbm4b:s10+s2], $0x100, $0x38;
	[tilespmem:$0x1CAA0] =	vst v63  }
0x90: {  	_ =	swait.ge [sflag:s16], $0x100  }
0x91: {  	[sflag:s16] =	ssyncset.done $0x0  }
0x92: {  	s11 =	sadd.s32 s7, s14;
	[sflag:s16] =	ssyncadd.s32 $0xFFFFFF00  }
0x93: {  	[tilespmem:s18], [sflag:$0x4] =	stream.linear.gather [hbm4b:s11+s2], $0x100, $0x38;
	[tilespmem:$0x1CAA0] =	vst v63  }
0x94: {  	_ =	swait.ge [sflag:s16], $0x100  }
0x95: {  	[sflag:s16] =	ssyncset.done $0x0  }
0x96: {  	[sflag:s16] =	ssyncadd.s32 $0xFFFFFF00  }
0x97: {  	[tilespmem:s20], [sflag:$0x1] =	stream.indirect.gather [hbm4b:s4+s19], $0x20, s17, s19, $0xb8;
	[tilespmem:$0x1CAA0] =	vst v63  }
0x98: {  	_ = 	snop  }
0x99: {  	[tilespmem:s22], [sflag:$0x1] =	stream.indirect.gather [hbm4b:s4+s19], $0x20, s21, s19, $0xb8;
	[tilespmem:$0x1CAA0] =	vst v63  }
0x9a: {  	_ =	swait.ge [sflag:s23], $0x1000  }
0x9b: {  	[sflag:s23] =	ssyncset.done $0x0  }
0x9c: {  	[sflag:s23] =	ssyncadd.s32 $0xFFFFF000  }
0x9d: {  	_ =	swait.ge [sflag:s23], $0x1000  }
0x9e: {  	[sflag:s23] =	ssyncset.done $0x0  }
0x9f: {  	[sflag:s23] =	ssyncadd.s32 $0xFFFFF000  }
0xa0: {  	[spmem:s1] =	stream.indirect.scatter.add.f32 [tilespmem:s20], [sflag:$0x2], $0x20, s18, s19, $0xb8;
	[tilespmem:$0x1CAA0] =	vst v63  }
0xa1: {  	s9 =	simm.s32 @!p2 $0x3  }
0xa2: {  	[spmem:s1] =	stream.indirect.scatter.add.f32 [tilespmem:s22], [sflag:$0x2], $0x20, s24, s19, $0xb8;
	[tilespmem:$0x1CAA0] =	vst v63  }
0xa3: {  	_ =	swait.ge @!p2 [sflag:s9], $0x1000  }
0xa4: {  	[sflag:s9] =	ssyncset.done @!p2 $0x0  }
0xa5: {  	[sflag:s9] =	ssyncadd.s32 @!p2 $0xFFFFF000  }
0xa6: {  	_ =	swait.ge @!p2 [sflag:s9], $0x1000  }
0xa7: {  	[sflag:s9] =	ssyncset.done @!p2 $0x0  }
0xa8: {  	s8 =	sadd.s32 $0x20, s10;
	[sflag:s9] =	ssyncadd.s32 @!p2 $0xFFFFF000  }
0xa9: {  	[tilespmem:s25], [sflag:$0x4] =	stream.linear.gather [hbm4b:s8+s2], $0x100, $0x38;
	[tilespmem:$0x1CAA0] =	vst v63  }
0xaa: {  	_ =	swait.ge [sflag:s16], $0x100  }
0xab: {  	[sflag:s16] =	ssyncset.done $0x0  }
0xac: {  	s7 =	sadd.s32 $0x20, s11;
	[sflag:s16] =	ssyncadd.s32 $0xFFFFFF00  }
0xad: {  	[tilespmem:s26], [sflag:$0x4] =	stream.linear.gather [hbm4b:s7+s2], $0x100, $0x38;
	[tilespmem:$0x1CAA0] =	vst v63  }
0xae: {  	_ =	swait.ge [sflag:s16], $0x100  }
0xaf: {  	[sflag:s16] =	ssyncset.done $0x0  }
0xb0: {  	[sflag:s16] =	ssyncadd.s32 $0xFFFFFF00  }
0xb1: {  	[tilespmem:s28], [sflag:$0x1] =	stream.indirect.gather [hbm4b:s4+s19], $0x20, s25, s19, $0xb8;
	[tilespmem:$0x1CAA0] =	vst v63  }
0xb2: {  	_ = 	snop  }
0xb3: {  	[tilespmem:s30], [sflag:$0x1] =	stream.indirect.gather [hbm4b:s4+s19], $0x20, s29, s19, $0xb8;
	[tilespmem:$0x1CAA0] =	vst v63  }
0xb4: {  	_ =	swait.ge [sflag:s23], $0x1000  }
0xb5: {  	[sflag:s23] =	ssyncset.done $0x0  }
0xb6: {  	[sflag:s23] =	ssyncadd.s32 $0xFFFFF000  }
0xb7: {  	_ =	swait.ge [sflag:s23], $0x1000  }
0xb8: {  	[sflag:s23] =	ssyncset.done $0x0  }
0xb9: {  	[sflag:s23] =	ssyncadd.s32 $0xFFFFF000  }
0xba: {  	[spmem:s1] =	stream.indirect.scatter.add.f32 [tilespmem:s28], [sflag:$0x3], $0x20, s26, s19, $0xb8;
	[tilespmem:$0x1CAA0] =	vst v63  }
0xbb: {  	_ = 	snop  }
0xbc: {  	[spmem:s1] =	stream.indirect.scatter.add.f32 [tilespmem:s30], [sflag:$0x3], $0x20, s31, s19, $0xb8;
	[tilespmem:$0x1CAA0] =	vst v63  }
0xbd: {  	_ =	swait.ge [sflag:s0], $0x1000  }
0xbe: {  	[sflag:s0] =	ssyncset.done $0x0  }
0xbf: {  	[sflag:s0] =	ssyncadd.s32 $0xFFFFF000  }
0xc0: {  	_ =	swait.ge [sflag:s0], $0x1000  }
0xc1: {  	[sflag:s0] =	ssyncset.done $0x0  }
0xc2: {  	s10 =	rddreg [dreg:$0x4];
	[sflag:s0] =	ssyncadd.s32 $0xFFFFF000  }
0xc3: {  	[tilespmem:s17], [sflag:$0x4] =	stream.linear.gather [hbm4b:s10+s2], $0x100, $0x38;
	[tilespmem:$0x1CAA0] =	vst v63  }
0xc4: {  	_ =	swait.ge [sflag:s16], $0x100  }
0xc5: {  	[sflag:s16] =	ssyncset.done $0x0  }
0xc6: {  	s11 =	rddreg [dreg:$0x5];
	[sflag:s16] =	ssyncadd.s32 $0xFFFFFF00  }
0xc7: {  	[tilespmem:s18], [sflag:$0x4] =	stream.linear.gather [hbm4b:s11+s2], $0x100, $0x38;
	[tilespmem:$0x1CAA0] =	vst v63  }
0xc8: {  	_ =	swait.ge [sflag:s16], $0x100  }
0xc9: {  	[sflag:s16] =	ssyncset.done $0x0  }
0xca: {  	[sflag:s16] =	ssyncadd.s32 $0xFFFFFF00  }
0xcb: {  	[tilespmem:s20], [sflag:$0x1] =	stream.indirect.gather [hbm4b:s4+s19], $0x20, s17, s19, $0xb8;
	[tilespmem:$0x1CAA0] =	vst v63  }
0xcc: {  	_ = 	snop  }
0xcd: {  	[tilespmem:s22], [sflag:$0x1] =	stream.indirect.gather [hbm4b:s4+s19], $0x20, s21, s19, $0xb8;
	[tilespmem:$0x1CAA0] =	vst v63  }
0xce: {  	_ =	swait.ge [sflag:s23], $0x1000  }
0xcf: {  	[sflag:s23] =	ssyncset.done $0x0  }
0xd0: {  	[sflag:s23] =	ssyncadd.s32 $0xFFFFF000  }
0xd1: {  	_ =	swait.ge [sflag:s23], $0x1000  }
0xd2: {  	[sflag:s23] =	ssyncset.done $0x0  }
0xd3: {  	[sflag:s23] =	ssyncadd.s32 $0xFFFFF000  }
0xd4: {  	[spmem:s1] =	stream.indirect.scatter.add.f32 [tilespmem:s20], [sflag:$0x2], $0x20, s18, s19, $0xb8;
	[tilespmem:$0x1CAA0] =	vst v63  }
0xd5: {  	_ = 	snop  }
0xd6: {  	[spmem:s1] =	stream.indirect.scatter.add.f32 [tilespmem:s22], [sflag:$0x2], $0x20, s24, s19, $0xb8;
	[tilespmem:$0x1CAA0] =	vst v63  }
0xd7: {  	_ =	swait.ge [sflag:s0], $0x1000  }
0xd8: {  	[sflag:s0] =	ssyncset.done $0x0  }
0xd9: {  	[sflag:s0] =	ssyncadd.s32 $0xFFFFF000  }
0xda: {  	_ =	swait.ge [sflag:s0], $0x1000  }
0xdb: {  	[sflag:s0] =	ssyncset.done $0x0  }
0xdc: {  	[sflag:s0] =	ssyncadd.s32 $0xFFFFF000  }
0xdd: {  	_ =	swait.ge [sflag:s3], $0x1000  }
0xde: {  	[sflag:s3] =	ssyncset.done $0x0  }
0xdf: {  	[sflag:s3] =	ssyncadd.s32 $0xFFFFF000  }
0xe0: {  	_ =	swait.ge [sflag:s3], $0x1000  }
0xe1: {  	s8 =	simm.s32 @p0 $0x186A0;
	[sflag:s3] =	ssyncset.done $0x0  }
0xe2: {  	s7 =	simm.s32 @p0 $0x0;
	s9 =	rddreg [dreg:$0x6];
	[sflag:s3] =	ssyncadd.s32 $0xFFFFF000  }
0xe3: {  	[tilespmem:s8], [sflag:$0x4] =	stream.linear.gather @p0 [hbm4b:s9+s7], $0x80, $0x38;
	[tilespmem:$0x1CAA0] =	vst v63  }
0xe4: {  	s9 =	simm.s32 @p0 $0x4  }
0xe5: {  	_ =	swait.ge @p0 [sflag:s9], $0x80  }
0xe6: {  	[sflag:s9] =	ssyncset.done @p0 $0x0  }
0xe7: {  	s10 =	simm.s32 @p0 $0x188A0;
	s11 =	rddreg [dreg:$0x7];
	[sflag:s9] =	ssyncadd.s32 @p0 $0xFFFFFF80  }
0xe8: {  	[tilespmem:s10], [sflag:$0x4] =	stream.linear.gather @p0 [hbm4b:s11+s7], $0x80, $0x38;
	[tilespmem:$0x1CAA0] =	vst v63  }
0xe9: {  	_ =	swait.ge @p0 [sflag:s9], $0x80  }
0xea: {  	[sflag:s9] =	ssyncset.done @p0 $0x0  }
0xeb: {  	s7 =	simm.s32 @p0 $0x80;
	s11 =	simm.s32 @p0 $0x18AA0;
	[sflag:s9] =	ssyncadd.s32 @p0 $0xFFFFFF80  }
0xec: {  	[tilespmem:s11], [sflag:$0x1] =	stream.indirect.gather @p0 [hbm4b:s4+s7], $0x20, s8, s7, $0xb8;
	[tilespmem:$0x1CAA0] =	vst v63  }
0xed: {  	s8 =	simm.s32 @p0 $0x1  }
0xee: {  	_ =	swait.ge @p0 [sflag:s8], $0x1000  }
0xef: {  	[sflag:s8] =	ssyncset.done @p0 $0x0  }
0xf0: {  	[sflag:s8] =	ssyncadd.s32 @p0 $0xFFFFF000  }
0xf1: {  	[spmem:s1] =	stream.indirect.scatter.add.f32 @p0 [tilespmem:s11], [sflag:$0x4], $0x20, s10, s7, $0xb8;
	[tilespmem:$0x1CAA0] =	vst v63  }
0xf2: {  	_ =	swait.ge @p0 [sflag:s9], $0x1000  }
0xf3: {  	[sflag:s9] =	ssyncset.done @p0 $0x0  }
0xf4: {  	[sflag:s9] =	ssyncadd.s32 @p0 $0xFFFFF000  }
0xf5: {  	[bflag:$0x0] =	sbarrier.arrive @p0 $0xFFFF  }
0xf6: {  	s5 =	sadd.s32 $0x1, s5;
	s7 =	sshrl.u32 @!p1 s1, $0x3;
	s8 =	rddreg [dreg:$0x8]  }
0xf7: {  	[hbm:s8], [sflag:s6] =	dma.local @!p1 [spmem:s7], $0x30D40  }
0xf8: {  	p2 =	sne.s32 s5, s12;
	s7 =	simm.s32 @!p1 $0x4  }
.Ltmp1:
0xf9: {  	_ =	swait.ge @!p1 [sflag:s7], $0x30D40;
	(pc) =	sbr.rel @p2 .LBB2_1-.Ltmp1, $3  }
0xfa: {  	[sflag:s7] =	ssyncset.done @!p1 $0x0  }
0xfb: {  	[sflag:s7] =	ssyncadd.s32 @!p1 $0xFFFCF2C0  }
0xfc: {  	[bflag:$0x0] =	sbarrier.arrive @!p0 $0xFFFF;
	_ =	sdelay $0x1  }
0xfd: {  	_ =	sfence.sel $0x180000  }
0xfe: {  	[bflag:$0x0] =	sbarrier.arrive $0xFFFF  }
0xff: {  	_ =	strace $0x9000004D  }
0x100: {  	s0 =	stileid.u32;
	[bflag:$0x2] =	sbarrier.arrive $0xFFFF  }
0x101: {  	p0 =	sne.s32 s0, $0x0;
	s0 =	rddreg [dreg:$0x2]  }
0x102: {  	s0 =	sadd.s32 @!p0 $0x100000, s0  }
0x103: {  	[sflag:s0] =	ssyncadd.tile.s32 @!p0 $0x1;
	_ =	shalt  }
.Lfunc_end2:
_tile_overlayer_lowered:
.L_overlay_start_2:
0x104: {  	(tag) =	ssettag $0x2  }
0x105: {  	s0 =	rddreg [dreg:$0x0];
	s2 =	stileid.u32  }
0x106: {  	s1 =	rddreg [dreg:$0x1];
	p0 =	sne.s32 s2, $0x0  }
0x107: {  	s3 =	rddreg [dreg:$0x2];
	[bflag:$0x3] =	sbarrier.arrive $0xFFFF;
	s2 =	simm.s32 @!p0 $0x1C04  }
0x108: {  	[timem:s3], [sflag:s2] =	dma.local @!p0 [hbm:s0], s1  }
0x109: {  	s0 =	simm.s32 @!p0 $0x4  }
0x10a: {  	_ =	swait.ge @!p0 [sflag:s0], s1  }
0x10b: {  	s1 =	ssub.s32 @!p0 $0x0, s1;
	[sflag:s0] =	ssyncset.done @!p0 $0x0  }
0x10c: {  	[sflag:s0] =	ssyncadd.s32 @!p0 s1  }
0x10d: {  	[bflag:$0x3] =	sbarrier.arrive $0xFFFF  }
0x10e: {  	_ =	shalt  }

// kernel: _run.9.cloned.1.call-start
scs
__scs_entry_jumppad:
0x0: {  	(pc) =	sbr.rel $0x88, $3  }
0x1: {  	(tag) =	ssettag $0x0;
	lr =	simm.s32 $0x1  }
0x2: {  	[smem:$0x3F92] =	sst lr;
	_ =	strace $0xD0000000  }
0x3: {  	_ = 	snop  }
0x4: {  	_ = 	snop  }
0x5: {  	_ = 	snop  }
0x6: {  	_ = 	snop  }
0x7: {  	_ = 	snop  }
__scs_overlays_trampoline_lowered:
0x8: {  	[smem:$0x3FA1] =	sst s0  }
0x9: {  	[smem:$0x3FA2] =	sst s1  }
0xa: {  	[smem:$0x3FA3] =	sst s2  }
0xb: {  	[smem:$0x3FA4] =	sst s3  }
0xc: {  	[smem:$0x3FA5] =	sst s4  }
0xd: {  	[smem:$0x3FA6] =	sst s5  }
0xe: {  	[smem:$0x3FA7] =	sst s6  }
0xf: {  	[smem:$0x3FA8] =	sst s7  }
0x10: {  	[smem:$0x3FA9] =	sst s8  }
0x11: {  	[smem:$0x3FAA] =	sst s9;
	s0 =	simm.s32 @!p0 $0x0  }
0x12: {  	s1 =	sld [smem:$0x3F90];
	s0 =	simm.s32 @p0 $0x1  }
0x13: {  	[smem:$0x3FAB] =	sst s0;
	s0 =	simm.s32 @!p1 $0x0  }
0x14: {  	s2 =	sld [smem:$0x3F8F];
	s0 =	simm.s32 @p1 $0x1  }
0x15: {  	[smem:$0x3FAC] =	sst s0;
	s0 =	simm.s32 @!p2 $0x0  }
0x16: {  	s3 =	sld [smem:$0x3FDB];
	s0 =	simm.s32 @p2 $0x1  }
0x17: {  	s4 =	simm.s32 $0x1BF5;
	[smem:$0x3FAE] =	sst s0  }
0x18: {  	s0 =	sld [smem:$0x3F91];
	_ =	swait.ge [sflag:s4], $0x0  }
0x19: {  	s7 =	sld [smem:$0x3F92]  }
0x1a: {  	s8 =	sadd.s32 $0xFFFFE003, lr  }
0x1b: {  	s9 =	sadd.s32 $0xFFFFFEF7, lr;
	s5 =	simm.s32 $0xFFFFFFFF;
	p2 =	slt.u32 s8, $0xFFFFF086  }
0x1c: {  	p1 =	slt.u32 s9, $0xF7A;
	s5 =	simm.s32 @!p2 $0x0  }
0x1d: {  	s5 =	simm.s32 @p1 $0x1;
	p0 =	seq.s32 s7, s2  }
0x1e: {  	s7 =	smul.u32 @!p0 $0xF7A, s2;
	p2 =	seq.s32 @!p0 s5, $0x0  }
0x1f: {  	s9 =	smul.u32 $0xF7A, s1;
	s8 =	simm.s32 @!p0 $0x1BF5;
	p2 =	por !p2, p0  }
0x20: {  	[sflag:s8] =	ssyncset.s32 @!p0 $0xFFFFF086;
	s6 =	sadd.s32 @!p0 s3, s7;
	s7 =	simm.s32 @!p0 $0x108  }
0x21: {  	s3 =	sadd.s32 s3, s9;
	s6 =	sadd.s32 @!p0 $0x88, s6;
	s7 =	simm.s32 @p2 $0x1082  }
0x22: {  	[simem:s7], [sflag:s8] =	dma.local @!p0 [hbm:s6], $0xF7A  }
0x23: {  	s9 =	sor.u32 $0xD0000000, s2;
	s6 =	simm.s32 $0x108;
	_ =	swait.ge @!p0 [sflag:s8], $0x0  }
0x24: {  	s3 =	sadd.s32 $0x88, s3;
	s6 =	simm.s32 @!p1 $0x1082;
	[sflag:s4] =	ssyncset.s32 $0xFFFFF086  }
0x25: {  	[simem:s6], [sflag:s4] =	dma.local [hbm:s3], $0xF7A  }
0x26: {  	[smem:$0x3F92] =	sst s1;
	(tag) =	ssettag s2;
	_ =	strace s9  }
0x27: {  	s1 =	sld [smem:$0x3FA2]  }
0x28: {  	s2 =	sld [smem:$0x3FA3]  }
0x29: {  	s4 =	sld [smem:$0x3FA5]  }
0x2a: {  	p0 =	seq.s32 s5, $0x0;
	s5 =	sld [smem:$0x3FA6]  }
0x2b: {  	s6 =	sld [smem:$0x3FA7]  }
0x2c: {  	s7 =	sld [smem:$0x3FA8]  }
0x2d: {  	s3 =	simm.s32 $0x108;
	s8 =	sld [smem:$0x3FA9]  }
0x2e: {  	s3 =	simm.s32 @!p0 $0x1082;
	s9 =	sld [smem:$0x3FAA]  }
0x2f: {  	lr =	sadd.s32 s0, s3;
	s0 =	sld [smem:$0x3FA1]  }
0x30: {  	s3 =	sld [smem:$0x3FA4]  }
0x31: {  	[smem:$0x3FAD] =	sst s10  }
0x32: {  	s10 =	sld [smem:$0x3FAB];
	_ =	sdelay $0x3  }
0x33: {  	p0 =	seq.s32 s10, $0x1;
	s10 =	sld [smem:$0x3FAD];
	_ =	sdelay $0x3  }
0x34: {  	[smem:$0x3FAD] =	sst s10  }
0x35: {  	s10 =	sld [smem:$0x3FAC];
	_ =	sdelay $0x3  }
0x36: {  	p1 =	seq.s32 s10, $0x1;
	s10 =	sld [smem:$0x3FAD];
	_ =	sdelay $0x3  }
0x37: {  	[smem:$0x3FAD] =	sst s10  }
0x38: {  	s10 =	sld [smem:$0x3FAE]  }
0x39: {  	_ = 	snop;
	(pc) =	sbr.ind lr, $3  }
0x3a: {  	_ = 	snop  }
0x3b: {  	_ = 	snop  }
0x3c: {  	p2 =	seq.s32 s10, $0x1;
	s10 =	sld [smem:$0x3FAD]  }
0x3d: {  	_ =	shalt  }
0x3e: {  	_ =	shalt  }
0x3f: {  	_ =	shalt  }
0x40: {  	_ =	shalt  }
0x41: {  	_ =	shalt  }
0x42: {  	_ =	shalt  }
0x43: {  	_ =	shalt  }
0x44: {  	_ =	shalt  }
0x45: {  	_ =	shalt  }
0x46: {  	_ =	shalt  }
0x47: {  	_ =	shalt  }
0x48: {  	_ =	shalt  }
0x49: {  	_ =	shalt  }
0x4a: {  	_ =	shalt  }
0x4b: {  	_ =	shalt  }
0x4c: {  	_ =	shalt  }
0x4d: {  	_ =	shalt  }
0x4e: {  	_ =	shalt  }
0x4f: {  	_ =	shalt  }
0x50: {  	_ =	shalt  }
0x51: {  	_ =	shalt  }
0x52: {  	_ =	shalt  }
0x53: {  	_ =	shalt  }
0x54: {  	_ =	shalt  }
0x55: {  	_ =	shalt  }
0x56: {  	_ =	shalt  }
0x57: {  	_ =	shalt  }
0x58: {  	_ =	shalt  }
0x59: {  	_ =	shalt  }
0x5a: {  	_ =	shalt  }
0x5b: {  	_ =	shalt  }
0x5c: {  	_ =	shalt  }
0x5d: {  	_ =	shalt  }
0x5e: {  	_ =	shalt  }
0x5f: {  	_ =	shalt  }
0x60: {  	_ =	shalt  }
0x61: {  	_ =	shalt  }
0x62: {  	_ =	shalt  }
0x63: {  	_ =	shalt  }
0x64: {  	_ =	shalt  }
0x65: {  	_ =	shalt  }
0x66: {  	_ =	shalt  }
0x67: {  	_ =	shalt  }
0x68: {  	_ =	shalt  }
0x69: {  	_ =	shalt  }
0x6a: {  	_ =	shalt  }
0x6b: {  	_ =	shalt  }
0x6c: {  	_ =	shalt  }
0x6d: {  	_ =	shalt  }
0x6e: {  	_ =	shalt  }
0x6f: {  	_ =	shalt  }
0x70: {  	_ =	shalt  }
0x71: {  	_ =	shalt  }
0x72: {  	_ =	shalt  }
0x73: {  	_ =	shalt  }
0x74: {  	_ =	shalt  }
0x75: {  	_ =	shalt  }
0x76: {  	_ =	shalt  }
0x77: {  	_ =	shalt  }
0x78: {  	_ =	shalt  }
0x79: {  	_ =	shalt  }
0x7a: {  	_ =	shalt  }
0x7b: {  	_ =	shalt  }
0x7c: {  	_ =	shalt  }
0x7d: {  	_ =	shalt  }
0x7e: {  	_ =	shalt  }
0x7f: {  	_ =	shalt  }
0x80: {  	_ =	shalt  }
0x81: {  	_ =	shalt  }
0x82: {  	_ =	shalt  }
0x83: {  	_ =	shalt  }
0x84: {  	_ =	shalt  }
0x85: {  	_ =	shalt  }
0x86: {  	_ =	shalt  }
0x87: {  	_ =	shalt  }
.Lfunc_end0:
.L_simem_size_0:
called_computation_lowered:
.L_overlay_start_0:
0x88: {  	s2 =	sld [smem:$0x3FD9]  }
0x89: {  	s3 =	sld [smem:$0x3FFE];
	_ =	sdelay $0x1  }
0x8a: {  	s1 =	srdreg.scid  }
0x8b: {  	s0 =	sand.u32 $0x1, s1  }
0x8c: {  	s16 =	sshll.u32 s0, $0xA;
	s2 =	sadd.s32 s3, s2  }
0x8d: {  	s2 =	sadd.s32 s2, s16  }
0x8e: {  	[smem:$0x3FB9] =	sst s2  }
0x8f: {  	_ = 	snop  }
0x90: {  	(tm) =	ssettm $0x1  }
0x91: {  	s17 =	sld [smem:$0x3FFB];
	_ =	sdelay $0x3  }
0x92: {  	_ =	strace s17  }
0x93: {  	s2 =	sld [smem:$0x3FFC];
	_ =	sdelay $0x3  }
0x94: {  	_ =	strace s2  }
0x95: {  	s2 =	sld [smem:$0x3FFD];
	_ =	sdelay $0x3  }
0x96: {  	_ =	strace s2  }
0x97: {  	_ =	strace $0x8FFFFFFF  }
0x98: {  	s18 =	sld [smem:$0x3FDB];
	_ =	sdelay $0x1  }
0x99: {  	s19 =	simm.s32 $_scs_section_size  }
0x9a: {  	s4 =	simm.s32 $_size__tile_overlayer_lowered;
	s5 =	simm.s32 $_tile_overlayer_lowered  }
0x9b: {  	s22 =	simm.s32 $0x1BFF;
	s21 =	sshll.u32 s5, $0x1;
	s2 =	sadd.s32 s19, s18  }
0x9c: {  	s6 =	simm.s32 $0x0;
	s20 =	sshll.u32 s4, $0x1;
	s4 =	sadd.s32 s21, s2  }
0x9d: {  	[timem:s6], [sflag:s22] =	dma.local [hbm:s4], s20  }
0x9e: {  	_ =	swait.ge [sflag:s22], s20  }
0x9f: {  	s3 =	ssub.s32 $0x0, s20;
	[sflag:s22] =	ssyncset.done $0x0  }
0xa0: {  	[sflag:s22] =	ssyncadd.s32 s3;
	_ =	sdelay $0x1  }
0xa1: {  	s23 =	simm.s32 $0x1B8B  }
0xa2: {  	_ =	swait.ge [sflag:s23], $0x1  }
0xa3: {  	[sflag:s23] =	ssyncset.done $0x0  }
0xa4: {  	s25 =	simm.s32 $0x1B8E;
	s24 =	sld [smem:$0x3FFE];
	[sflag:s23] =	ssyncadd.s32 $0xFFFFFFFF  }
0xa5: {  	s26 =	simm.s32 $execute0_lowered;
	[smem:$0x3FD2] =	sst s25  }
0xa6: {  	s4 =	sshll.u32 s26, $0x1;
	_ =	strace $0x80000046;
	[dreg:$0x1] =	wrdreg $0xFFFFFFFF  }
0xa7: {  	s28 =	simm.s32 $_size_execute0_lowered;
	s2 =	sadd.s32 s2, s4;
	[dreg:$0x0] =	wrdreg $0x0  }
0xa8: {  	s4 =	sshll.u32 s28, $0x1;
	[dreg:$0x2] =	wrdreg s2  }
0xa9: {  	[dreg:$0x3] =	wrdreg s4  }
0xaa: {  	[dreg:$0x4] =	wrdreg $0xC0  }
0xab: {  	_ =	task [dreg:s6], $0x5FFFF  }
0xac: {  	[dreg:$0x1] =	wrdreg $0xFFFFFFFF  }
0xad: {  	[dreg:$0x0] =	wrdreg $0x60  }
0xae: {  	[dreg:$0x2] =	wrdreg s24  }
0xaf: {  	[dreg:$0x3] =	wrdreg $0x0  }
0xb0: {  	[dreg:$0x4] =	wrdreg $0x9  }
0xb1: {  	_ =	task.clear_ibuf [dreg:s6], $0x5FFFF;
	_ =	strace $0x90000046  }
0xb2: {  	s29 =	simm.s32 $0x9;
	_ =	strace $0x80000048  }
0xb3: {  	_ =	swait.ge [sflag:s29], $0x1  }
0xb4: {  	[sflag:s29] =	ssyncadd.s32 $0xFFFFFFFF  }
0xb5: {  	_ =	strace $0x90000048  }
0xb6: {  	_ =	sfence  }
0xb7: {  	s30 =	sld [smem:$0x0];
	_ =	sdelay $0x2  }
0xb8: {  	s31 =	sshll.u32 s1, $0xD;
	s1 =	sshrl.u32 s1, $0x2  }
0xb9: {  	s3 =	sand.u32 $0x4000, s31;
	s1 =	sadd.s32 s1, s30  }
0xba: {  	s0 =	sor.u32 s3, s0;
	s1 =	sshll.u32 s1, $0x11  }
0xbb: {  	s0 =	sor.u32 s1, s0  }
0xbc: {  	s0 =	sadd.s32 $0x8F2B, s0  }
0xbd: {  	[sflag:s0] =	ssyncadd.remote.s32 $0x1  }
0xbe: {  	_ =	sfence.sel $0xFFFF  }
0xbf: {  	[dreg:$0x0] =	wrdreg $0xFFFFFFFF;
	(pc) =	sbr.abs _section_cstart, $3  }
0xc0: {  	[dreg:$0x1] =	wrdreg $0xFFFFFFFF  }
0xc1: {  	_ =	task.clear_ibuf [dreg:s6], $0x2FFFF;
	_ =	strace $0x9FFFFFFF  }
0xc2: {  	(tm) =	ssettm $0x7FFFFFFF  }
0xc3: {  	_ =	shalt  }
tec
execute0_lowered:
.L_overlay_start_1:
0x0: {  	(tag) =	ssettag $0x1  }
0x1: {  	s0 =	rddreg [dreg:$0x0]  }
0x2: {  	s1 =	rddreg [dreg:$0x1]  }
0x3: {  	s2 =	simm.s32 $0x0;
	s3 =	srdreg.scid;
	s10 =	stileid.u32  }
0x4: {  	s12 =	simm.s32 $0x3;
	s13 =	simm.s32 $0xCD50;
	s14 =	simm.s32 $0xC350  }
0x5: {  	s15 =	simm.s32 $0x80;
	s16 =	simm.s32 $0xC3D0;
	s17 =	simm.s32 $0xC450  }
0x6: {  	s28 =	simm.s32 $0xC950;
	s29 =	simm.s32 $0xC9D0;
	s30 =	simm.s32 $0xCA50  }
0x7: {  	s31 =	simm.s32 $0xCAD0;
	[smem:$0x7FF] =	sst s2;
	s3 =	sand.u32 $0x1, s3  }
0x8: {  	s4 =	sadd.s32 $0x1B000, s0;
	s6 =	sadd.s32 $0x7CC00, s0;
	s19 =	smul.u32 $0x30D40, s10  }
0x9: {  	s18 =	sadd.s32 $0x7CE00, s0;
	s9 =	smul.u32 $0x186, s10;
	s20 =	sshll.u32 s10, $0x6  }
0xa: {  	s22 =	smul.u32 $0x1860, s10;
	_ =	strace $0x80000047;
	[dreg:$0x4] =	wrdreg s6  }
0xb: {  	p0 =	slt.u32 s10, $0xA;
	s5 =	smul.u32 $0x186A0, s3;
	[dreg:$0x5] =	wrdreg s18  }
0xc: {  	s7 =	ssub.s32 $0x2, s3;
	s3 =	smul.u32 $0x186A, s3;
	s11 =	sor.u32 $0x1C03, s20  }
0xd: {  	s18 =	simm.s32 $0xC4D0;
	s20 =	simm.s32 $0xC5D0;
	p1 =	sne.s32 @p0 s10, $0x0  }
0xe: {  	s8 =	sshrl.u32 s7, $0x1;
	s6 =	sshrl.u32 s19, $0x2;
	s19 =	simm.s32 $0xC550  }
0xf: {  	p1 =	por p1, !p0;
	[dreg:$0x6] =	wrdreg s11;
	s0 =	sadd.s32 s5, s0  }
0x10: {  	s7 =	ssub.s32 s7, s8;
	s21 =	sadd.s32 s9, s3;
	s3 =	sadd.s32 s10, s3  }
0x11: {  	s6 =	sadd.s32 s6, s1;
	s8 =	sshll.u32 s21, $0x4;
	s3 =	sshll.u32 s3, $0x4  }
0x12: {  	s0 =	sadd.s32 $0x7E800, s0;
	s25 =	smax.u32 s7, $0x1;
	s26 =	sshrl.u32 s6, $0x3  }
0x13: {  	s21 =	simm.s32 $0xC650;
	s7 =	simm.s32 $0x1;
	[dreg:$0x9] =	wrdreg s0  }
0x14: {  	s8 =	sadd.s32 s8, s4;
	s3 =	sadd.s32 s4, s3;
	[dreg:$0xa] =	wrdreg s25  }
0x15: {  	s4 =	sadd.s32 s5, s4;
	[dreg:$0xb] =	wrdreg s26;
	s25 =	simm.s32 $0xC850  }
0x16: {  	s26 =	simm.s32 $0xC8D0;
	s0 =	simm.s32 $0xCB50;
	s23 =	sadd.s32 $0x17C0, s8  }
0x17: {  	s5 =	simm.s32 $0xCCD0;
	s3 =	sadd.s32 $0x18600, s3;
	[dreg:$0x7] =	wrdreg s23  }
0x18: {  	s24 =	sadd.s32 s22, s4;
	s22 =	simm.s32 $0xC6D0;
	[dreg:$0x8] =	wrdreg s3  }
0x19: {  	s4 =	simm.s32 $0xCC50;
	s8 =	simm.s32 $0x0;
	[dreg:$0x3] =	wrdreg s24  }
0x1a: {  	s23 =	simm.s32 $0xC750;
	s24 =	simm.s32 $0xC7D0;
	s3 =	simm.s32 $0xCBD0  }
.LBB2_1:
0x1b: {  	[dreg:$0xc] =	wrdreg s8  }
0x1c: {  	s6 =	rddreg [dreg:$0x5]  }
0x1d: {  	s9 =	rddreg [dreg:$0xb]  }
0x1e: {  	[spmem:s9], [sflag:s11] =	dma.local [hbm:s6], $0x186A  }
0x1f: {  	_ =	swait.ge [sflag:s12], $0x186A  }
0x20: {  	[sflag:s12] =	ssyncset.done $0x0  }
0x21: {  	s10 =	rddreg [dreg:$0x4];
	[sflag:s12] =	ssyncadd.s32 $0xFFFFE796  }
0x22: {  	[tilespmem:s13], [sflag:$0x3] =	stream.linear.gather [hbm4b:s10+s2], $0x800, $0x38;
	[tilespmem:$0xD550] =	vst v63  }
0x23: {  	_ =	swait.ge [sflag:s12], $0x800  }
0x24: {  	p2 =	por $0x1, $0x1;
	[sflag:s12] =	ssyncset.done $0x0  }
0x25: {  	p2 =	por p2, p2;
	[sflag:s12] =	ssyncadd.s32 $0xFFFFF800  }
0x26: {  	s6 =	simm.s32 @!p2 $0x1;
	[bflag:$0x0] =	sbarrier.arrive $0xFFFF  }
0x27: {  	_ =	swait.ge @!p2 [sflag:s6], $0x800  }
0x28: {  	[sflag:s6] =	ssyncset.done @!p2 $0x0  }
0x29: {  	[sflag:s6] =	ssyncadd.s32 @!p2 $0xFFFFF800  }
0x2a: {  	_ =	swait.ge @!p2 [sflag:s6], $0x800  }
0x2b: {  	[sflag:s6] =	ssyncset.done @!p2 $0x0  }
0x2c: {  	[sflag:s6] =	ssyncadd.s32 @!p2 $0xFFFFF800  }
0x2d: {  	_ =	swait.ge @!p2 [sflag:s6], $0x800  }
0x2e: {  	[sflag:s6] =	ssyncset.done @!p2 $0x0  }
0x2f: {  	[sflag:s6] =	ssyncadd.s32 @!p2 $0xFFFFF800  }
0x30: {  	_ =	swait.ge @!p2 [sflag:s6], $0x800  }
0x31: {  	[sflag:s6] =	ssyncset.done @!p2 $0x0  }
0x32: {  	[sflag:s6] =	ssyncadd.s32 @!p2 $0xFFFFF800  }
0x33: {  	_ =	swait.ge @!p2 [sflag:s6], $0x800  }
0x34: {  	[sflag:s6] =	ssyncset.done @!p2 $0x0  }
0x35: {  	[sflag:s6] =	ssyncadd.s32 @!p2 $0xFFFFF800  }
0x36: {  	_ =	swait.ge @!p2 [sflag:s6], $0x800  }
0x37: {  	[sflag:s6] =	ssyncset.done @!p2 $0x0  }
0x38: {  	[sflag:s6] =	ssyncadd.s32 @!p2 $0xFFFFF800  }
0x39: {  	_ =	swait.ge @!p2 [sflag:s6], $0x800  }
0x3a: {  	[sflag:s6] =	ssyncset.done @!p2 $0x0  }
0x3b: {  	[sflag:s6] =	ssyncadd.s32 @!p2 $0xFFFFF800  }
0x3c: {  	_ =	swait.ge @!p2 [sflag:s6], $0x800  }
0x3d: {  	[sflag:s6] =	ssyncset.done @!p2 $0x0  }
0x3e: {  	[sflag:s6] =	ssyncadd.s32 @!p2 $0xFFFFF800  }
0x3f: {  	_ =	swait.ge @!p2 [sflag:s6], $0x800  }
0x40: {  	[sflag:s6] =	ssyncset.done @!p2 $0x0  }
0x41: {  	[sflag:s6] =	ssyncadd.s32 @!p2 $0xFFFFF800  }
0x42: {  	_ =	swait.ge @!p2 [sflag:s6], $0x800  }
0x43: {  	s9 =	rddreg [dreg:$0x3];
	[sflag:s6] =	ssyncset.done @!p2 $0x0  }
0x44: {  	[sflag:s6] =	ssyncadd.s32 @!p2 $0xFFFFF800;
	s11 =	sadd.s32 $0x0, s9  }
0x45: {  	[tilespmem:s14], [sflag:$0x3] =	stream.linear.gather [hbm4b:s11+s2], $0x500, $0x38;
	[tilespmem:$0xD550] =	vst v63  }
0x46: {  	_ =	swait.ge [sflag:s12], $0x500  }
0x47: {  	[sflag:s12] =	ssyncset.done $0x0  }
0x48: {  	[sflag:s12] =	ssyncadd.s32 $0xFFFFFB00  }
0x49: {  	[spmem:s1] =	stream.indirect.scatter.add.f32 [tilespmem:s13], [sflag:$0x1], $0x10, s14, s15, $0xb8;
	[tilespmem:$0xD550] =	vst v63  }
0x4a: {  	_ = 	snop  }
0x4b: {  	[spmem:s1] =	stream.indirect.scatter.add.f32 [tilespmem:s13], [sflag:$0x1], $0x10, s16, s15, $0xb8;
	[tilespmem:$0xD550] =	vst v63  }
0x4c: {  	_ = 	snop  }
0x4d: {  	[spmem:s1] =	stream.indirect.scatter.add.f32 [tilespmem:s13], [sflag:$0x1], $0x10, s17, s15, $0xb8;
	[tilespmem:$0xD550] =	vst v63  }
0x4e: {  	_ = 	snop  }
0x4f: {  	[spmem:s1] =	stream.indirect.scatter.add.f32 [tilespmem:s13], [sflag:$0x1], $0x10, s18, s15, $0xb8;
	[tilespmem:$0xD550] =	vst v63  }
0x50: {  	_ = 	snop  }
0x51: {  	[spmem:s1] =	stream.indirect.scatter.add.f32 [tilespmem:s13], [sflag:$0x1], $0x10, s19, s15, $0xb8;
	[tilespmem:$0xD550] =	vst v63  }
0x52: {  	_ = 	snop  }
0x53: {  	[spmem:s1] =	stream.indirect.scatter.add.f32 [tilespmem:s13], [sflag:$0x1], $0x10, s20, s15, $0xb8;
	[tilespmem:$0xD550] =	vst v63  }
0x54: {  	_ = 	snop  }
0x55: {  	[spmem:s1] =	stream.indirect.scatter.add.f32 [tilespmem:s13], [sflag:$0x1], $0x10, s21, s15, $0xb8;
	[tilespmem:$0xD550] =	vst v63  }
0x56: {  	_ = 	snop  }
0x57: {  	[spmem:s1] =	stream.indirect.scatter.add.f32 [tilespmem:s13], [sflag:$0x1], $0x10, s22, s15, $0xb8;
	[tilespmem:$0xD550] =	vst v63  }
0x58: {  	_ = 	snop  }
0x59: {  	[spmem:s1] =	stream.indirect.scatter.add.f32 [tilespmem:s13], [sflag:$0x1], $0x10, s23, s15, $0xb8;
	[tilespmem:$0xD550] =	vst v63  }
0x5a: {  	s9 =	simm.s32 @!p2 $0x2  }
0x5b: {  	[spmem:s1] =	stream.indirect.scatter.add.f32 [tilespmem:s13], [sflag:$0x1], $0x10, s24, s15, $0xb8;
	[tilespmem:$0xD550] =	vst v63  }
0x5c: {  	_ =	swait.ge @!p2 [sflag:s9], $0x800  }
0x5d: {  	[sflag:s9] =	ssyncset.done @!p2 $0x0  }
0x5e: {  	[sflag:s9] =	ssyncadd.s32 @!p2 $0xFFFFF800  }
0x5f: {  	_ =	swait.ge @!p2 [sflag:s9], $0x800  }
0x60: {  	[sflag:s9] =	ssyncset.done @!p2 $0x0  }
0x61: {  	[sflag:s9] =	ssyncadd.s32 @!p2 $0xFFFFF800  }
0x62: {  	_ =	swait.ge @!p2 [sflag:s9], $0x800  }
0x63: {  	[sflag:s9] =	ssyncset.done @!p2 $0x0  }
0x64: {  	[sflag:s9] =	ssyncadd.s32 @!p2 $0xFFFFF800  }
0x65: {  	_ =	swait.ge @!p2 [sflag:s9], $0x800  }
0x66: {  	[sflag:s9] =	ssyncset.done @!p2 $0x0  }
0x67: {  	[sflag:s9] =	ssyncadd.s32 @!p2 $0xFFFFF800  }
0x68: {  	_ =	swait.ge @!p2 [sflag:s9], $0x800  }
0x69: {  	[sflag:s9] =	ssyncset.done @!p2 $0x0  }
0x6a: {  	[sflag:s9] =	ssyncadd.s32 @!p2 $0xFFFFF800  }
0x6b: {  	_ =	swait.ge @!p2 [sflag:s9], $0x800  }
0x6c: {  	[sflag:s9] =	ssyncset.done @!p2 $0x0  }
0x6d: {  	[sflag:s9] =	ssyncadd.s32 @!p2 $0xFFFFF800  }
0x6e: {  	_ =	swait.ge @!p2 [sflag:s9], $0x800  }
0x6f: {  	[sflag:s9] =	ssyncset.done @!p2 $0x0  }
0x70: {  	[sflag:s9] =	ssyncadd.s32 @!p2 $0xFFFFF800  }
0x71: {  	_ =	swait.ge @!p2 [sflag:s9], $0x800  }
0x72: {  	[sflag:s9] =	ssyncset.done @!p2 $0x0  }
0x73: {  	[sflag:s9] =	ssyncadd.s32 @!p2 $0xFFFFF800  }
0x74: {  	_ =	swait.ge @!p2 [sflag:s9], $0x800  }
0x75: {  	[sflag:s9] =	ssyncset.done @!p2 $0x0  }
0x76: {  	[sflag:s9] =	ssyncadd.s32 @!p2 $0xFFFFF800  }
0x77: {  	_ =	swait.ge @!p2 [sflag:s9], $0x800  }
0x78: {  	[sflag:s9] =	ssyncset.done @!p2 $0x0  }
0x79: {  	s6 =	sadd.s32 $0xA0, s11;
	[sflag:s9] =	ssyncadd.s32 @!p2 $0xFFFFF800  }
0x7a: {  	[tilespmem:s25], [sflag:$0x3] =	stream.linear.gather [hbm4b:s6+s2], $0x500, $0x38;
	[tilespmem:$0xD550] =	vst v63  }
0x7b: {  	_ =	swait.ge [sflag:s12], $0x500  }
0x7c: {  	[sflag:s12] =	ssyncset.done $0x0  }
0x7d: {  	[sflag:s12] =	ssyncadd.s32 $0xFFFFFB00  }
0x7e: {  	[spmem:s1] =	stream.indirect.scatter.add.f32 [tilespmem:s13], [sflag:$0x2], $0x10, s25, s15, $0xb8;
	[tilespmem:$0xD550] =	vst v63  }
0x7f: {  	_ = 	snop  }
0x80: {  	[spmem:s1] =	stream.indirect.scatter.add.f32 [tilespmem:s13], [sflag:$0x2], $0x10, s26, s15, $0xb8;
	[tilespmem:$0xD550] =	vst v63  }
0x81: {  	_ = 	snop  }
0x82: {  	[spmem:s1] =	stream.indirect.scatter.add.f32 [tilespmem:s13], [sflag:$0x2], $0x10, s28, s15, $0xb8;
	[tilespmem:$0xD550] =	vst v63  }
0x83: {  	_ = 	snop  }
0x84: {  	[spmem:s1] =	stream.indirect.scatter.add.f32 [tilespmem:s13], [sflag:$0x2], $0x10, s29, s15, $0xb8;
	[tilespmem:$0xD550] =	vst v63  }
0x85: {  	_ = 	snop  }
0x86: {  	[spmem:s1] =	stream.indirect.scatter.add.f32 [tilespmem:s13], [sflag:$0x2], $0x10, s30, s15, $0xb8;
	[tilespmem:$0xD550] =	vst v63  }
0x87: {  	_ = 	snop  }
0x88: {  	[spmem:s1] =	stream.indirect.scatter.add.f32 [tilespmem:s13], [sflag:$0x2], $0x10, s31, s15, $0xb8;
	[tilespmem:$0xD550] =	vst v63  }
0x89: {  	_ = 	snop  }
0x8a: {  	[spmem:s1] =	stream.indirect.scatter.add.f32 [tilespmem:s13], [sflag:$0x2], $0x10, s0, s15, $0xb8;
	[tilespmem:$0xD550] =	vst v63  }
0x8b: {  	p6 =	por $0x0, $0x0  }
0x8c: {  	[spmem:s1] =	stream.indirect.scatter.add.f32 [tilespmem:s13], [sflag:$0x2], $0x10, s3, s15, $0xb8;
	[tilespmem:$0xD550] =	vst v63  }
0x8d: {  	s10 =	simm.s32 $0x140;
	s11 =	simm.s32 $0x280;
	p2 =	por p6, p6  }
0x8e: {  	[spmem:s1] =	stream.indirect.scatter.add.f32 [tilespmem:s13], [sflag:$0x2], $0x10, s4, s15, $0xb8;
	[tilespmem:$0xD550] =	vst v63  }
.LBB2_2:
0x8f: {  	[spmem:s1] =	stream.indirect.scatter.add.f32 [tilespmem:s13], [sflag:$0x2], $0x10, s5, s15, $0xb8;
	[tilespmem:$0xD550] =	vst v63  }
0x90: {  	s6 =	simm.s32 @!p2 $0x1  }
0x91: {  	_ =	swait.ge @!p2 [sflag:s6], $0x800  }
0x92: {  	[sflag:s6] =	ssyncset.done @!p2 $0x0  }
0x93: {  	[sflag:s6] =	ssyncadd.s32 @!p2 $0xFFFFF800  }
0x94: {  	_ =	swait.ge @!p2 [sflag:s6], $0x800  }
0x95: {  	[sflag:s6] =	ssyncset.done @!p2 $0x0  }
0x96: {  	[sflag:s6] =	ssyncadd.s32 @!p2 $0xFFFFF800  }
0x97: {  	_ =	swait.ge @!p2 [sflag:s6], $0x800  }
0x98: {  	[sflag:s6] =	ssyncset.done @!p2 $0x0  }
0x99: {  	[sflag:s6] =	ssyncadd.s32 @!p2 $0xFFFFF800  }
0x9a: {  	_ =	swait.ge @!p2 [sflag:s6], $0x800  }
0x9b: {  	[sflag:s6] =	ssyncset.done @!p2 $0x0  }
0x9c: {  	[sflag:s6] =	ssyncadd.s32 @!p2 $0xFFFFF800  }
0x9d: {  	_ =	swait.ge @!p2 [sflag:s6], $0x800  }
0x9e: {  	[sflag:s6] =	ssyncset.done @!p2 $0x0  }
0x9f: {  	[sflag:s6] =	ssyncadd.s32 @!p2 $0xFFFFF800  }
0xa0: {  	_ =	swait.ge @!p2 [sflag:s6], $0x800  }
0xa1: {  	[sflag:s6] =	ssyncset.done @!p2 $0x0  }
0xa2: {  	[sflag:s6] =	ssyncadd.s32 @!p2 $0xFFFFF800  }
0xa3: {  	_ =	swait.ge @!p2 [sflag:s6], $0x800  }
0xa4: {  	[sflag:s6] =	ssyncset.done @!p2 $0x0  }
0xa5: {  	[sflag:s6] =	ssyncadd.s32 @!p2 $0xFFFFF800  }
0xa6: {  	_ =	swait.ge @!p2 [sflag:s6], $0x800  }
0xa7: {  	[sflag:s6] =	ssyncset.done @!p2 $0x0  }
0xa8: {  	[sflag:s6] =	ssyncadd.s32 @!p2 $0xFFFFF800  }
0xa9: {  	_ =	swait.ge @!p2 [sflag:s6], $0x800  }
0xaa: {  	[sflag:s6] =	ssyncset.done @!p2 $0x0  }
0xab: {  	[sflag:s6] =	ssyncadd.s32 @!p2 $0xFFFFF800  }
0xac: {  	_ =	swait.ge @!p2 [sflag:s6], $0x800  }
0xad: {  	[sflag:s6] =	ssyncset.done @!p2 $0x0;
	s8 =	rddreg [dreg:$0x3]  }
0xae: {  	[sflag:s6] =	ssyncadd.s32 @!p2 $0xFFFFF800;
	s6 =	sadd.s32 s10, s8  }
0xaf: {  	[tilespmem:s14], [sflag:$0x3] =	stream.linear.gather [hbm4b:s6+s2], $0x500, $0x38;
	[tilespmem:$0xD550] =	vst v63  }
0xb0: {  	_ =	swait.ge [sflag:s12], $0x500  }
0xb1: {  	[sflag:s12] =	ssyncset.done $0x0  }
0xb2: {  	[sflag:s12] =	ssyncadd.s32 $0xFFFFFB00  }
0xb3: {  	[spmem:s1] =	stream.indirect.scatter.add.f32 [tilespmem:s13], [sflag:$0x1], $0x10, s14, s15, $0xb8;
	[tilespmem:$0xD550] =	vst v63  }
0xb4: {  	_ = 	snop  }
0xb5: {  	[spmem:s1] =	stream.indirect.scatter.add.f32 [tilespmem:s13], [sflag:$0x1], $0x10, s16, s15, $0xb8;
	[tilespmem:$0xD550] =	vst v63  }
0xb6: {  	_ = 	snop  }
0xb7: {  	[spmem:s1] =	stream.indirect.scatter.add.f32 [tilespmem:s13], [sflag:$0x1], $0x10, s17, s15, $0xb8;
	[tilespmem:$0xD550] =	vst v63  }
0xb8: {  	_ = 	snop  }
0xb9: {  	[spmem:s1] =	stream.indirect.scatter.add.f32 [tilespmem:s13], [sflag:$0x1], $0x10, s18, s15, $0xb8;
	[tilespmem:$0xD550] =	vst v63  }
0xba: {  	_ = 	snop  }
0xbb: {  	[spmem:s1] =	stream.indirect.scatter.add.f32 [tilespmem:s13], [sflag:$0x1], $0x10, s19, s15, $0xb8;
	[tilespmem:$0xD550] =	vst v63  }
0xbc: {  	_ = 	snop  }
0xbd: {  	[spmem:s1] =	stream.indirect.scatter.add.f32 [tilespmem:s13], [sflag:$0x1], $0x10, s20, s15, $0xb8;
	[tilespmem:$0xD550] =	vst v63  }
0xbe: {  	_ = 	snop  }
0xbf: {  	[spmem:s1] =	stream.indirect.scatter.add.f32 [tilespmem:s13], [sflag:$0x1], $0x10, s21, s15, $0xb8;
	[tilespmem:$0xD550] =	vst v63  }
0xc0: {  	_ = 	snop  }
0xc1: {  	[spmem:s1] =	stream.indirect.scatter.add.f32 [tilespmem:s13], [sflag:$0x1], $0x10, s22, s15, $0xb8;
	[tilespmem:$0xD550] =	vst v63  }
0xc2: {  	_ = 	snop  }
0xc3: {  	[spmem:s1] =	stream.indirect.scatter.add.f32 [tilespmem:s13], [sflag:$0x1], $0x10, s23, s15, $0xb8;
	[tilespmem:$0xD550] =	vst v63  }
0xc4: {  	s8 =	simm.s32 @!p2 $0x2  }
0xc5: {  	[spmem:s1] =	stream.indirect.scatter.add.f32 [tilespmem:s13], [sflag:$0x1], $0x10, s24, s15, $0xb8;
	[tilespmem:$0xD550] =	vst v63  }
0xc6: {  	_ =	swait.ge @!p2 [sflag:s8], $0x800  }
0xc7: {  	[sflag:s8] =	ssyncset.done @!p2 $0x0  }
0xc8: {  	[sflag:s8] =	ssyncadd.s32 @!p2 $0xFFFFF800  }
0xc9: {  	_ =	swait.ge @!p2 [sflag:s8], $0x800  }
0xca: {  	[sflag:s8] =	ssyncset.done @!p2 $0x0  }
0xcb: {  	[sflag:s8] =	ssyncadd.s32 @!p2 $0xFFFFF800  }
0xcc: {  	_ =	swait.ge @!p2 [sflag:s8], $0x800  }
0xcd: {  	[sflag:s8] =	ssyncset.done @!p2 $0x0  }
0xce: {  	[sflag:s8] =	ssyncadd.s32 @!p2 $0xFFFFF800  }
0xcf: {  	_ =	swait.ge @!p2 [sflag:s8], $0x800  }
0xd0: {  	[sflag:s8] =	ssyncset.done @!p2 $0x0  }
0xd1: {  	[sflag:s8] =	ssyncadd.s32 @!p2 $0xFFFFF800  }
0xd2: {  	_ =	swait.ge @!p2 [sflag:s8], $0x800  }
0xd3: {  	[sflag:s8] =	ssyncset.done @!p2 $0x0  }
0xd4: {  	[sflag:s8] =	ssyncadd.s32 @!p2 $0xFFFFF800  }
0xd5: {  	_ =	swait.ge @!p2 [sflag:s8], $0x800  }
0xd6: {  	[sflag:s8] =	ssyncset.done @!p2 $0x0  }
0xd7: {  	[sflag:s8] =	ssyncadd.s32 @!p2 $0xFFFFF800  }
0xd8: {  	_ =	swait.ge @!p2 [sflag:s8], $0x800  }
0xd9: {  	[sflag:s8] =	ssyncset.done @!p2 $0x0  }
0xda: {  	[sflag:s8] =	ssyncadd.s32 @!p2 $0xFFFFF800  }
0xdb: {  	_ =	swait.ge @!p2 [sflag:s8], $0x800  }
0xdc: {  	[sflag:s8] =	ssyncset.done @!p2 $0x0  }
0xdd: {  	[sflag:s8] =	ssyncadd.s32 @!p2 $0xFFFFF800  }
0xde: {  	_ =	swait.ge @!p2 [sflag:s8], $0x800  }
0xdf: {  	[sflag:s8] =	ssyncset.done @!p2 $0x0  }
0xe0: {  	[sflag:s8] =	ssyncadd.s32 @!p2 $0xFFFFF800  }
0xe1: {  	_ =	swait.ge @!p2 [sflag:s8], $0x800  }
0xe2: {  	[sflag:s8] =	ssyncset.done @!p2 $0x0  }
0xe3: {  	s6 =	sadd.s32 $0xA0, s6;
	[sflag:s8] =	ssyncadd.s32 @!p2 $0xFFFFF800  }
0xe4: {  	[tilespmem:s25], [sflag:$0x3] =	stream.linear.gather [hbm4b:s6+s2], $0x500, $0x38;
	[tilespmem:$0xD550] =	vst v63  }
0xe5: {  	_ =	swait.ge [sflag:s12], $0x500  }
0xe6: {  	[sflag:s12] =	ssyncset.done $0x0  }
0xe7: {  	[sflag:s12] =	ssyncadd.s32 $0xFFFFFB00  }
0xe8: {  	[spmem:s1] =	stream.indirect.scatter.add.f32 [tilespmem:s13], [sflag:$0x2], $0x10, s25, s15, $0xb8;
	[tilespmem:$0xD550] =	vst v63  }
0xe9: {  	_ = 	snop  }
0xea: {  	[spmem:s1] =	stream.indirect.scatter.add.f32 [tilespmem:s13], [sflag:$0x2], $0x10, s26, s15, $0xb8;
	[tilespmem:$0xD550] =	vst v63  }
0xeb: {  	_ = 	snop  }
0xec: {  	[spmem:s1] =	stream.indirect.scatter.add.f32 [tilespmem:s13], [sflag:$0x2], $0x10, s28, s15, $0xb8;
	[tilespmem:$0xD550] =	vst v63  }
0xed: {  	_ = 	snop  }
0xee: {  	[spmem:s1] =	stream.indirect.scatter.add.f32 [tilespmem:s13], [sflag:$0x2], $0x10, s29, s15, $0xb8;
	[tilespmem:$0xD550] =	vst v63  }
0xef: {  	_ = 	snop  }
0xf0: {  	[spmem:s1] =	stream.indirect.scatter.add.f32 [tilespmem:s13], [sflag:$0x2], $0x10, s30, s15, $0xb8;
	[tilespmem:$0xD550] =	vst v63  }
0xf1: {  	s9 =	smov.u32 s11;
	s11 =	sadd.s32 $0x140, s11  }
0xf2: {  	[spmem:s1] =	stream.indirect.scatter.add.f32 [tilespmem:s13], [sflag:$0x2], $0x10, s31, s15, $0xb8;
	[tilespmem:$0xD550] =	vst v63  }
0xf3: {  	p3 =	sne.s32 s11, $0x17C0  }
0xf4: {  	[spmem:s1] =	stream.indirect.scatter.add.f32 [tilespmem:s13], [sflag:$0x2], $0x10, s0, s15, $0xb8;
	[tilespmem:$0xD550] =	vst v63  }
.Ltmp0:
0xf5: {  	_ = 	snop;
	(pc) =	sbr.rel @p3 .LBB2_2-.Ltmp0, $4  }
0xf6: {  	p4 =	seq.s32 s9, $0x0  }
0xf7: {  	[spmem:s1] =	stream.indirect.scatter.add.f32 [tilespmem:s13], [sflag:$0x2], $0x10, s3, s15, $0xb8;
	[tilespmem:$0xD550] =	vst v63  }
0xf8: {  	s10 =	smov.u32 s9;
	p2 =	por p4, p4  }
0xf9: {  	[spmem:s1] =	stream.indirect.scatter.add.f32 [tilespmem:s13], [sflag:$0x2], $0x10, s4, s15, $0xb8;
	[tilespmem:$0xD550] =	vst v63  }
0xfa: {  	[spmem:s1] =	stream.indirect.scatter.add.f32 [tilespmem:s13], [sflag:$0x2], $0x10, s5, s15, $0xb8;
	[tilespmem:$0xD550] =	vst v63  }
0xfb: {  	s6 =	simm.s32 @!p2 $0x1  }
0xfc: {  	_ =	swait.ge @!p2 [sflag:s6], $0x800  }
0xfd: {  	[sflag:s6] =	ssyncset.done @!p2 $0x0  }
0xfe: {  	[sflag:s6] =	ssyncadd.s32 @!p2 $0xFFFFF800  }
0xff: {  	_ =	swait.ge @!p2 [sflag:s6], $0x800  }
0x100: {  	[sflag:s6] =	ssyncset.done @!p2 $0x0  }
0x101: {  	[sflag:s6] =	ssyncadd.s32 @!p2 $0xFFFFF800  }
0x102: {  	_ =	swait.ge @!p2 [sflag:s6], $0x800  }
0x103: {  	[sflag:s6] =	ssyncset.done @!p2 $0x0  }
0x104: {  	[sflag:s6] =	ssyncadd.s32 @!p2 $0xFFFFF800  }
0x105: {  	_ =	swait.ge @!p2 [sflag:s6], $0x800  }
0x106: {  	[sflag:s6] =	ssyncset.done @!p2 $0x0  }
0x107: {  	[sflag:s6] =	ssyncadd.s32 @!p2 $0xFFFFF800  }
0x108: {  	_ =	swait.ge @!p2 [sflag:s6], $0x800  }
0x109: {  	[sflag:s6] =	ssyncset.done @!p2 $0x0  }
0x10a: {  	[sflag:s6] =	ssyncadd.s32 @!p2 $0xFFFFF800  }
0x10b: {  	_ =	swait.ge @!p2 [sflag:s6], $0x800  }
0x10c: {  	[sflag:s6] =	ssyncset.done @!p2 $0x0  }
0x10d: {  	[sflag:s6] =	ssyncadd.s32 @!p2 $0xFFFFF800  }
0x10e: {  	_ =	swait.ge @!p2 [sflag:s6], $0x800  }
0x10f: {  	[sflag:s6] =	ssyncset.done @!p2 $0x0  }
0x110: {  	[sflag:s6] =	ssyncadd.s32 @!p2 $0xFFFFF800  }
0x111: {  	_ =	swait.ge @!p2 [sflag:s6], $0x800  }
0x112: {  	[sflag:s6] =	ssyncset.done @!p2 $0x0  }
0x113: {  	[sflag:s6] =	ssyncadd.s32 @!p2 $0xFFFFF800  }
0x114: {  	_ =	swait.ge @!p2 [sflag:s6], $0x800  }
0x115: {  	[sflag:s6] =	ssyncset.done @!p2 $0x0  }
0x116: {  	[sflag:s6] =	ssyncadd.s32 @!p2 $0xFFFFF800  }
0x117: {  	_ =	swait.ge @!p2 [sflag:s6], $0x800  }
0x118: {  	s8 =	rddreg [dreg:$0x3];
	[sflag:s6] =	ssyncset.done @!p2 $0x0  }
0x119: {  	[sflag:s6] =	ssyncadd.s32 @!p2 $0xFFFFF800;
	s10 =	sadd.s32 s10, s8  }
0x11a: {  	[tilespmem:s14], [sflag:$0x3] =	stream.linear.gather [hbm4b:s10+s2], $0x500, $0x38;
	[tilespmem:$0xD550] =	vst v63  }
0x11b: {  	_ =	swait.ge [sflag:s12], $0x500  }
0x11c: {  	[sflag:s12] =	ssyncset.done $0x0  }
0x11d: {  	[sflag:s12] =	ssyncadd.s32 $0xFFFFFB00  }
0x11e: {  	[spmem:s1] =	stream.indirect.scatter.add.f32 [tilespmem:s13], [sflag:$0x1], $0x10, s14, s15, $0xb8;
	[tilespmem:$0xD550] =	vst v63  }
0x11f: {  	_ = 	snop  }
0x120: {  	[spmem:s1] =	stream.indirect.scatter.add.f32 [tilespmem:s13], [sflag:$0x1], $0x10, s16, s15, $0xb8;
	[tilespmem:$0xD550] =	vst v63  }
0x121: {  	_ = 	snop  }
0x122: {  	[spmem:s1] =	stream.indirect.scatter.add.f32 [tilespmem:s13], [sflag:$0x1], $0x10, s17, s15, $0xb8;
	[tilespmem:$0xD550] =	vst v63  }
0x123: {  	_ = 	snop  }
0x124: {  	[spmem:s1] =	stream.indirect.scatter.add.f32 [tilespmem:s13], [sflag:$0x1], $0x10, s18, s15, $0xb8;
	[tilespmem:$0xD550] =	vst v63  }
0x125: {  	_ = 	snop  }
0x126: {  	[spmem:s1] =	stream.indirect.scatter.add.f32 [tilespmem:s13], [sflag:$0x1], $0x10, s19, s15, $0xb8;
	[tilespmem:$0xD550] =	vst v63  }
0x127: {  	_ = 	snop  }
0x128: {  	[spmem:s1] =	stream.indirect.scatter.add.f32 [tilespmem:s13], [sflag:$0x1], $0x10, s20, s15, $0xb8;
	[tilespmem:$0xD550] =	vst v63  }
0x129: {  	_ = 	snop  }
0x12a: {  	[spmem:s1] =	stream.indirect.scatter.add.f32 [tilespmem:s13], [sflag:$0x1], $0x10, s21, s15, $0xb8;
	[tilespmem:$0xD550] =	vst v63  }
0x12b: {  	_ = 	snop  }
0x12c: {  	[spmem:s1] =	stream.indirect.scatter.add.f32 [tilespmem:s13], [sflag:$0x1], $0x10, s22, s15, $0xb8;
	[tilespmem:$0xD550] =	vst v63  }
0x12d: {  	_ = 	snop  }
0x12e: {  	[spmem:s1] =	stream.indirect.scatter.add.f32 [tilespmem:s13], [sflag:$0x1], $0x10, s23, s15, $0xb8;
	[tilespmem:$0xD550] =	vst v63  }
0x12f: {  	s8 =	simm.s32 @!p2 $0x2  }
0x130: {  	[spmem:s1] =	stream.indirect.scatter.add.f32 [tilespmem:s13], [sflag:$0x1], $0x10, s24, s15, $0xb8;
	[tilespmem:$0xD550] =	vst v63  }
0x131: {  	_ =	swait.ge @!p2 [sflag:s8], $0x800  }
0x132: {  	[sflag:s8] =	ssyncset.done @!p2 $0x0  }
0x133: {  	[sflag:s8] =	ssyncadd.s32 @!p2 $0xFFFFF800  }
0x134: {  	_ =	swait.ge @!p2 [sflag:s8], $0x800  }
0x135: {  	[sflag:s8] =	ssyncset.done @!p2 $0x0  }
0x136: {  	[sflag:s8] =	ssyncadd.s32 @!p2 $0xFFFFF800  }
0x137: {  	_ =	swait.ge @!p2 [sflag:s8], $0x800  }
0x138: {  	[sflag:s8] =	ssyncset.done @!p2 $0x0  }
0x139: {  	[sflag:s8] =	ssyncadd.s32 @!p2 $0xFFFFF800  }
0x13a: {  	_ =	swait.ge @!p2 [sflag:s8], $0x800  }
0x13b: {  	[sflag:s8] =	ssyncset.done @!p2 $0x0  }
0x13c: {  	[sflag:s8] =	ssyncadd.s32 @!p2 $0xFFFFF800  }
0x13d: {  	_ =	swait.ge @!p2 [sflag:s8], $0x800  }
0x13e: {  	[sflag:s8] =	ssyncset.done @!p2 $0x0  }
0x13f: {  	[sflag:s8] =	ssyncadd.s32 @!p2 $0xFFFFF800  }
0x140: {  	_ =	swait.ge @!p2 [sflag:s8], $0x800  }
0x141: {  	[sflag:s8] =	ssyncset.done @!p2 $0x0  }
0x142: {  	[sflag:s8] =	ssyncadd.s32 @!p2 $0xFFFFF800  }
0x143: {  	_ =	swait.ge @!p2 [sflag:s8], $0x800  }
0x144: {  	[sflag:s8] =	ssyncset.done @!p2 $0x0  }
0x145: {  	[sflag:s8] =	ssyncadd.s32 @!p2 $0xFFFFF800  }
0x146: {  	_ =	swait.ge @!p2 [sflag:s8], $0x800  }
0x147: {  	[sflag:s8] =	ssyncset.done @!p2 $0x0  }
0x148: {  	[sflag:s8] =	ssyncadd.s32 @!p2 $0xFFFFF800  }
0x149: {  	_ =	swait.ge @!p2 [sflag:s8], $0x800  }
0x14a: {  	[sflag:s8] =	ssyncset.done @!p2 $0x0  }
0x14b: {  	[sflag:s8] =	ssyncadd.s32 @!p2 $0xFFFFF800  }
0x14c: {  	_ =	swait.ge @!p2 [sflag:s8], $0x800  }
0x14d: {  	[sflag:s8] =	ssyncset.done @!p2 $0x0  }
0x14e: {  	s6 =	sadd.s32 $0xA0, s10;
	[sflag:s8] =	ssyncadd.s32 @!p2 $0xFFFFF800  }
0x14f: {  	[tilespmem:s25], [sflag:$0x3] =	stream.linear.gather [hbm4b:s6+s2], $0x500, $0x38;
	[tilespmem:$0xD550] =	vst v63  }
0x150: {  	_ =	swait.ge [sflag:s12], $0x500  }
0x151: {  	[sflag:s12] =	ssyncset.done $0x0  }
0x152: {  	[sflag:s12] =	ssyncadd.s32 $0xFFFFFB00  }
0x153: {  	[spmem:s1] =	stream.indirect.scatter.add.f32 [tilespmem:s13], [sflag:$0x2], $0x10, s25, s15, $0xb8;
	[tilespmem:$0xD550] =	vst v63  }
0x154: {  	_ = 	snop  }
0x155: {  	[spmem:s1] =	stream.indirect.scatter.add.f32 [tilespmem:s13], [sflag:$0x2], $0x10, s26, s15, $0xb8;
	[tilespmem:$0xD550] =	vst v63  }
0x156: {  	_ = 	snop  }
0x157: {  	[spmem:s1] =	stream.indirect.scatter.add.f32 [tilespmem:s13], [sflag:$0x2], $0x10, s28, s15, $0xb8;
	[tilespmem:$0xD550] =	vst v63  }
0x158: {  	_ = 	snop  }
0x159: {  	[spmem:s1] =	stream.indirect.scatter.add.f32 [tilespmem:s13], [sflag:$0x2], $0x10, s29, s15, $0xb8;
	[tilespmem:$0xD550] =	vst v63  }
0x15a: {  	_ = 	snop  }
0x15b: {  	[spmem:s1] =	stream.indirect.scatter.add.f32 [tilespmem:s13], [sflag:$0x2], $0x10, s30, s15, $0xb8;
	[tilespmem:$0xD550] =	vst v63  }
0x15c: {  	_ = 	snop  }
0x15d: {  	[spmem:s1] =	stream.indirect.scatter.add.f32 [tilespmem:s13], [sflag:$0x2], $0x10, s31, s15, $0xb8;
	[tilespmem:$0xD550] =	vst v63  }
0x15e: {  	_ = 	snop  }
0x15f: {  	[spmem:s1] =	stream.indirect.scatter.add.f32 [tilespmem:s13], [sflag:$0x2], $0x10, s0, s15, $0xb8;
	[tilespmem:$0xD550] =	vst v63  }
0x160: {  	_ = 	snop  }
0x161: {  	[spmem:s1] =	stream.indirect.scatter.add.f32 [tilespmem:s13], [sflag:$0x2], $0x10, s3, s15, $0xb8;
	[tilespmem:$0xD550] =	vst v63  }
0x162: {  	_ = 	snop  }
0x163: {  	[spmem:s1] =	stream.indirect.scatter.add.f32 [tilespmem:s13], [sflag:$0x2], $0x10, s4, s15, $0xb8;
	[tilespmem:$0xD550] =	vst v63  }
0x164: {  	_ = 	snop  }
0x165: {  	[spmem:s1] =	stream.indirect.scatter.add.f32 [tilespmem:s13], [sflag:$0x2], $0x10, s5, s15, $0xb8;
	[tilespmem:$0xD550] =	vst v63  }
0x166: {  	_ =	swait.ge [sflag:s7], $0x800  }
0x167: {  	[sflag:s7] =	ssyncset.done $0x0  }
0x168: {  	[sflag:s7] =	ssyncadd.s32 $0xFFFFF800  }
0x169: {  	_ =	swait.ge [sflag:s7], $0x800  }
0x16a: {  	[sflag:s7] =	ssyncset.done $0x0  }
0x16b: {  	[sflag:s7] =	ssyncadd.s32 $0xFFFFF800  }
0x16c: {  	_ =	swait.ge [sflag:s7], $0x800  }
0x16d: {  	[sflag:s7] =	ssyncset.done $0x0  }
0x16e: {  	[sflag:s7] =	ssyncadd.s32 $0xFFFFF800  }
0x16f: {  	_ =	swait.ge [sflag:s7], $0x800  }
0x170: {  	[sflag:s7] =	ssyncset.done $0x0  }
0x171: {  	[sflag:s7] =	ssyncadd.s32 $0xFFFFF800  }
0x172: {  	_ =	swait.ge [sflag:s7], $0x800  }
0x173: {  	[sflag:s7] =	ssyncset.done $0x0  }
0x174: {  	[sflag:s7] =	ssyncadd.s32 $0xFFFFF800  }
0x175: {  	_ =	swait.ge [sflag:s7], $0x800  }
0x176: {  	[sflag:s7] =	ssyncset.done $0x0  }
0x177: {  	[sflag:s7] =	ssyncadd.s32 $0xFFFFF800  }
0x178: {  	_ =	swait.ge [sflag:s7], $0x800  }
0x179: {  	[sflag:s7] =	ssyncset.done $0x0  }
0x17a: {  	[sflag:s7] =	ssyncadd.s32 $0xFFFFF800  }
0x17b: {  	_ =	swait.ge [sflag:s7], $0x800  }
0x17c: {  	[sflag:s7] =	ssyncset.done $0x0  }
0x17d: {  	[sflag:s7] =	ssyncadd.s32 $0xFFFFF800  }
0x17e: {  	_ =	swait.ge [sflag:s7], $0x800  }
0x17f: {  	[sflag:s7] =	ssyncset.done $0x0  }
0x180: {  	[sflag:s7] =	ssyncadd.s32 $0xFFFFF800  }
0x181: {  	_ =	swait.ge [sflag:s7], $0x800  }
0x182: {  	[sflag:s7] =	ssyncset.done $0x0  }
0x183: {  	s11 =	rddreg [dreg:$0x7];
	[sflag:s7] =	ssyncadd.s32 $0xFFFFF800  }
0x184: {  	[tilespmem:s14], [sflag:$0x3] =	stream.linear.gather [hbm4b:s11+s2], $0x500, $0x38;
	[tilespmem:$0xD550] =	vst v63  }
0x185: {  	_ =	swait.ge [sflag:s12], $0x500  }
0x186: {  	[sflag:s12] =	ssyncset.done $0x0  }
0x187: {  	[sflag:s12] =	ssyncadd.s32 $0xFFFFFB00  }
0x188: {  	[spmem:s1] =	stream.indirect.scatter.add.f32 [tilespmem:s13], [sflag:$0x1], $0x10, s14, s15, $0xb8;
	[tilespmem:$0xD550] =	vst v63  }
0x189: {  	_ = 	snop  }
0x18a: {  	[spmem:s1] =	stream.indirect.scatter.add.f32 [tilespmem:s13], [sflag:$0x1], $0x10, s16, s15, $0xb8;
	[tilespmem:$0xD550] =	vst v63  }
0x18b: {  	_ = 	snop  }
0x18c: {  	[spmem:s1] =	stream.indirect.scatter.add.f32 [tilespmem:s13], [sflag:$0x1], $0x10, s17, s15, $0xb8;
	[tilespmem:$0xD550] =	vst v63  }
0x18d: {  	_ = 	snop  }
0x18e: {  	[spmem:s1] =	stream.indirect.scatter.add.f32 [tilespmem:s13], [sflag:$0x1], $0x10, s18, s15, $0xb8;
	[tilespmem:$0xD550] =	vst v63  }
0x18f: {  	_ = 	snop  }
0x190: {  	[spmem:s1] =	stream.indirect.scatter.add.f32 [tilespmem:s13], [sflag:$0x1], $0x10, s19, s15, $0xb8;
	[tilespmem:$0xD550] =	vst v63  }
0x191: {  	_ = 	snop  }
0x192: {  	[spmem:s1] =	stream.indirect.scatter.add.f32 [tilespmem:s13], [sflag:$0x1], $0x10, s20, s15, $0xb8;
	[tilespmem:$0xD550] =	vst v63  }
0x193: {  	_ = 	snop  }
0x194: {  	[spmem:s1] =	stream.indirect.scatter.add.f32 [tilespmem:s13], [sflag:$0x1], $0x10, s21, s15, $0xb8;
	[tilespmem:$0xD550] =	vst v63  }
0x195: {  	_ = 	snop  }
0x196: {  	[spmem:s1] =	stream.indirect.scatter.add.f32 [tilespmem:s13], [sflag:$0x1], $0x10, s22, s15, $0xb8;
	[tilespmem:$0xD550] =	vst v63  }
0x197: {  	_ = 	snop  }
0x198: {  	[spmem:s1] =	stream.indirect.scatter.add.f32 [tilespmem:s13], [sflag:$0x1], $0x10, s23, s15, $0xb8;
	[tilespmem:$0xD550] =	vst v63  }
0x199: {  	_ = 	snop  }
0x19a: {  	[spmem:s1] =	stream.indirect.scatter.add.f32 [tilespmem:s13], [sflag:$0x1], $0x10, s24, s15, $0xb8;
	[tilespmem:$0xD550] =	vst v63  }
0x19b: {  	_ =	swait.ge [sflag:s7], $0x800  }
0x19c: {  	[sflag:s7] =	ssyncset.done $0x0  }
0x19d: {  	[sflag:s7] =	ssyncadd.s32 $0xFFFFF800  }
0x19e: {  	_ =	swait.ge [sflag:s7], $0x800  }
0x19f: {  	[sflag:s7] =	ssyncset.done $0x0  }
0x1a0: {  	[sflag:s7] =	ssyncadd.s32 $0xFFFFF800  }
0x1a1: {  	_ =	swait.ge [sflag:s7], $0x800  }
0x1a2: {  	[sflag:s7] =	ssyncset.done $0x0  }
0x1a3: {  	[sflag:s7] =	ssyncadd.s32 $0xFFFFF800  }
0x1a4: {  	_ =	swait.ge [sflag:s7], $0x800  }
0x1a5: {  	[sflag:s7] =	ssyncset.done $0x0  }
0x1a6: {  	[sflag:s7] =	ssyncadd.s32 $0xFFFFF800  }
0x1a7: {  	_ =	swait.ge [sflag:s7], $0x800  }
0x1a8: {  	[sflag:s7] =	ssyncset.done $0x0  }
0x1a9: {  	[sflag:s7] =	ssyncadd.s32 $0xFFFFF800  }
0x1aa: {  	_ =	swait.ge [sflag:s7], $0x800  }
0x1ab: {  	[sflag:s7] =	ssyncset.done $0x0  }
0x1ac: {  	[sflag:s7] =	ssyncadd.s32 $0xFFFFF800  }
0x1ad: {  	_ =	swait.ge [sflag:s7], $0x800  }
0x1ae: {  	[sflag:s7] =	ssyncset.done $0x0  }
0x1af: {  	[sflag:s7] =	ssyncadd.s32 $0xFFFFF800  }
0x1b0: {  	_ =	swait.ge [sflag:s7], $0x800  }
0x1b1: {  	[sflag:s7] =	ssyncset.done $0x0  }
0x1b2: {  	[sflag:s7] =	ssyncadd.s32 $0xFFFFF800  }
0x1b3: {  	_ =	swait.ge [sflag:s7], $0x800  }
0x1b4: {  	[sflag:s7] =	ssyncset.done $0x0  }
0x1b5: {  	[sflag:s7] =	ssyncadd.s32 $0xFFFFF800  }
0x1b6: {  	_ =	swait.ge [sflag:s7], $0x800  }
0x1b7: {  	[sflag:s7] =	ssyncset.done $0x0  }
0x1b8: {  	s8 =	simm.s32 $0x2;
	[sflag:s7] =	ssyncadd.s32 $0xFFFFF800  }
0x1b9: {  	_ =	swait.ge [sflag:s8], $0x800  }
0x1ba: {  	[sflag:s8] =	ssyncset.done $0x0  }
0x1bb: {  	[sflag:s8] =	ssyncadd.s32 $0xFFFFF800  }
0x1bc: {  	_ =	swait.ge [sflag:s8], $0x800  }
0x1bd: {  	[sflag:s8] =	ssyncset.done $0x0  }
0x1be: {  	[sflag:s8] =	ssyncadd.s32 $0xFFFFF800  }
0x1bf: {  	_ =	swait.ge [sflag:s8], $0x800  }
0x1c0: {  	[sflag:s8] =	ssyncset.done $0x0  }
0x1c1: {  	[sflag:s8] =	ssyncadd.s32 $0xFFFFF800  }
0x1c2: {  	_ =	swait.ge [sflag:s8], $0x800  }
0x1c3: {  	[sflag:s8] =	ssyncset.done $0x0  }
0x1c4: {  	[sflag:s8] =	ssyncadd.s32 $0xFFFFF800  }
0x1c5: {  	_ =	swait.ge [sflag:s8], $0x800  }
0x1c6: {  	[sflag:s8] =	ssyncset.done $0x0  }
0x1c7: {  	[sflag:s8] =	ssyncadd.s32 $0xFFFFF800  }
0x1c8: {  	_ =	swait.ge [sflag:s8], $0x800  }
0x1c9: {  	[sflag:s8] =	ssyncset.done $0x0  }
0x1ca: {  	[sflag:s8] =	ssyncadd.s32 $0xFFFFF800  }
0x1cb: {  	_ =	swait.ge [sflag:s8], $0x800  }
0x1cc: {  	[sflag:s8] =	ssyncset.done $0x0  }
0x1cd: {  	[sflag:s8] =	ssyncadd.s32 $0xFFFFF800  }
0x1ce: {  	_ =	swait.ge [sflag:s8], $0x800  }
0x1cf: {  	[sflag:s8] =	ssyncset.done $0x0  }
0x1d0: {  	[sflag:s8] =	ssyncadd.s32 $0xFFFFF800  }
0x1d1: {  	_ =	swait.ge [sflag:s8], $0x800  }
0x1d2: {  	[sflag:s8] =	ssyncset.done $0x0  }
0x1d3: {  	[sflag:s8] =	ssyncadd.s32 $0xFFFFF800  }
0x1d4: {  	_ =	swait.ge [sflag:s8], $0x800  }
0x1d5: {  	s6 =	simm.s32 @p0 $0x0;
	[sflag:s8] =	ssyncset.done $0x0  }
0x1d6: {  	s9 =	rddreg [dreg:$0x8];
	[sflag:s8] =	ssyncadd.s32 $0xFFFFF800;
	s8 =	simm.s32 @p0 $0xC350  }
0x1d7: {  	[tilespmem:s8], [sflag:$0x3] =	stream.linear.gather @p0 [hbm4b:s9+s6], $0x80, $0x38;
	[tilespmem:$0xD550] =	vst v63  }
0x1d8: {  	s6 =	simm.s32 @p0 $0x3  }
0x1d9: {  	_ =	swait.ge @p0 [sflag:s6], $0x80  }
0x1da: {  	[sflag:s6] =	ssyncset.done @p0 $0x0  }
0x1db: {  	s10 =	simm.s32 @p0 $0xCD50;
	s9 =	simm.s32 @p0 $0x80;
	[sflag:s6] =	ssyncadd.s32 @p0 $0xFFFFFF80  }
0x1dc: {  	[spmem:s1] =	stream.indirect.scatter.add.f32 @p0 [tilespmem:s10], [sflag:$0x3], $0x10, s8, s9, $0xb8;
	[tilespmem:$0xD550] =	vst v63  }
0x1dd: {  	_ =	swait.ge @p0 [sflag:s6], $0x800  }
0x1de: {  	[sflag:s6] =	ssyncset.done @p0 $0x0  }
0x1df: {  	[sflag:s6] =	ssyncadd.s32 @p0 $0xFFFFF800  }
0x1e0: {  	[bflag:$0x0] =	sbarrier.arrive @p0 $0xFFFF  }
0x1e1: {  	s11 =	rddreg [dreg:$0x6]  }
0x1e2: {  	s6 =	sshrl.u32 @!p1 s1, $0x3;
	s8 =	rddreg [dreg:$0x9]  }
0x1e3: {  	[hbm:s8], [sflag:s11] =	dma.local @!p1 [spmem:s6], $0x186A0  }
0x1e4: {  	s6 =	simm.s32 @!p1 $0x3  }
0x1e5: {  	_ =	swait.ge @!p1 [sflag:s6], $0x186A0  }
0x1e6: {  	s9 =	rddreg [dreg:$0xc]  }
0x1e7: {  	s10 =	rddreg [dreg:$0xa];
	s8 =	sadd.s32 $0x1, s9  }
0x1e8: {  	p2 =	sne.s32 s8, s10  }
.Ltmp1:
0x1e9: {  	_ = 	snop;
	(pc) =	sbr.rel @p2 .LBB2_1-.Ltmp1, $3  }
0x1ea: {  	[sflag:s6] =	ssyncset.done @!p1 $0x0  }
0x1eb: {  	[sflag:s6] =	ssyncadd.s32 @!p1 $0xFFFE7960  }
0x1ec: {  	[bflag:$0x0] =	sbarrier.arrive @!p0 $0xFFFF;
	_ =	sdelay $0x1  }
0x1ed: {  	_ =	sfence.sel $0x180000  }
0x1ee: {  	[bflag:$0x0] =	sbarrier.arrive $0xFFFF  }
0x1ef: {  	_ =	strace $0x90000047  }
0x1f0: {  	s0 =	stileid.u32;
	[bflag:$0x2] =	sbarrier.arrive $0xFFFF  }
0x1f1: {  	p0 =	sne.s32 s0, $0x0;
	s0 =	rddreg [dreg:$0x2]  }
0x1f2: {  	s0 =	sadd.s32 @!p0 $0x100000, s0  }
0x1f3: {  	[sflag:s0] =	ssyncadd.tile.s32 @!p0 $0x1;
	_ =	shalt  }
.Lfunc_end2:
_tile_overlayer_lowered:
.L_overlay_start_2:
0x1f4: {  	(tag) =	ssettag $0x2  }
0x1f5: {  	s0 =	rddreg [dreg:$0x0];
	s2 =	stileid.u32  }
0x1f6: {  	s1 =	rddreg [dreg:$0x1];
	p0 =	sne.s32 s2, $0x0  }
0x1f7: {  	s3 =	rddreg [dreg:$0x2];
	[bflag:$0x3] =	sbarrier.arrive $0xFFFF;
	s2 =	simm.s32 @!p0 $0x1C03  }
0x1f8: {  	[timem:s3], [sflag:s2] =	dma.local @!p0 [hbm:s0], s1  }
0x1f9: {  	s0 =	simm.s32 @!p0 $0x3  }
0x1fa: {  	_ =	swait.ge @!p0 [sflag:s0], s1  }
0x1fb: {  	s1 =	ssub.s32 @!p0 $0x0, s1;
	[sflag:s0] =	ssyncset.done @!p0 $0x0  }
0x1fc: {  	[sflag:s0] =	ssyncadd.s32 @!p0 s1  }
0x1fd: {  	[bflag:$0x3] =	sbarrier.arrive $0xFFFF  }
0x1fe: {  	_ =	shalt  }

</sc_bundles>
